<compile_context>
chip_gen: v7x
topology: tpu7x:2x2x1
jax: 0.10.2.dev20260603
libtpu: 0.0.44.dev20260713+nightly
codegen_flags: <defaults>
</compile_context>

<pallas_src>
import functools

import jax
import jax.numpy as jnp
from jax import lax
from jax.experimental import pallas as pl
from jax.experimental.pallas import tpu as pltpu
from jax.experimental.pallas import tpu_sc as plsc

N_GRID = 100000
N_MESH = 5882
D = 128

NC, NS = 2, 16
NW = NC * NS
GRP = 128
GPWS = (10, 10, 6)
E_PAD = NW * GRP * sum(GPWS)
RA = 4096
S_PAD = 5888
ROWS_PER_TILE = S_PAD // NS
XB = (N_GRID - 1) // RA


def _dot(a, b):
    return jnp.dot(a.astype(jnp.bfloat16), b.astype(jnp.bfloat16),
                   preferred_element_type=jnp.float32)


def _ln(y, g, b):
    mu = jnp.mean(y, axis=-1, keepdims=True)
    var = jnp.mean(y * y, axis=-1, keepdims=True) - mu * mu
    return (y - mu) * jax.lax.rsqrt(var + 1e-5) * g + b


def _stage_a_body(x_ref, ea_ref,
                  eW1, eb1, eW2, eb2, eg, ebt,
                  fW1f, fW1a, fb1, fWdx, fWda, fWdh, cd, fgs, cbe,
                  nW1a, nW1b, nb1, nW2a, nW2b, nb2a, nb2b, nga, ngb,
                  nba, nbb,
                  ma_ref, mb_ref):
    f32 = jnp.float32
    x = x_ref[...]
    ea = ea_ref[...]
    h = jnp.maximum(_dot(x, eW1[...]) + eb1[...], 0.0)
    x_hat = _ln(x + _dot(h, eW2[...]) + eb2[...], eg[...], ebt[...])
    hf = jnp.maximum(_dot(x_hat, fW1f[...]) + _dot(ea, fW1a[...])
                     + fb1[...], 0.0)
    dcol = (_dot(x_hat, fWdx[...]) + _dot(ea, fWda[...])
            + _dot(hf, fWdh[...]) + cd[...])
    t = dcol * jax.lax.rsqrt(dcol * dcol + 1e-5)
    e_out = t * fgs[...] + (cbe[...] + ea)
    h2 = jnp.maximum(_dot(x_hat, nW1a[...]) + _dot(e_out, nW1b[...])
                     + nb1[...], 0.0)
    y2a = x_hat + _dot(h2, nW2a[...]) + nb2a[...]
    y2b = e_out + _dot(h2, nW2b[...]) + nb2b[...]
    mu = (jnp.sum(y2a, axis=-1, keepdims=True)
          + jnp.sum(y2b, axis=-1, keepdims=True)) * (1.0 / 130.0)
    var = (jnp.sum(y2a * y2a, axis=-1, keepdims=True)
           + jnp.sum(y2b * y2b, axis=-1, keepdims=True)) * (1.0 / 130.0) - mu * mu
    inv = jax.lax.rsqrt(var + 1e-5)
    ma_ref[...] = (y2a - mu) * inv * nga[...] + nba[...]
    mbv = (y2b - mu) * inv * ngb[...] + nbb[...]
    rows = mbv.shape[0]
    mb_ref[:, 0:8] = jnp.concatenate(
        [mbv, jnp.ones((rows, 1), f32), jnp.zeros((rows, 5), f32)], axis=1)


def _stage_c_body(sa0_ref, sb0_ref, sa1_ref, sb1_ref, sa2_ref, sb2_ref,
                  W12a, W12b, b12, rW2a, rW2b, rb2, W22, b22, g2, bt2,
                  out_ref):
    sa = (sa0_ref[0:S_PAD, :] + sa0_ref[S_PAD:2 * S_PAD, :]
          + sa1_ref[0:S_PAD, :] + sa1_ref[S_PAD:2 * S_PAD, :]
          + sa2_ref[0:S_PAD, :] + sa2_ref[S_PAD:2 * S_PAD, :])
    sb = (sb0_ref[0:S_PAD, :] + sb0_ref[S_PAD:2 * S_PAD, :]
          + sb1_ref[0:S_PAD, :] + sb1_ref[S_PAD:2 * S_PAD, :]
          + sb2_ref[0:S_PAD, :] + sb2_ref[S_PAD:2 * S_PAD, :])
    cnt = sb[:, 2:3]
    denom = 1.0 / jnp.maximum(cnt, 1.0)
    agg_a = sa * denom
    agg_b = sb[:, 0:2] * denom
    h3 = jnp.maximum(_dot(agg_a, W12a[...]) + _dot(agg_b, W12b[...])
                     + b12[...], 0.0)
    y3 = (_dot(agg_a, rW2a[...]) + _dot(agg_b, rW2b[...]) + rb2[...]
          + _dot(h3, W22[...]) + b22[...])
    out = _ln(y3, g2[...], bt2[...])
    out_ref[...] = out[0:N_MESH, :]


def _scatter_body(gpw, ma_hbm, mb_hbm, idx_hbm, za_hbm,
                  sa_out, sb_out,
                  idx_v, a_v, b_v, sa_sh, sb_sh):
    cid = lax.axis_index("c")
    sid = lax.axis_index("s")
    wid = cid * NS + sid

    arow = sid * ROWS_PER_TILE
    pltpu.sync_copy(za_hbm.at[pl.ds(arow, ROWS_PER_TILE)],
                    sa_sh.at[pl.ds(arow, ROWS_PER_TILE)])
    pltpu.sync_copy(za_hbm.at[pl.ds(arow, ROWS_PER_TILE)],
                    sb_sh.at[pl.ds(arow, ROWS_PER_TILE)])
    plsc.subcore_barrier()

    ebase = wid * gpw * GRP
    pltpu.sync_copy(idx_hbm.at[wid], idx_v)
    for c in range(gpw):
        off = ebase + c * GRP
        pltpu.sync_copy(ma_hbm.at[pl.ds(off, GRP)], a_v)
        pltpu.sync_copy(mb_hbm.at[pl.ds(off, GRP)], b_v)
        pltpu.sync_copy(a_v, sa_sh.at[idx_v.at[c]], add=True)
        pltpu.sync_copy(b_v, sb_sh.at[idx_v.at[c]], add=True)
    plsc.subcore_barrier()

    obase = cid * S_PAD + sid * ROWS_PER_TILE
    pltpu.sync_copy(sa_sh.at[pl.ds(arow, ROWS_PER_TILE)],
                    sa_out.at[pl.ds(obase, ROWS_PER_TILE)])
    pltpu.sync_copy(sb_sh.at[pl.ds(arow, ROWS_PER_TILE)],
                    sb_out.at[pl.ds(obase, ROWS_PER_TILE)])


def _row(v):
    return v.reshape(1, -1)


def _full(shape):
    return pl.BlockSpec(shape, lambda *_: (0,) * len(shape))


def _stage_a_call(x, ea, wts, base, ga, interpret=False):
    rowspec = pl.BlockSpec(
        (RA, D), lambda i: (jnp.minimum(base + i, XB), 0))
    easpec = pl.BlockSpec(
        (RA, 2), lambda i: (jnp.minimum(base + i, XB), 0))
    wspecs = [_full(w.shape) for w in wts]
    n_rows = ga * RA
    return pl.pallas_call(
        _stage_a_body,
        grid=(ga,),
        in_specs=[rowspec, easpec] + wspecs,
        out_specs=[pl.BlockSpec((RA, D), lambda i: (i, 0)),
                   pl.BlockSpec((RA, D), lambda i: (i, 0))],
        out_shape=[jax.ShapeDtypeStruct((n_rows, D), jnp.float32),
                   jax.ShapeDtypeStruct((n_rows, D), jnp.float32)],
        interpret=interpret,
    )(x, ea, *wts)


def _stage_c_call(parts, wts, interpret=False):
    wspecs = [_full(w.shape) for w in wts]
    return pl.pallas_call(
        _stage_c_body,
        in_specs=[_full((2 * S_PAD, D))] * 6 + wspecs,
        out_specs=pl.BlockSpec((N_MESH, D), lambda: (0, 0)),
        out_shape=jax.ShapeDtypeStruct((N_MESH, D), jnp.float32),
        interpret=interpret,
    )(*parts, *wts)


@functools.cache
def _scatter_call(gpw):
    return pl.kernel(
        functools.partial(_scatter_body, gpw),
        mesh=plsc.VectorSubcoreMesh(core_axis_name="c", subcore_axis_name="s"),
        out_type=[jax.ShapeDtypeStruct((NC * S_PAD, D), jnp.float32),
                  jax.ShapeDtypeStruct((NC * S_PAD, D), jnp.float32)],
        scratch_types=[pltpu.VMEM((gpw, GRP), jnp.int32),
                       pltpu.VMEM((GRP, D), jnp.float32),
                       pltpu.VMEM((GRP, D), jnp.float32),
                       pltpu.VMEM_SHARED((S_PAD, D), jnp.float32),
                       pltpu.VMEM_SHARED((S_PAD, D), jnp.float32)],
    )


def _make_a_weights(enc, edge_p, nm1):
    half = jnp.float32(0.5)
    frW = edge_p['res_W']
    fW2 = edge_p['W2']
    fWdx = ((frW[0:D, 0] - frW[0:D, 1]) * half).reshape(D, 1)
    fWda = ((frW[2 * D:2 * D + 2, 0] - frW[2 * D:2 * D + 2, 1]) * half).reshape(2, 1)
    fWdh = ((fW2[:, 0] - fW2[:, 1]) * half).reshape(D, 1)
    cy = edge_p['res_b'] + edge_p['b2']
    cd = ((cy[0] - cy[1]) * half).reshape(1, 1)
    fgs = (edge_p['ln_g'] * jnp.array([1.0, -1.0], jnp.float32)).reshape(1, 2)
    cbe = _row(edge_p['ln_b'])
    return [
        enc['W1'], _row(enc['b1']), enc['W2'], _row(enc['b2']),
        _row(enc['ln_g']), _row(enc['ln_b']),
        edge_p['W1'][0:D], edge_p['W1'][2 * D:2 * D + 2], _row(edge_p['b1']),
        fWdx, fWda, fWdh, cd, fgs, cbe,
        nm1['W1'][0:D], nm1['W1'][D:D + 2], _row(nm1['b1']),
        nm1['W2'][:, 0:D], nm1['W2'][:, D:D + 2],
        _row(nm1['b2'][0:D]), _row(nm1['b2'][D:D + 2]),
        _row(nm1['ln_g'][0:D]), _row(nm1['ln_g'][D:D + 2]),
        _row(nm1['ln_b'][0:D]), _row(nm1['ln_b'][D:D + 2]),
    ]


def _make_c_weights(nm2):
    return [
        nm2['W1'][D:2 * D], nm2['W1'][2 * D:2 * D + 2], _row(nm2['b1']),
        nm2['res_W'][D:2 * D], nm2['res_W'][2 * D:2 * D + 2],
        _row(nm2['res_b']), nm2['W2'], _row(nm2['b2']),
        _row(nm2['ln_g']), _row(nm2['ln_b']),
    ]


def kernel(x, edge_index, edge_attr, enc, edge_p, nm1, nm2):
    a_wts = _make_a_weights(enc, edge_p, nm1)
    c_wts = _make_c_weights(nm2)

    col = edge_index[1].astype(jnp.int32) - N_GRID
    idx = jnp.concatenate(
        [col, jnp.full((E_PAD - N_GRID,), N_MESH, jnp.int32)])
    za = jnp.zeros((S_PAD, D), jnp.float32)

    parts = []
    e_off = 0
    blk_off = 0
    for gpw in GPWS:
        n_e = NW * gpw * GRP
        ma, mb = _stage_a_call(x, edge_attr, a_wts, blk_off, n_e // RA)
        idx_c = idx[e_off:e_off + n_e].reshape(NW, gpw, GRP)
        sa, sb = _scatter_call(gpw)(ma, mb, idx_c, za)
        parts += [sa, sb]
        e_off += n_e
        blk_off += n_e // RA
    return _stage_c_call(parts, c_wts)

# --- scband reference (transcript-rebuilt; emitter-appended) ---
"""Pipeline reference for scband-graph-encoder-8065948582591 (READ-ONLY COPY).

The authoritative reference and input builder live on the scoring server;
editing this copy changes nothing except your own understanding.
"""

import jax, jax.numpy as jnp
import numpy as np

N_GRID = 100000
N_MESH = 5882
N_TOTAL = N_GRID + N_MESH
D_DATA = 128
D_NODE = 128
D_EDGE = 2
HID = 128


def _linear_params(key, fan_in, fan_out):
    k1, k2 = jax.random.split(key)
    lim = 1.0 / np.sqrt(fan_in)
    W = jax.random.uniform(k1, (fan_in, fan_out), minval=-lim, maxval=lim, dtype=jnp.float32)
    b = jax.random.uniform(k2, (fan_out,), minval=-lim, maxval=lim, dtype=jnp.float32)
    return W, b


def _ffn_params(key, din, dhid, dout):
    ks = jax.random.split(key, 3)
    p = {}
    if din != dout:
        W, b = _linear_params(ks[0], din, dout)
        p['res_W'] = W
        p['res_b'] = b
    p['W1'], p['b1'] = _linear_params(ks[1], din, dhid)
    p['W2'], p['b2'] = _linear_params(ks[2], dhid, dout)
    p['ln_g'] = jnp.ones((dout,), jnp.float32)
    p['ln_b'] = jnp.zeros((dout,), jnp.float32)
    return p


def _ffn_apply(p, x):
    res = x @ p['res_W'] + p['res_b'] if 'res_W' in p else x
    h = jax.nn.relu(x @ p['W1'] + p['b1'])
    y = res + h @ p['W2'] + p['b2']
    mu = jnp.mean(y, axis=-1, keepdims=True)
    var = jnp.var(y, axis=-1, keepdims=True)
    return (y - mu) / jnp.sqrt(var + 1e-5) * p['ln_g'] + p['ln_b']


def setup_inputs(seed: int = 0) -> dict:
    key = jax.random.key(seed)
    ks = jax.random.split(key, 8)
    x = jax.random.normal(ks[0], (N_GRID, D_DATA), dtype=jnp.float32)
    row = jnp.arange(N_GRID, dtype=jnp.int32)
    col = jax.random.randint(ks[1], (N_GRID,), N_GRID, N_TOTAL, dtype=jnp.int32)
    edge_index = jnp.stack([row, col], axis=0)
    edge_attr = jax.random.normal(ks[2], (N_GRID, D_EDGE), dtype=jnp.float32)
    enc = _ffn_params(ks[3], D_DATA, HID, D_NODE)
    edge_p = _ffn_params(ks[4], 2 * D_NODE + D_EDGE, HID, D_EDGE)
    nm1 = _ffn_params(ks[5], D_NODE + D_EDGE, HID, D_NODE + D_EDGE)
    nm2 = _ffn_params(ks[6], 2 * D_NODE + D_EDGE, HID, D_NODE)
    return {'x': x, 'edge_index': edge_index, 'edge_attr': edge_attr,
            'enc': enc, 'edge_p': edge_p, 'nm1': nm1, 'nm2': nm2}


def reference(x, edge_index, edge_attr, enc, edge_p, nm1, nm2):
    # node encoder
    x_hat = _ffn_apply(enc, x)
    # append zero-initialized mesh nodes
    nodes = jnp.concatenate([x_hat, jnp.zeros((N_MESH, D_NODE), jnp.float32)], axis=0)
    row = edge_index[0]
    col = edge_index[1]
    # EdgeModel: e' = FFN([src, dst, e]) + e
    src = nodes[row]
    dst = nodes[col]
    e_out = _ffn_apply(edge_p, jnp.concatenate([src, dst, edge_attr], axis=1)) + edge_attr
    # NodeModel: scatter-mean of FFN([x[row], e']) onto col, then FFN([x, agg]) + x
    m = _ffn_apply(nm1, jnp.concatenate([src, e_out], axis=1))
    s = jax.ops.segment_sum(m, col, num_segments=N_TOTAL)
    cnt = jax.ops.segment_sum(jnp.ones((col.shape[0],), jnp.float32), col, num_segments=N_TOTAL)
    agg = s / jnp.maximum(cnt, 1.0)[:, None]
    out_nodes = _ffn_apply(nm2, jnp.concatenate([nodes, agg], axis=1)) + nodes
    # return mesh-node embeddings only
    return out_nodes[N_GRID:]

if __name__ == "__main__":
    import jax
    _d = setup_inputs()
    print(jax.jit(kernel)(*tuple(_d.values())))

</pallas_src>

<mosaic_0001>
#map = affine_map<(d0, d1) -> (0, 0)>
#map1 = affine_map<(d0, d1) -> (0, 0, 0)>
module attributes {stable_mosaic.version = 14 : i64} {
  func.func @_scatter_body(%arg0: i32, %arg1: i32, %arg2: memref<40960x128xf32, #tpu.memory_space<hbm>>, %arg3: memref<40960x128xf32, #tpu.memory_space<hbm>>, %arg4: memref<32x10x128xi32, #tpu.memory_space<hbm>>, %arg5: memref<5888x128xf32, #tpu.memory_space<hbm>>, %arg6: memref<11776x128xf32, #tpu.memory_space<hbm>>, %arg7: memref<11776x128xf32, #tpu.memory_space<hbm>>, %arg8: memref<10x128xi32, #tpu.memory_space<vmem>>, %arg9: memref<128x128xf32, #tpu.memory_space<vmem>>, %arg10: memref<128x128xf32, #tpu.memory_space<vmem>>, %arg11: memref<5888x128xf32, #tpu.memory_space<vmem_shared>>, %arg12: memref<5888x128xf32, #tpu.memory_space<vmem_shared>>) attributes {dimension_semantics = [#tpu.dimension_semantics<core_parallel>, #tpu.dimension_semantics<subcore_parallel>], iteration_bounds = array<i64: 2, 16>, scalar_prefetch = 0 : i64, scratch_operands = 5 : i64, tpu.core_type = #tpu.core_type<sc_vector_subcore>, window_params = [{transform_indices = #map}, {transform_indices = #map}, {transform_indices = #map1}, {transform_indices = #map}, {transform_indices = #map}, {transform_indices = #map}]} {
    %mul3A = arith.constant 16 : i32
    %mul3A_0 = arith.muli %arg0, %mul3A : i32
    %add3A = arith.addi %mul3A_0, %arg1 : i32
    %mul3A_1 = arith.constant 368 : i32
    %mul3A_2 = arith.muli %arg1, %mul3A_1 : i32
    "tpu.region"() ({
      %run_scoped3A_52 = tpu.sem_alloc : memref<!tpu.dma_semaphore, #tpu.memory_space<semaphore_mem>>
      %dma_start3A = arith.constant 0 : i32
      %dma_start3A_53 = tpu.memref_slice %arg11[%mul3A_2, %dma_start3A] : memref<5888x128xf32, #tpu.memory_space<vmem_shared>> -> memref<368x128xf32, #tpu.memory_space<vmem_shared>>
      %dma_start3A_54 = arith.constant 0 : i32
      %dma_start3A_55 = tpu.memref_slice %arg5[%mul3A_2, %dma_start3A_54] : memref<5888x128xf32, #tpu.memory_space<hbm>> -> memref<368x128xf32, #tpu.memory_space<hbm>>
      tpu.enqueue_dma source(%dma_start3A_55 : memref<368x128xf32, #tpu.memory_space<hbm>>) target(%dma_start3A_53 : memref<368x128xf32, #tpu.memory_space<vmem_shared>>) target_semaphore(%run_scoped3A_52 : memref<!tpu.dma_semaphore, #tpu.memory_space<semaphore_mem>>)
      %dma_wait3A = arith.constant 0 : i32
      %dma_wait3A_56 = tpu.memref_slice %arg11[%mul3A_2, %dma_wait3A] : memref<5888x128xf32, #tpu.memory_space<vmem_shared>> -> memref<368x128xf32, #tpu.memory_space<vmem_shared>>
      %dma_wait3A_57 = arith.constant 0 : i32
      %dma_wait3A_58 = tpu.memref_slice %arg5[%mul3A_2, %dma_wait3A_57] : memref<5888x128xf32, #tpu.memory_space<hbm>> -> memref<368x128xf32, #tpu.memory_space<hbm>>
      tpu.wait_dma2 semaphore(%run_scoped3A_52 : memref<!tpu.dma_semaphore, #tpu.memory_space<semaphore_mem>>) src(%dma_wait3A_58 : memref<368x128xf32, #tpu.memory_space<hbm>>) dst(%dma_wait3A_56 : memref<368x128xf32, #tpu.memory_space<vmem_shared>>)
      tpu.yield
    }) : () -> ()
    "tpu.region"() ({
      %run_scoped3A_52 = tpu.sem_alloc : memref<!tpu.dma_semaphore, #tpu.memory_space<semaphore_mem>>
      %dma_start3A = arith.constant 0 : i32
      %dma_start3A_53 = tpu.memref_slice %arg12[%mul3A_2, %dma_start3A] : memref<5888x128xf32, #tpu.memory_space<vmem_shared>> -> memref<368x128xf32, #tpu.memory_space<vmem_shared>>
      %dma_start3A_54 = arith.constant 0 : i32
      %dma_start3A_55 = tpu.memref_slice %arg5[%mul3A_2, %dma_start3A_54] : memref<5888x128xf32, #tpu.memory_space<hbm>> -> memref<368x128xf32, #tpu.memory_space<hbm>>
      tpu.enqueue_dma source(%dma_start3A_55 : memref<368x128xf32, #tpu.memory_space<hbm>>) target(%dma_start3A_53 : memref<368x128xf32, #tpu.memory_space<vmem_shared>>) target_semaphore(%run_scoped3A_52 : memref<!tpu.dma_semaphore, #tpu.memory_space<semaphore_mem>>)
      %dma_wait3A = arith.constant 0 : i32
      %dma_wait3A_56 = tpu.memref_slice %arg12[%mul3A_2, %dma_wait3A] : memref<5888x128xf32, #tpu.memory_space<vmem_shared>> -> memref<368x128xf32, #tpu.memory_space<vmem_shared>>
      %dma_wait3A_57 = arith.constant 0 : i32
      %dma_wait3A_58 = tpu.memref_slice %arg5[%mul3A_2, %dma_wait3A_57] : memref<5888x128xf32, #tpu.memory_space<hbm>> -> memref<368x128xf32, #tpu.memory_space<hbm>>
      tpu.wait_dma2 semaphore(%run_scoped3A_52 : memref<!tpu.dma_semaphore, #tpu.memory_space<semaphore_mem>>) src(%dma_wait3A_58 : memref<368x128xf32, #tpu.memory_space<hbm>>) dst(%dma_wait3A_56 : memref<368x128xf32, #tpu.memory_space<vmem_shared>>)
      tpu.yield
    }) : () -> ()
    %barrier3A = arith.constant 0 : index
    tpu.barrier barrier_id(%barrier3A)
    %mul3A_3 = arith.constant 10 : i32
    %mul3A_4 = arith.muli %add3A, %mul3A_3 : i32
    %mul3A_5 = arith.constant 128 : i32
    %mul3A_6 = arith.muli %mul3A_4, %mul3A_5 : i32
    "tpu.region"() ({
      %run_scoped3A_52 = tpu.sem_alloc : memref<!tpu.dma_semaphore, #tpu.memory_space<semaphore_mem>>
      %dma_start3A = arith.constant 0 : i32
      %dma_start3A_53 = arith.constant 0 : i32
      %dma_start3A_54 = tpu.memref_slice %arg4[%add3A, %dma_start3A, %dma_start3A_53] : memref<32x10x128xi32, #tpu.memory_space<hbm>> -> memref<1x10x128xi32, #tpu.memory_space<hbm>>
      %dma_start3A_55 = tpu.memref_squeeze %dma_start3A_54 : memref<1x10x128xi32, #tpu.memory_space<hbm>> -> memref<10x128xi32, #tpu.memory_space<hbm>>
      %dma_start3A_56 = arith.constant 0 : i32
      %dma_start3A_57 = arith.constant 0 : i32
      %dma_start3A_58 = tpu.memref_slice %arg4[%add3A, %dma_start3A_56, %dma_start3A_57] : memref<32x10x128xi32, #tpu.memory_space<hbm>> -> memref<1x10x128xi32, #tpu.memory_space<hbm>>
      %dma_start3A_59 = tpu.memref_squeeze %dma_start3A_58 : memref<1x10x128xi32, #tpu.memory_space<hbm>> -> memref<10x128xi32, #tpu.memory_space<hbm>>
      tpu.enqueue_dma source(%dma_start3A_59 : memref<10x128xi32, #tpu.memory_space<hbm>>) target(%arg8 : memref<10x128xi32, #tpu.memory_space<vmem>>) target_semaphore(%run_scoped3A_52 : memref<!tpu.dma_semaphore, #tpu.memory_space<semaphore_mem>>)
      %dma_wait3A = arith.constant 0 : i32
      %dma_wait3A_60 = arith.constant 0 : i32
      %dma_wait3A_61 = tpu.memref_slice %arg4[%add3A, %dma_wait3A, %dma_wait3A_60] : memref<32x10x128xi32, #tpu.memory_space<hbm>> -> memref<1x10x128xi32, #tpu.memory_space<hbm>>
      %dma_wait3A_62 = tpu.memref_squeeze %dma_wait3A_61 : memref<1x10x128xi32, #tpu.memory_space<hbm>> -> memref<10x128xi32, #tpu.memory_space<hbm>>
      %dma_wait3A_63 = arith.constant 0 : i32
      %dma_wait3A_64 = arith.constant 0 : i32
      %dma_wait3A_65 = tpu.memref_slice %arg4[%add3A, %dma_wait3A_63, %dma_wait3A_64] : memref<32x10x128xi32, #tpu.memory_space<hbm>> -> memref<1x10x128xi32, #tpu.memory_space<hbm>>
      %dma_wait3A_66 = tpu.memref_squeeze %dma_wait3A_65 : memref<1x10x128xi32, #tpu.memory_space<hbm>> -> memref<10x128xi32, #tpu.memory_space<hbm>>
      tpu.wait_dma2 semaphore(%run_scoped3A_52 : memref<!tpu.dma_semaphore, #tpu.memory_space<semaphore_mem>>) src(%dma_wait3A_66 : memref<10x128xi32, #tpu.memory_space<hbm>>) dst(%arg8 : memref<10x128xi32, #tpu.memory_space<vmem>>)
      tpu.yield
    }) : () -> ()
    %add3A_7 = arith.constant 0 : i32
    %add3A_8 = arith.addi %mul3A_6, %add3A_7 : i32
    "tpu.region"() ({
      %run_scoped3A_52 = tpu.sem_alloc : memref<!tpu.dma_semaphore, #tpu.memory_space<semaphore_mem>>
      %dma_start3A = arith.constant 0 : i32
      %dma_start3A_53 = tpu.memref_slice %arg2[%add3A_8, %dma_start3A] : memref<40960x128xf32, #tpu.memory_space<hbm>> -> memref<128x128xf32, #tpu.memory_space<hbm>>
      %dma_start3A_54 = arith.constant 0 : i32
      %dma_start3A_55 = tpu.memref_slice %arg2[%add3A_8, %dma_start3A_54] : memref<40960x128xf32, #tpu.memory_space<hbm>> -> memref<128x128xf32, #tpu.memory_space<hbm>>
      tpu.enqueue_dma source(%dma_start3A_55 : memref<128x128xf32, #tpu.memory_space<hbm>>) target(%arg9 : memref<128x128xf32, #tpu.memory_space<vmem>>) target_semaphore(%run_scoped3A_52 : memref<!tpu.dma_semaphore, #tpu.memory_space<semaphore_mem>>)
      %dma_wait3A = arith.constant 0 : i32
      %dma_wait3A_56 = tpu.memref_slice %arg2[%add3A_8, %dma_wait3A] : memref<40960x128xf32, #tpu.memory_space<hbm>> -> memref<128x128xf32, #tpu.memory_space<hbm>>
      %dma_wait3A_57 = arith.constant 0 : i32
      %dma_wait3A_58 = tpu.memref_slice %arg2[%add3A_8, %dma_wait3A_57] : memref<40960x128xf32, #tpu.memory_space<hbm>> -> memref<128x128xf32, #tpu.memory_space<hbm>>
      tpu.wait_dma2 semaphore(%run_scoped3A_52 : memref<!tpu.dma_semaphore, #tpu.memory_space<semaphore_mem>>) src(%dma_wait3A_58 : memref<128x128xf32, #tpu.memory_space<hbm>>) dst(%arg9 : memref<128x128xf32, #tpu.memory_space<vmem>>)
      tpu.yield
    }) : () -> ()
    "tpu.region"() ({
      %run_scoped3A_52 = tpu.sem_alloc : memref<!tpu.dma_semaphore, #tpu.memory_space<semaphore_mem>>
      %dma_start3A = arith.constant 0 : i32
      %dma_start3A_53 = tpu.memref_slice %arg3[%add3A_8, %dma_start3A] : memref<40960x128xf32, #tpu.memory_space<hbm>> -> memref<128x128xf32, #tpu.memory_space<hbm>>
      %dma_start3A_54 = arith.constant 0 : i32
      %dma_start3A_55 = tpu.memref_slice %arg3[%add3A_8, %dma_start3A_54] : memref<40960x128xf32, #tpu.memory_space<hbm>> -> memref<128x128xf32, #tpu.memory_space<hbm>>
      tpu.enqueue_dma source(%dma_start3A_55 : memref<128x128xf32, #tpu.memory_space<hbm>>) target(%arg10 : memref<128x128xf32, #tpu.memory_space<vmem>>) target_semaphore(%run_scoped3A_52 : memref<!tpu.dma_semaphore, #tpu.memory_space<semaphore_mem>>)
      %dma_wait3A = arith.constant 0 : i32
      %dma_wait3A_56 = tpu.memref_slice %arg3[%add3A_8, %dma_wait3A] : memref<40960x128xf32, #tpu.memory_space<hbm>> -> memref<128x128xf32, #tpu.memory_space<hbm>>
      %dma_wait3A_57 = arith.constant 0 : i32
      %dma_wait3A_58 = tpu.memref_slice %arg3[%add3A_8, %dma_wait3A_57] : memref<40960x128xf32, #tpu.memory_space<hbm>> -> memref<128x128xf32, #tpu.memory_space<hbm>>
      tpu.wait_dma2 semaphore(%run_scoped3A_52 : memref<!tpu.dma_semaphore, #tpu.memory_space<semaphore_mem>>) src(%dma_wait3A_58 : memref<128x128xf32, #tpu.memory_space<hbm>>) dst(%arg10 : memref<128x128xf32, #tpu.memory_space<vmem>>)
      tpu.yield
    }) : () -> ()
    %run_scoped3A = arith.constant 0 : i32
    "tpu.region"() ({
      %run_scoped3A_52 = tpu.sem_alloc : memref<!tpu.dma_semaphore, #tpu.memory_space<semaphore_mem>>
      %dma_start3A = arith.constant 0 : i32
      %dma_start3A_53 = tpu.memref_slice %arg8[%run_scoped3A, %dma_start3A] : memref<10x128xi32, #tpu.memory_space<vmem>> -> memref<1x128xi32, #tpu.memory_space<vmem>>
      %dma_start3A_54 = tpu.memref_squeeze %dma_start3A_53 : memref<1x128xi32, #tpu.memory_space<vmem>> -> memref<128xi32, #tpu.memory_space<vmem>>
      %dma_start3A_55 = arith.constant 0 : i32
      %dma_start3A_56 = arith.constant 0 : i32
      %dma_start3A_57 = tpu.memref_slice %arg11[%dma_start3A_55, %dma_start3A_56] : memref<5888x128xf32, #tpu.memory_space<vmem_shared>> -> memref<5888x128xf32, #tpu.memory_space<vmem_shared>>
      tpu.enqueue_indirect_dma source(%arg9 : memref<128x128xf32, #tpu.memory_space<vmem>>) target(%dma_start3A_57 : memref<5888x128xf32, #tpu.memory_space<vmem_shared>>) offsets(%dma_start3A_54 : memref<128xi32, #tpu.memory_space<vmem>>) semaphore(%run_scoped3A_52 : memref<!tpu.dma_semaphore, #tpu.memory_space<semaphore_mem>>) {add = true}
      %dma_wait3A = arith.constant 0 : i32
      %dma_wait3A_58 = tpu.memref_slice %arg8[%run_scoped3A, %dma_wait3A] : memref<10x128xi32, #tpu.memory_space<vmem>> -> memref<1x128xi32, #tpu.memory_space<vmem>>
      %dma_wait3A_59 = tpu.memref_squeeze %dma_wait3A_58 : memref<1x128xi32, #tpu.memory_space<vmem>> -> memref<128xi32, #tpu.memory_space<vmem>>
      %dma_wait3A_60 = arith.constant 0 : i32
      %dma_wait3A_61 = arith.constant 0 : i32
      %dma_wait3A_62 = tpu.memref_slice %arg11[%dma_wait3A_60, %dma_wait3A_61] : memref<5888x128xf32, #tpu.memory_space<vmem_shared>> -> memref<5888x128xf32, #tpu.memory_space<vmem_shared>>
      tpu.wait_indirect_dma semaphore(%run_scoped3A_52 : memref<!tpu.dma_semaphore, #tpu.memory_space<semaphore_mem>>) src(%arg9 : memref<128x128xf32, #tpu.memory_space<vmem>>) dst(%dma_wait3A_62 : memref<5888x128xf32, #tpu.memory_space<vmem_shared>>)
      tpu.yield
    }) : () -> ()
    %run_scoped3A_9 = arith.constant 0 : i32
    "tpu.region"() ({
      %run_scoped3A_52 = tpu.sem_alloc : memref<!tpu.dma_semaphore, #tpu.memory_space<semaphore_mem>>
      %dma_start3A = arith.constant 0 : i32
      %dma_start3A_53 = tpu.memref_slice %arg8[%run_scoped3A_9, %dma_start3A] : memref<10x128xi32, #tpu.memory_space<vmem>> -> memref<1x128xi32, #tpu.memory_space<vmem>>
      %dma_start3A_54 = tpu.memref_squeeze %dma_start3A_53 : memref<1x128xi32, #tpu.memory_space<vmem>> -> memref<128xi32, #tpu.memory_space<vmem>>
      %dma_start3A_55 = arith.constant 0 : i32
      %dma_start3A_56 = arith.constant 0 : i32
      %dma_start3A_57 = tpu.memref_slice %arg12[%dma_start3A_55, %dma_start3A_56] : memref<5888x128xf32, #tpu.memory_space<vmem_shared>> -> memref<5888x128xf32, #tpu.memory_space<vmem_shared>>
      tpu.enqueue_indirect_dma source(%arg10 : memref<128x128xf32, #tpu.memory_space<vmem>>) target(%dma_start3A_57 : memref<5888x128xf32, #tpu.memory_space<vmem_shared>>) offsets(%dma_start3A_54 : memref<128xi32, #tpu.memory_space<vmem>>) semaphore(%run_scoped3A_52 : memref<!tpu.dma_semaphore, #tpu.memory_space<semaphore_mem>>) {add = true}
      %dma_wait3A = arith.constant 0 : i32
      %dma_wait3A_58 = tpu.memref_slice %arg8[%run_scoped3A_9, %dma_wait3A] : memref<10x128xi32, #tpu.memory_space<vmem>> -> memref<1x128xi32, #tpu.memory_space<vmem>>
      %dma_wait3A_59 = tpu.memref_squeeze %dma_wait3A_58 : memref<1x128xi32, #tpu.memory_space<vmem>> -> memref<128xi32, #tpu.memory_space<vmem>>
      %dma_wait3A_60 = arith.constant 0 : i32
      %dma_wait3A_61 = arith.constant 0 : i32
      %dma_wait3A_62 = tpu.memref_slice %arg12[%dma_wait3A_60, %dma_wait3A_61] : memref<5888x128xf32, #tpu.memory_space<vmem_shared>> -> memref<5888x128xf32, #tpu.memory_space<vmem_shared>>
      tpu.wait_indirect_dma semaphore(%run_scoped3A_52 : memref<!tpu.dma_semaphore, #tpu.memory_space<semaphore_mem>>) src(%arg10 : memref<128x128xf32, #tpu.memory_space<vmem>>) dst(%dma_wait3A_62 : memref<5888x128xf32, #tpu.memory_space<vmem_shared>>)
      tpu.yield
    }) : () -> ()
    %add3A_10 = arith.constant 128 : i32
    %add3A_11 = arith.addi %mul3A_6, %add3A_10 : i32
    "tpu.region"() ({
      %run_scoped3A_52 = tpu.sem_alloc : memref<!tpu.dma_semaphore, #tpu.memory_space<semaphore_mem>>
      %dma_start3A = arith.constant 0 : i32
      %dma_start3A_53 = tpu.memref_slice %arg2[%add3A_11, %dma_start3A] : memref<40960x128xf32, #tpu.memory_space<hbm>> -> memref<128x128xf32, #tpu.memory_space<hbm>>
      %dma_start3A_54 = arith.constant 0 : i32
      %dma_start3A_55 = tpu.memref_slice %arg2[%add3A_11, %dma_start3A_54] : memref<40960x128xf32, #tpu.memory_space<hbm>> -> memref<128x128xf32, #tpu.memory_space<hbm>>
      tpu.enqueue_dma source(%dma_start3A_55 : memref<128x128xf32, #tpu.memory_space<hbm>>) target(%arg9 : memref<128x128xf32, #tpu.memory_space<vmem>>) target_semaphore(%run_scoped3A_52 : memref<!tpu.dma_semaphore, #tpu.memory_space<semaphore_mem>>)
      %dma_wait3A = arith.constant 0 : i32
      %dma_wait3A_56 = tpu.memref_slice %arg2[%add3A_11, %dma_wait3A] : memref<40960x128xf32, #tpu.memory_space<hbm>> -> memref<128x128xf32, #tpu.memory_space<hbm>>
      %dma_wait3A_57 = arith.constant 0 : i32
      %dma_wait3A_58 = tpu.memref_slice %arg2[%add3A_11, %dma_wait3A_57] : memref<40960x128xf32, #tpu.memory_space<hbm>> -> memref<128x128xf32, #tpu.memory_space<hbm>>
      tpu.wait_dma2 semaphore(%run_scoped3A_52 : memref<!tpu.dma_semaphore, #tpu.memory_space<semaphore_mem>>) src(%dma_wait3A_58 : memref<128x128xf32, #tpu.memory_space<hbm>>) dst(%arg9 : memref<128x128xf32, #tpu.memory_space<vmem>>)
      tpu.yield
    }) : () -> ()
    "tpu.region"() ({
      %run_scoped3A_52 = tpu.sem_alloc : memref<!tpu.dma_semaphore, #tpu.memory_space<semaphore_mem>>
      %dma_start3A = arith.constant 0 : i32
      %dma_start3A_53 = tpu.memref_slice %arg3[%add3A_11, %dma_start3A] : memref<40960x128xf32, #tpu.memory_space<hbm>> -> memref<128x128xf32, #tpu.memory_space<hbm>>
      %dma_start3A_54 = arith.constant 0 : i32
      %dma_start3A_55 = tpu.memref_slice %arg3[%add3A_11, %dma_start3A_54] : memref<40960x128xf32, #tpu.memory_space<hbm>> -> memref<128x128xf32, #tpu.memory_space<hbm>>
      tpu.enqueue_dma source(%dma_start3A_55 : memref<128x128xf32, #tpu.memory_space<hbm>>) target(%arg10 : memref<128x128xf32, #tpu.memory_space<vmem>>) target_semaphore(%run_scoped3A_52 : memref<!tpu.dma_semaphore, #tpu.memory_space<semaphore_mem>>)
      %dma_wait3A = arith.constant 0 : i32
      %dma_wait3A_56 = tpu.memref_slice %arg3[%add3A_11, %dma_wait3A] : memref<40960x128xf32, #tpu.memory_space<hbm>> -> memref<128x128xf32, #tpu.memory_space<hbm>>
      %dma_wait3A_57 = arith.constant 0 : i32
      %dma_wait3A_58 = tpu.memref_slice %arg3[%add3A_11, %dma_wait3A_57] : memref<40960x128xf32, #tpu.memory_space<hbm>> -> memref<128x128xf32, #tpu.memory_space<hbm>>
      tpu.wait_dma2 semaphore(%run_scoped3A_52 : memref<!tpu.dma_semaphore, #tpu.memory_space<semaphore_mem>>) src(%dma_wait3A_58 : memref<128x128xf32, #tpu.memory_space<hbm>>) dst(%arg10 : memref<128x128xf32, #tpu.memory_space<vmem>>)
      tpu.yield
    }) : () -> ()
    %run_scoped3A_12 = arith.constant 1 : i32
    "tpu.region"() ({
      %run_scoped3A_52 = tpu.sem_alloc : memref<!tpu.dma_semaphore, #tpu.memory_space<semaphore_mem>>
      %dma_start3A = arith.constant 0 : i32
      %dma_start3A_53 = tpu.memref_slice %arg8[%run_scoped3A_12, %dma_start3A] : memref<10x128xi32, #tpu.memory_space<vmem>> -> memref<1x128xi32, #tpu.memory_space<vmem>>
      %dma_start3A_54 = tpu.memref_squeeze %dma_start3A_53 : memref<1x128xi32, #tpu.memory_space<vmem>> -> memref<128xi32, #tpu.memory_space<vmem>>
      %dma_start3A_55 = arith.constant 0 : i32
      %dma_start3A_56 = arith.constant 0 : i32
      %dma_start3A_57 = tpu.memref_slice %arg11[%dma_start3A_55, %dma_start3A_56] : memref<5888x128xf32, #tpu.memory_space<vmem_shared>> -> memref<5888x128xf32, #tpu.memory_space<vmem_shared>>
      tpu.enqueue_indirect_dma source(%arg9 : memref<128x128xf32, #tpu.memory_space<vmem>>) target(%dma_start3A_57 : memref<5888x128xf32, #tpu.memory_space<vmem_shared>>) offsets(%dma_start3A_54 : memref<128xi32, #tpu.memory_space<vmem>>) semaphore(%run_scoped3A_52 : memref<!tpu.dma_semaphore, #tpu.memory_space<semaphore_mem>>) {add = true}
      %dma_wait3A = arith.constant 0 : i32
      %dma_wait3A_58 = tpu.memref_slice %arg8[%run_scoped3A_12, %dma_wait3A] : memref<10x128xi32, #tpu.memory_space<vmem>> -> memref<1x128xi32, #tpu.memory_space<vmem>>
      %dma_wait3A_59 = tpu.memref_squeeze %dma_wait3A_58 : memref<1x128xi32, #tpu.memory_space<vmem>> -> memref<128xi32, #tpu.memory_space<vmem>>
      %dma_wait3A_60 = arith.constant 0 : i32
      %dma_wait3A_61 = arith.constant 0 : i32
      %dma_wait3A_62 = tpu.memref_slice %arg11[%dma_wait3A_60, %dma_wait3A_61] : memref<5888x128xf32, #tpu.memory_space<vmem_shared>> -> memref<5888x128xf32, #tpu.memory_space<vmem_shared>>
      tpu.wait_indirect_dma semaphore(%run_scoped3A_52 : memref<!tpu.dma_semaphore, #tpu.memory_space<semaphore_mem>>) src(%arg9 : memref<128x128xf32, #tpu.memory_space<vmem>>) dst(%dma_wait3A_62 : memref<5888x128xf32, #tpu.memory_space<vmem_shared>>)
      tpu.yield
    }) : () -> ()
    %run_scoped3A_13 = arith.constant 1 : i32
    "tpu.region"() ({
      %run_scoped3A_52 = tpu.sem_alloc : memref<!tpu.dma_semaphore, #tpu.memory_space<semaphore_mem>>
      %dma_start3A = arith.constant 0 : i32
      %dma_start3A_53 = tpu.memref_slice %arg8[%run_scoped3A_13, %dma_start3A] : memref<10x128xi32, #tpu.memory_space<vmem>> -> memref<1x128xi32, #tpu.memory_space<vmem>>
      %dma_start3A_54 = tpu.memref_squeeze %dma_start3A_53 : memref<1x128xi32, #tpu.memory_space<vmem>> -> memref<128xi32, #tpu.memory_space<vmem>>
      %dma_start3A_55 = arith.constant 0 : i32
      %dma_start3A_56 = arith.constant 0 : i32
      %dma_start3A_57 = tpu.memref_slice %arg12[%dma_start3A_55, %dma_start3A_56] : memref<5888x128xf32, #tpu.memory_space<vmem_shared>> -> memref<5888x128xf32, #tpu.memory_space<vmem_shared>>
      tpu.enqueue_indirect_dma source(%arg10 : memref<128x128xf32, #tpu.memory_space<vmem>>) target(%dma_start3A_57 : memref<5888x128xf32, #tpu.memory_space<vmem_shared>>) offsets(%dma_start3A_54 : memref<128xi32, #tpu.memory_space<vmem>>) semaphore(%run_scoped3A_52 : memref<!tpu.dma_semaphore, #tpu.memory_space<semaphore_mem>>) {add = true}
      %dma_wait3A = arith.constant 0 : i32
      %dma_wait3A_58 = tpu.memref_slice %arg8[%run_scoped3A_13, %dma_wait3A] : memref<10x128xi32, #tpu.memory_space<vmem>> -> memref<1x128xi32, #tpu.memory_space<vmem>>
      %dma_wait3A_59 = tpu.memref_squeeze %dma_wait3A_58 : memref<1x128xi32, #tpu.memory_space<vmem>> -> memref<128xi32, #tpu.memory_space<vmem>>
      %dma_wait3A_60 = arith.constant 0 : i32
      %dma_wait3A_61 = arith.constant 0 : i32
      %dma_wait3A_62 = tpu.memref_slice %arg12[%dma_wait3A_60, %dma_wait3A_61] : memref<5888x128xf32, #tpu.memory_space<vmem_shared>> -> memref<5888x128xf32, #tpu.memory_space<vmem_shared>>
      tpu.wait_indirect_dma semaphore(%run_scoped3A_52 : memref<!tpu.dma_semaphore, #tpu.memory_space<semaphore_mem>>) src(%arg10 : memref<128x128xf32, #tpu.memory_space<vmem>>) dst(%dma_wait3A_62 : memref<5888x128xf32, #tpu.memory_space<vmem_shared>>)
      tpu.yield
    }) : () -> ()
    %add3A_14 = arith.constant 256 : i32
    %add3A_15 = arith.addi %mul3A_6, %add3A_14 : i32
    "tpu.region"() ({
      %run_scoped3A_52 = tpu.sem_alloc : memref<!tpu.dma_semaphore, #tpu.memory_space<semaphore_mem>>
      %dma_start3A = arith.constant 0 : i32
      %dma_start3A_53 = tpu.memref_slice %arg2[%add3A_15, %dma_start3A] : memref<40960x128xf32, #tpu.memory_space<hbm>> -> memref<128x128xf32, #tpu.memory_space<hbm>>
      %dma_start3A_54 = arith.constant 0 : i32
      %dma_start3A_55 = tpu.memref_slice %arg2[%add3A_15, %dma_start3A_54] : memref<40960x128xf32, #tpu.memory_space<hbm>> -> memref<128x128xf32, #tpu.memory_space<hbm>>
      tpu.enqueue_dma source(%dma_start3A_55 : memref<128x128xf32, #tpu.memory_space<hbm>>) target(%arg9 : memref<128x128xf32, #tpu.memory_space<vmem>>) target_semaphore(%run_scoped3A_52 : memref<!tpu.dma_semaphore, #tpu.memory_space<semaphore_mem>>)
      %dma_wait3A = arith.constant 0 : i32
      %dma_wait3A_56 = tpu.memref_slice %arg2[%add3A_15, %dma_wait3A] : memref<40960x128xf32, #tpu.memory_space<hbm>> -> memref<128x128xf32, #tpu.memory_space<hbm>>
      %dma_wait3A_57 = arith.constant 0 : i32
      %dma_wait3A_58 = tpu.memref_slice %arg2[%add3A_15, %dma_wait3A_57] : memref<40960x128xf32, #tpu.memory_space<hbm>> -> memref<128x128xf32, #tpu.memory_space<hbm>>
      tpu.wait_dma2 semaphore(%run_scoped3A_52 : memref<!tpu.dma_semaphore, #tpu.memory_space<semaphore_mem>>) src(%dma_wait3A_58 : memref<128x128xf32, #tpu.memory_space<hbm>>) dst(%arg9 : memref<128x128xf32, #tpu.memory_space<vmem>>)
      tpu.yield
    }) : () -> ()
    "tpu.region"() ({
      %run_scoped3A_52 = tpu.sem_alloc : memref<!tpu.dma_semaphore, #tpu.memory_space<semaphore_mem>>
      %dma_start3A = arith.constant 0 : i32
      %dma_start3A_53 = tpu.memref_slice %arg3[%add3A_15, %dma_start3A] : memref<40960x128xf32, #tpu.memory_space<hbm>> -> memref<128x128xf32, #tpu.memory_space<hbm>>
      %dma_start3A_54 = arith.constant 0 : i32
      %dma_start3A_55 = tpu.memref_slice %arg3[%add3A_15, %dma_start3A_54] : memref<40960x128xf32, #tpu.memory_space<hbm>> -> memref<128x128xf32, #tpu.memory_space<hbm>>
      tpu.enqueue_dma source(%dma_start3A_55 : memref<128x128xf32, #tpu.memory_space<hbm>>) target(%arg10 : memref<128x128xf32, #tpu.memory_space<vmem>>) target_semaphore(%run_scoped3A_52 : memref<!tpu.dma_semaphore, #tpu.memory_space<semaphore_mem>>)
      %dma_wait3A = arith.constant 0 : i32
      %dma_wait3A_56 = tpu.memref_slice %arg3[%add3A_15, %dma_wait3A] : memref<40960x128xf32, #tpu.memory_space<hbm>> -> memref<128x128xf32, #tpu.memory_space<hbm>>
      %dma_wait3A_57 = arith.constant 0 : i32
      %dma_wait3A_58 = tpu.memref_slice %arg3[%add3A_15, %dma_wait3A_57] : memref<40960x128xf32, #tpu.memory_space<hbm>> -> memref<128x128xf32, #tpu.memory_space<hbm>>
      tpu.wait_dma2 semaphore(%run_scoped3A_52 : memref<!tpu.dma_semaphore, #tpu.memory_space<semaphore_mem>>) src(%dma_wait3A_58 : memref<128x128xf32, #tpu.memory_space<hbm>>) dst(%arg10 : memref<128x128xf32, #tpu.memory_space<vmem>>)
      tpu.yield
    }) : () -> ()
    %run_scoped3A_16 = arith.constant 2 : i32
    "tpu.region"() ({
      %run_scoped3A_52 = tpu.sem_alloc : memref<!tpu.dma_semaphore, #tpu.memory_space<semaphore_mem>>
      %dma_start3A = arith.constant 0 : i32
      %dma_start3A_53 = tpu.memref_slice %arg8[%run_scoped3A_16, %dma_start3A] : memref<10x128xi32, #tpu.memory_space<vmem>> -> memref<1x128xi32, #tpu.memory_space<vmem>>
      %dma_start3A_54 = tpu.memref_squeeze %dma_start3A_53 : memref<1x128xi32, #tpu.memory_space<vmem>> -> memref<128xi32, #tpu.memory_space<vmem>>
      %dma_start3A_55 = arith.constant 0 : i32
      %dma_start3A_56 = arith.constant 0 : i32
      %dma_start3A_57 = tpu.memref_slice %arg11[%dma_start3A_55, %dma_start3A_56] : memref<5888x128xf32, #tpu.memory_space<vmem_shared>> -> memref<5888x128xf32, #tpu.memory_space<vmem_shared>>
      tpu.enqueue_indirect_dma source(%arg9 : memref<128x128xf32, #tpu.memory_space<vmem>>) target(%dma_start3A_57 : memref<5888x128xf32, #tpu.memory_space<vmem_shared>>) offsets(%dma_start3A_54 : memref<128xi32, #tpu.memory_space<vmem>>) semaphore(%run_scoped3A_52 : memref<!tpu.dma_semaphore, #tpu.memory_space<semaphore_mem>>) {add = true}
      %dma_wait3A = arith.constant 0 : i32
      %dma_wait3A_58 = tpu.memref_slice %arg8[%run_scoped3A_16, %dma_wait3A] : memref<10x128xi32, #tpu.memory_space<vmem>> -> memref<1x128xi32, #tpu.memory_space<vmem>>
      %dma_wait3A_59 = tpu.memref_squeeze %dma_wait3A_58 : memref<1x128xi32, #tpu.memory_space<vmem>> -> memref<128xi32, #tpu.memory_space<vmem>>
      %dma_wait3A_60 = arith.constant 0 : i32
      %dma_wait3A_61 = arith.constant 0 : i32
      %dma_wait3A_62 = tpu.memref_slice %arg11[%dma_wait3A_60, %dma_wait3A_61] : memref<5888x128xf32, #tpu.memory_space<vmem_shared>> -> memref<5888x128xf32, #tpu.memory_space<vmem_shared>>
      tpu.wait_indirect_dma semaphore(%run_scoped3A_52 : memref<!tpu.dma_semaphore, #tpu.memory_space<semaphore_mem>>) src(%arg9 : memref<128x128xf32, #tpu.memory_space<vmem>>) dst(%dma_wait3A_62 : memref<5888x128xf32, #tpu.memory_space<vmem_shared>>)
      tpu.yield
    }) : () -> ()
    %run_scoped3A_17 = arith.constant 2 : i32
    "tpu.region"() ({
      %run_scoped3A_52 = tpu.sem_alloc : memref<!tpu.dma_semaphore, #tpu.memory_space<semaphore_mem>>
      %dma_start3A = arith.constant 0 : i32
      %dma_start3A_53 = tpu.memref_slice %arg8[%run_scoped3A_17, %dma_start3A] : memref<10x128xi32, #tpu.memory_space<vmem>> -> memref<1x128xi32, #tpu.memory_space<vmem>>
      %dma_start3A_54 = tpu.memref_squeeze %dma_start3A_53 : memref<1x128xi32, #tpu.memory_space<vmem>> -> memref<128xi32, #tpu.memory_space<vmem>>
      %dma_start3A_55 = arith.constant 0 : i32
      %dma_start3A_56 = arith.constant 0 : i32
      %dma_start3A_57 = tpu.memref_slice %arg12[%dma_start3A_55, %dma_start3A_56] : memref<5888x128xf32, #tpu.memory_space<vmem_shared>> -> memref<5888x128xf32, #tpu.memory_space<vmem_shared>>
      tpu.enqueue_indirect_dma source(%arg10 : memref<128x128xf32, #tpu.memory_space<vmem>>) target(%dma_start3A_57 : memref<5888x128xf32, #tpu.memory_space<vmem_shared>>) offsets(%dma_start3A_54 : memref<128xi32, #tpu.memory_space<vmem>>) semaphore(%run_scoped3A_52 : memref<!tpu.dma_semaphore, #tpu.memory_space<semaphore_mem>>) {add = true}
      %dma_wait3A = arith.constant 0 : i32
      %dma_wait3A_58 = tpu.memref_slice %arg8[%run_scoped3A_17, %dma_wait3A] : memref<10x128xi32, #tpu.memory_space<vmem>> -> memref<1x128xi32, #tpu.memory_space<vmem>>
      %dma_wait3A_59 = tpu.memref_squeeze %dma_wait3A_58 : memref<1x128xi32, #tpu.memory_space<vmem>> -> memref<128xi32, #tpu.memory_space<vmem>>
      %dma_wait3A_60 = arith.constant 0 : i32
      %dma_wait3A_61 = arith.constant 0 : i32
      %dma_wait3A_62 = tpu.memref_slice %arg12[%dma_wait3A_60, %dma_wait3A_61] : memref<5888x128xf32, #tpu.memory_space<vmem_shared>> -> memref<5888x128xf32, #tpu.memory_space<vmem_shared>>
      tpu.wait_indirect_dma semaphore(%run_scoped3A_52 : memref<!tpu.dma_semaphore, #tpu.memory_space<semaphore_mem>>) src(%arg10 : memref<128x128xf32, #tpu.memory_space<vmem>>) dst(%dma_wait3A_62 : memref<5888x128xf32, #tpu.memory_space<vmem_shared>>)
      tpu.yield
    }) : () -> ()
    %add3A_18 = arith.constant 384 : i32
    %add3A_19 = arith.addi %mul3A_6, %add3A_18 : i32
    "tpu.region"() ({
      %run_scoped3A_52 = tpu.sem_alloc : memref<!tpu.dma_semaphore, #tpu.memory_space<semaphore_mem>>
      %dma_start3A = arith.constant 0 : i32
      %dma_start3A_53 = tpu.memref_slice %arg2[%add3A_19, %dma_start3A] : memref<40960x128xf32, #tpu.memory_space<hbm>> -> memref<128x128xf32, #tpu.memory_space<hbm>>
      %dma_start3A_54 = arith.constant 0 : i32
      %dma_start3A_55 = tpu.memref_slice %arg2[%add3A_19, %dma_start3A_54] : memref<40960x128xf32, #tpu.memory_space<hbm>> -> memref<128x128xf32, #tpu.memory_space<hbm>>
      tpu.enqueue_dma source(%dma_start3A_55 : memref<128x128xf32, #tpu.memory_space<hbm>>) target(%arg9 : memref<128x128xf32, #tpu.memory_space<vmem>>) target_semaphore(%run_scoped3A_52 : memref<!tpu.dma_semaphore, #tpu.memory_space<semaphore_mem>>)
      %dma_wait3A = arith.constant 0 : i32
      %dma_wait3A_56 = tpu.memref_slice %arg2[%add3A_19, %dma_wait3A] : memref<40960x128xf32, #tpu.memory_space<hbm>> -> memref<128x128xf32, #tpu.memory_space<hbm>>
      %dma_wait3A_57 = arith.constant 0 : i32
      %dma_wait3A_58 = tpu.memref_slice %arg2[%add3A_19, %dma_wait3A_57] : memref<40960x128xf32, #tpu.memory_space<hbm>> -> memref<128x128xf32, #tpu.memory_space<hbm>>
      tpu.wait_dma2 semaphore(%run_scoped3A_52 : memref<!tpu.dma_semaphore, #tpu.memory_space<semaphore_mem>>) src(%dma_wait3A_58 : memref<128x128xf32, #tpu.memory_space<hbm>>) dst(%arg9 : memref<128x128xf32, #tpu.memory_space<vmem>>)
      tpu.yield
    }) : () -> ()
    "tpu.region"() ({
      %run_scoped3A_52 = tpu.sem_alloc : memref<!tpu.dma_semaphore, #tpu.memory_space<semaphore_mem>>
      %dma_start3A = arith.constant 0 : i32
      %dma_start3A_53 = tpu.memref_slice %arg3[%add3A_19, %dma_start3A] : memref<40960x128xf32, #tpu.memory_space<hbm>> -> memref<128x128xf32, #tpu.memory_space<hbm>>
      %dma_start3A_54 = arith.constant 0 : i32
      %dma_start3A_55 = tpu.memref_slice %arg3[%add3A_19, %dma_start3A_54] : memref<40960x128xf32, #tpu.memory_space<hbm>> -> memref<128x128xf32, #tpu.memory_space<hbm>>
      tpu.enqueue_dma source(%dma_start3A_55 : memref<128x128xf32, #tpu.memory_space<hbm>>) target(%arg10 : memref<128x128xf32, #tpu.memory_space<vmem>>) target_semaphore(%run_scoped3A_52 : memref<!tpu.dma_semaphore, #tpu.memory_space<semaphore_mem>>)
      %dma_wait3A = arith.constant 0 : i32
      %dma_wait3A_56 = tpu.memref_slice %arg3[%add3A_19, %dma_wait3A] : memref<40960x128xf32, #tpu.memory_space<hbm>> -> memref<128x128xf32, #tpu.memory_space<hbm>>
      %dma_wait3A_57 = arith.constant 0 : i32
      %dma_wait3A_58 = tpu.memref_slice %arg3[%add3A_19, %dma_wait3A_57] : memref<40960x128xf32, #tpu.memory_space<hbm>> -> memref<128x128xf32, #tpu.memory_space<hbm>>
      tpu.wait_dma2 semaphore(%run_scoped3A_52 : memref<!tpu.dma_semaphore, #tpu.memory_space<semaphore_mem>>) src(%dma_wait3A_58 : memref<128x128xf32, #tpu.memory_space<hbm>>) dst(%arg10 : memref<128x128xf32, #tpu.memory_space<vmem>>)
      tpu.yield
    }) : () -> ()
    %run_scoped3A_20 = arith.constant 3 : i32
    "tpu.region"() ({
      %run_scoped3A_52 = tpu.sem_alloc : memref<!tpu.dma_semaphore, #tpu.memory_space<semaphore_mem>>
      %dma_start3A = arith.constant 0 : i32
      %dma_start3A_53 = tpu.memref_slice %arg8[%run_scoped3A_20, %dma_start3A] : memref<10x128xi32, #tpu.memory_space<vmem>> -> memref<1x128xi32, #tpu.memory_space<vmem>>
      %dma_start3A_54 = tpu.memref_squeeze %dma_start3A_53 : memref<1x128xi32, #tpu.memory_space<vmem>> -> memref<128xi32, #tpu.memory_space<vmem>>
      %dma_start3A_55 = arith.constant 0 : i32
      %dma_start3A_56 = arith.constant 0 : i32
      %dma_start3A_57 = tpu.memref_slice %arg11[%dma_start3A_55, %dma_start3A_56] : memref<5888x128xf32, #tpu.memory_space<vmem_shared>> -> memref<5888x128xf32, #tpu.memory_space<vmem_shared>>
      tpu.enqueue_indirect_dma source(%arg9 : memref<128x128xf32, #tpu.memory_space<vmem>>) target(%dma_start3A_57 : memref<5888x128xf32, #tpu.memory_space<vmem_shared>>) offsets(%dma_start3A_54 : memref<128xi32, #tpu.memory_space<vmem>>) semaphore(%run_scoped3A_52 : memref<!tpu.dma_semaphore, #tpu.memory_space<semaphore_mem>>) {add = true}
      %dma_wait3A = arith.constant 0 : i32
      %dma_wait3A_58 = tpu.memref_slice %arg8[%run_scoped3A_20, %dma_wait3A] : memref<10x128xi32, #tpu.memory_space<vmem>> -> memref<1x128xi32, #tpu.memory_space<vmem>>
      %dma_wait3A_59 = tpu.memref_squeeze %dma_wait3A_58 : memref<1x128xi32, #tpu.memory_space<vmem>> -> memref<128xi32, #tpu.memory_space<vmem>>
      %dma_wait3A_60 = arith.constant 0 : i32
      %dma_wait3A_61 = arith.constant 0 : i32
      %dma_wait3A_62 = tpu.memref_slice %arg11[%dma_wait3A_60, %dma_wait3A_61] : memref<5888x128xf32, #tpu.memory_space<vmem_shared>> -> memref<5888x128xf32, #tpu.memory_space<vmem_shared>>
      tpu.wait_indirect_dma semaphore(%run_scoped3A_52 : memref<!tpu.dma_semaphore, #tpu.memory_space<semaphore_mem>>) src(%arg9 : memref<128x128xf32, #tpu.memory_space<vmem>>) dst(%dma_wait3A_62 : memref<5888x128xf32, #tpu.memory_space<vmem_shared>>)
      tpu.yield
    }) : () -> ()
    %run_scoped3A_21 = arith.constant 3 : i32
    "tpu.region"() ({
      %run_scoped3A_52 = tpu.sem_alloc : memref<!tpu.dma_semaphore, #tpu.memory_space<semaphore_mem>>
      %dma_start3A = arith.constant 0 : i32
      %dma_start3A_53 = tpu.memref_slice %arg8[%run_scoped3A_21, %dma_start3A] : memref<10x128xi32, #tpu.memory_space<vmem>> -> memref<1x128xi32, #tpu.memory_space<vmem>>
      %dma_start3A_54 = tpu.memref_squeeze %dma_start3A_53 : memref<1x128xi32, #tpu.memory_space<vmem>> -> memref<128xi32, #tpu.memory_space<vmem>>
      %dma_start3A_55 = arith.constant 0 : i32
      %dma_start3A_56 = arith.constant 0 : i32
      %dma_start3A_57 = tpu.memref_slice %arg12[%dma_start3A_55, %dma_start3A_56] : memref<5888x128xf32, #tpu.memory_space<vmem_shared>> -> memref<5888x128xf32, #tpu.memory_space<vmem_shared>>
      tpu.enqueue_indirect_dma source(%arg10 : memref<128x128xf32, #tpu.memory_space<vmem>>) target(%dma_start3A_57 : memref<5888x128xf32, #tpu.memory_space<vmem_shared>>) offsets(%dma_start3A_54 : memref<128xi32, #tpu.memory_space<vmem>>) semaphore(%run_scoped3A_52 : memref<!tpu.dma_semaphore, #tpu.memory_space<semaphore_mem>>) {add = true}
      %dma_wait3A = arith.constant 0 : i32
      %dma_wait3A_58 = tpu.memref_slice %arg8[%run_scoped3A_21, %dma_wait3A] : memref<10x128xi32, #tpu.memory_space<vmem>> -> memref<1x128xi32, #tpu.memory_space<vmem>>
      %dma_wait3A_59 = tpu.memref_squeeze %dma_wait3A_58 : memref<1x128xi32, #tpu.memory_space<vmem>> -> memref<128xi32, #tpu.memory_space<vmem>>
      %dma_wait3A_60 = arith.constant 0 : i32
      %dma_wait3A_61 = arith.constant 0 : i32
      %dma_wait3A_62 = tpu.memref_slice %arg12[%dma_wait3A_60, %dma_wait3A_61] : memref<5888x128xf32, #tpu.memory_space<vmem_shared>> -> memref<5888x128xf32, #tpu.memory_space<vmem_shared>>
      tpu.wait_indirect_dma semaphore(%run_scoped3A_52 : memref<!tpu.dma_semaphore, #tpu.memory_space<semaphore_mem>>) src(%arg10 : memref<128x128xf32, #tpu.memory_space<vmem>>) dst(%dma_wait3A_62 : memref<5888x128xf32, #tpu.memory_space<vmem_shared>>)
      tpu.yield
    }) : () -> ()
    %add3A_22 = arith.constant 512 : i32
    %add3A_23 = arith.addi %mul3A_6, %add3A_22 : i32
    "tpu.region"() ({
      %run_scoped3A_52 = tpu.sem_alloc : memref<!tpu.dma_semaphore, #tpu.memory_space<semaphore_mem>>
      %dma_start3A = arith.constant 0 : i32
      %dma_start3A_53 = tpu.memref_slice %arg2[%add3A_23, %dma_start3A] : memref<40960x128xf32, #tpu.memory_space<hbm>> -> memref<128x128xf32, #tpu.memory_space<hbm>>
      %dma_start3A_54 = arith.constant 0 : i32
      %dma_start3A_55 = tpu.memref_slice %arg2[%add3A_23, %dma_start3A_54] : memref<40960x128xf32, #tpu.memory_space<hbm>> -> memref<128x128xf32, #tpu.memory_space<hbm>>
      tpu.enqueue_dma source(%dma_start3A_55 : memref<128x128xf32, #tpu.memory_space<hbm>>) target(%arg9 : memref<128x128xf32, #tpu.memory_space<vmem>>) target_semaphore(%run_scoped3A_52 : memref<!tpu.dma_semaphore, #tpu.memory_space<semaphore_mem>>)
      %dma_wait3A = arith.constant 0 : i32
      %dma_wait3A_56 = tpu.memref_slice %arg2[%add3A_23, %dma_wait3A] : memref<40960x128xf32, #tpu.memory_space<hbm>> -> memref<128x128xf32, #tpu.memory_space<hbm>>
      %dma_wait3A_57 = arith.constant 0 : i32
      %dma_wait3A_58 = tpu.memref_slice %arg2[%add3A_23, %dma_wait3A_57] : memref<40960x128xf32, #tpu.memory_space<hbm>> -> memref<128x128xf32, #tpu.memory_space<hbm>>
      tpu.wait_dma2 semaphore(%run_scoped3A_52 : memref<!tpu.dma_semaphore, #tpu.memory_space<semaphore_mem>>) src(%dma_wait3A_58 : memref<128x128xf32, #tpu.memory_space<hbm>>) dst(%arg9 : memref<128x128xf32, #tpu.memory_space<vmem>>)
      tpu.yield
    }) : () -> ()
    "tpu.region"() ({
      %run_scoped3A_52 = tpu.sem_alloc : memref<!tpu.dma_semaphore, #tpu.memory_space<semaphore_mem>>
      %dma_start3A = arith.constant 0 : i32
      %dma_start3A_53 = tpu.memref_slice %arg3[%add3A_23, %dma_start3A] : memref<40960x128xf32, #tpu.memory_space<hbm>> -> memref<128x128xf32, #tpu.memory_space<hbm>>
      %dma_start3A_54 = arith.constant 0 : i32
      %dma_start3A_55 = tpu.memref_slice %arg3[%add3A_23, %dma_start3A_54] : memref<40960x128xf32, #tpu.memory_space<hbm>> -> memref<128x128xf32, #tpu.memory_space<hbm>>
      tpu.enqueue_dma source(%dma_start3A_55 : memref<128x128xf32, #tpu.memory_space<hbm>>) target(%arg10 : memref<128x128xf32, #tpu.memory_space<vmem>>) target_semaphore(%run_scoped3A_52 : memref<!tpu.dma_semaphore, #tpu.memory_space<semaphore_mem>>)
      %dma_wait3A = arith.constant 0 : i32
      %dma_wait3A_56 = tpu.memref_slice %arg3[%add3A_23, %dma_wait3A] : memref<40960x128xf32, #tpu.memory_space<hbm>> -> memref<128x128xf32, #tpu.memory_space<hbm>>
      %dma_wait3A_57 = arith.constant 0 : i32
      %dma_wait3A_58 = tpu.memref_slice %arg3[%add3A_23, %dma_wait3A_57] : memref<40960x128xf32, #tpu.memory_space<hbm>> -> memref<128x128xf32, #tpu.memory_space<hbm>>
      tpu.wait_dma2 semaphore(%run_scoped3A_52 : memref<!tpu.dma_semaphore, #tpu.memory_space<semaphore_mem>>) src(%dma_wait3A_58 : memref<128x128xf32, #tpu.memory_space<hbm>>) dst(%arg10 : memref<128x128xf32, #tpu.memory_space<vmem>>)
      tpu.yield
    }) : () -> ()
    %run_scoped3A_24 = arith.constant 4 : i32
    "tpu.region"() ({
      %run_scoped3A_52 = tpu.sem_alloc : memref<!tpu.dma_semaphore, #tpu.memory_space<semaphore_mem>>
      %dma_start3A = arith.constant 0 : i32
      %dma_start3A_53 = tpu.memref_slice %arg8[%run_scoped3A_24, %dma_start3A] : memref<10x128xi32, #tpu.memory_space<vmem>> -> memref<1x128xi32, #tpu.memory_space<vmem>>
      %dma_start3A_54 = tpu.memref_squeeze %dma_start3A_53 : memref<1x128xi32, #tpu.memory_space<vmem>> -> memref<128xi32, #tpu.memory_space<vmem>>
      %dma_start3A_55 = arith.constant 0 : i32
      %dma_start3A_56 = arith.constant 0 : i32
      %dma_start3A_57 = tpu.memref_slice %arg11[%dma_start3A_55, %dma_start3A_56] : memref<5888x128xf32, #tpu.memory_space<vmem_shared>> -> memref<5888x128xf32, #tpu.memory_space<vmem_shared>>
      tpu.enqueue_indirect_dma source(%arg9 : memref<128x128xf32, #tpu.memory_space<vmem>>) target(%dma_start3A_57 : memref<5888x128xf32, #tpu.memory_space<vmem_shared>>) offsets(%dma_start3A_54 : memref<128xi32, #tpu.memory_space<vmem>>) semaphore(%run_scoped3A_52 : memref<!tpu.dma_semaphore, #tpu.memory_space<semaphore_mem>>) {add = true}
      %dma_wait3A = arith.constant 0 : i32
      %dma_wait3A_58 = tpu.memref_slice %arg8[%run_scoped3A_24, %dma_wait3A] : memref<10x128xi32, #tpu.memory_space<vmem>> -> memref<1x128xi32, #tpu.memory_space<vmem>>
      %dma_wait3A_59 = tpu.memref_squeeze %dma_wait3A_58 : memref<1x128xi32, #tpu.memory_space<vmem>> -> memref<128xi32, #tpu.memory_space<vmem>>
      %dma_wait3A_60 = arith.constant 0 : i32
      %dma_wait3A_61 = arith.constant 0 : i32
      %dma_wait3A_62 = tpu.memref_slice %arg11[%dma_wait3A_60, %dma_wait3A_61] : memref<5888x128xf32, #tpu.memory_space<vmem_shared>> -> memref<5888x128xf32, #tpu.memory_space<vmem_shared>>
      tpu.wait_indirect_dma semaphore(%run_scoped3A_52 : memref<!tpu.dma_semaphore, #tpu.memory_space<semaphore_mem>>) src(%arg9 : memref<128x128xf32, #tpu.memory_space<vmem>>) dst(%dma_wait3A_62 : memref<5888x128xf32, #tpu.memory_space<vmem_shared>>)
      tpu.yield
    }) : () -> ()
    %run_scoped3A_25 = arith.constant 4 : i32
    "tpu.region"() ({
      %run_scoped3A_52 = tpu.sem_alloc : memref<!tpu.dma_semaphore, #tpu.memory_space<semaphore_mem>>
      %dma_start3A = arith.constant 0 : i32
      %dma_start3A_53 = tpu.memref_slice %arg8[%run_scoped3A_25, %dma_start3A] : memref<10x128xi32, #tpu.memory_space<vmem>> -> memref<1x128xi32, #tpu.memory_space<vmem>>
      %dma_start3A_54 = tpu.memref_squeeze %dma_start3A_53 : memref<1x128xi32, #tpu.memory_space<vmem>> -> memref<128xi32, #tpu.memory_space<vmem>>
      %dma_start3A_55 = arith.constant 0 : i32
      %dma_start3A_56 = arith.constant 0 : i32
      %dma_start3A_57 = tpu.memref_slice %arg12[%dma_start3A_55, %dma_start3A_56] : memref<5888x128xf32, #tpu.memory_space<vmem_shared>> -> memref<5888x128xf32, #tpu.memory_space<vmem_shared>>
      tpu.enqueue_indirect_dma source(%arg10 : memref<128x128xf32, #tpu.memory_space<vmem>>) target(%dma_start3A_57 : memref<5888x128xf32, #tpu.memory_space<vmem_shared>>) offsets(%dma_start3A_54 : memref<128xi32, #tpu.memory_space<vmem>>) semaphore(%run_scoped3A_52 : memref<!tpu.dma_semaphore, #tpu.memory_space<semaphore_mem>>) {add = true}
      %dma_wait3A = arith.constant 0 : i32
      %dma_wait3A_58 = tpu.memref_slice %arg8[%run_scoped3A_25, %dma_wait3A] : memref<10x128xi32, #tpu.memory_space<vmem>> -> memref<1x128xi32, #tpu.memory_space<vmem>>
      %dma_wait3A_59 = tpu.memref_squeeze %dma_wait3A_58 : memref<1x128xi32, #tpu.memory_space<vmem>> -> memref<128xi32, #tpu.memory_space<vmem>>
      %dma_wait3A_60 = arith.constant 0 : i32
      %dma_wait3A_61 = arith.constant 0 : i32
      %dma_wait3A_62 = tpu.memref_slice %arg12[%dma_wait3A_60, %dma_wait3A_61] : memref<5888x128xf32, #tpu.memory_space<vmem_shared>> -> memref<5888x128xf32, #tpu.memory_space<vmem_shared>>
      tpu.wait_indirect_dma semaphore(%run_scoped3A_52 : memref<!tpu.dma_semaphore, #tpu.memory_space<semaphore_mem>>) src(%arg10 : memref<128x128xf32, #tpu.memory_space<vmem>>) dst(%dma_wait3A_62 : memref<5888x128xf32, #tpu.memory_space<vmem_shared>>)
      tpu.yield
    }) : () -> ()
    %add3A_26 = arith.constant 640 : i32
    %add3A_27 = arith.addi %mul3A_6, %add3A_26 : i32
    "tpu.region"() ({
      %run_scoped3A_52 = tpu.sem_alloc : memref<!tpu.dma_semaphore, #tpu.memory_space<semaphore_mem>>
      %dma_start3A = arith.constant 0 : i32
      %dma_start3A_53 = tpu.memref_slice %arg2[%add3A_27, %dma_start3A] : memref<40960x128xf32, #tpu.memory_space<hbm>> -> memref<128x128xf32, #tpu.memory_space<hbm>>
      %dma_start3A_54 = arith.constant 0 : i32
      %dma_start3A_55 = tpu.memref_slice %arg2[%add3A_27, %dma_start3A_54] : memref<40960x128xf32, #tpu.memory_space<hbm>> -> memref<128x128xf32, #tpu.memory_space<hbm>>
      tpu.enqueue_dma source(%dma_start3A_55 : memref<128x128xf32, #tpu.memory_space<hbm>>) target(%arg9 : memref<128x128xf32, #tpu.memory_space<vmem>>) target_semaphore(%run_scoped3A_52 : memref<!tpu.dma_semaphore, #tpu.memory_space<semaphore_mem>>)
      %dma_wait3A = arith.constant 0 : i32
      %dma_wait3A_56 = tpu.memref_slice %arg2[%add3A_27, %dma_wait3A] : memref<40960x128xf32, #tpu.memory_space<hbm>> -> memref<128x128xf32, #tpu.memory_space<hbm>>
      %dma_wait3A_57 = arith.constant 0 : i32
      %dma_wait3A_58 = tpu.memref_slice %arg2[%add3A_27, %dma_wait3A_57] : memref<40960x128xf32, #tpu.memory_space<hbm>> -> memref<128x128xf32, #tpu.memory_space<hbm>>
      tpu.wait_dma2 semaphore(%run_scoped3A_52 : memref<!tpu.dma_semaphore, #tpu.memory_space<semaphore_mem>>) src(%dma_wait3A_58 : memref<128x128xf32, #tpu.memory_space<hbm>>) dst(%arg9 : memref<128x128xf32, #tpu.memory_space<vmem>>)
      tpu.yield
    }) : () -> ()
    "tpu.region"() ({
      %run_scoped3A_52 = tpu.sem_alloc : memref<!tpu.dma_semaphore, #tpu.memory_space<semaphore_mem>>
      %dma_start3A = arith.constant 0 : i32
      %dma_start3A_53 = tpu.memref_slice %arg3[%add3A_27, %dma_start3A] : memref<40960x128xf32, #tpu.memory_space<hbm>> -> memref<128x128xf32, #tpu.memory_space<hbm>>
      %dma_start3A_54 = arith.constant 0 : i32
      %dma_start3A_55 = tpu.memref_slice %arg3[%add3A_27, %dma_start3A_54] : memref<40960x128xf32, #tpu.memory_space<hbm>> -> memref<128x128xf32, #tpu.memory_space<hbm>>
      tpu.enqueue_dma source(%dma_start3A_55 : memref<128x128xf32, #tpu.memory_space<hbm>>) target(%arg10 : memref<128x128xf32, #tpu.memory_space<vmem>>) target_semaphore(%run_scoped3A_52 : memref<!tpu.dma_semaphore, #tpu.memory_space<semaphore_mem>>)
      %dma_wait3A = arith.constant 0 : i32
      %dma_wait3A_56 = tpu.memref_slice %arg3[%add3A_27, %dma_wait3A] : memref<40960x128xf32, #tpu.memory_space<hbm>> -> memref<128x128xf32, #tpu.memory_space<hbm>>
      %dma_wait3A_57 = arith.constant 0 : i32
      %dma_wait3A_58 = tpu.memref_slice %arg3[%add3A_27, %dma_wait3A_57] : memref<40960x128xf32, #tpu.memory_space<hbm>> -> memref<128x128xf32, #tpu.memory_space<hbm>>
      tpu.wait_dma2 semaphore(%run_scoped3A_52 : memref<!tpu.dma_semaphore, #tpu.memory_space<semaphore_mem>>) src(%dma_wait3A_58 : memref<128x128xf32, #tpu.memory_space<hbm>>) dst(%arg10 : memref<128x128xf32, #tpu.memory_space<vmem>>)
      tpu.yield
    }) : () -> ()
    %run_scoped3A_28 = arith.constant 5 : i32
    "tpu.region"() ({
      %run_scoped3A_52 = tpu.sem_alloc : memref<!tpu.dma_semaphore, #tpu.memory_space<semaphore_mem>>
      %dma_start3A = arith.constant 0 : i32
      %dma_start3A_53 = tpu.memref_slice %arg8[%run_scoped3A_28, %dma_start3A] : memref<10x128xi32, #tpu.memory_space<vmem>> -> memref<1x128xi32, #tpu.memory_space<vmem>>
      %dma_start3A_54 = tpu.memref_squeeze %dma_start3A_53 : memref<1x128xi32, #tpu.memory_space<vmem>> -> memref<128xi32, #tpu.memory_space<vmem>>
      %dma_start3A_55 = arith.constant 0 : i32
      %dma_start3A_56 = arith.constant 0 : i32
      %dma_start3A_57 = tpu.memref_slice %arg11[%dma_start3A_55, %dma_start3A_56] : memref<5888x128xf32, #tpu.memory_space<vmem_shared>> -> memref<5888x128xf32, #tpu.memory_space<vmem_shared>>
      tpu.enqueue_indirect_dma source(%arg9 : memref<128x128xf32, #tpu.memory_space<vmem>>) target(%dma_start3A_57 : memref<5888x128xf32, #tpu.memory_space<vmem_shared>>) offsets(%dma_start3A_54 : memref<128xi32, #tpu.memory_space<vmem>>) semaphore(%run_scoped3A_52 : memref<!tpu.dma_semaphore, #tpu.memory_space<semaphore_mem>>) {add = true}
      %dma_wait3A = arith.constant 0 : i32
      %dma_wait3A_58 = tpu.memref_slice %arg8[%run_scoped3A_28, %dma_wait3A] : memref<10x128xi32, #tpu.memory_space<vmem>> -> memref<1x128xi32, #tpu.memory_space<vmem>>
      %dma_wait3A_59 = tpu.memref_squeeze %dma_wait3A_58 : memref<1x128xi32, #tpu.memory_space<vmem>> -> memref<128xi32, #tpu.memory_space<vmem>>
      %dma_wait3A_60 = arith.constant 0 : i32
      %dma_wait3A_61 = arith.constant 0 : i32
      %dma_wait3A_62 = tpu.memref_slice %arg11[%dma_wait3A_60, %dma_wait3A_61] : memref<5888x128xf32, #tpu.memory_space<vmem_shared>> -> memref<5888x128xf32, #tpu.memory_space<vmem_shared>>
      tpu.wait_indirect_dma semaphore(%run_scoped3A_52 : memref<!tpu.dma_semaphore, #tpu.memory_space<semaphore_mem>>) src(%arg9 : memref<128x128xf32, #tpu.memory_space<vmem>>) dst(%dma_wait3A_62 : memref<5888x128xf32, #tpu.memory_space<vmem_shared>>)
      tpu.yield
    }) : () -> ()
    %run_scoped3A_29 = arith.constant 5 : i32
    "tpu.region"() ({
      %run_scoped3A_52 = tpu.sem_alloc : memref<!tpu.dma_semaphore, #tpu.memory_space<semaphore_mem>>
      %dma_start3A = arith.constant 0 : i32
      %dma_start3A_53 = tpu.memref_slice %arg8[%run_scoped3A_29, %dma_start3A] : memref<10x128xi32, #tpu.memory_space<vmem>> -> memref<1x128xi32, #tpu.memory_space<vmem>>
      %dma_start3A_54 = tpu.memref_squeeze %dma_start3A_53 : memref<1x128xi32, #tpu.memory_space<vmem>> -> memref<128xi32, #tpu.memory_space<vmem>>
      %dma_start3A_55 = arith.constant 0 : i32
      %dma_start3A_56 = arith.constant 0 : i32
      %dma_start3A_57 = tpu.memref_slice %arg12[%dma_start3A_55, %dma_start3A_56] : memref<5888x128xf32, #tpu.memory_space<vmem_shared>> -> memref<5888x128xf32, #tpu.memory_space<vmem_shared>>
      tpu.enqueue_indirect_dma source(%arg10 : memref<128x128xf32, #tpu.memory_space<vmem>>) target(%dma_start3A_57 : memref<5888x128xf32, #tpu.memory_space<vmem_shared>>) offsets(%dma_start3A_54 : memref<128xi32, #tpu.memory_space<vmem>>) semaphore(%run_scoped3A_52 : memref<!tpu.dma_semaphore, #tpu.memory_space<semaphore_mem>>) {add = true}
      %dma_wait3A = arith.constant 0 : i32
      %dma_wait3A_58 = tpu.memref_slice %arg8[%run_scoped3A_29, %dma_wait3A] : memref<10x128xi32, #tpu.memory_space<vmem>> -> memref<1x128xi32, #tpu.memory_space<vmem>>
      %dma_wait3A_59 = tpu.memref_squeeze %dma_wait3A_58 : memref<1x128xi32, #tpu.memory_space<vmem>> -> memref<128xi32, #tpu.memory_space<vmem>>
      %dma_wait3A_60 = arith.constant 0 : i32
      %dma_wait3A_61 = arith.constant 0 : i32
      %dma_wait3A_62 = tpu.memref_slice %arg12[%dma_wait3A_60, %dma_wait3A_61] : memref<5888x128xf32, #tpu.memory_space<vmem_shared>> -> memref<5888x128xf32, #tpu.memory_space<vmem_shared>>
      tpu.wait_indirect_dma semaphore(%run_scoped3A_52 : memref<!tpu.dma_semaphore, #tpu.memory_space<semaphore_mem>>) src(%arg10 : memref<128x128xf32, #tpu.memory_space<vmem>>) dst(%dma_wait3A_62 : memref<5888x128xf32, #tpu.memory_space<vmem_shared>>)
      tpu.yield
    }) : () -> ()
    %add3A_30 = arith.constant 768 : i32
    %add3A_31 = arith.addi %mul3A_6, %add3A_30 : i32
    "tpu.region"() ({
      %run_scoped3A_52 = tpu.sem_alloc : memref<!tpu.dma_semaphore, #tpu.memory_space<semaphore_mem>>
      %dma_start3A = arith.constant 0 : i32
      %dma_start3A_53 = tpu.memref_slice %arg2[%add3A_31, %dma_start3A] : memref<40960x128xf32, #tpu.memory_space<hbm>> -> memref<128x128xf32, #tpu.memory_space<hbm>>
      %dma_start3A_54 = arith.constant 0 : i32
      %dma_start3A_55 = tpu.memref_slice %arg2[%add3A_31, %dma_start3A_54] : memref<40960x128xf32, #tpu.memory_space<hbm>> -> memref<128x128xf32, #tpu.memory_space<hbm>>
      tpu.enqueue_dma source(%dma_start3A_55 : memref<128x128xf32, #tpu.memory_space<hbm>>) target(%arg9 : memref<128x128xf32, #tpu.memory_space<vmem>>) target_semaphore(%run_scoped3A_52 : memref<!tpu.dma_semaphore, #tpu.memory_space<semaphore_mem>>)
      %dma_wait3A = arith.constant 0 : i32
      %dma_wait3A_56 = tpu.memref_slice %arg2[%add3A_31, %dma_wait3A] : memref<40960x128xf32, #tpu.memory_space<hbm>> -> memref<128x128xf32, #tpu.memory_space<hbm>>
      %dma_wait3A_57 = arith.constant 0 : i32
      %dma_wait3A_58 = tpu.memref_slice %arg2[%add3A_31, %dma_wait3A_57] : memref<40960x128xf32, #tpu.memory_space<hbm>> -> memref<128x128xf32, #tpu.memory_space<hbm>>
      tpu.wait_dma2 semaphore(%run_scoped3A_52 : memref<!tpu.dma_semaphore, #tpu.memory_space<semaphore_mem>>) src(%dma_wait3A_58 : memref<128x128xf32, #tpu.memory_space<hbm>>) dst(%arg9 : memref<128x128xf32, #tpu.memory_space<vmem>>)
      tpu.yield
    }) : () -> ()
    "tpu.region"() ({
      %run_scoped3A_52 = tpu.sem_alloc : memref<!tpu.dma_semaphore, #tpu.memory_space<semaphore_mem>>
      %dma_start3A = arith.constant 0 : i32
      %dma_start3A_53 = tpu.memref_slice %arg3[%add3A_31, %dma_start3A] : memref<40960x128xf32, #tpu.memory_space<hbm>> -> memref<128x128xf32, #tpu.memory_space<hbm>>
      %dma_start3A_54 = arith.constant 0 : i32
      %dma_start3A_55 = tpu.memref_slice %arg3[%add3A_31, %dma_start3A_54] : memref<40960x128xf32, #tpu.memory_space<hbm>> -> memref<128x128xf32, #tpu.memory_space<hbm>>
      tpu.enqueue_dma source(%dma_start3A_55 : memref<128x128xf32, #tpu.memory_space<hbm>>) target(%arg10 : memref<128x128xf32, #tpu.memory_space<vmem>>) target_semaphore(%run_scoped3A_52 : memref<!tpu.dma_semaphore, #tpu.memory_space<semaphore_mem>>)
      %dma_wait3A = arith.constant 0 : i32
      %dma_wait3A_56 = tpu.memref_slice %arg3[%add3A_31, %dma_wait3A] : memref<40960x128xf32, #tpu.memory_space<hbm>> -> memref<128x128xf32, #tpu.memory_space<hbm>>
      %dma_wait3A_57 = arith.constant 0 : i32
      %dma_wait3A_58 = tpu.memref_slice %arg3[%add3A_31, %dma_wait3A_57] : memref<40960x128xf32, #tpu.memory_space<hbm>> -> memref<128x128xf32, #tpu.memory_space<hbm>>
      tpu.wait_dma2 semaphore(%run_scoped3A_52 : memref<!tpu.dma_semaphore, #tpu.memory_space<semaphore_mem>>) src(%dma_wait3A_58 : memref<128x128xf32, #tpu.memory_space<hbm>>) dst(%arg10 : memref<128x128xf32, #tpu.memory_space<vmem>>)
      tpu.yield
    }) : () -> ()
    %run_scoped3A_32 = arith.constant 6 : i32
    "tpu.region"() ({
      %run_scoped3A_52 = tpu.sem_alloc : memref<!tpu.dma_semaphore, #tpu.memory_space<semaphore_mem>>
      %dma_start3A = arith.constant 0 : i32
      %dma_start3A_53 = tpu.memref_slice %arg8[%run_scoped3A_32, %dma_start3A] : memref<10x128xi32, #tpu.memory_space<vmem>> -> memref<1x128xi32, #tpu.memory_space<vmem>>
      %dma_start3A_54 = tpu.memref_squeeze %dma_start3A_53 : memref<1x128xi32, #tpu.memory_space<vmem>> -> memref<128xi32, #tpu.memory_space<vmem>>
      %dma_start3A_55 = arith.constant 0 : i32
      %dma_start3A_56 = arith.constant 0 : i32
      %dma_start3A_57 = tpu.memref_slice %arg11[%dma_start3A_55, %dma_start3A_56] : memref<5888x128xf32, #tpu.memory_space<vmem_shared>> -> memref<5888x128xf32, #tpu.memory_space<vmem_shared>>
      tpu.enqueue_indirect_dma source(%arg9 : memref<128x128xf32, #tpu.memory_space<vmem>>) target(%dma_start3A_57 : memref<5888x128xf32, #tpu.memory_space<vmem_shared>>) offsets(%dma_start3A_54 : memref<128xi32, #tpu.memory_space<vmem>>) semaphore(%run_scoped3A_52 : memref<!tpu.dma_semaphore, #tpu.memory_space<semaphore_mem>>) {add = true}
      %dma_wait3A = arith.constant 0 : i32
      %dma_wait3A_58 = tpu.memref_slice %arg8[%run_scoped3A_32, %dma_wait3A] : memref<10x128xi32, #tpu.memory_space<vmem>> -> memref<1x128xi32, #tpu.memory_space<vmem>>
      %dma_wait3A_59 = tpu.memref_squeeze %dma_wait3A_58 : memref<1x128xi32, #tpu.memory_space<vmem>> -> memref<128xi32, #tpu.memory_space<vmem>>
      %dma_wait3A_60 = arith.constant 0 : i32
      %dma_wait3A_61 = arith.constant 0 : i32
      %dma_wait3A_62 = tpu.memref_slice %arg11[%dma_wait3A_60, %dma_wait3A_61] : memref<5888x128xf32, #tpu.memory_space<vmem_shared>> -> memref<5888x128xf32, #tpu.memory_space<vmem_shared>>
      tpu.wait_indirect_dma semaphore(%run_scoped3A_52 : memref<!tpu.dma_semaphore, #tpu.memory_space<semaphore_mem>>) src(%arg9 : memref<128x128xf32, #tpu.memory_space<vmem>>) dst(%dma_wait3A_62 : memref<5888x128xf32, #tpu.memory_space<vmem_shared>>)
      tpu.yield
    }) : () -> ()
    %run_scoped3A_33 = arith.constant 6 : i32
    "tpu.region"() ({
      %run_scoped3A_52 = tpu.sem_alloc : memref<!tpu.dma_semaphore, #tpu.memory_space<semaphore_mem>>
      %dma_start3A = arith.constant 0 : i32
      %dma_start3A_53 = tpu.memref_slice %arg8[%run_scoped3A_33, %dma_start3A] : memref<10x128xi32, #tpu.memory_space<vmem>> -> memref<1x128xi32, #tpu.memory_space<vmem>>
      %dma_start3A_54 = tpu.memref_squeeze %dma_start3A_53 : memref<1x128xi32, #tpu.memory_space<vmem>> -> memref<128xi32, #tpu.memory_space<vmem>>
      %dma_start3A_55 = arith.constant 0 : i32
      %dma_start3A_56 = arith.constant 0 : i32
      %dma_start3A_57 = tpu.memref_slice %arg12[%dma_start3A_55, %dma_start3A_56] : memref<5888x128xf32, #tpu.memory_space<vmem_shared>> -> memref<5888x128xf32, #tpu.memory_space<vmem_shared>>
      tpu.enqueue_indirect_dma source(%arg10 : memref<128x128xf32, #tpu.memory_space<vmem>>) target(%dma_start3A_57 : memref<5888x128xf32, #tpu.memory_space<vmem_shared>>) offsets(%dma_start3A_54 : memref<128xi32, #tpu.memory_space<vmem>>) semaphore(%run_scoped3A_52 : memref<!tpu.dma_semaphore, #tpu.memory_space<semaphore_mem>>) {add = true}
      %dma_wait3A = arith.constant 0 : i32
      %dma_wait3A_58 = tpu.memref_slice %arg8[%run_scoped3A_33, %dma_wait3A] : memref<10x128xi32, #tpu.memory_space<vmem>> -> memref<1x128xi32, #tpu.memory_space<vmem>>
      %dma_wait3A_59 = tpu.memref_squeeze %dma_wait3A_58 : memref<1x128xi32, #tpu.memory_space<vmem>> -> memref<128xi32, #tpu.memory_space<vmem>>
      %dma_wait3A_60 = arith.constant 0 : i32
      %dma_wait3A_61 = arith.constant 0 : i32
      %dma_wait3A_62 = tpu.memref_slice %arg12[%dma_wait3A_60, %dma_wait3A_61] : memref<5888x128xf32, #tpu.memory_space<vmem_shared>> -> memref<5888x128xf32, #tpu.memory_space<vmem_shared>>
      tpu.wait_indirect_dma semaphore(%run_scoped3A_52 : memref<!tpu.dma_semaphore, #tpu.memory_space<semaphore_mem>>) src(%arg10 : memref<128x128xf32, #tpu.memory_space<vmem>>) dst(%dma_wait3A_62 : memref<5888x128xf32, #tpu.memory_space<vmem_shared>>)
      tpu.yield
    }) : () -> ()
    %add3A_34 = arith.constant 896 : i32
    %add3A_35 = arith.addi %mul3A_6, %add3A_34 : i32
    "tpu.region"() ({
      %run_scoped3A_52 = tpu.sem_alloc : memref<!tpu.dma_semaphore, #tpu.memory_space<semaphore_mem>>
      %dma_start3A = arith.constant 0 : i32
      %dma_start3A_53 = tpu.memref_slice %arg2[%add3A_35, %dma_start3A] : memref<40960x128xf32, #tpu.memory_space<hbm>> -> memref<128x128xf32, #tpu.memory_space<hbm>>
      %dma_start3A_54 = arith.constant 0 : i32
      %dma_start3A_55 = tpu.memref_slice %arg2[%add3A_35, %dma_start3A_54] : memref<40960x128xf32, #tpu.memory_space<hbm>> -> memref<128x128xf32, #tpu.memory_space<hbm>>
      tpu.enqueue_dma source(%dma_start3A_55 : memref<128x128xf32, #tpu.memory_space<hbm>>) target(%arg9 : memref<128x128xf32, #tpu.memory_space<vmem>>) target_semaphore(%run_scoped3A_52 : memref<!tpu.dma_semaphore, #tpu.memory_space<semaphore_mem>>)
      %dma_wait3A = arith.constant 0 : i32
      %dma_wait3A_56 = tpu.memref_slice %arg2[%add3A_35, %dma_wait3A] : memref<40960x128xf32, #tpu.memory_space<hbm>> -> memref<128x128xf32, #tpu.memory_space<hbm>>
      %dma_wait3A_57 = arith.constant 0 : i32
      %dma_wait3A_58 = tpu.memref_slice %arg2[%add3A_35, %dma_wait3A_57] : memref<40960x128xf32, #tpu.memory_space<hbm>> -> memref<128x128xf32, #tpu.memory_space<hbm>>
      tpu.wait_dma2 semaphore(%run_scoped3A_52 : memref<!tpu.dma_semaphore, #tpu.memory_space<semaphore_mem>>) src(%dma_wait3A_58 : memref<128x128xf32, #tpu.memory_space<hbm>>) dst(%arg9 : memref<128x128xf32, #tpu.memory_space<vmem>>)
      tpu.yield
    }) : () -> ()
    "tpu.region"() ({
      %run_scoped3A_52 = tpu.sem_alloc : memref<!tpu.dma_semaphore, #tpu.memory_space<semaphore_mem>>
      %dma_start3A = arith.constant 0 : i32
      %dma_start3A_53 = tpu.memref_slice %arg3[%add3A_35, %dma_start3A] : memref<40960x128xf32, #tpu.memory_space<hbm>> -> memref<128x128xf32, #tpu.memory_space<hbm>>
      %dma_start3A_54 = arith.constant 0 : i32
      %dma_start3A_55 = tpu.memref_slice %arg3[%add3A_35, %dma_start3A_54] : memref<40960x128xf32, #tpu.memory_space<hbm>> -> memref<128x128xf32, #tpu.memory_space<hbm>>
      tpu.enqueue_dma source(%dma_start3A_55 : memref<128x128xf32, #tpu.memory_space<hbm>>) target(%arg10 : memref<128x128xf32, #tpu.memory_space<vmem>>) target_semaphore(%run_scoped3A_52 : memref<!tpu.dma_semaphore, #tpu.memory_space<semaphore_mem>>)
      %dma_wait3A = arith.constant 0 : i32
      %dma_wait3A_56 = tpu.memref_slice %arg3[%add3A_35, %dma_wait3A] : memref<40960x128xf32, #tpu.memory_space<hbm>> -> memref<128x128xf32, #tpu.memory_space<hbm>>
      %dma_wait3A_57 = arith.constant 0 : i32
      %dma_wait3A_58 = tpu.memref_slice %arg3[%add3A_35, %dma_wait3A_57] : memref<40960x128xf32, #tpu.memory_space<hbm>> -> memref<128x128xf32, #tpu.memory_space<hbm>>
      tpu.wait_dma2 semaphore(%run_scoped3A_52 : memref<!tpu.dma_semaphore, #tpu.memory_space<semaphore_mem>>) src(%dma_wait3A_58 : memref<128x128xf32, #tpu.memory_space<hbm>>) dst(%arg10 : memref<128x128xf32, #tpu.memory_space<vmem>>)
      tpu.yield
    }) : () -> ()
    %run_scoped3A_36 = arith.constant 7 : i32
    "tpu.region"() ({
      %run_scoped3A_52 = tpu.sem_alloc : memref<!tpu.dma_semaphore, #tpu.memory_space<semaphore_mem>>
      %dma_start3A = arith.constant 0 : i32
      %dma_start3A_53 = tpu.memref_slice %arg8[%run_scoped3A_36, %dma_start3A] : memref<10x128xi32, #tpu.memory_space<vmem>> -> memref<1x128xi32, #tpu.memory_space<vmem>>
      %dma_start3A_54 = tpu.memref_squeeze %dma_start3A_53 : memref<1x128xi32, #tpu.memory_space<vmem>> -> memref<128xi32, #tpu.memory_space<vmem>>
      %dma_start3A_55 = arith.constant 0 : i32
      %dma_start3A_56 = arith.constant 0 : i32
      %dma_start3A_57 = tpu.memref_slice %arg11[%dma_start3A_55, %dma_start3A_56] : memref<5888x128xf32, #tpu.memory_space<vmem_shared>> -> memref<5888x128xf32, #tpu.memory_space<vmem_shared>>
      tpu.enqueue_indirect_dma source(%arg9 : memref<128x128xf32, #tpu.memory_space<vmem>>) target(%dma_start3A_57 : memref<5888x128xf32, #tpu.memory_space<vmem_shared>>) offsets(%dma_start3A_54 : memref<128xi32, #tpu.memory_space<vmem>>) semaphore(%run_scoped3A_52 : memref<!tpu.dma_semaphore, #tpu.memory_space<semaphore_mem>>) {add = true}
      %dma_wait3A = arith.constant 0 : i32
      %dma_wait3A_58 = tpu.memref_slice %arg8[%run_scoped3A_36, %dma_wait3A] : memref<10x128xi32, #tpu.memory_space<vmem>> -> memref<1x128xi32, #tpu.memory_space<vmem>>
      %dma_wait3A_59 = tpu.memref_squeeze %dma_wait3A_58 : memref<1x128xi32, #tpu.memory_space<vmem>> -> memref<128xi32, #tpu.memory_space<vmem>>
      %dma_wait3A_60 = arith.constant 0 : i32
      %dma_wait3A_61 = arith.constant 0 : i32
      %dma_wait3A_62 = tpu.memref_slice %arg11[%dma_wait3A_60, %dma_wait3A_61] : memref<5888x128xf32, #tpu.memory_space<vmem_shared>> -> memref<5888x128xf32, #tpu.memory_space<vmem_shared>>
      tpu.wait_indirect_dma semaphore(%run_scoped3A_52 : memref<!tpu.dma_semaphore, #tpu.memory_space<semaphore_mem>>) src(%arg9 : memref<128x128xf32, #tpu.memory_space<vmem>>) dst(%dma_wait3A_62 : memref<5888x128xf32, #tpu.memory_space<vmem_shared>>)
      tpu.yield
    }) : () -> ()
    %run_scoped3A_37 = arith.constant 7 : i32
    "tpu.region"() ({
      %run_scoped3A_52 = tpu.sem_alloc : memref<!tpu.dma_semaphore, #tpu.memory_space<semaphore_mem>>
      %dma_start3A = arith.constant 0 : i32
      %dma_start3A_53 = tpu.memref_slice %arg8[%run_scoped3A_37, %dma_start3A] : memref<10x128xi32, #tpu.memory_space<vmem>> -> memref<1x128xi32, #tpu.memory_space<vmem>>
      %dma_start3A_54 = tpu.memref_squeeze %dma_start3A_53 : memref<1x128xi32, #tpu.memory_space<vmem>> -> memref<128xi32, #tpu.memory_space<vmem>>
      %dma_start3A_55 = arith.constant 0 : i32
      %dma_start3A_56 = arith.constant 0 : i32
      %dma_start3A_57 = tpu.memref_slice %arg12[%dma_start3A_55, %dma_start3A_56] : memref<5888x128xf32, #tpu.memory_space<vmem_shared>> -> memref<5888x128xf32, #tpu.memory_space<vmem_shared>>
      tpu.enqueue_indirect_dma source(%arg10 : memref<128x128xf32, #tpu.memory_space<vmem>>) target(%dma_start3A_57 : memref<5888x128xf32, #tpu.memory_space<vmem_shared>>) offsets(%dma_start3A_54 : memref<128xi32, #tpu.memory_space<vmem>>) semaphore(%run_scoped3A_52 : memref<!tpu.dma_semaphore, #tpu.memory_space<semaphore_mem>>) {add = true}
      %dma_wait3A = arith.constant 0 : i32
      %dma_wait3A_58 = tpu.memref_slice %arg8[%run_scoped3A_37, %dma_wait3A] : memref<10x128xi32, #tpu.memory_space<vmem>> -> memref<1x128xi32, #tpu.memory_space<vmem>>
      %dma_wait3A_59 = tpu.memref_squeeze %dma_wait3A_58 : memref<1x128xi32, #tpu.memory_space<vmem>> -> memref<128xi32, #tpu.memory_space<vmem>>
      %dma_wait3A_60 = arith.constant 0 : i32
      %dma_wait3A_61 = arith.constant 0 : i32
      %dma_wait3A_62 = tpu.memref_slice %arg12[%dma_wait3A_60, %dma_wait3A_61] : memref<5888x128xf32, #tpu.memory_space<vmem_shared>> -> memref<5888x128xf32, #tpu.memory_space<vmem_shared>>
      tpu.wait_indirect_dma semaphore(%run_scoped3A_52 : memref<!tpu.dma_semaphore, #tpu.memory_space<semaphore_mem>>) src(%arg10 : memref<128x128xf32, #tpu.memory_space<vmem>>) dst(%dma_wait3A_62 : memref<5888x128xf32, #tpu.memory_space<vmem_shared>>)
      tpu.yield
    }) : () -> ()
    %add3A_38 = arith.constant 1024 : i32
    %add3A_39 = arith.addi %mul3A_6, %add3A_38 : i32
    "tpu.region"() ({
      %run_scoped3A_52 = tpu.sem_alloc : memref<!tpu.dma_semaphore, #tpu.memory_space<semaphore_mem>>
      %dma_start3A = arith.constant 0 : i32
      %dma_start3A_53 = tpu.memref_slice %arg2[%add3A_39, %dma_start3A] : memref<40960x128xf32, #tpu.memory_space<hbm>> -> memref<128x128xf32, #tpu.memory_space<hbm>>
      %dma_start3A_54 = arith.constant 0 : i32
      %dma_start3A_55 = tpu.memref_slice %arg2[%add3A_39, %dma_start3A_54] : memref<40960x128xf32, #tpu.memory_space<hbm>> -> memref<128x128xf32, #tpu.memory_space<hbm>>
      tpu.enqueue_dma source(%dma_start3A_55 : memref<128x128xf32, #tpu.memory_space<hbm>>) target(%arg9 : memref<128x128xf32, #tpu.memory_space<vmem>>) target_semaphore(%run_scoped3A_52 : memref<!tpu.dma_semaphore, #tpu.memory_space<semaphore_mem>>)
      %dma_wait3A = arith.constant 0 : i32
      %dma_wait3A_56 = tpu.memref_slice %arg2[%add3A_39, %dma_wait3A] : memref<40960x128xf32, #tpu.memory_space<hbm>> -> memref<128x128xf32, #tpu.memory_space<hbm>>
      %dma_wait3A_57 = arith.constant 0 : i32
      %dma_wait3A_58 = tpu.memref_slice %arg2[%add3A_39, %dma_wait3A_57] : memref<40960x128xf32, #tpu.memory_space<hbm>> -> memref<128x128xf32, #tpu.memory_space<hbm>>
      tpu.wait_dma2 semaphore(%run_scoped3A_52 : memref<!tpu.dma_semaphore, #tpu.memory_space<semaphore_mem>>) src(%dma_wait3A_58 : memref<128x128xf32, #tpu.memory_space<hbm>>) dst(%arg9 : memref<128x128xf32, #tpu.memory_space<vmem>>)
      tpu.yield
    }) : () -> ()
    "tpu.region"() ({
      %run_scoped3A_52 = tpu.sem_alloc : memref<!tpu.dma_semaphore, #tpu.memory_space<semaphore_mem>>
      %dma_start3A = arith.constant 0 : i32
      %dma_start3A_53 = tpu.memref_slice %arg3[%add3A_39, %dma_start3A] : memref<40960x128xf32, #tpu.memory_space<hbm>> -> memref<128x128xf32, #tpu.memory_space<hbm>>
      %dma_start3A_54 = arith.constant 0 : i32
      %dma_start3A_55 = tpu.memref_slice %arg3[%add3A_39, %dma_start3A_54] : memref<40960x128xf32, #tpu.memory_space<hbm>> -> memref<128x128xf32, #tpu.memory_space<hbm>>
      tpu.enqueue_dma source(%dma_start3A_55 : memref<128x128xf32, #tpu.memory_space<hbm>>) target(%arg10 : memref<128x128xf32, #tpu.memory_space<vmem>>) target_semaphore(%run_scoped3A_52 : memref<!tpu.dma_semaphore, #tpu.memory_space<semaphore_mem>>)
      %dma_wait3A = arith.constant 0 : i32
      %dma_wait3A_56 = tpu.memref_slice %arg3[%add3A_39, %dma_wait3A] : memref<40960x128xf32, #tpu.memory_space<hbm>> -> memref<128x128xf32, #tpu.memory_space<hbm>>
      %dma_wait3A_57 = arith.constant 0 : i32
      %dma_wait3A_58 = tpu.memref_slice %arg3[%add3A_39, %dma_wait3A_57] : memref<40960x128xf32, #tpu.memory_space<hbm>> -> memref<128x128xf32, #tpu.memory_space<hbm>>
      tpu.wait_dma2 semaphore(%run_scoped3A_52 : memref<!tpu.dma_semaphore, #tpu.memory_space<semaphore_mem>>) src(%dma_wait3A_58 : memref<128x128xf32, #tpu.memory_space<hbm>>) dst(%arg10 : memref<128x128xf32, #tpu.memory_space<vmem>>)
      tpu.yield
    }) : () -> ()
    %run_scoped3A_40 = arith.constant 8 : i32
    "tpu.region"() ({
      %run_scoped3A_52 = tpu.sem_alloc : memref<!tpu.dma_semaphore, #tpu.memory_space<semaphore_mem>>
      %dma_start3A = arith.constant 0 : i32
      %dma_start3A_53 = tpu.memref_slice %arg8[%run_scoped3A_40, %dma_start3A] : memref<10x128xi32, #tpu.memory_space<vmem>> -> memref<1x128xi32, #tpu.memory_space<vmem>>
      %dma_start3A_54 = tpu.memref_squeeze %dma_start3A_53 : memref<1x128xi32, #tpu.memory_space<vmem>> -> memref<128xi32, #tpu.memory_space<vmem>>
      %dma_start3A_55 = arith.constant 0 : i32
      %dma_start3A_56 = arith.constant 0 : i32
      %dma_start3A_57 = tpu.memref_slice %arg11[%dma_start3A_55, %dma_start3A_56] : memref<5888x128xf32, #tpu.memory_space<vmem_shared>> -> memref<5888x128xf32, #tpu.memory_space<vmem_shared>>
      tpu.enqueue_indirect_dma source(%arg9 : memref<128x128xf32, #tpu.memory_space<vmem>>) target(%dma_start3A_57 : memref<5888x128xf32, #tpu.memory_space<vmem_shared>>) offsets(%dma_start3A_54 : memref<128xi32, #tpu.memory_space<vmem>>) semaphore(%run_scoped3A_52 : memref<!tpu.dma_semaphore, #tpu.memory_space<semaphore_mem>>) {add = true}
      %dma_wait3A = arith.constant 0 : i32
      %dma_wait3A_58 = tpu.memref_slice %arg8[%run_scoped3A_40, %dma_wait3A] : memref<10x128xi32, #tpu.memory_space<vmem>> -> memref<1x128xi32, #tpu.memory_space<vmem>>
      %dma_wait3A_59 = tpu.memref_squeeze %dma_wait3A_58 : memref<1x128xi32, #tpu.memory_space<vmem>> -> memref<128xi32, #tpu.memory_space<vmem>>
      %dma_wait3A_60 = arith.constant 0 : i32
      %dma_wait3A_61 = arith.constant 0 : i32
      %dma_wait3A_62 = tpu.memref_slice %arg11[%dma_wait3A_60, %dma_wait3A_61] : memref<5888x128xf32, #tpu.memory_space<vmem_shared>> -> memref<5888x128xf32, #tpu.memory_space<vmem_shared>>
      tpu.wait_indirect_dma semaphore(%run_scoped3A_52 : memref<!tpu.dma_semaphore, #tpu.memory_space<semaphore_mem>>) src(%arg9 : memref<128x128xf32, #tpu.memory_space<vmem>>) dst(%dma_wait3A_62 : memref<5888x128xf32, #tpu.memory_space<vmem_shared>>)
      tpu.yield
    }) : () -> ()
    %run_scoped3A_41 = arith.constant 8 : i32
    "tpu.region"() ({
      %run_scoped3A_52 = tpu.sem_alloc : memref<!tpu.dma_semaphore, #tpu.memory_space<semaphore_mem>>
      %dma_start3A = arith.constant 0 : i32
      %dma_start3A_53 = tpu.memref_slice %arg8[%run_scoped3A_41, %dma_start3A] : memref<10x128xi32, #tpu.memory_space<vmem>> -> memref<1x128xi32, #tpu.memory_space<vmem>>
      %dma_start3A_54 = tpu.memref_squeeze %dma_start3A_53 : memref<1x128xi32, #tpu.memory_space<vmem>> -> memref<128xi32, #tpu.memory_space<vmem>>
      %dma_start3A_55 = arith.constant 0 : i32
      %dma_start3A_56 = arith.constant 0 : i32
      %dma_start3A_57 = tpu.memref_slice %arg12[%dma_start3A_55, %dma_start3A_56] : memref<5888x128xf32, #tpu.memory_space<vmem_shared>> -> memref<5888x128xf32, #tpu.memory_space<vmem_shared>>
      tpu.enqueue_indirect_dma source(%arg10 : memref<128x128xf32, #tpu.memory_space<vmem>>) target(%dma_start3A_57 : memref<5888x128xf32, #tpu.memory_space<vmem_shared>>) offsets(%dma_start3A_54 : memref<128xi32, #tpu.memory_space<vmem>>) semaphore(%run_scoped3A_52 : memref<!tpu.dma_semaphore, #tpu.memory_space<semaphore_mem>>) {add = true}
      %dma_wait3A = arith.constant 0 : i32
      %dma_wait3A_58 = tpu.memref_slice %arg8[%run_scoped3A_41, %dma_wait3A] : memref<10x128xi32, #tpu.memory_space<vmem>> -> memref<1x128xi32, #tpu.memory_space<vmem>>
      %dma_wait3A_59 = tpu.memref_squeeze %dma_wait3A_58 : memref<1x128xi32, #tpu.memory_space<vmem>> -> memref<128xi32, #tpu.memory_space<vmem>>
      %dma_wait3A_60 = arith.constant 0 : i32
      %dma_wait3A_61 = arith.constant 0 : i32
      %dma_wait3A_62 = tpu.memref_slice %arg12[%dma_wait3A_60, %dma_wait3A_61] : memref<5888x128xf32, #tpu.memory_space<vmem_shared>> -> memref<5888x128xf32, #tpu.memory_space<vmem_shared>>
      tpu.wait_indirect_dma semaphore(%run_scoped3A_52 : memref<!tpu.dma_semaphore, #tpu.memory_space<semaphore_mem>>) src(%arg10 : memref<128x128xf32, #tpu.memory_space<vmem>>) dst(%dma_wait3A_62 : memref<5888x128xf32, #tpu.memory_space<vmem_shared>>)
      tpu.yield
    }) : () -> ()
    %add3A_42 = arith.constant 1152 : i32
    %add3A_43 = arith.addi %mul3A_6, %add3A_42 : i32
    "tpu.region"() ({
      %run_scoped3A_52 = tpu.sem_alloc : memref<!tpu.dma_semaphore, #tpu.memory_space<semaphore_mem>>
      %dma_start3A = arith.constant 0 : i32
      %dma_start3A_53 = tpu.memref_slice %arg2[%add3A_43, %dma_start3A] : memref<40960x128xf32, #tpu.memory_space<hbm>> -> memref<128x128xf32, #tpu.memory_space<hbm>>
      %dma_start3A_54 = arith.constant 0 : i32
      %dma_start3A_55 = tpu.memref_slice %arg2[%add3A_43, %dma_start3A_54] : memref<40960x128xf32, #tpu.memory_space<hbm>> -> memref<128x128xf32, #tpu.memory_space<hbm>>
      tpu.enqueue_dma source(%dma_start3A_55 : memref<128x128xf32, #tpu.memory_space<hbm>>) target(%arg9 : memref<128x128xf32, #tpu.memory_space<vmem>>) target_semaphore(%run_scoped3A_52 : memref<!tpu.dma_semaphore, #tpu.memory_space<semaphore_mem>>)
      %dma_wait3A = arith.constant 0 : i32
      %dma_wait3A_56 = tpu.memref_slice %arg2[%add3A_43, %dma_wait3A] : memref<40960x128xf32, #tpu.memory_space<hbm>> -> memref<128x128xf32, #tpu.memory_space<hbm>>
      %dma_wait3A_57 = arith.constant 0 : i32
      %dma_wait3A_58 = tpu.memref_slice %arg2[%add3A_43, %dma_wait3A_57] : memref<40960x128xf32, #tpu.memory_space<hbm>> -> memref<128x128xf32, #tpu.memory_space<hbm>>
      tpu.wait_dma2 semaphore(%run_scoped3A_52 : memref<!tpu.dma_semaphore, #tpu.memory_space<semaphore_mem>>) src(%dma_wait3A_58 : memref<128x128xf32, #tpu.memory_space<hbm>>) dst(%arg9 : memref<128x128xf32, #tpu.memory_space<vmem>>)
      tpu.yield
    }) : () -> ()
    "tpu.region"() ({
      %run_scoped3A_52 = tpu.sem_alloc : memref<!tpu.dma_semaphore, #tpu.memory_space<semaphore_mem>>
      %dma_start3A = arith.constant 0 : i32
      %dma_start3A_53 = tpu.memref_slice %arg3[%add3A_43, %dma_start3A] : memref<40960x128xf32, #tpu.memory_space<hbm>> -> memref<128x128xf32, #tpu.memory_space<hbm>>
      %dma_start3A_54 = arith.constant 0 : i32
      %dma_start3A_55 = tpu.memref_slice %arg3[%add3A_43, %dma_start3A_54] : memref<40960x128xf32, #tpu.memory_space<hbm>> -> memref<128x128xf32, #tpu.memory_space<hbm>>
      tpu.enqueue_dma source(%dma_start3A_55 : memref<128x128xf32, #tpu.memory_space<hbm>>) target(%arg10 : memref<128x128xf32, #tpu.memory_space<vmem>>) target_semaphore(%run_scoped3A_52 : memref<!tpu.dma_semaphore, #tpu.memory_space<semaphore_mem>>)
      %dma_wait3A = arith.constant 0 : i32
      %dma_wait3A_56 = tpu.memref_slice %arg3[%add3A_43, %dma_wait3A] : memref<40960x128xf32, #tpu.memory_space<hbm>> -> memref<128x128xf32, #tpu.memory_space<hbm>>
      %dma_wait3A_57 = arith.constant 0 : i32
      %dma_wait3A_58 = tpu.memref_slice %arg3[%add3A_43, %dma_wait3A_57] : memref<40960x128xf32, #tpu.memory_space<hbm>> -> memref<128x128xf32, #tpu.memory_space<hbm>>
      tpu.wait_dma2 semaphore(%run_scoped3A_52 : memref<!tpu.dma_semaphore, #tpu.memory_space<semaphore_mem>>) src(%dma_wait3A_58 : memref<128x128xf32, #tpu.memory_space<hbm>>) dst(%arg10 : memref<128x128xf32, #tpu.memory_space<vmem>>)
      tpu.yield
    }) : () -> ()
    %run_scoped3A_44 = arith.constant 9 : i32
    "tpu.region"() ({
      %run_scoped3A_52 = tpu.sem_alloc : memref<!tpu.dma_semaphore, #tpu.memory_space<semaphore_mem>>
      %dma_start3A = arith.constant 0 : i32
      %dma_start3A_53 = tpu.memref_slice %arg8[%run_scoped3A_44, %dma_start3A] : memref<10x128xi32, #tpu.memory_space<vmem>> -> memref<1x128xi32, #tpu.memory_space<vmem>>
      %dma_start3A_54 = tpu.memref_squeeze %dma_start3A_53 : memref<1x128xi32, #tpu.memory_space<vmem>> -> memref<128xi32, #tpu.memory_space<vmem>>
      %dma_start3A_55 = arith.constant 0 : i32
      %dma_start3A_56 = arith.constant 0 : i32
      %dma_start3A_57 = tpu.memref_slice %arg11[%dma_start3A_55, %dma_start3A_56] : memref<5888x128xf32, #tpu.memory_space<vmem_shared>> -> memref<5888x128xf32, #tpu.memory_space<vmem_shared>>
      tpu.enqueue_indirect_dma source(%arg9 : memref<128x128xf32, #tpu.memory_space<vmem>>) target(%dma_start3A_57 : memref<5888x128xf32, #tpu.memory_space<vmem_shared>>) offsets(%dma_start3A_54 : memref<128xi32, #tpu.memory_space<vmem>>) semaphore(%run_scoped3A_52 : memref<!tpu.dma_semaphore, #tpu.memory_space<semaphore_mem>>) {add = true}
      %dma_wait3A = arith.constant 0 : i32
      %dma_wait3A_58 = tpu.memref_slice %arg8[%run_scoped3A_44, %dma_wait3A] : memref<10x128xi32, #tpu.memory_space<vmem>> -> memref<1x128xi32, #tpu.memory_space<vmem>>
      %dma_wait3A_59 = tpu.memref_squeeze %dma_wait3A_58 : memref<1x128xi32, #tpu.memory_space<vmem>> -> memref<128xi32, #tpu.memory_space<vmem>>
      %dma_wait3A_60 = arith.constant 0 : i32
      %dma_wait3A_61 = arith.constant 0 : i32
      %dma_wait3A_62 = tpu.memref_slice %arg11[%dma_wait3A_60, %dma_wait3A_61] : memref<5888x128xf32, #tpu.memory_space<vmem_shared>> -> memref<5888x128xf32, #tpu.memory_space<vmem_shared>>
      tpu.wait_indirect_dma semaphore(%run_scoped3A_52 : memref<!tpu.dma_semaphore, #tpu.memory_space<semaphore_mem>>) src(%arg9 : memref<128x128xf32, #tpu.memory_space<vmem>>) dst(%dma_wait3A_62 : memref<5888x128xf32, #tpu.memory_space<vmem_shared>>)
      tpu.yield
    }) : () -> ()
    %run_scoped3A_45 = arith.constant 9 : i32
    "tpu.region"() ({
      %run_scoped3A_52 = tpu.sem_alloc : memref<!tpu.dma_semaphore, #tpu.memory_space<semaphore_mem>>
      %dma_start3A = arith.constant 0 : i32
      %dma_start3A_53 = tpu.memref_slice %arg8[%run_scoped3A_45, %dma_start3A] : memref<10x128xi32, #tpu.memory_space<vmem>> -> memref<1x128xi32, #tpu.memory_space<vmem>>
      %dma_start3A_54 = tpu.memref_squeeze %dma_start3A_53 : memref<1x128xi32, #tpu.memory_space<vmem>> -> memref<128xi32, #tpu.memory_space<vmem>>
      %dma_start3A_55 = arith.constant 0 : i32
      %dma_start3A_56 = arith.constant 0 : i32
      %dma_start3A_57 = tpu.memref_slice %arg12[%dma_start3A_55, %dma_start3A_56] : memref<5888x128xf32, #tpu.memory_space<vmem_shared>> -> memref<5888x128xf32, #tpu.memory_space<vmem_shared>>
      tpu.enqueue_indirect_dma source(%arg10 : memref<128x128xf32, #tpu.memory_space<vmem>>) target(%dma_start3A_57 : memref<5888x128xf32, #tpu.memory_space<vmem_shared>>) offsets(%dma_start3A_54 : memref<128xi32, #tpu.memory_space<vmem>>) semaphore(%run_scoped3A_52 : memref<!tpu.dma_semaphore, #tpu.memory_space<semaphore_mem>>) {add = true}
      %dma_wait3A = arith.constant 0 : i32
      %dma_wait3A_58 = tpu.memref_slice %arg8[%run_scoped3A_45, %dma_wait3A] : memref<10x128xi32, #tpu.memory_space<vmem>> -> memref<1x128xi32, #tpu.memory_space<vmem>>
      %dma_wait3A_59 = tpu.memref_squeeze %dma_wait3A_58 : memref<1x128xi32, #tpu.memory_space<vmem>> -> memref<128xi32, #tpu.memory_space<vmem>>
      %dma_wait3A_60 = arith.constant 0 : i32
      %dma_wait3A_61 = arith.constant 0 : i32
      %dma_wait3A_62 = tpu.memref_slice %arg12[%dma_wait3A_60, %dma_wait3A_61] : memref<5888x128xf32, #tpu.memory_space<vmem_shared>> -> memref<5888x128xf32, #tpu.memory_space<vmem_shared>>
      tpu.wait_indirect_dma semaphore(%run_scoped3A_52 : memref<!tpu.dma_semaphore, #tpu.memory_space<semaphore_mem>>) src(%arg10 : memref<128x128xf32, #tpu.memory_space<vmem>>) dst(%dma_wait3A_62 : memref<5888x128xf32, #tpu.memory_space<vmem_shared>>)
      tpu.yield
    }) : () -> ()
    %barrier3A_46 = arith.constant 0 : index
    tpu.barrier barrier_id(%barrier3A_46)
    %mul3A_47 = arith.constant 5888 : i32
    %mul3A_48 = arith.muli %arg0, %mul3A_47 : i32
    %mul3A_49 = arith.constant 368 : i32
    %mul3A_50 = arith.muli %arg1, %mul3A_49 : i32
    %add3A_51 = arith.addi %mul3A_48, %mul3A_50 : i32
    "tpu.region"() ({
      %run_scoped3A_52 = tpu.sem_alloc : memref<!tpu.dma_semaphore, #tpu.memory_space<semaphore_mem>>
      %dma_start3A = arith.constant 0 : i32
      %dma_start3A_53 = tpu.memref_slice %arg6[%add3A_51, %dma_start3A] : memref<11776x128xf32, #tpu.memory_space<hbm>> -> memref<368x128xf32, #tpu.memory_space<hbm>>
      %dma_start3A_54 = arith.constant 0 : i32
      %dma_start3A_55 = tpu.memref_slice %arg11[%mul3A_2, %dma_start3A_54] : memref<5888x128xf32, #tpu.memory_space<vmem_shared>> -> memref<368x128xf32, #tpu.memory_space<vmem_shared>>
      tpu.enqueue_dma source(%dma_start3A_55 : memref<368x128xf32, #tpu.memory_space<vmem_shared>>) target(%dma_start3A_53 : memref<368x128xf32, #tpu.memory_space<hbm>>) target_semaphore(%run_scoped3A_52 : memref<!tpu.dma_semaphore, #tpu.memory_space<semaphore_mem>>)
      %dma_wait3A = arith.constant 0 : i32
      %dma_wait3A_56 = tpu.memref_slice %arg6[%add3A_51, %dma_wait3A] : memref<11776x128xf32, #tpu.memory_space<hbm>> -> memref<368x128xf32, #tpu.memory_space<hbm>>
      %dma_wait3A_57 = arith.constant 0 : i32
      %dma_wait3A_58 = tpu.memref_slice %arg11[%mul3A_2, %dma_wait3A_57] : memref<5888x128xf32, #tpu.memory_space<vmem_shared>> -> memref<368x128xf32, #tpu.memory_space<vmem_shared>>
      tpu.wait_dma2 semaphore(%run_scoped3A_52 : memref<!tpu.dma_semaphore, #tpu.memory_space<semaphore_mem>>) src(%dma_wait3A_58 : memref<368x128xf32, #tpu.memory_space<vmem_shared>>) dst(%dma_wait3A_56 : memref<368x128xf32, #tpu.memory_space<hbm>>)
      tpu.yield
    }) : () -> ()
    "tpu.region"() ({
      %run_scoped3A_52 = tpu.sem_alloc : memref<!tpu.dma_semaphore, #tpu.memory_space<semaphore_mem>>
      %dma_start3A = arith.constant 0 : i32
      %dma_start3A_53 = tpu.memref_slice %arg7[%add3A_51, %dma_start3A] : memref<11776x128xf32, #tpu.memory_space<hbm>> -> memref<368x128xf32, #tpu.memory_space<hbm>>
      %dma_start3A_54 = arith.constant 0 : i32
      %dma_start3A_55 = tpu.memref_slice %arg12[%mul3A_2, %dma_start3A_54] : memref<5888x128xf32, #tpu.memory_space<vmem_shared>> -> memref<368x128xf32, #tpu.memory_space<vmem_shared>>
      tpu.enqueue_dma source(%dma_start3A_55 : memref<368x128xf32, #tpu.memory_space<vmem_shared>>) target(%dma_start3A_53 : memref<368x128xf32, #tpu.memory_space<hbm>>) target_semaphore(%run_scoped3A_52 : memref<!tpu.dma_semaphore, #tpu.memory_space<semaphore_mem>>)
      %dma_wait3A = arith.constant 0 : i32
      %dma_wait3A_56 = tpu.memref_slice %arg7[%add3A_51, %dma_wait3A] : memref<11776x128xf32, #tpu.memory_space<hbm>> -> memref<368x128xf32, #tpu.memory_space<hbm>>
      %dma_wait3A_57 = arith.constant 0 : i32
      %dma_wait3A_58 = tpu.memref_slice %arg12[%mul3A_2, %dma_wait3A_57] : memref<5888x128xf32, #tpu.memory_space<vmem_shared>> -> memref<368x128xf32, #tpu.memory_space<vmem_shared>>
      tpu.wait_dma2 semaphore(%run_scoped3A_52 : memref<!tpu.dma_semaphore, #tpu.memory_space<semaphore_mem>>) src(%dma_wait3A_58 : memref<368x128xf32, #tpu.memory_space<vmem_shared>>) dst(%dma_wait3A_56 : memref<368x128xf32, #tpu.memory_space<hbm>>)
      tpu.yield
    }) : () -> ()
    return
  }
}

#map = affine_map<(d0, d1) -> (0, 0)>
#map1 = affine_map<(d0, d1) -> (0, 0, 0)>
module attributes {stable_mosaic.version = 14 : i64} {
  func.func @_scatter_body(%arg0: i32, %arg1: i32, %arg2: memref<24576x128xf32, #tpu.memory_space<hbm>>, %arg3: memref<24576x128xf32, #tpu.memory_space<hbm>>, %arg4: memref<32x6x128xi32, #tpu.memory_space<hbm>>, %arg5: memref<5888x128xf32, #tpu.memory_space<hbm>>, %arg6: memref<11776x128xf32, #tpu.memory_space<hbm>>, %arg7: memref<11776x128xf32, #tpu.memory_space<hbm>>, %arg8: memref<6x128xi32, #tpu.memory_space<vmem>>, %arg9: memref<128x128xf32, #tpu.memory_space<vmem>>, %arg10: memref<128x128xf32, #tpu.memory_space<vmem>>, %arg11: memref<5888x128xf32, #tpu.memory_space<vmem_shared>>, %arg12: memref<5888x128xf32, #tpu.memory_space<vmem_shared>>) attributes {dimension_semantics = [#tpu.dimension_semantics<core_parallel>, #tpu.dimension_semantics<subcore_parallel>], iteration_bounds = array<i64: 2, 16>, scalar_prefetch = 0 : i64, scratch_operands = 5 : i64, tpu.core_type = #tpu.core_type<sc_vector_subcore>, window_params = [{transform_indices = #map}, {transform_indices = #map}, {transform_indices = #map1}, {transform_indices = #map}, {transform_indices = #map}, {transform_indices = #map}]} {
    %mul3A = arith.constant 16 : i32
    %mul3A_0 = arith.muli %arg0, %mul3A : i32
    %add3A = arith.addi %mul3A_0, %arg1 : i32
    %mul3A_1 = arith.constant 368 : i32
    %mul3A_2 = arith.muli %arg1, %mul3A_1 : i32
    "tpu.region"() ({
      %run_scoped3A_36 = tpu.sem_alloc : memref<!tpu.dma_semaphore, #tpu.memory_space<semaphore_mem>>
      %dma_start3A = arith.constant 0 : i32
      %dma_start3A_37 = tpu.memref_slice %arg11[%mul3A_2, %dma_start3A] : memref<5888x128xf32, #tpu.memory_space<vmem_shared>> -> memref<368x128xf32, #tpu.memory_space<vmem_shared>>
      %dma_start3A_38 = arith.constant 0 : i32
      %dma_start3A_39 = tpu.memref_slice %arg5[%mul3A_2, %dma_start3A_38] : memref<5888x128xf32, #tpu.memory_space<hbm>> -> memref<368x128xf32, #tpu.memory_space<hbm>>
      tpu.enqueue_dma source(%dma_start3A_39 : memref<368x128xf32, #tpu.memory_space<hbm>>) target(%dma_start3A_37 : memref<368x128xf32, #tpu.memory_space<vmem_shared>>) target_semaphore(%run_scoped3A_36 : memref<!tpu.dma_semaphore, #tpu.memory_space<semaphore_mem>>)
      %dma_wait3A = arith.constant 0 : i32
      %dma_wait3A_40 = tpu.memref_slice %arg11[%mul3A_2, %dma_wait3A] : memref<5888x128xf32, #tpu.memory_space<vmem_shared>> -> memref<368x128xf32, #tpu.memory_space<vmem_shared>>
      %dma_wait3A_41 = arith.constant 0 : i32
      %dma_wait3A_42 = tpu.memref_slice %arg5[%mul3A_2, %dma_wait3A_41] : memref<5888x128xf32, #tpu.memory_space<hbm>> -> memref<368x128xf32, #tpu.memory_space<hbm>>
      tpu.wait_dma2 semaphore(%run_scoped3A_36 : memref<!tpu.dma_semaphore, #tpu.memory_space<semaphore_mem>>) src(%dma_wait3A_42 : memref<368x128xf32, #tpu.memory_space<hbm>>) dst(%dma_wait3A_40 : memref<368x128xf32, #tpu.memory_space<vmem_shared>>)
      tpu.yield
    }) : () -> ()
    "tpu.region"() ({
      %run_scoped3A_36 = tpu.sem_alloc : memref<!tpu.dma_semaphore, #tpu.memory_space<semaphore_mem>>
      %dma_start3A = arith.constant 0 : i32
      %dma_start3A_37 = tpu.memref_slice %arg12[%mul3A_2, %dma_start3A] : memref<5888x128xf32, #tpu.memory_space<vmem_shared>> -> memref<368x128xf32, #tpu.memory_space<vmem_shared>>
      %dma_start3A_38 = arith.constant 0 : i32
      %dma_start3A_39 = tpu.memref_slice %arg5[%mul3A_2, %dma_start3A_38] : memref<5888x128xf32, #tpu.memory_space<hbm>> -> memref<368x128xf32, #tpu.memory_space<hbm>>
      tpu.enqueue_dma source(%dma_start3A_39 : memref<368x128xf32, #tpu.memory_space<hbm>>) target(%dma_start3A_37 : memref<368x128xf32, #tpu.memory_space<vmem_shared>>) target_semaphore(%run_scoped3A_36 : memref<!tpu.dma_semaphore, #tpu.memory_space<semaphore_mem>>)
      %dma_wait3A = arith.constant 0 : i32
      %dma_wait3A_40 = tpu.memref_slice %arg12[%mul3A_2, %dma_wait3A] : memref<5888x128xf32, #tpu.memory_space<vmem_shared>> -> memref<368x128xf32, #tpu.memory_space<vmem_shared>>
      %dma_wait3A_41 = arith.constant 0 : i32
      %dma_wait3A_42 = tpu.memref_slice %arg5[%mul3A_2, %dma_wait3A_41] : memref<5888x128xf32, #tpu.memory_space<hbm>> -> memref<368x128xf32, #tpu.memory_space<hbm>>
      tpu.wait_dma2 semaphore(%run_scoped3A_36 : memref<!tpu.dma_semaphore, #tpu.memory_space<semaphore_mem>>) src(%dma_wait3A_42 : memref<368x128xf32, #tpu.memory_space<hbm>>) dst(%dma_wait3A_40 : memref<368x128xf32, #tpu.memory_space<vmem_shared>>)
      tpu.yield
    }) : () -> ()
    %barrier3A = arith.constant 0 : index
    tpu.barrier barrier_id(%barrier3A)
    %mul3A_3 = arith.constant 6 : i32
    %mul3A_4 = arith.muli %add3A, %mul3A_3 : i32
    %mul3A_5 = arith.constant 128 : i32
    %mul3A_6 = arith.muli %mul3A_4, %mul3A_5 : i32
    "tpu.region"() ({
      %run_scoped3A_36 = tpu.sem_alloc : memref<!tpu.dma_semaphore, #tpu.memory_space<semaphore_mem>>
      %dma_start3A = arith.constant 0 : i32
      %dma_start3A_37 = arith.constant 0 : i32
      %dma_start3A_38 = tpu.memref_slice %arg4[%add3A, %dma_start3A, %dma_start3A_37] : memref<32x6x128xi32, #tpu.memory_space<hbm>> -> memref<1x6x128xi32, #tpu.memory_space<hbm>>
      %dma_start3A_39 = tpu.memref_squeeze %dma_start3A_38 : memref<1x6x128xi32, #tpu.memory_space<hbm>> -> memref<6x128xi32, #tpu.memory_space<hbm>>
      %dma_start3A_40 = arith.constant 0 : i32
      %dma_start3A_41 = arith.constant 0 : i32
      %dma_start3A_42 = tpu.memref_slice %arg4[%add3A, %dma_start3A_40, %dma_start3A_41] : memref<32x6x128xi32, #tpu.memory_space<hbm>> -> memref<1x6x128xi32, #tpu.memory_space<hbm>>
      %dma_start3A_43 = tpu.memref_squeeze %dma_start3A_42 : memref<1x6x128xi32, #tpu.memory_space<hbm>> -> memref<6x128xi32, #tpu.memory_space<hbm>>
      tpu.enqueue_dma source(%dma_start3A_43 : memref<6x128xi32, #tpu.memory_space<hbm>>) target(%arg8 : memref<6x128xi32, #tpu.memory_space<vmem>>) target_semaphore(%run_scoped3A_36 : memref<!tpu.dma_semaphore, #tpu.memory_space<semaphore_mem>>)
      %dma_wait3A = arith.constant 0 : i32
      %dma_wait3A_44 = arith.constant 0 : i32
      %dma_wait3A_45 = tpu.memref_slice %arg4[%add3A, %dma_wait3A, %dma_wait3A_44] : memref<32x6x128xi32, #tpu.memory_space<hbm>> -> memref<1x6x128xi32, #tpu.memory_space<hbm>>
      %dma_wait3A_46 = tpu.memref_squeeze %dma_wait3A_45 : memref<1x6x128xi32, #tpu.memory_space<hbm>> -> memref<6x128xi32, #tpu.memory_space<hbm>>
      %dma_wait3A_47 = arith.constant 0 : i32
      %dma_wait3A_48 = arith.constant 0 : i32
      %dma_wait3A_49 = tpu.memref_slice %arg4[%add3A, %dma_wait3A_47, %dma_wait3A_48] : memref<32x6x128xi32, #tpu.memory_space<hbm>> -> memref<1x6x128xi32, #tpu.memory_space<hbm>>
      %dma_wait3A_50 = tpu.memref_squeeze %dma_wait3A_49 : memref<1x6x128xi32, #tpu.memory_space<hbm>> -> memref<6x128xi32, #tpu.memory_space<hbm>>
      tpu.wait_dma2 semaphore(%run_scoped3A_36 : memref<!tpu.dma_semaphore, #tpu.memory_space<semaphore_mem>>) src(%dma_wait3A_50 : memref<6x128xi32, #tpu.memory_space<hbm>>) dst(%arg8 : memref<6x128xi32, #tpu.memory_space<vmem>>)
      tpu.yield
    }) : () -> ()
    %add3A_7 = arith.constant 0 : i32
    %add3A_8 = arith.addi %mul3A_6, %add3A_7 : i32
    "tpu.region"() ({
      %run_scoped3A_36 = tpu.sem_alloc : memref<!tpu.dma_semaphore, #tpu.memory_space<semaphore_mem>>
      %dma_start3A = arith.constant 0 : i32
      %dma_start3A_37 = tpu.memref_slice %arg2[%add3A_8, %dma_start3A] : memref<24576x128xf32, #tpu.memory_space<hbm>> -> memref<128x128xf32, #tpu.memory_space<hbm>>
      %dma_start3A_38 = arith.constant 0 : i32
      %dma_start3A_39 = tpu.memref_slice %arg2[%add3A_8, %dma_start3A_38] : memref<24576x128xf32, #tpu.memory_space<hbm>> -> memref<128x128xf32, #tpu.memory_space<hbm>>
      tpu.enqueue_dma source(%dma_start3A_39 : memref<128x128xf32, #tpu.memory_space<hbm>>) target(%arg9 : memref<128x128xf32, #tpu.memory_space<vmem>>) target_semaphore(%run_scoped3A_36 : memref<!tpu.dma_semaphore, #tpu.memory_space<semaphore_mem>>)
      %dma_wait3A = arith.constant 0 : i32
      %dma_wait3A_40 = tpu.memref_slice %arg2[%add3A_8, %dma_wait3A] : memref<24576x128xf32, #tpu.memory_space<hbm>> -> memref<128x128xf32, #tpu.memory_space<hbm>>
      %dma_wait3A_41 = arith.constant 0 : i32
      %dma_wait3A_42 = tpu.memref_slice %arg2[%add3A_8, %dma_wait3A_41] : memref<24576x128xf32, #tpu.memory_space<hbm>> -> memref<128x128xf32, #tpu.memory_space<hbm>>
      tpu.wait_dma2 semaphore(%run_scoped3A_36 : memref<!tpu.dma_semaphore, #tpu.memory_space<semaphore_mem>>) src(%dma_wait3A_42 : memref<128x128xf32, #tpu.memory_space<hbm>>) dst(%arg9 : memref<128x128xf32, #tpu.memory_space<vmem>>)
      tpu.yield
    }) : () -> ()
    "tpu.region"() ({
      %run_scoped3A_36 = tpu.sem_alloc : memref<!tpu.dma_semaphore, #tpu.memory_space<semaphore_mem>>
      %dma_start3A = arith.constant 0 : i32
      %dma_start3A_37 = tpu.memref_slice %arg3[%add3A_8, %dma_start3A] : memref<24576x128xf32, #tpu.memory_space<hbm>> -> memref<128x128xf32, #tpu.memory_space<hbm>>
      %dma_start3A_38 = arith.constant 0 : i32
      %dma_start3A_39 = tpu.memref_slice %arg3[%add3A_8, %dma_start3A_38] : memref<24576x128xf32, #tpu.memory_space<hbm>> -> memref<128x128xf32, #tpu.memory_space<hbm>>
      tpu.enqueue_dma source(%dma_start3A_39 : memref<128x128xf32, #tpu.memory_space<hbm>>) target(%arg10 : memref<128x128xf32, #tpu.memory_space<vmem>>) target_semaphore(%run_scoped3A_36 : memref<!tpu.dma_semaphore, #tpu.memory_space<semaphore_mem>>)
      %dma_wait3A = arith.constant 0 : i32
      %dma_wait3A_40 = tpu.memref_slice %arg3[%add3A_8, %dma_wait3A] : memref<24576x128xf32, #tpu.memory_space<hbm>> -> memref<128x128xf32, #tpu.memory_space<hbm>>
      %dma_wait3A_41 = arith.constant 0 : i32
      %dma_wait3A_42 = tpu.memref_slice %arg3[%add3A_8, %dma_wait3A_41] : memref<24576x128xf32, #tpu.memory_space<hbm>> -> memref<128x128xf32, #tpu.memory_space<hbm>>
      tpu.wait_dma2 semaphore(%run_scoped3A_36 : memref<!tpu.dma_semaphore, #tpu.memory_space<semaphore_mem>>) src(%dma_wait3A_42 : memref<128x128xf32, #tpu.memory_space<hbm>>) dst(%arg10 : memref<128x128xf32, #tpu.memory_space<vmem>>)
      tpu.yield
    }) : () -> ()
    %run_scoped3A = arith.constant 0 : i32
    "tpu.region"() ({
      %run_scoped3A_36 = tpu.sem_alloc : memref<!tpu.dma_semaphore, #tpu.memory_space<semaphore_mem>>
      %dma_start3A = arith.constant 0 : i32
      %dma_start3A_37 = tpu.memref_slice %arg8[%run_scoped3A, %dma_start3A] : memref<6x128xi32, #tpu.memory_space<vmem>> -> memref<1x128xi32, #tpu.memory_space<vmem>>
      %dma_start3A_38 = tpu.memref_squeeze %dma_start3A_37 : memref<1x128xi32, #tpu.memory_space<vmem>> -> memref<128xi32, #tpu.memory_space<vmem>>
      %dma_start3A_39 = arith.constant 0 : i32
      %dma_start3A_40 = arith.constant 0 : i32
      %dma_start3A_41 = tpu.memref_slice %arg11[%dma_start3A_39, %dma_start3A_40] : memref<5888x128xf32, #tpu.memory_space<vmem_shared>> -> memref<5888x128xf32, #tpu.memory_space<vmem_shared>>
      tpu.enqueue_indirect_dma source(%arg9 : memref<128x128xf32, #tpu.memory_space<vmem>>) target(%dma_start3A_41 : memref<5888x128xf32, #tpu.memory_space<vmem_shared>>) offsets(%dma_start3A_38 : memref<128xi32, #tpu.memory_space<vmem>>) semaphore(%run_scoped3A_36 : memref<!tpu.dma_semaphore, #tpu.memory_space<semaphore_mem>>) {add = true}
      %dma_wait3A = arith.constant 0 : i32
      %dma_wait3A_42 = tpu.memref_slice %arg8[%run_scoped3A, %dma_wait3A] : memref<6x128xi32, #tpu.memory_space<vmem>> -> memref<1x128xi32, #tpu.memory_space<vmem>>
      %dma_wait3A_43 = tpu.memref_squeeze %dma_wait3A_42 : memref<1x128xi32, #tpu.memory_space<vmem>> -> memref<128xi32, #tpu.memory_space<vmem>>
      %dma_wait3A_44 = arith.constant 0 : i32
      %dma_wait3A_45 = arith.constant 0 : i32
      %dma_wait3A_46 = tpu.memref_slice %arg11[%dma_wait3A_44, %dma_wait3A_45] : memref<5888x128xf32, #tpu.memory_space<vmem_shared>> -> memref<5888x128xf32, #tpu.memory_space<vmem_shared>>
      tpu.wait_indirect_dma semaphore(%run_scoped3A_36 : memref<!tpu.dma_semaphore, #tpu.memory_space<semaphore_mem>>) src(%arg9 : memref<128x128xf32, #tpu.memory_space<vmem>>) dst(%dma_wait3A_46 : memref<5888x128xf32, #tpu.memory_space<vmem_shared>>)
      tpu.yield
    }) : () -> ()
    %run_scoped3A_9 = arith.constant 0 : i32
    "tpu.region"() ({
      %run_scoped3A_36 = tpu.sem_alloc : memref<!tpu.dma_semaphore, #tpu.memory_space<semaphore_mem>>
      %dma_start3A = arith.constant 0 : i32
      %dma_start3A_37 = tpu.memref_slice %arg8[%run_scoped3A_9, %dma_start3A] : memref<6x128xi32, #tpu.memory_space<vmem>> -> memref<1x128xi32, #tpu.memory_space<vmem>>
      %dma_start3A_38 = tpu.memref_squeeze %dma_start3A_37 : memref<1x128xi32, #tpu.memory_space<vmem>> -> memref<128xi32, #tpu.memory_space<vmem>>
      %dma_start3A_39 = arith.constant 0 : i32
      %dma_start3A_40 = arith.constant 0 : i32
      %dma_start3A_41 = tpu.memref_slice %arg12[%dma_start3A_39, %dma_start3A_40] : memref<5888x128xf32, #tpu.memory_space<vmem_shared>> -> memref<5888x128xf32, #tpu.memory_space<vmem_shared>>
      tpu.enqueue_indirect_dma source(%arg10 : memref<128x128xf32, #tpu.memory_space<vmem>>) target(%dma_start3A_41 : memref<5888x128xf32, #tpu.memory_space<vmem_shared>>) offsets(%dma_start3A_38 : memref<128xi32, #tpu.memory_space<vmem>>) semaphore(%run_scoped3A_36 : memref<!tpu.dma_semaphore, #tpu.memory_space<semaphore_mem>>) {add = true}
      %dma_wait3A = arith.constant 0 : i32
      %dma_wait3A_42 = tpu.memref_slice %arg8[%run_scoped3A_9, %dma_wait3A] : memref<6x128xi32, #tpu.memory_space<vmem>> -> memref<1x128xi32, #tpu.memory_space<vmem>>
      %dma_wait3A_43 = tpu.memref_squeeze %dma_wait3A_42 : memref<1x128xi32, #tpu.memory_space<vmem>> -> memref<128xi32, #tpu.memory_space<vmem>>
      %dma_wait3A_44 = arith.constant 0 : i32
      %dma_wait3A_45 = arith.constant 0 : i32
      %dma_wait3A_46 = tpu.memref_slice %arg12[%dma_wait3A_44, %dma_wait3A_45] : memref<5888x128xf32, #tpu.memory_space<vmem_shared>> -> memref<5888x128xf32, #tpu.memory_space<vmem_shared>>
      tpu.wait_indirect_dma semaphore(%run_scoped3A_36 : memref<!tpu.dma_semaphore, #tpu.memory_space<semaphore_mem>>) src(%arg10 : memref<128x128xf32, #tpu.memory_space<vmem>>) dst(%dma_wait3A_46 : memref<5888x128xf32, #tpu.memory_space<vmem_shared>>)
      tpu.yield
    }) : () -> ()
    %add3A_10 = arith.constant 128 : i32
    %add3A_11 = arith.addi %mul3A_6, %add3A_10 : i32
    "tpu.region"() ({
      %run_scoped3A_36 = tpu.sem_alloc : memref<!tpu.dma_semaphore, #tpu.memory_space<semaphore_mem>>
      %dma_start3A = arith.constant 0 : i32
      %dma_start3A_37 = tpu.memref_slice %arg2[%add3A_11, %dma_start3A] : memref<24576x128xf32, #tpu.memory_space<hbm>> -> memref<128x128xf32, #tpu.memory_space<hbm>>
      %dma_start3A_38 = arith.constant 0 : i32
      %dma_start3A_39 = tpu.memref_slice %arg2[%add3A_11, %dma_start3A_38] : memref<24576x128xf32, #tpu.memory_space<hbm>> -> memref<128x128xf32, #tpu.memory_space<hbm>>
      tpu.enqueue_dma source(%dma_start3A_39 : memref<128x128xf32, #tpu.memory_space<hbm>>) target(%arg9 : memref<128x128xf32, #tpu.memory_space<vmem>>) target_semaphore(%run_scoped3A_36 : memref<!tpu.dma_semaphore, #tpu.memory_space<semaphore_mem>>)
      %dma_wait3A = arith.constant 0 : i32
      %dma_wait3A_40 = tpu.memref_slice %arg2[%add3A_11, %dma_wait3A] : memref<24576x128xf32, #tpu.memory_space<hbm>> -> memref<128x128xf32, #tpu.memory_space<hbm>>
      %dma_wait3A_41 = arith.constant 0 : i32
      %dma_wait3A_42 = tpu.memref_slice %arg2[%add3A_11, %dma_wait3A_41] : memref<24576x128xf32, #tpu.memory_space<hbm>> -> memref<128x128xf32, #tpu.memory_space<hbm>>
      tpu.wait_dma2 semaphore(%run_scoped3A_36 : memref<!tpu.dma_semaphore, #tpu.memory_space<semaphore_mem>>) src(%dma_wait3A_42 : memref<128x128xf32, #tpu.memory_space<hbm>>) dst(%arg9 : memref<128x128xf32, #tpu.memory_space<vmem>>)
      tpu.yield
    }) : () -> ()
    "tpu.region"() ({
      %run_scoped3A_36 = tpu.sem_alloc : memref<!tpu.dma_semaphore, #tpu.memory_space<semaphore_mem>>
      %dma_start3A = arith.constant 0 : i32
      %dma_start3A_37 = tpu.memref_slice %arg3[%add3A_11, %dma_start3A] : memref<24576x128xf32, #tpu.memory_space<hbm>> -> memref<128x128xf32, #tpu.memory_space<hbm>>
      %dma_start3A_38 = arith.constant 0 : i32
      %dma_start3A_39 = tpu.memref_slice %arg3[%add3A_11, %dma_start3A_38] : memref<24576x128xf32, #tpu.memory_space<hbm>> -> memref<128x128xf32, #tpu.memory_space<hbm>>
      tpu.enqueue_dma source(%dma_start3A_39 : memref<128x128xf32, #tpu.memory_space<hbm>>) target(%arg10 : memref<128x128xf32, #tpu.memory_space<vmem>>) target_semaphore(%run_scoped3A_36 : memref<!tpu.dma_semaphore, #tpu.memory_space<semaphore_mem>>)
      %dma_wait3A = arith.constant 0 : i32
      %dma_wait3A_40 = tpu.memref_slice %arg3[%add3A_11, %dma_wait3A] : memref<24576x128xf32, #tpu.memory_space<hbm>> -> memref<128x128xf32, #tpu.memory_space<hbm>>
      %dma_wait3A_41 = arith.constant 0 : i32
      %dma_wait3A_42 = tpu.memref_slice %arg3[%add3A_11, %dma_wait3A_41] : memref<24576x128xf32, #tpu.memory_space<hbm>> -> memref<128x128xf32, #tpu.memory_space<hbm>>
      tpu.wait_dma2 semaphore(%run_scoped3A_36 : memref<!tpu.dma_semaphore, #tpu.memory_space<semaphore_mem>>) src(%dma_wait3A_42 : memref<128x128xf32, #tpu.memory_space<hbm>>) dst(%arg10 : memref<128x128xf32, #tpu.memory_space<vmem>>)
      tpu.yield
    }) : () -> ()
    %run_scoped3A_12 = arith.constant 1 : i32
    "tpu.region"() ({
      %run_scoped3A_36 = tpu.sem_alloc : memref<!tpu.dma_semaphore, #tpu.memory_space<semaphore_mem>>
      %dma_start3A = arith.constant 0 : i32
      %dma_start3A_37 = tpu.memref_slice %arg8[%run_scoped3A_12, %dma_start3A] : memref<6x128xi32, #tpu.memory_space<vmem>> -> memref<1x128xi32, #tpu.memory_space<vmem>>
      %dma_start3A_38 = tpu.memref_squeeze %dma_start3A_37 : memref<1x128xi32, #tpu.memory_space<vmem>> -> memref<128xi32, #tpu.memory_space<vmem>>
      %dma_start3A_39 = arith.constant 0 : i32
      %dma_start3A_40 = arith.constant 0 : i32
      %dma_start3A_41 = tpu.memref_slice %arg11[%dma_start3A_39, %dma_start3A_40] : memref<5888x128xf32, #tpu.memory_space<vmem_shared>> -> memref<5888x128xf32, #tpu.memory_space<vmem_shared>>
      tpu.enqueue_indirect_dma source(%arg9 : memref<128x128xf32, #tpu.memory_space<vmem>>) target(%dma_start3A_41 : memref<5888x128xf32, #tpu.memory_space<vmem_shared>>) offsets(%dma_start3A_38 : memref<128xi32, #tpu.memory_space<vmem>>) semaphore(%run_scoped3A_36 : memref<!tpu.dma_semaphore, #tpu.memory_space<semaphore_mem>>) {add = true}
      %dma_wait3A = arith.constant 0 : i32
      %dma_wait3A_42 = tpu.memref_slice %arg8[%run_scoped3A_12, %dma_wait3A] : memref<6x128xi32, #tpu.memory_space<vmem>> -> memref<1x128xi32, #tpu.memory_space<vmem>>
      %dma_wait3A_43 = tpu.memref_squeeze %dma_wait3A_42 : memref<1x128xi32, #tpu.memory_space<vmem>> -> memref<128xi32, #tpu.memory_space<vmem>>
      %dma_wait3A_44 = arith.constant 0 : i32
      %dma_wait3A_45 = arith.constant 0 : i32
      %dma_wait3A_46 = tpu.memref_slice %arg11[%dma_wait3A_44, %dma_wait3A_45] : memref<5888x128xf32, #tpu.memory_space<vmem_shared>> -> memref<5888x128xf32, #tpu.memory_space<vmem_shared>>
      tpu.wait_indirect_dma semaphore(%run_scoped3A_36 : memref<!tpu.dma_semaphore, #tpu.memory_space<semaphore_mem>>) src(%arg9 : memref<128x128xf32, #tpu.memory_space<vmem>>) dst(%dma_wait3A_46 : memref<5888x128xf32, #tpu.memory_space<vmem_shared>>)
      tpu.yield
    }) : () -> ()
    %run_scoped3A_13 = arith.constant 1 : i32
    "tpu.region"() ({
      %run_scoped3A_36 = tpu.sem_alloc : memref<!tpu.dma_semaphore, #tpu.memory_space<semaphore_mem>>
      %dma_start3A = arith.constant 0 : i32
      %dma_start3A_37 = tpu.memref_slice %arg8[%run_scoped3A_13, %dma_start3A] : memref<6x128xi32, #tpu.memory_space<vmem>> -> memref<1x128xi32, #tpu.memory_space<vmem>>
      %dma_start3A_38 = tpu.memref_squeeze %dma_start3A_37 : memref<1x128xi32, #tpu.memory_space<vmem>> -> memref<128xi32, #tpu.memory_space<vmem>>
      %dma_start3A_39 = arith.constant 0 : i32
      %dma_start3A_40 = arith.constant 0 : i32
      %dma_start3A_41 = tpu.memref_slice %arg12[%dma_start3A_39, %dma_start3A_40] : memref<5888x128xf32, #tpu.memory_space<vmem_shared>> -> memref<5888x128xf32, #tpu.memory_space<vmem_shared>>
      tpu.enqueue_indirect_dma source(%arg10 : memref<128x128xf32, #tpu.memory_space<vmem>>) target(%dma_start3A_41 : memref<5888x128xf32, #tpu.memory_space<vmem_shared>>) offsets(%dma_start3A_38 : memref<128xi32, #tpu.memory_space<vmem>>) semaphore(%run_scoped3A_36 : memref<!tpu.dma_semaphore, #tpu.memory_space<semaphore_mem>>) {add = true}
      %dma_wait3A = arith.constant 0 : i32
      %dma_wait3A_42 = tpu.memref_slice %arg8[%run_scoped3A_13, %dma_wait3A] : memref<6x128xi32, #tpu.memory_space<vmem>> -> memref<1x128xi32, #tpu.memory_space<vmem>>
      %dma_wait3A_43 = tpu.memref_squeeze %dma_wait3A_42 : memref<1x128xi32, #tpu.memory_space<vmem>> -> memref<128xi32, #tpu.memory_space<vmem>>
      %dma_wait3A_44 = arith.constant 0 : i32
      %dma_wait3A_45 = arith.constant 0 : i32
      %dma_wait3A_46 = tpu.memref_slice %arg12[%dma_wait3A_44, %dma_wait3A_45] : memref<5888x128xf32, #tpu.memory_space<vmem_shared>> -> memref<5888x128xf32, #tpu.memory_space<vmem_shared>>
      tpu.wait_indirect_dma semaphore(%run_scoped3A_36 : memref<!tpu.dma_semaphore, #tpu.memory_space<semaphore_mem>>) src(%arg10 : memref<128x128xf32, #tpu.memory_space<vmem>>) dst(%dma_wait3A_46 : memref<5888x128xf32, #tpu.memory_space<vmem_shared>>)
      tpu.yield
    }) : () -> ()
    %add3A_14 = arith.constant 256 : i32
    %add3A_15 = arith.addi %mul3A_6, %add3A_14 : i32
    "tpu.region"() ({
      %run_scoped3A_36 = tpu.sem_alloc : memref<!tpu.dma_semaphore, #tpu.memory_space<semaphore_mem>>
      %dma_start3A = arith.constant 0 : i32
      %dma_start3A_37 = tpu.memref_slice %arg2[%add3A_15, %dma_start3A] : memref<24576x128xf32, #tpu.memory_space<hbm>> -> memref<128x128xf32, #tpu.memory_space<hbm>>
      %dma_start3A_38 = arith.constant 0 : i32
      %dma_start3A_39 = tpu.memref_slice %arg2[%add3A_15, %dma_start3A_38] : memref<24576x128xf32, #tpu.memory_space<hbm>> -> memref<128x128xf32, #tpu.memory_space<hbm>>
      tpu.enqueue_dma source(%dma_start3A_39 : memref<128x128xf32, #tpu.memory_space<hbm>>) target(%arg9 : memref<128x128xf32, #tpu.memory_space<vmem>>) target_semaphore(%run_scoped3A_36 : memref<!tpu.dma_semaphore, #tpu.memory_space<semaphore_mem>>)
      %dma_wait3A = arith.constant 0 : i32
      %dma_wait3A_40 = tpu.memref_slice %arg2[%add3A_15, %dma_wait3A] : memref<24576x128xf32, #tpu.memory_space<hbm>> -> memref<128x128xf32, #tpu.memory_space<hbm>>
      %dma_wait3A_41 = arith.constant 0 : i32
      %dma_wait3A_42 = tpu.memref_slice %arg2[%add3A_15, %dma_wait3A_41] : memref<24576x128xf32, #tpu.memory_space<hbm>> -> memref<128x128xf32, #tpu.memory_space<hbm>>
      tpu.wait_dma2 semaphore(%run_scoped3A_36 : memref<!tpu.dma_semaphore, #tpu.memory_space<semaphore_mem>>) src(%dma_wait3A_42 : memref<128x128xf32, #tpu.memory_space<hbm>>) dst(%arg9 : memref<128x128xf32, #tpu.memory_space<vmem>>)
      tpu.yield
    }) : () -> ()
    "tpu.region"() ({
      %run_scoped3A_36 = tpu.sem_alloc : memref<!tpu.dma_semaphore, #tpu.memory_space<semaphore_mem>>
      %dma_start3A = arith.constant 0 : i32
      %dma_start3A_37 = tpu.memref_slice %arg3[%add3A_15, %dma_start3A] : memref<24576x128xf32, #tpu.memory_space<hbm>> -> memref<128x128xf32, #tpu.memory_space<hbm>>
      %dma_start3A_38 = arith.constant 0 : i32
      %dma_start3A_39 = tpu.memref_slice %arg3[%add3A_15, %dma_start3A_38] : memref<24576x128xf32, #tpu.memory_space<hbm>> -> memref<128x128xf32, #tpu.memory_space<hbm>>
      tpu.enqueue_dma source(%dma_start3A_39 : memref<128x128xf32, #tpu.memory_space<hbm>>) target(%arg10 : memref<128x128xf32, #tpu.memory_space<vmem>>) target_semaphore(%run_scoped3A_36 : memref<!tpu.dma_semaphore, #tpu.memory_space<semaphore_mem>>)
      %dma_wait3A = arith.constant 0 : i32
      %dma_wait3A_40 = tpu.memref_slice %arg3[%add3A_15, %dma_wait3A] : memref<24576x128xf32, #tpu.memory_space<hbm>> -> memref<128x128xf32, #tpu.memory_space<hbm>>
      %dma_wait3A_41 = arith.constant 0 : i32
      %dma_wait3A_42 = tpu.memref_slice %arg3[%add3A_15, %dma_wait3A_41] : memref<24576x128xf32, #tpu.memory_space<hbm>> -> memref<128x128xf32, #tpu.memory_space<hbm>>
      tpu.wait_dma2 semaphore(%run_scoped3A_36 : memref<!tpu.dma_semaphore, #tpu.memory_space<semaphore_mem>>) src(%dma_wait3A_42 : memref<128x128xf32, #tpu.memory_space<hbm>>) dst(%arg10 : memref<128x128xf32, #tpu.memory_space<vmem>>)
      tpu.yield
    }) : () -> ()
    %run_scoped3A_16 = arith.constant 2 : i32
    "tpu.region"() ({
      %run_scoped3A_36 = tpu.sem_alloc : memref<!tpu.dma_semaphore, #tpu.memory_space<semaphore_mem>>
      %dma_start3A = arith.constant 0 : i32
      %dma_start3A_37 = tpu.memref_slice %arg8[%run_scoped3A_16, %dma_start3A] : memref<6x128xi32, #tpu.memory_space<vmem>> -> memref<1x128xi32, #tpu.memory_space<vmem>>
      %dma_start3A_38 = tpu.memref_squeeze %dma_start3A_37 : memref<1x128xi32, #tpu.memory_space<vmem>> -> memref<128xi32, #tpu.memory_space<vmem>>
      %dma_start3A_39 = arith.constant 0 : i32
      %dma_start3A_40 = arith.constant 0 : i32
      %dma_start3A_41 = tpu.memref_slice %arg11[%dma_start3A_39, %dma_start3A_40] : memref<5888x128xf32, #tpu.memory_space<vmem_shared>> -> memref<5888x128xf32, #tpu.memory_space<vmem_shared>>
      tpu.enqueue_indirect_dma source(%arg9 : memref<128x128xf32, #tpu.memory_space<vmem>>) target(%dma_start3A_41 : memref<5888x128xf32, #tpu.memory_space<vmem_shared>>) offsets(%dma_start3A_38 : memref<128xi32, #tpu.memory_space<vmem>>) semaphore(%run_scoped3A_36 : memref<!tpu.dma_semaphore, #tpu.memory_space<semaphore_mem>>) {add = true}
      %dma_wait3A = arith.constant 0 : i32
      %dma_wait3A_42 = tpu.memref_slice %arg8[%run_scoped3A_16, %dma_wait3A] : memref<6x128xi32, #tpu.memory_space<vmem>> -> memref<1x128xi32, #tpu.memory_space<vmem>>
      %dma_wait3A_43 = tpu.memref_squeeze %dma_wait3A_42 : memref<1x128xi32, #tpu.memory_space<vmem>> -> memref<128xi32, #tpu.memory_space<vmem>>
      %dma_wait3A_44 = arith.constant 0 : i32
      %dma_wait3A_45 = arith.constant 0 : i32
      %dma_wait3A_46 = tpu.memref_slice %arg11[%dma_wait3A_44, %dma_wait3A_45] : memref<5888x128xf32, #tpu.memory_space<vmem_shared>> -> memref<5888x128xf32, #tpu.memory_space<vmem_shared>>
      tpu.wait_indirect_dma semaphore(%run_scoped3A_36 : memref<!tpu.dma_semaphore, #tpu.memory_space<semaphore_mem>>) src(%arg9 : memref<128x128xf32, #tpu.memory_space<vmem>>) dst(%dma_wait3A_46 : memref<5888x128xf32, #tpu.memory_space<vmem_shared>>)
      tpu.yield
    }) : () -> ()
    %run_scoped3A_17 = arith.constant 2 : i32
    "tpu.region"() ({
      %run_scoped3A_36 = tpu.sem_alloc : memref<!tpu.dma_semaphore, #tpu.memory_space<semaphore_mem>>
      %dma_start3A = arith.constant 0 : i32
      %dma_start3A_37 = tpu.memref_slice %arg8[%run_scoped3A_17, %dma_start3A] : memref<6x128xi32, #tpu.memory_space<vmem>> -> memref<1x128xi32, #tpu.memory_space<vmem>>
      %dma_start3A_38 = tpu.memref_squeeze %dma_start3A_37 : memref<1x128xi32, #tpu.memory_space<vmem>> -> memref<128xi32, #tpu.memory_space<vmem>>
      %dma_start3A_39 = arith.constant 0 : i32
      %dma_start3A_40 = arith.constant 0 : i32
      %dma_start3A_41 = tpu.memref_slice %arg12[%dma_start3A_39, %dma_start3A_40] : memref<5888x128xf32, #tpu.memory_space<vmem_shared>> -> memref<5888x128xf32, #tpu.memory_space<vmem_shared>>
      tpu.enqueue_indirect_dma source(%arg10 : memref<128x128xf32, #tpu.memory_space<vmem>>) target(%dma_start3A_41 : memref<5888x128xf32, #tpu.memory_space<vmem_shared>>) offsets(%dma_start3A_38 : memref<128xi32, #tpu.memory_space<vmem>>) semaphore(%run_scoped3A_36 : memref<!tpu.dma_semaphore, #tpu.memory_space<semaphore_mem>>) {add = true}
      %dma_wait3A = arith.constant 0 : i32
      %dma_wait3A_42 = tpu.memref_slice %arg8[%run_scoped3A_17, %dma_wait3A] : memref<6x128xi32, #tpu.memory_space<vmem>> -> memref<1x128xi32, #tpu.memory_space<vmem>>
      %dma_wait3A_43 = tpu.memref_squeeze %dma_wait3A_42 : memref<1x128xi32, #tpu.memory_space<vmem>> -> memref<128xi32, #tpu.memory_space<vmem>>
      %dma_wait3A_44 = arith.constant 0 : i32
      %dma_wait3A_45 = arith.constant 0 : i32
      %dma_wait3A_46 = tpu.memref_slice %arg12[%dma_wait3A_44, %dma_wait3A_45] : memref<5888x128xf32, #tpu.memory_space<vmem_shared>> -> memref<5888x128xf32, #tpu.memory_space<vmem_shared>>
      tpu.wait_indirect_dma semaphore(%run_scoped3A_36 : memref<!tpu.dma_semaphore, #tpu.memory_space<semaphore_mem>>) src(%arg10 : memref<128x128xf32, #tpu.memory_space<vmem>>) dst(%dma_wait3A_46 : memref<5888x128xf32, #tpu.memory_space<vmem_shared>>)
      tpu.yield
    }) : () -> ()
    %add3A_18 = arith.constant 384 : i32
    %add3A_19 = arith.addi %mul3A_6, %add3A_18 : i32
    "tpu.region"() ({
      %run_scoped3A_36 = tpu.sem_alloc : memref<!tpu.dma_semaphore, #tpu.memory_space<semaphore_mem>>
      %dma_start3A = arith.constant 0 : i32
      %dma_start3A_37 = tpu.memref_slice %arg2[%add3A_19, %dma_start3A] : memref<24576x128xf32, #tpu.memory_space<hbm>> -> memref<128x128xf32, #tpu.memory_space<hbm>>
      %dma_start3A_38 = arith.constant 0 : i32
      %dma_start3A_39 = tpu.memref_slice %arg2[%add3A_19, %dma_start3A_38] : memref<24576x128xf32, #tpu.memory_space<hbm>> -> memref<128x128xf32, #tpu.memory_space<hbm>>
      tpu.enqueue_dma source(%dma_start3A_39 : memref<128x128xf32, #tpu.memory_space<hbm>>) target(%arg9 : memref<128x128xf32, #tpu.memory_space<vmem>>) target_semaphore(%run_scoped3A_36 : memref<!tpu.dma_semaphore, #tpu.memory_space<semaphore_mem>>)
      %dma_wait3A = arith.constant 0 : i32
      %dma_wait3A_40 = tpu.memref_slice %arg2[%add3A_19, %dma_wait3A] : memref<24576x128xf32, #tpu.memory_space<hbm>> -> memref<128x128xf32, #tpu.memory_space<hbm>>
      %dma_wait3A_41 = arith.constant 0 : i32
      %dma_wait3A_42 = tpu.memref_slice %arg2[%add3A_19, %dma_wait3A_41] : memref<24576x128xf32, #tpu.memory_space<hbm>> -> memref<128x128xf32, #tpu.memory_space<hbm>>
      tpu.wait_dma2 semaphore(%run_scoped3A_36 : memref<!tpu.dma_semaphore, #tpu.memory_space<semaphore_mem>>) src(%dma_wait3A_42 : memref<128x128xf32, #tpu.memory_space<hbm>>) dst(%arg9 : memref<128x128xf32, #tpu.memory_space<vmem>>)
      tpu.yield
    }) : () -> ()
    "tpu.region"() ({
      %run_scoped3A_36 = tpu.sem_alloc : memref<!tpu.dma_semaphore, #tpu.memory_space<semaphore_mem>>
      %dma_start3A = arith.constant 0 : i32
      %dma_start3A_37 = tpu.memref_slice %arg3[%add3A_19, %dma_start3A] : memref<24576x128xf32, #tpu.memory_space<hbm>> -> memref<128x128xf32, #tpu.memory_space<hbm>>
      %dma_start3A_38 = arith.constant 0 : i32
      %dma_start3A_39 = tpu.memref_slice %arg3[%add3A_19, %dma_start3A_38] : memref<24576x128xf32, #tpu.memory_space<hbm>> -> memref<128x128xf32, #tpu.memory_space<hbm>>
      tpu.enqueue_dma source(%dma_start3A_39 : memref<128x128xf32, #tpu.memory_space<hbm>>) target(%arg10 : memref<128x128xf32, #tpu.memory_space<vmem>>) target_semaphore(%run_scoped3A_36 : memref<!tpu.dma_semaphore, #tpu.memory_space<semaphore_mem>>)
      %dma_wait3A = arith.constant 0 : i32
      %dma_wait3A_40 = tpu.memref_slice %arg3[%add3A_19, %dma_wait3A] : memref<24576x128xf32, #tpu.memory_space<hbm>> -> memref<128x128xf32, #tpu.memory_space<hbm>>
      %dma_wait3A_41 = arith.constant 0 : i32
      %dma_wait3A_42 = tpu.memref_slice %arg3[%add3A_19, %dma_wait3A_41] : memref<24576x128xf32, #tpu.memory_space<hbm>> -> memref<128x128xf32, #tpu.memory_space<hbm>>
      tpu.wait_dma2 semaphore(%run_scoped3A_36 : memref<!tpu.dma_semaphore, #tpu.memory_space<semaphore_mem>>) src(%dma_wait3A_42 : memref<128x128xf32, #tpu.memory_space<hbm>>) dst(%arg10 : memref<128x128xf32, #tpu.memory_space<vmem>>)
      tpu.yield
    }) : () -> ()
    %run_scoped3A_20 = arith.constant 3 : i32
    "tpu.region"() ({
      %run_scoped3A_36 = tpu.sem_alloc : memref<!tpu.dma_semaphore, #tpu.memory_space<semaphore_mem>>
      %dma_start3A = arith.constant 0 : i32
      %dma_start3A_37 = tpu.memref_slice %arg8[%run_scoped3A_20, %dma_start3A] : memref<6x128xi32, #tpu.memory_space<vmem>> -> memref<1x128xi32, #tpu.memory_space<vmem>>
      %dma_start3A_38 = tpu.memref_squeeze %dma_start3A_37 : memref<1x128xi32, #tpu.memory_space<vmem>> -> memref<128xi32, #tpu.memory_space<vmem>>
      %dma_start3A_39 = arith.constant 0 : i32
      %dma_start3A_40 = arith.constant 0 : i32
      %dma_start3A_41 = tpu.memref_slice %arg11[%dma_start3A_39, %dma_start3A_40] : memref<5888x128xf32, #tpu.memory_space<vmem_shared>> -> memref<5888x128xf32, #tpu.memory_space<vmem_shared>>
      tpu.enqueue_indirect_dma source(%arg9 : memref<128x128xf32, #tpu.memory_space<vmem>>) target(%dma_start3A_41 : memref<5888x128xf32, #tpu.memory_space<vmem_shared>>) offsets(%dma_start3A_38 : memref<128xi32, #tpu.memory_space<vmem>>) semaphore(%run_scoped3A_36 : memref<!tpu.dma_semaphore, #tpu.memory_space<semaphore_mem>>) {add = true}
      %dma_wait3A = arith.constant 0 : i32
      %dma_wait3A_42 = tpu.memref_slice %arg8[%run_scoped3A_20, %dma_wait3A] : memref<6x128xi32, #tpu.memory_space<vmem>> -> memref<1x128xi32, #tpu.memory_space<vmem>>
      %dma_wait3A_43 = tpu.memref_squeeze %dma_wait3A_42 : memref<1x128xi32, #tpu.memory_space<vmem>> -> memref<128xi32, #tpu.memory_space<vmem>>
      %dma_wait3A_44 = arith.constant 0 : i32
      %dma_wait3A_45 = arith.constant 0 : i32
      %dma_wait3A_46 = tpu.memref_slice %arg11[%dma_wait3A_44, %dma_wait3A_45] : memref<5888x128xf32, #tpu.memory_space<vmem_shared>> -> memref<5888x128xf32, #tpu.memory_space<vmem_shared>>
      tpu.wait_indirect_dma semaphore(%run_scoped3A_36 : memref<!tpu.dma_semaphore, #tpu.memory_space<semaphore_mem>>) src(%arg9 : memref<128x128xf32, #tpu.memory_space<vmem>>) dst(%dma_wait3A_46 : memref<5888x128xf32, #tpu.memory_space<vmem_shared>>)
      tpu.yield
    }) : () -> ()
    %run_scoped3A_21 = arith.constant 3 : i32
    "tpu.region"() ({
      %run_scoped3A_36 = tpu.sem_alloc : memref<!tpu.dma_semaphore, #tpu.memory_space<semaphore_mem>>
      %dma_start3A = arith.constant 0 : i32
      %dma_start3A_37 = tpu.memref_slice %arg8[%run_scoped3A_21, %dma_start3A] : memref<6x128xi32, #tpu.memory_space<vmem>> -> memref<1x128xi32, #tpu.memory_space<vmem>>
      %dma_start3A_38 = tpu.memref_squeeze %dma_start3A_37 : memref<1x128xi32, #tpu.memory_space<vmem>> -> memref<128xi32, #tpu.memory_space<vmem>>
      %dma_start3A_39 = arith.constant 0 : i32
      %dma_start3A_40 = arith.constant 0 : i32
      %dma_start3A_41 = tpu.memref_slice %arg12[%dma_start3A_39, %dma_start3A_40] : memref<5888x128xf32, #tpu.memory_space<vmem_shared>> -> memref<5888x128xf32, #tpu.memory_space<vmem_shared>>
      tpu.enqueue_indirect_dma source(%arg10 : memref<128x128xf32, #tpu.memory_space<vmem>>) target(%dma_start3A_41 : memref<5888x128xf32, #tpu.memory_space<vmem_shared>>) offsets(%dma_start3A_38 : memref<128xi32, #tpu.memory_space<vmem>>) semaphore(%run_scoped3A_36 : memref<!tpu.dma_semaphore, #tpu.memory_space<semaphore_mem>>) {add = true}
      %dma_wait3A = arith.constant 0 : i32
      %dma_wait3A_42 = tpu.memref_slice %arg8[%run_scoped3A_21, %dma_wait3A] : memref<6x128xi32, #tpu.memory_space<vmem>> -> memref<1x128xi32, #tpu.memory_space<vmem>>
      %dma_wait3A_43 = tpu.memref_squeeze %dma_wait3A_42 : memref<1x128xi32, #tpu.memory_space<vmem>> -> memref<128xi32, #tpu.memory_space<vmem>>
      %dma_wait3A_44 = arith.constant 0 : i32
      %dma_wait3A_45 = arith.constant 0 : i32
      %dma_wait3A_46 = tpu.memref_slice %arg12[%dma_wait3A_44, %dma_wait3A_45] : memref<5888x128xf32, #tpu.memory_space<vmem_shared>> -> memref<5888x128xf32, #tpu.memory_space<vmem_shared>>
      tpu.wait_indirect_dma semaphore(%run_scoped3A_36 : memref<!tpu.dma_semaphore, #tpu.memory_space<semaphore_mem>>) src(%arg10 : memref<128x128xf32, #tpu.memory_space<vmem>>) dst(%dma_wait3A_46 : memref<5888x128xf32, #tpu.memory_space<vmem_shared>>)
      tpu.yield
    }) : () -> ()
    %add3A_22 = arith.constant 512 : i32
    %add3A_23 = arith.addi %mul3A_6, %add3A_22 : i32
    "tpu.region"() ({
      %run_scoped3A_36 = tpu.sem_alloc : memref<!tpu.dma_semaphore, #tpu.memory_space<semaphore_mem>>
      %dma_start3A = arith.constant 0 : i32
      %dma_start3A_37 = tpu.memref_slice %arg2[%add3A_23, %dma_start3A] : memref<24576x128xf32, #tpu.memory_space<hbm>> -> memref<128x128xf32, #tpu.memory_space<hbm>>
      %dma_start3A_38 = arith.constant 0 : i32
      %dma_start3A_39 = tpu.memref_slice %arg2[%add3A_23, %dma_start3A_38] : memref<24576x128xf32, #tpu.memory_space<hbm>> -> memref<128x128xf32, #tpu.memory_space<hbm>>
      tpu.enqueue_dma source(%dma_start3A_39 : memref<128x128xf32, #tpu.memory_space<hbm>>) target(%arg9 : memref<128x128xf32, #tpu.memory_space<vmem>>) target_semaphore(%run_scoped3A_36 : memref<!tpu.dma_semaphore, #tpu.memory_space<semaphore_mem>>)
      %dma_wait3A = arith.constant 0 : i32
      %dma_wait3A_40 = tpu.memref_slice %arg2[%add3A_23, %dma_wait3A] : memref<24576x128xf32, #tpu.memory_space<hbm>> -> memref<128x128xf32, #tpu.memory_space<hbm>>
      %dma_wait3A_41 = arith.constant 0 : i32
      %dma_wait3A_42 = tpu.memref_slice %arg2[%add3A_23, %dma_wait3A_41] : memref<24576x128xf32, #tpu.memory_space<hbm>> -> memref<128x128xf32, #tpu.memory_space<hbm>>
      tpu.wait_dma2 semaphore(%run_scoped3A_36 : memref<!tpu.dma_semaphore, #tpu.memory_space<semaphore_mem>>) src(%dma_wait3A_42 : memref<128x128xf32, #tpu.memory_space<hbm>>) dst(%arg9 : memref<128x128xf32, #tpu.memory_space<vmem>>)
      tpu.yield
    }) : () -> ()
    "tpu.region"() ({
      %run_scoped3A_36 = tpu.sem_alloc : memref<!tpu.dma_semaphore, #tpu.memory_space<semaphore_mem>>
      %dma_start3A = arith.constant 0 : i32
      %dma_start3A_37 = tpu.memref_slice %arg3[%add3A_23, %dma_start3A] : memref<24576x128xf32, #tpu.memory_space<hbm>> -> memref<128x128xf32, #tpu.memory_space<hbm>>
      %dma_start3A_38 = arith.constant 0 : i32
      %dma_start3A_39 = tpu.memref_slice %arg3[%add3A_23, %dma_start3A_38] : memref<24576x128xf32, #tpu.memory_space<hbm>> -> memref<128x128xf32, #tpu.memory_space<hbm>>
      tpu.enqueue_dma source(%dma_start3A_39 : memref<128x128xf32, #tpu.memory_space<hbm>>) target(%arg10 : memref<128x128xf32, #tpu.memory_space<vmem>>) target_semaphore(%run_scoped3A_36 : memref<!tpu.dma_semaphore, #tpu.memory_space<semaphore_mem>>)
      %dma_wait3A = arith.constant 0 : i32
      %dma_wait3A_40 = tpu.memref_slice %arg3[%add3A_23, %dma_wait3A] : memref<24576x128xf32, #tpu.memory_space<hbm>> -> memref<128x128xf32, #tpu.memory_space<hbm>>
      %dma_wait3A_41 = arith.constant 0 : i32
      %dma_wait3A_42 = tpu.memref_slice %arg3[%add3A_23, %dma_wait3A_41] : memref<24576x128xf32, #tpu.memory_space<hbm>> -> memref<128x128xf32, #tpu.memory_space<hbm>>
      tpu.wait_dma2 semaphore(%run_scoped3A_36 : memref<!tpu.dma_semaphore, #tpu.memory_space<semaphore_mem>>) src(%dma_wait3A_42 : memref<128x128xf32, #tpu.memory_space<hbm>>) dst(%arg10 : memref<128x128xf32, #tpu.memory_space<vmem>>)
      tpu.yield
    }) : () -> ()
    %run_scoped3A_24 = arith.constant 4 : i32
    "tpu.region"() ({
      %run_scoped3A_36 = tpu.sem_alloc : memref<!tpu.dma_semaphore, #tpu.memory_space<semaphore_mem>>
      %dma_start3A = arith.constant 0 : i32
      %dma_start3A_37 = tpu.memref_slice %arg8[%run_scoped3A_24, %dma_start3A] : memref<6x128xi32, #tpu.memory_space<vmem>> -> memref<1x128xi32, #tpu.memory_space<vmem>>
      %dma_start3A_38 = tpu.memref_squeeze %dma_start3A_37 : memref<1x128xi32, #tpu.memory_space<vmem>> -> memref<128xi32, #tpu.memory_space<vmem>>
      %dma_start3A_39 = arith.constant 0 : i32
      %dma_start3A_40 = arith.constant 0 : i32
      %dma_start3A_41 = tpu.memref_slice %arg11[%dma_start3A_39, %dma_start3A_40] : memref<5888x128xf32, #tpu.memory_space<vmem_shared>> -> memref<5888x128xf32, #tpu.memory_space<vmem_shared>>
      tpu.enqueue_indirect_dma source(%arg9 : memref<128x128xf32, #tpu.memory_space<vmem>>) target(%dma_start3A_41 : memref<5888x128xf32, #tpu.memory_space<vmem_shared>>) offsets(%dma_start3A_38 : memref<128xi32, #tpu.memory_space<vmem>>) semaphore(%run_scoped3A_36 : memref<!tpu.dma_semaphore, #tpu.memory_space<semaphore_mem>>) {add = true}
      %dma_wait3A = arith.constant 0 : i32
      %dma_wait3A_42 = tpu.memref_slice %arg8[%run_scoped3A_24, %dma_wait3A] : memref<6x128xi32, #tpu.memory_space<vmem>> -> memref<1x128xi32, #tpu.memory_space<vmem>>
      %dma_wait3A_43 = tpu.memref_squeeze %dma_wait3A_42 : memref<1x128xi32, #tpu.memory_space<vmem>> -> memref<128xi32, #tpu.memory_space<vmem>>
      %dma_wait3A_44 = arith.constant 0 : i32
      %dma_wait3A_45 = arith.constant 0 : i32
      %dma_wait3A_46 = tpu.memref_slice %arg11[%dma_wait3A_44, %dma_wait3A_45] : memref<5888x128xf32, #tpu.memory_space<vmem_shared>> -> memref<5888x128xf32, #tpu.memory_space<vmem_shared>>
      tpu.wait_indirect_dma semaphore(%run_scoped3A_36 : memref<!tpu.dma_semaphore, #tpu.memory_space<semaphore_mem>>) src(%arg9 : memref<128x128xf32, #tpu.memory_space<vmem>>) dst(%dma_wait3A_46 : memref<5888x128xf32, #tpu.memory_space<vmem_shared>>)
      tpu.yield
    }) : () -> ()
    %run_scoped3A_25 = arith.constant 4 : i32
    "tpu.region"() ({
      %run_scoped3A_36 = tpu.sem_alloc : memref<!tpu.dma_semaphore, #tpu.memory_space<semaphore_mem>>
      %dma_start3A = arith.constant 0 : i32
      %dma_start3A_37 = tpu.memref_slice %arg8[%run_scoped3A_25, %dma_start3A] : memref<6x128xi32, #tpu.memory_space<vmem>> -> memref<1x128xi32, #tpu.memory_space<vmem>>
      %dma_start3A_38 = tpu.memref_squeeze %dma_start3A_37 : memref<1x128xi32, #tpu.memory_space<vmem>> -> memref<128xi32, #tpu.memory_space<vmem>>
      %dma_start3A_39 = arith.constant 0 : i32
      %dma_start3A_40 = arith.constant 0 : i32
      %dma_start3A_41 = tpu.memref_slice %arg12[%dma_start3A_39, %dma_start3A_40] : memref<5888x128xf32, #tpu.memory_space<vmem_shared>> -> memref<5888x128xf32, #tpu.memory_space<vmem_shared>>
      tpu.enqueue_indirect_dma source(%arg10 : memref<128x128xf32, #tpu.memory_space<vmem>>) target(%dma_start3A_41 : memref<5888x128xf32, #tpu.memory_space<vmem_shared>>) offsets(%dma_start3A_38 : memref<128xi32, #tpu.memory_space<vmem>>) semaphore(%run_scoped3A_36 : memref<!tpu.dma_semaphore, #tpu.memory_space<semaphore_mem>>) {add = true}
      %dma_wait3A = arith.constant 0 : i32
      %dma_wait3A_42 = tpu.memref_slice %arg8[%run_scoped3A_25, %dma_wait3A] : memref<6x128xi32, #tpu.memory_space<vmem>> -> memref<1x128xi32, #tpu.memory_space<vmem>>
      %dma_wait3A_43 = tpu.memref_squeeze %dma_wait3A_42 : memref<1x128xi32, #tpu.memory_space<vmem>> -> memref<128xi32, #tpu.memory_space<vmem>>
      %dma_wait3A_44 = arith.constant 0 : i32
      %dma_wait3A_45 = arith.constant 0 : i32
      %dma_wait3A_46 = tpu.memref_slice %arg12[%dma_wait3A_44, %dma_wait3A_45] : memref<5888x128xf32, #tpu.memory_space<vmem_shared>> -> memref<5888x128xf32, #tpu.memory_space<vmem_shared>>
      tpu.wait_indirect_dma semaphore(%run_scoped3A_36 : memref<!tpu.dma_semaphore, #tpu.memory_space<semaphore_mem>>) src(%arg10 : memref<128x128xf32, #tpu.memory_space<vmem>>) dst(%dma_wait3A_46 : memref<5888x128xf32, #tpu.memory_space<vmem_shared>>)
      tpu.yield
    }) : () -> ()
    %add3A_26 = arith.constant 640 : i32
    %add3A_27 = arith.addi %mul3A_6, %add3A_26 : i32
    "tpu.region"() ({
      %run_scoped3A_36 = tpu.sem_alloc : memref<!tpu.dma_semaphore, #tpu.memory_space<semaphore_mem>>
      %dma_start3A = arith.constant 0 : i32
      %dma_start3A_37 = tpu.memref_slice %arg2[%add3A_27, %dma_start3A] : memref<24576x128xf32, #tpu.memory_space<hbm>> -> memref<128x128xf32, #tpu.memory_space<hbm>>
      %dma_start3A_38 = arith.constant 0 : i32
      %dma_start3A_39 = tpu.memref_slice %arg2[%add3A_27, %dma_start3A_38] : memref<24576x128xf32, #tpu.memory_space<hbm>> -> memref<128x128xf32, #tpu.memory_space<hbm>>
      tpu.enqueue_dma source(%dma_start3A_39 : memref<128x128xf32, #tpu.memory_space<hbm>>) target(%arg9 : memref<128x128xf32, #tpu.memory_space<vmem>>) target_semaphore(%run_scoped3A_36 : memref<!tpu.dma_semaphore, #tpu.memory_space<semaphore_mem>>)
      %dma_wait3A = arith.constant 0 : i32
      %dma_wait3A_40 = tpu.memref_slice %arg2[%add3A_27, %dma_wait3A] : memref<24576x128xf32, #tpu.memory_space<hbm>> -> memref<128x128xf32, #tpu.memory_space<hbm>>
      %dma_wait3A_41 = arith.constant 0 : i32
      %dma_wait3A_42 = tpu.memref_slice %arg2[%add3A_27, %dma_wait3A_41] : memref<24576x128xf32, #tpu.memory_space<hbm>> -> memref<128x128xf32, #tpu.memory_space<hbm>>
      tpu.wait_dma2 semaphore(%run_scoped3A_36 : memref<!tpu.dma_semaphore, #tpu.memory_space<semaphore_mem>>) src(%dma_wait3A_42 : memref<128x128xf32, #tpu.memory_space<hbm>>) dst(%arg9 : memref<128x128xf32, #tpu.memory_space<vmem>>)
      tpu.yield
    }) : () -> ()
    "tpu.region"() ({
      %run_scoped3A_36 = tpu.sem_alloc : memref<!tpu.dma_semaphore, #tpu.memory_space<semaphore_mem>>
      %dma_start3A = arith.constant 0 : i32
      %dma_start3A_37 = tpu.memref_slice %arg3[%add3A_27, %dma_start3A] : memref<24576x128xf32, #tpu.memory_space<hbm>> -> memref<128x128xf32, #tpu.memory_space<hbm>>
      %dma_start3A_38 = arith.constant 0 : i32
      %dma_start3A_39 = tpu.memref_slice %arg3[%add3A_27, %dma_start3A_38] : memref<24576x128xf32, #tpu.memory_space<hbm>> -> memref<128x128xf32, #tpu.memory_space<hbm>>
      tpu.enqueue_dma source(%dma_start3A_39 : memref<128x128xf32, #tpu.memory_space<hbm>>) target(%arg10 : memref<128x128xf32, #tpu.memory_space<vmem>>) target_semaphore(%run_scoped3A_36 : memref<!tpu.dma_semaphore, #tpu.memory_space<semaphore_mem>>)
      %dma_wait3A = arith.constant 0 : i32
      %dma_wait3A_40 = tpu.memref_slice %arg3[%add3A_27, %dma_wait3A] : memref<24576x128xf32, #tpu.memory_space<hbm>> -> memref<128x128xf32, #tpu.memory_space<hbm>>
      %dma_wait3A_41 = arith.constant 0 : i32
      %dma_wait3A_42 = tpu.memref_slice %arg3[%add3A_27, %dma_wait3A_41] : memref<24576x128xf32, #tpu.memory_space<hbm>> -> memref<128x128xf32, #tpu.memory_space<hbm>>
      tpu.wait_dma2 semaphore(%run_scoped3A_36 : memref<!tpu.dma_semaphore, #tpu.memory_space<semaphore_mem>>) src(%dma_wait3A_42 : memref<128x128xf32, #tpu.memory_space<hbm>>) dst(%arg10 : memref<128x128xf32, #tpu.memory_space<vmem>>)
      tpu.yield
    }) : () -> ()
    %run_scoped3A_28 = arith.constant 5 : i32
    "tpu.region"() ({
      %run_scoped3A_36 = tpu.sem_alloc : memref<!tpu.dma_semaphore, #tpu.memory_space<semaphore_mem>>
      %dma_start3A = arith.constant 0 : i32
      %dma_start3A_37 = tpu.memref_slice %arg8[%run_scoped3A_28, %dma_start3A] : memref<6x128xi32, #tpu.memory_space<vmem>> -> memref<1x128xi32, #tpu.memory_space<vmem>>
      %dma_start3A_38 = tpu.memref_squeeze %dma_start3A_37 : memref<1x128xi32, #tpu.memory_space<vmem>> -> memref<128xi32, #tpu.memory_space<vmem>>
      %dma_start3A_39 = arith.constant 0 : i32
      %dma_start3A_40 = arith.constant 0 : i32
      %dma_start3A_41 = tpu.memref_slice %arg11[%dma_start3A_39, %dma_start3A_40] : memref<5888x128xf32, #tpu.memory_space<vmem_shared>> -> memref<5888x128xf32, #tpu.memory_space<vmem_shared>>
      tpu.enqueue_indirect_dma source(%arg9 : memref<128x128xf32, #tpu.memory_space<vmem>>) target(%dma_start3A_41 : memref<5888x128xf32, #tpu.memory_space<vmem_shared>>) offsets(%dma_start3A_38 : memref<128xi32, #tpu.memory_space<vmem>>) semaphore(%run_scoped3A_36 : memref<!tpu.dma_semaphore, #tpu.memory_space<semaphore_mem>>) {add = true}
      %dma_wait3A = arith.constant 0 : i32
      %dma_wait3A_42 = tpu.memref_slice %arg8[%run_scoped3A_28, %dma_wait3A] : memref<6x128xi32, #tpu.memory_space<vmem>> -> memref<1x128xi32, #tpu.memory_space<vmem>>
      %dma_wait3A_43 = tpu.memref_squeeze %dma_wait3A_42 : memref<1x128xi32, #tpu.memory_space<vmem>> -> memref<128xi32, #tpu.memory_space<vmem>>
      %dma_wait3A_44 = arith.constant 0 : i32
      %dma_wait3A_45 = arith.constant 0 : i32
      %dma_wait3A_46 = tpu.memref_slice %arg11[%dma_wait3A_44, %dma_wait3A_45] : memref<5888x128xf32, #tpu.memory_space<vmem_shared>> -> memref<5888x128xf32, #tpu.memory_space<vmem_shared>>
      tpu.wait_indirect_dma semaphore(%run_scoped3A_36 : memref<!tpu.dma_semaphore, #tpu.memory_space<semaphore_mem>>) src(%arg9 : memref<128x128xf32, #tpu.memory_space<vmem>>) dst(%dma_wait3A_46 : memref<5888x128xf32, #tpu.memory_space<vmem_shared>>)
      tpu.yield
    }) : () -> ()
    %run_scoped3A_29 = arith.constant 5 : i32
    "tpu.region"() ({
      %run_scoped3A_36 = tpu.sem_alloc : memref<!tpu.dma_semaphore, #tpu.memory_space<semaphore_mem>>
      %dma_start3A = arith.constant 0 : i32
      %dma_start3A_37 = tpu.memref_slice %arg8[%run_scoped3A_29, %dma_start3A] : memref<6x128xi32, #tpu.memory_space<vmem>> -> memref<1x128xi32, #tpu.memory_space<vmem>>
      %dma_start3A_38 = tpu.memref_squeeze %dma_start3A_37 : memref<1x128xi32, #tpu.memory_space<vmem>> -> memref<128xi32, #tpu.memory_space<vmem>>
      %dma_start3A_39 = arith.constant 0 : i32
      %dma_start3A_40 = arith.constant 0 : i32
      %dma_start3A_41 = tpu.memref_slice %arg12[%dma_start3A_39, %dma_start3A_40] : memref<5888x128xf32, #tpu.memory_space<vmem_shared>> -> memref<5888x128xf32, #tpu.memory_space<vmem_shared>>
      tpu.enqueue_indirect_dma source(%arg10 : memref<128x128xf32, #tpu.memory_space<vmem>>) target(%dma_start3A_41 : memref<5888x128xf32, #tpu.memory_space<vmem_shared>>) offsets(%dma_start3A_38 : memref<128xi32, #tpu.memory_space<vmem>>) semaphore(%run_scoped3A_36 : memref<!tpu.dma_semaphore, #tpu.memory_space<semaphore_mem>>) {add = true}
      %dma_wait3A = arith.constant 0 : i32
      %dma_wait3A_42 = tpu.memref_slice %arg8[%run_scoped3A_29, %dma_wait3A] : memref<6x128xi32, #tpu.memory_space<vmem>> -> memref<1x128xi32, #tpu.memory_space<vmem>>
      %dma_wait3A_43 = tpu.memref_squeeze %dma_wait3A_42 : memref<1x128xi32, #tpu.memory_space<vmem>> -> memref<128xi32, #tpu.memory_space<vmem>>
      %dma_wait3A_44 = arith.constant 0 : i32
      %dma_wait3A_45 = arith.constant 0 : i32
      %dma_wait3A_46 = tpu.memref_slice %arg12[%dma_wait3A_44, %dma_wait3A_45] : memref<5888x128xf32, #tpu.memory_space<vmem_shared>> -> memref<5888x128xf32, #tpu.memory_space<vmem_shared>>
      tpu.wait_indirect_dma semaphore(%run_scoped3A_36 : memref<!tpu.dma_semaphore, #tpu.memory_space<semaphore_mem>>) src(%arg10 : memref<128x128xf32, #tpu.memory_space<vmem>>) dst(%dma_wait3A_46 : memref<5888x128xf32, #tpu.memory_space<vmem_shared>>)
      tpu.yield
    }) : () -> ()
    %barrier3A_30 = arith.constant 0 : index
    tpu.barrier barrier_id(%barrier3A_30)
    %mul3A_31 = arith.constant 5888 : i32
    %mul3A_32 = arith.muli %arg0, %mul3A_31 : i32
    %mul3A_33 = arith.constant 368 : i32
    %mul3A_34 = arith.muli %arg1, %mul3A_33 : i32
    %add3A_35 = arith.addi %mul3A_32, %mul3A_34 : i32
    "tpu.region"() ({
      %run_scoped3A_36 = tpu.sem_alloc : memref<!tpu.dma_semaphore, #tpu.memory_space<semaphore_mem>>
      %dma_start3A = arith.constant 0 : i32
      %dma_start3A_37 = tpu.memref_slice %arg6[%add3A_35, %dma_start3A] : memref<11776x128xf32, #tpu.memory_space<hbm>> -> memref<368x128xf32, #tpu.memory_space<hbm>>
      %dma_start3A_38 = arith.constant 0 : i32
      %dma_start3A_39 = tpu.memref_slice %arg11[%mul3A_2, %dma_start3A_38] : memref<5888x128xf32, #tpu.memory_space<vmem_shared>> -> memref<368x128xf32, #tpu.memory_space<vmem_shared>>
      tpu.enqueue_dma source(%dma_start3A_39 : memref<368x128xf32, #tpu.memory_space<vmem_shared>>) target(%dma_start3A_37 : memref<368x128xf32, #tpu.memory_space<hbm>>) target_semaphore(%run_scoped3A_36 : memref<!tpu.dma_semaphore, #tpu.memory_space<semaphore_mem>>)
      %dma_wait3A = arith.constant 0 : i32
      %dma_wait3A_40 = tpu.memref_slice %arg6[%add3A_35, %dma_wait3A] : memref<11776x128xf32, #tpu.memory_space<hbm>> -> memref<368x128xf32, #tpu.memory_space<hbm>>
      %dma_wait3A_41 = arith.constant 0 : i32
      %dma_wait3A_42 = tpu.memref_slice %arg11[%mul3A_2, %dma_wait3A_41] : memref<5888x128xf32, #tpu.memory_space<vmem_shared>> -> memref<368x128xf32, #tpu.memory_space<vmem_shared>>
      tpu.wait_dma2 semaphore(%run_scoped3A_36 : memref<!tpu.dma_semaphore, #tpu.memory_space<semaphore_mem>>) src(%dma_wait3A_42 : memref<368x128xf32, #tpu.memory_space<vmem_shared>>) dst(%dma_wait3A_40 : memref<368x128xf32, #tpu.memory_space<hbm>>)
      tpu.yield
    }) : () -> ()
    "tpu.region"() ({
      %run_scoped3A_36 = tpu.sem_alloc : memref<!tpu.dma_semaphore, #tpu.memory_space<semaphore_mem>>
      %dma_start3A = arith.constant 0 : i32
      %dma_start3A_37 = tpu.memref_slice %arg7[%add3A_35, %dma_start3A] : memref<11776x128xf32, #tpu.memory_space<hbm>> -> memref<368x128xf32, #tpu.memory_space<hbm>>
      %dma_start3A_38 = arith.constant 0 : i32
      %dma_start3A_39 = tpu.memref_slice %arg12[%mul3A_2, %dma_start3A_38] : memref<5888x128xf32, #tpu.memory_space<vmem_shared>> -> memref<368x128xf32, #tpu.memory_space<vmem_shared>>
      tpu.enqueue_dma source(%dma_start3A_39 : memref<368x128xf32, #tpu.memory_space<vmem_shared>>) target(%dma_start3A_37 : memref<368x128xf32, #tpu.memory_space<hbm>>) target_semaphore(%run_scoped3A_36 : memref<!tpu.dma_semaphore, #tpu.memory_space<semaphore_mem>>)
      %dma_wait3A = arith.constant 0 : i32
      %dma_wait3A_40 = tpu.memref_slice %arg7[%add3A_35, %dma_wait3A] : memref<11776x128xf32, #tpu.memory_space<hbm>> -> memref<368x128xf32, #tpu.memory_space<hbm>>
      %dma_wait3A_41 = arith.constant 0 : i32
      %dma_wait3A_42 = tpu.memref_slice %arg12[%mul3A_2, %dma_wait3A_41] : memref<5888x128xf32, #tpu.memory_space<vmem_shared>> -> memref<368x128xf32, #tpu.memory_space<vmem_shared>>
      tpu.wait_dma2 semaphore(%run_scoped3A_36 : memref<!tpu.dma_semaphore, #tpu.memory_space<semaphore_mem>>) src(%dma_wait3A_42 : memref<368x128xf32, #tpu.memory_space<vmem_shared>>) dst(%dma_wait3A_40 : memref<368x128xf32, #tpu.memory_space<hbm>>)
      tpu.yield
    }) : () -> ()
    return
  }
}

#map = affine_map<(d0, d1) -> (0, 0)>
#map1 = affine_map<(d0, d1) -> (0, 0, 0)>
module attributes {stable_mosaic.version = 14 : i64} {
  func.func @_scatter_body(%arg0: i32, %arg1: i32, %arg2: memref<40960x128xf32, #tpu.memory_space<hbm>>, %arg3: memref<40960x128xf32, #tpu.memory_space<hbm>>, %arg4: memref<32x10x128xi32, #tpu.memory_space<hbm>>, %arg5: memref<5888x128xf32, #tpu.memory_space<hbm>>, %arg6: memref<11776x128xf32, #tpu.memory_space<hbm>>, %arg7: memref<11776x128xf32, #tpu.memory_space<hbm>>, %arg8: memref<10x128xi32, #tpu.memory_space<vmem>>, %arg9: memref<128x128xf32, #tpu.memory_space<vmem>>, %arg10: memref<128x128xf32, #tpu.memory_space<vmem>>, %arg11: memref<5888x128xf32, #tpu.memory_space<vmem_shared>>, %arg12: memref<5888x128xf32, #tpu.memory_space<vmem_shared>>) attributes {dimension_semantics = [#tpu.dimension_semantics<core_parallel>, #tpu.dimension_semantics<subcore_parallel>], iteration_bounds = array<i64: 2, 16>, scalar_prefetch = 0 : i64, scratch_operands = 5 : i64, tpu.core_type = #tpu.core_type<sc_vector_subcore>, window_params = [{transform_indices = #map}, {transform_indices = #map}, {transform_indices = #map1}, {transform_indices = #map}, {transform_indices = #map}, {transform_indices = #map}]} {
    %mul3A = arith.constant 16 : i32
    %mul3A_0 = arith.muli %arg0, %mul3A : i32
    %add3A = arith.addi %mul3A_0, %arg1 : i32
    %mul3A_1 = arith.constant 368 : i32
    %mul3A_2 = arith.muli %arg1, %mul3A_1 : i32
    "tpu.region"() ({
      %run_scoped3A_52 = tpu.sem_alloc : memref<!tpu.dma_semaphore, #tpu.memory_space<semaphore_mem>>
      %dma_start3A = arith.constant 0 : i32
      %dma_start3A_53 = tpu.memref_slice %arg11[%mul3A_2, %dma_start3A] : memref<5888x128xf32, #tpu.memory_space<vmem_shared>> -> memref<368x128xf32, #tpu.memory_space<vmem_shared>>
      %dma_start3A_54 = arith.constant 0 : i32
      %dma_start3A_55 = tpu.memref_slice %arg5[%mul3A_2, %dma_start3A_54] : memref<5888x128xf32, #tpu.memory_space<hbm>> -> memref<368x128xf32, #tpu.memory_space<hbm>>
      tpu.enqueue_dma source(%dma_start3A_55 : memref<368x128xf32, #tpu.memory_space<hbm>>) target(%dma_start3A_53 : memref<368x128xf32, #tpu.memory_space<vmem_shared>>) target_semaphore(%run_scoped3A_52 : memref<!tpu.dma_semaphore, #tpu.memory_space<semaphore_mem>>)
      %dma_wait3A = arith.constant 0 : i32
      %dma_wait3A_56 = tpu.memref_slice %arg11[%mul3A_2, %dma_wait3A] : memref<5888x128xf32, #tpu.memory_space<vmem_shared>> -> memref<368x128xf32, #tpu.memory_space<vmem_shared>>
      %dma_wait3A_57 = arith.constant 0 : i32
      %dma_wait3A_58 = tpu.memref_slice %arg5[%mul3A_2, %dma_wait3A_57] : memref<5888x128xf32, #tpu.memory_space<hbm>> -> memref<368x128xf32, #tpu.memory_space<hbm>>
      tpu.wait_dma2 semaphore(%run_scoped3A_52 : memref<!tpu.dma_semaphore, #tpu.memory_space<semaphore_mem>>) src(%dma_wait3A_58 : memref<368x128xf32, #tpu.memory_space<hbm>>) dst(%dma_wait3A_56 : memref<368x128xf32, #tpu.memory_space<vmem_shared>>)
      tpu.yield
    }) : () -> ()
    "tpu.region"() ({
      %run_scoped3A_52 = tpu.sem_alloc : memref<!tpu.dma_semaphore, #tpu.memory_space<semaphore_mem>>
      %dma_start3A = arith.constant 0 : i32
      %dma_start3A_53 = tpu.memref_slice %arg12[%mul3A_2, %dma_start3A] : memref<5888x128xf32, #tpu.memory_space<vmem_shared>> -> memref<368x128xf32, #tpu.memory_space<vmem_shared>>
      %dma_start3A_54 = arith.constant 0 : i32
      %dma_start3A_55 = tpu.memref_slice %arg5[%mul3A_2, %dma_start3A_54] : memref<5888x128xf32, #tpu.memory_space<hbm>> -> memref<368x128xf32, #tpu.memory_space<hbm>>
      tpu.enqueue_dma source(%dma_start3A_55 : memref<368x128xf32, #tpu.memory_space<hbm>>) target(%dma_start3A_53 : memref<368x128xf32, #tpu.memory_space<vmem_shared>>) target_semaphore(%run_scoped3A_52 : memref<!tpu.dma_semaphore, #tpu.memory_space<semaphore_mem>>)
      %dma_wait3A = arith.constant 0 : i32
      %dma_wait3A_56 = tpu.memref_slice %arg12[%mul3A_2, %dma_wait3A] : memref<5888x128xf32, #tpu.memory_space<vmem_shared>> -> memref<368x128xf32, #tpu.memory_space<vmem_shared>>
      %dma_wait3A_57 = arith.constant 0 : i32
      %dma_wait3A_58 = tpu.memref_slice %arg5[%mul3A_2, %dma_wait3A_57] : memref<5888x128xf32, #tpu.memory_space<hbm>> -> memref<368x128xf32, #tpu.memory_space<hbm>>
      tpu.wait_dma2 semaphore(%run_scoped3A_52 : memref<!tpu.dma_semaphore, #tpu.memory_space<semaphore_mem>>) src(%dma_wait3A_58 : memref<368x128xf32, #tpu.memory_space<hbm>>) dst(%dma_wait3A_56 : memref<368x128xf32, #tpu.memory_space<vmem_shared>>)
      tpu.yield
    }) : () -> ()
    %barrier3A = arith.constant 0 : index
    tpu.barrier barrier_id(%barrier3A)
    %mul3A_3 = arith.constant 10 : i32
    %mul3A_4 = arith.muli %add3A, %mul3A_3 : i32
    %mul3A_5 = arith.constant 128 : i32
    %mul3A_6 = arith.muli %mul3A_4, %mul3A_5 : i32
    "tpu.region"() ({
      %run_scoped3A_52 = tpu.sem_alloc : memref<!tpu.dma_semaphore, #tpu.memory_space<semaphore_mem>>
      %dma_start3A = arith.constant 0 : i32
      %dma_start3A_53 = arith.constant 0 : i32
      %dma_start3A_54 = tpu.memref_slice %arg4[%add3A, %dma_start3A, %dma_start3A_53] : memref<32x10x128xi32, #tpu.memory_space<hbm>> -> memref<1x10x128xi32, #tpu.memory_space<hbm>>
      %dma_start3A_55 = tpu.memref_squeeze %dma_start3A_54 : memref<1x10x128xi32, #tpu.memory_space<hbm>> -> memref<10x128xi32, #tpu.memory_space<hbm>>
      %dma_start3A_56 = arith.constant 0 : i32
      %dma_start3A_57 = arith.constant 0 : i32
      %dma_start3A_58 = tpu.memref_slice %arg4[%add3A, %dma_start3A_56, %dma_start3A_57] : memref<32x10x128xi32, #tpu.memory_space<hbm>> -> memref<1x10x128xi32, #tpu.memory_space<hbm>>
      %dma_start3A_59 = tpu.memref_squeeze %dma_start3A_58 : memref<1x10x128xi32, #tpu.memory_space<hbm>> -> memref<10x128xi32, #tpu.memory_space<hbm>>
      tpu.enqueue_dma source(%dma_start3A_59 : memref<10x128xi32, #tpu.memory_space<hbm>>) target(%arg8 : memref<10x128xi32, #tpu.memory_space<vmem>>) target_semaphore(%run_scoped3A_52 : memref<!tpu.dma_semaphore, #tpu.memory_space<semaphore_mem>>)
      %dma_wait3A = arith.constant 0 : i32
      %dma_wait3A_60 = arith.constant 0 : i32
      %dma_wait3A_61 = tpu.memref_slice %arg4[%add3A, %dma_wait3A, %dma_wait3A_60] : memref<32x10x128xi32, #tpu.memory_space<hbm>> -> memref<1x10x128xi32, #tpu.memory_space<hbm>>
      %dma_wait3A_62 = tpu.memref_squeeze %dma_wait3A_61 : memref<1x10x128xi32, #tpu.memory_space<hbm>> -> memref<10x128xi32, #tpu.memory_space<hbm>>
      %dma_wait3A_63 = arith.constant 0 : i32
      %dma_wait3A_64 = arith.constant 0 : i32
      %dma_wait3A_65 = tpu.memref_slice %arg4[%add3A, %dma_wait3A_63, %dma_wait3A_64] : memref<32x10x128xi32, #tpu.memory_space<hbm>> -> memref<1x10x128xi32, #tpu.memory_space<hbm>>
      %dma_wait3A_66 = tpu.memref_squeeze %dma_wait3A_65 : memref<1x10x128xi32, #tpu.memory_space<hbm>> -> memref<10x128xi32, #tpu.memory_space<hbm>>
      tpu.wait_dma2 semaphore(%run_scoped3A_52 : memref<!tpu.dma_semaphore, #tpu.memory_space<semaphore_mem>>) src(%dma_wait3A_66 : memref<10x128xi32, #tpu.memory_space<hbm>>) dst(%arg8 : memref<10x128xi32, #tpu.memory_space<vmem>>)
      tpu.yield
    }) : () -> ()
    %add3A_7 = arith.constant 0 : i32
    %add3A_8 = arith.addi %mul3A_6, %add3A_7 : i32
    "tpu.region"() ({
      %run_scoped3A_52 = tpu.sem_alloc : memref<!tpu.dma_semaphore, #tpu.memory_space<semaphore_mem>>
      %dma_start3A = arith.constant 0 : i32
      %dma_start3A_53 = tpu.memref_slice %arg2[%add3A_8, %dma_start3A] : memref<40960x128xf32, #tpu.memory_space<hbm>> -> memref<128x128xf32, #tpu.memory_space<hbm>>
      %dma_start3A_54 = arith.constant 0 : i32
      %dma_start3A_55 = tpu.memref_slice %arg2[%add3A_8, %dma_start3A_54] : memref<40960x128xf32, #tpu.memory_space<hbm>> -> memref<128x128xf32, #tpu.memory_space<hbm>>
      tpu.enqueue_dma source(%dma_start3A_55 : memref<128x128xf32, #tpu.memory_space<hbm>>) target(%arg9 : memref<128x128xf32, #tpu.memory_space<vmem>>) target_semaphore(%run_scoped3A_52 : memref<!tpu.dma_semaphore, #tpu.memory_space<semaphore_mem>>)
      %dma_wait3A = arith.constant 0 : i32
      %dma_wait3A_56 = tpu.memref_slice %arg2[%add3A_8, %dma_wait3A] : memref<40960x128xf32, #tpu.memory_space<hbm>> -> memref<128x128xf32, #tpu.memory_space<hbm>>
      %dma_wait3A_57 = arith.constant 0 : i32
      %dma_wait3A_58 = tpu.memref_slice %arg2[%add3A_8, %dma_wait3A_57] : memref<40960x128xf32, #tpu.memory_space<hbm>> -> memref<128x128xf32, #tpu.memory_space<hbm>>
      tpu.wait_dma2 semaphore(%run_scoped3A_52 : memref<!tpu.dma_semaphore, #tpu.memory_space<semaphore_mem>>) src(%dma_wait3A_58 : memref<128x128xf32, #tpu.memory_space<hbm>>) dst(%arg9 : memref<128x128xf32, #tpu.memory_space<vmem>>)
      tpu.yield
    }) : () -> ()
    "tpu.region"() ({
      %run_scoped3A_52 = tpu.sem_alloc : memref<!tpu.dma_semaphore, #tpu.memory_space<semaphore_mem>>
      %dma_start3A = arith.constant 0 : i32
      %dma_start3A_53 = tpu.memref_slice %arg3[%add3A_8, %dma_start3A] : memref<40960x128xf32, #tpu.memory_space<hbm>> -> memref<128x128xf32, #tpu.memory_space<hbm>>
      %dma_start3A_54 = arith.constant 0 : i32
      %dma_start3A_55 = tpu.memref_slice %arg3[%add3A_8, %dma_start3A_54] : memref<40960x128xf32, #tpu.memory_space<hbm>> -> memref<128x128xf32, #tpu.memory_space<hbm>>
      tpu.enqueue_dma source(%dma_start3A_55 : memref<128x128xf32, #tpu.memory_space<hbm>>) target(%arg10 : memref<128x128xf32, #tpu.memory_space<vmem>>) target_semaphore(%run_scoped3A_52 : memref<!tpu.dma_semaphore, #tpu.memory_space<semaphore_mem>>)
      %dma_wait3A = arith.constant 0 : i32
      %dma_wait3A_56 = tpu.memref_slice %arg3[%add3A_8, %dma_wait3A] : memref<40960x128xf32, #tpu.memory_space<hbm>> -> memref<128x128xf32, #tpu.memory_space<hbm>>
      %dma_wait3A_57 = arith.constant 0 : i32
      %dma_wait3A_58 = tpu.memref_slice %arg3[%add3A_8, %dma_wait3A_57] : memref<40960x128xf32, #tpu.memory_space<hbm>> -> memref<128x128xf32, #tpu.memory_space<hbm>>
      tpu.wait_dma2 semaphore(%run_scoped3A_52 : memref<!tpu.dma_semaphore, #tpu.memory_space<semaphore_mem>>) src(%dma_wait3A_58 : memref<128x128xf32, #tpu.memory_space<hbm>>) dst(%arg10 : memref<128x128xf32, #tpu.memory_space<vmem>>)
      tpu.yield
    }) : () -> ()
    %run_scoped3A = arith.constant 0 : i32
    "tpu.region"() ({
      %run_scoped3A_52 = tpu.sem_alloc : memref<!tpu.dma_semaphore, #tpu.memory_space<semaphore_mem>>
      %dma_start3A = arith.constant 0 : i32
      %dma_start3A_53 = tpu.memref_slice %arg8[%run_scoped3A, %dma_start3A] : memref<10x128xi32, #tpu.memory_space<vmem>> -> memref<1x128xi32, #tpu.memory_space<vmem>>
      %dma_start3A_54 = tpu.memref_squeeze %dma_start3A_53 : memref<1x128xi32, #tpu.memory_space<vmem>> -> memref<128xi32, #tpu.memory_space<vmem>>
      %dma_start3A_55 = arith.constant 0 : i32
      %dma_start3A_56 = arith.constant 0 : i32
      %dma_start3A_57 = tpu.memref_slice %arg11[%dma_start3A_55, %dma_start3A_56] : memref<5888x128xf32, #tpu.memory_space<vmem_shared>> -> memref<5888x128xf32, #tpu.memory_space<vmem_shared>>
      tpu.enqueue_indirect_dma source(%arg9 : memref<128x128xf32, #tpu.memory_space<vmem>>) target(%dma_start3A_57 : memref<5888x128xf32, #tpu.memory_space<vmem_shared>>) offsets(%dma_start3A_54 : memref<128xi32, #tpu.memory_space<vmem>>) semaphore(%run_scoped3A_52 : memref<!tpu.dma_semaphore, #tpu.memory_space<semaphore_mem>>) {add = true}
      %dma_wait3A = arith.constant 0 : i32
      %dma_wait3A_58 = tpu.memref_slice %arg8[%run_scoped3A, %dma_wait3A] : memref<10x128xi32, #tpu.memory_space<vmem>> -> memref<1x128xi32, #tpu.memory_space<vmem>>
      %dma_wait3A_59 = tpu.memref_squeeze %dma_wait3A_58 : memref<1x128xi32, #tpu.memory_space<vmem>> -> memref<128xi32, #tpu.memory_space<vmem>>
      %dma_wait3A_60 = arith.constant 0 : i32
      %dma_wait3A_61 = arith.constant 0 : i32
      %dma_wait3A_62 = tpu.memref_slice %arg11[%dma_wait3A_60, %dma_wait3A_61] : memref<5888x128xf32, #tpu.memory_space<vmem_shared>> -> memref<5888x128xf32, #tpu.memory_space<vmem_shared>>
      tpu.wait_indirect_dma semaphore(%run_scoped3A_52 : memref<!tpu.dma_semaphore, #tpu.memory_space<semaphore_mem>>) src(%arg9 : memref<128x128xf32, #tpu.memory_space<vmem>>) dst(%dma_wait3A_62 : memref<5888x128xf32, #tpu.memory_space<vmem_shared>>)
      tpu.yield
    }) : () -> ()
    %run_scoped3A_9 = arith.constant 0 : i32
    "tpu.region"() ({
      %run_scoped3A_52 = tpu.sem_alloc : memref<!tpu.dma_semaphore, #tpu.memory_space<semaphore_mem>>
      %dma_start3A = arith.constant 0 : i32
      %dma_start3A_53 = tpu.memref_slice %arg8[%run_scoped3A_9, %dma_start3A] : memref<10x128xi32, #tpu.memory_space<vmem>> -> memref<1x128xi32, #tpu.memory_space<vmem>>
      %dma_start3A_54 = tpu.memref_squeeze %dma_start3A_53 : memref<1x128xi32, #tpu.memory_space<vmem>> -> memref<128xi32, #tpu.memory_space<vmem>>
      %dma_start3A_55 = arith.constant 0 : i32
      %dma_start3A_56 = arith.constant 0 : i32
      %dma_start3A_57 = tpu.memref_slice %arg12[%dma_start3A_55, %dma_start3A_56] : memref<5888x128xf32, #tpu.memory_space<vmem_shared>> -> memref<5888x128xf32, #tpu.memory_space<vmem_shared>>
      tpu.enqueue_indirect_dma source(%arg10 : memref<128x128xf32, #tpu.memory_space<vmem>>) target(%dma_start3A_57 : memref<5888x128xf32, #tpu.memory_space<vmem_shared>>) offsets(%dma_start3A_54 : memref<128xi32, #tpu.memory_space<vmem>>) semaphore(%run_scoped3A_52 : memref<!tpu.dma_semaphore, #tpu.memory_space<semaphore_mem>>) {add = true}
      %dma_wait3A = arith.constant 0 : i32
      %dma_wait3A_58 = tpu.memref_slice %arg8[%run_scoped3A_9, %dma_wait3A] : memref<10x128xi32, #tpu.memory_space<vmem>> -> memref<1x128xi32, #tpu.memory_space<vmem>>
      %dma_wait3A_59 = tpu.memref_squeeze %dma_wait3A_58 : memref<1x128xi32, #tpu.memory_space<vmem>> -> memref<128xi32, #tpu.memory_space<vmem>>
      %dma_wait3A_60 = arith.constant 0 : i32
      %dma_wait3A_61 = arith.constant 0 : i32
      %dma_wait3A_62 = tpu.memref_slice %arg12[%dma_wait3A_60, %dma_wait3A_61] : memref<5888x128xf32, #tpu.memory_space<vmem_shared>> -> memref<5888x128xf32, #tpu.memory_space<vmem_shared>>
      tpu.wait_indirect_dma semaphore(%run_scoped3A_52 : memref<!tpu.dma_semaphore, #tpu.memory_space<semaphore_mem>>) src(%arg10 : memref<128x128xf32, #tpu.memory_space<vmem>>) dst(%dma_wait3A_62 : memref<5888x128xf32, #tpu.memory_space<vmem_shared>>)
      tpu.yield
    }) : () -> ()
    %add3A_10 = arith.constant 128 : i32
    %add3A_11 = arith.addi %mul3A_6, %add3A_10 : i32
    "tpu.region"() ({
      %run_scoped3A_52 = tpu.sem_alloc : memref<!tpu.dma_semaphore, #tpu.memory_space<semaphore_mem>>
      %dma_start3A = arith.constant 0 : i32
      %dma_start3A_53 = tpu.memref_slice %arg2[%add3A_11, %dma_start3A] : memref<40960x128xf32, #tpu.memory_space<hbm>> -> memref<128x128xf32, #tpu.memory_space<hbm>>
      %dma_start3A_54 = arith.constant 0 : i32
      %dma_start3A_55 = tpu.memref_slice %arg2[%add3A_11, %dma_start3A_54] : memref<40960x128xf32, #tpu.memory_space<hbm>> -> memref<128x128xf32, #tpu.memory_space<hbm>>
      tpu.enqueue_dma source(%dma_start3A_55 : memref<128x128xf32, #tpu.memory_space<hbm>>) target(%arg9 : memref<128x128xf32, #tpu.memory_space<vmem>>) target_semaphore(%run_scoped3A_52 : memref<!tpu.dma_semaphore, #tpu.memory_space<semaphore_mem>>)
      %dma_wait3A = arith.constant 0 : i32
      %dma_wait3A_56 = tpu.memref_slice %arg2[%add3A_11, %dma_wait3A] : memref<40960x128xf32, #tpu.memory_space<hbm>> -> memref<128x128xf32, #tpu.memory_space<hbm>>
      %dma_wait3A_57 = arith.constant 0 : i32
      %dma_wait3A_58 = tpu.memref_slice %arg2[%add3A_11, %dma_wait3A_57] : memref<40960x128xf32, #tpu.memory_space<hbm>> -> memref<128x128xf32, #tpu.memory_space<hbm>>
      tpu.wait_dma2 semaphore(%run_scoped3A_52 : memref<!tpu.dma_semaphore, #tpu.memory_space<semaphore_mem>>) src(%dma_wait3A_58 : memref<128x128xf32, #tpu.memory_space<hbm>>) dst(%arg9 : memref<128x128xf32, #tpu.memory_space<vmem>>)
      tpu.yield
    }) : () -> ()
    "tpu.region"() ({
      %run_scoped3A_52 = tpu.sem_alloc : memref<!tpu.dma_semaphore, #tpu.memory_space<semaphore_mem>>
      %dma_start3A = arith.constant 0 : i32
      %dma_start3A_53 = tpu.memref_slice %arg3[%add3A_11, %dma_start3A] : memref<40960x128xf32, #tpu.memory_space<hbm>> -> memref<128x128xf32, #tpu.memory_space<hbm>>
      %dma_start3A_54 = arith.constant 0 : i32
      %dma_start3A_55 = tpu.memref_slice %arg3[%add3A_11, %dma_start3A_54] : memref<40960x128xf32, #tpu.memory_space<hbm>> -> memref<128x128xf32, #tpu.memory_space<hbm>>
      tpu.enqueue_dma source(%dma_start3A_55 : memref<128x128xf32, #tpu.memory_space<hbm>>) target(%arg10 : memref<128x128xf32, #tpu.memory_space<vmem>>) target_semaphore(%run_scoped3A_52 : memref<!tpu.dma_semaphore, #tpu.memory_space<semaphore_mem>>)
      %dma_wait3A = arith.constant 0 : i32
      %dma_wait3A_56 = tpu.memref_slice %arg3[%add3A_11, %dma_wait3A] : memref<40960x128xf32, #tpu.memory_space<hbm>> -> memref<128x128xf32, #tpu.memory_space<hbm>>
      %dma_wait3A_57 = arith.constant 0 : i32
      %dma_wait3A_58 = tpu.memref_slice %arg3[%add3A_11, %dma_wait3A_57] : memref<40960x128xf32, #tpu.memory_space<hbm>> -> memref<128x128xf32, #tpu.memory_space<hbm>>
      tpu.wait_dma2 semaphore(%run_scoped3A_52 : memref<!tpu.dma_semaphore, #tpu.memory_space<semaphore_mem>>) src(%dma_wait3A_58 : memref<128x128xf32, #tpu.memory_space<hbm>>) dst(%arg10 : memref<128x128xf32, #tpu.memory_space<vmem>>)
      tpu.yield
    }) : () -> ()
    %run_scoped3A_12 = arith.constant 1 : i32
    "tpu.region"() ({
      %run_scoped3A_52 = tpu.sem_alloc : memref<!tpu.dma_semaphore, #tpu.memory_space<semaphore_mem>>
      %dma_start3A = arith.constant 0 : i32
      %dma_start3A_53 = tpu.memref_slice %arg8[%run_scoped3A_12, %dma_start3A] : memref<10x128xi32, #tpu.memory_space<vmem>> -> memref<1x128xi32, #tpu.memory_space<vmem>>
      %dma_start3A_54 = tpu.memref_squeeze %dma_start3A_53 : memref<1x128xi32, #tpu.memory_space<vmem>> -> memref<128xi32, #tpu.memory_space<vmem>>
      %dma_start3A_55 = arith.constant 0 : i32
      %dma_start3A_56 = arith.constant 0 : i32
      %dma_start3A_57 = tpu.memref_slice %arg11[%dma_start3A_55, %dma_start3A_56] : memref<5888x128xf32, #tpu.memory_space<vmem_shared>> -> memref<5888x128xf32, #tpu.memory_space<vmem_shared>>
      tpu.enqueue_indirect_dma source(%arg9 : memref<128x128xf32, #tpu.memory_space<vmem>>) target(%dma_start3A_57 : memref<5888x128xf32, #tpu.memory_space<vmem_shared>>) offsets(%dma_start3A_54 : memref<128xi32, #tpu.memory_space<vmem>>) semaphore(%run_scoped3A_52 : memref<!tpu.dma_semaphore, #tpu.memory_space<semaphore_mem>>) {add = true}
      %dma_wait3A = arith.constant 0 : i32
      %dma_wait3A_58 = tpu.memref_slice %arg8[%run_scoped3A_12, %dma_wait3A] : memref<10x128xi32, #tpu.memory_space<vmem>> -> memref<1x128xi32, #tpu.memory_space<vmem>>
      %dma_wait3A_59 = tpu.memref_squeeze %dma_wait3A_58 : memref<1x128xi32, #tpu.memory_space<vmem>> -> memref<128xi32, #tpu.memory_space<vmem>>
      %dma_wait3A_60 = arith.constant 0 : i32
      %dma_wait3A_61 = arith.constant 0 : i32
      %dma_wait3A_62 = tpu.memref_slice %arg11[%dma_wait3A_60, %dma_wait3A_61] : memref<5888x128xf32, #tpu.memory_space<vmem_shared>> -> memref<5888x128xf32, #tpu.memory_space<vmem_shared>>
      tpu.wait_indirect_dma semaphore(%run_scoped3A_52 : memref<!tpu.dma_semaphore, #tpu.memory_space<semaphore_mem>>) src(%arg9 : memref<128x128xf32, #tpu.memory_space<vmem>>) dst(%dma_wait3A_62 : memref<5888x128xf32, #tpu.memory_space<vmem_shared>>)
      tpu.yield
    }) : () -> ()
    %run_scoped3A_13 = arith.constant 1 : i32
    "tpu.region"() ({
      %run_scoped3A_52 = tpu.sem_alloc : memref<!tpu.dma_semaphore, #tpu.memory_space<semaphore_mem>>
      %dma_start3A = arith.constant 0 : i32
      %dma_start3A_53 = tpu.memref_slice %arg8[%run_scoped3A_13, %dma_start3A] : memref<10x128xi32, #tpu.memory_space<vmem>> -> memref<1x128xi32, #tpu.memory_space<vmem>>
      %dma_start3A_54 = tpu.memref_squeeze %dma_start3A_53 : memref<1x128xi32, #tpu.memory_space<vmem>> -> memref<128xi32, #tpu.memory_space<vmem>>
      %dma_start3A_55 = arith.constant 0 : i32
      %dma_start3A_56 = arith.constant 0 : i32
      %dma_start3A_57 = tpu.memref_slice %arg12[%dma_start3A_55, %dma_start3A_56] : memref<5888x128xf32, #tpu.memory_space<vmem_shared>> -> memref<5888x128xf32, #tpu.memory_space<vmem_shared>>
      tpu.enqueue_indirect_dma source(%arg10 : memref<128x128xf32, #tpu.memory_space<vmem>>) target(%dma_start3A_57 : memref<5888x128xf32, #tpu.memory_space<vmem_shared>>) offsets(%dma_start3A_54 : memref<128xi32, #tpu.memory_space<vmem>>) semaphore(%run_scoped3A_52 : memref<!tpu.dma_semaphore, #tpu.memory_space<semaphore_mem>>) {add = true}
      %dma_wait3A = arith.constant 0 : i32
      %dma_wait3A_58 = tpu.memref_slice %arg8[%run_scoped3A_13, %dma_wait3A] : memref<10x128xi32, #tpu.memory_space<vmem>> -> memref<1x128xi32, #tpu.memory_space<vmem>>
      %dma_wait3A_59 = tpu.memref_squeeze %dma_wait3A_58 : memref<1x128xi32, #tpu.memory_space<vmem>> -> memref<128xi32, #tpu.memory_space<vmem>>
      %dma_wait3A_60 = arith.constant 0 : i32
      %dma_wait3A_61 = arith.constant 0 : i32
      %dma_wait3A_62 = tpu.memref_slice %arg12[%dma_wait3A_60, %dma_wait3A_61] : memref<5888x128xf32, #tpu.memory_space<vmem_shared>> -> memref<5888x128xf32, #tpu.memory_space<vmem_shared>>
      tpu.wait_indirect_dma semaphore(%run_scoped3A_52 : memref<!tpu.dma_semaphore, #tpu.memory_space<semaphore_mem>>) src(%arg10 : memref<128x128xf32, #tpu.memory_space<vmem>>) dst(%dma_wait3A_62 : memref<5888x128xf32, #tpu.memory_space<vmem_shared>>)
      tpu.yield
    }) : () -> ()
    %add3A_14 = arith.constant 256 : i32
    %add3A_15 = arith.addi %mul3A_6, %add3A_14 : i32
    "tpu.region"() ({
      %run_scoped3A_52 = tpu.sem_alloc : memref<!tpu.dma_semaphore, #tpu.memory_space<semaphore_mem>>
      %dma_start3A = arith.constant 0 : i32
      %dma_start3A_53 = tpu.memref_slice %arg2[%add3A_15, %dma_start3A] : memref<40960x128xf32, #tpu.memory_space<hbm>> -> memref<128x128xf32, #tpu.memory_space<hbm>>
      %dma_start3A_54 = arith.constant 0 : i32
      %dma_start3A_55 = tpu.memref_slice %arg2[%add3A_15, %dma_start3A_54] : memref<40960x128xf32, #tpu.memory_space<hbm>> -> memref<128x128xf32, #tpu.memory_space<hbm>>
      tpu.enqueue_dma source(%dma_start3A_55 : memref<128x128xf32, #tpu.memory_space<hbm>>) target(%arg9 : memref<128x128xf32, #tpu.memory_space<vmem>>) target_semaphore(%run_scoped3A_52 : memref<!tpu.dma_semaphore, #tpu.memory_space<semaphore_mem>>)
      %dma_wait3A = arith.constant 0 : i32
      %dma_wait3A_56 = tpu.memref_slice %arg2[%add3A_15, %dma_wait3A] : memref<40960x128xf32, #tpu.memory_space<hbm>> -> memref<128x128xf32, #tpu.memory_space<hbm>>
      %dma_wait3A_57 = arith.constant 0 : i32
      %dma_wait3A_58 = tpu.memref_slice %arg2[%add3A_15, %dma_wait3A_57] : memref<40960x128xf32, #tpu.memory_space<hbm>> -> memref<128x128xf32, #tpu.memory_space<hbm>>
      tpu.wait_dma2 semaphore(%run_scoped3A_52 : memref<!tpu.dma_semaphore, #tpu.memory_space<semaphore_mem>>) src(%dma_wait3A_58 : memref<128x128xf32, #tpu.memory_space<hbm>>) dst(%arg9 : memref<128x128xf32, #tpu.memory_space<vmem>>)
      tpu.yield
    }) : () -> ()
    "tpu.region"() ({
      %run_scoped3A_52 = tpu.sem_alloc : memref<!tpu.dma_semaphore, #tpu.memory_space<semaphore_mem>>
      %dma_start3A = arith.constant 0 : i32
      %dma_start3A_53 = tpu.memref_slice %arg3[%add3A_15, %dma_start3A] : memref<40960x128xf32, #tpu.memory_space<hbm>> -> memref<128x128xf32, #tpu.memory_space<hbm>>
      %dma_start3A_54 = arith.constant 0 : i32
      %dma_start3A_55 = tpu.memref_slice %arg3[%add3A_15, %dma_start3A_54] : memref<40960x128xf32, #tpu.memory_space<hbm>> -> memref<128x128xf32, #tpu.memory_space<hbm>>
      tpu.enqueue_dma source(%dma_start3A_55 : memref<128x128xf32, #tpu.memory_space<hbm>>) target(%arg10 : memref<128x128xf32, #tpu.memory_space<vmem>>) target_semaphore(%run_scoped3A_52 : memref<!tpu.dma_semaphore, #tpu.memory_space<semaphore_mem>>)
      %dma_wait3A = arith.constant 0 : i32
      %dma_wait3A_56 = tpu.memref_slice %arg3[%add3A_15, %dma_wait3A] : memref<40960x128xf32, #tpu.memory_space<hbm>> -> memref<128x128xf32, #tpu.memory_space<hbm>>
      %dma_wait3A_57 = arith.constant 0 : i32
      %dma_wait3A_58 = tpu.memref_slice %arg3[%add3A_15, %dma_wait3A_57] : memref<40960x128xf32, #tpu.memory_space<hbm>> -> memref<128x128xf32, #tpu.memory_space<hbm>>
      tpu.wait_dma2 semaphore(%run_scoped3A_52 : memref<!tpu.dma_semaphore, #tpu.memory_space<semaphore_mem>>) src(%dma_wait3A_58 : memref<128x128xf32, #tpu.memory_space<hbm>>) dst(%arg10 : memref<128x128xf32, #tpu.memory_space<vmem>>)
      tpu.yield
    }) : () -> ()
    %run_scoped3A_16 = arith.constant 2 : i32
    "tpu.region"() ({
      %run_scoped3A_52 = tpu.sem_alloc : memref<!tpu.dma_semaphore, #tpu.memory_space<semaphore_mem>>
      %dma_start3A = arith.constant 0 : i32
      %dma_start3A_53 = tpu.memref_slice %arg8[%run_scoped3A_16, %dma_start3A] : memref<10x128xi32, #tpu.memory_space<vmem>> -> memref<1x128xi32, #tpu.memory_space<vmem>>
      %dma_start3A_54 = tpu.memref_squeeze %dma_start3A_53 : memref<1x128xi32, #tpu.memory_space<vmem>> -> memref<128xi32, #tpu.memory_space<vmem>>
      %dma_start3A_55 = arith.constant 0 : i32
      %dma_start3A_56 = arith.constant 0 : i32
      %dma_start3A_57 = tpu.memref_slice %arg11[%dma_start3A_55, %dma_start3A_56] : memref<5888x128xf32, #tpu.memory_space<vmem_shared>> -> memref<5888x128xf32, #tpu.memory_space<vmem_shared>>
      tpu.enqueue_indirect_dma source(%arg9 : memref<128x128xf32, #tpu.memory_space<vmem>>) target(%dma_start3A_57 : memref<5888x128xf32, #tpu.memory_space<vmem_shared>>) offsets(%dma_start3A_54 : memref<128xi32, #tpu.memory_space<vmem>>) semaphore(%run_scoped3A_52 : memref<!tpu.dma_semaphore, #tpu.memory_space<semaphore_mem>>) {add = true}
      %dma_wait3A = arith.constant 0 : i32
      %dma_wait3A_58 = tpu.memref_slice %arg8[%run_scoped3A_16, %dma_wait3A] : memref<10x128xi32, #tpu.memory_space<vmem>> -> memref<1x128xi32, #tpu.memory_space<vmem>>
      %dma_wait3A_59 = tpu.memref_squeeze %dma_wait3A_58 : memref<1x128xi32, #tpu.memory_space<vmem>> -> memref<128xi32, #tpu.memory_space<vmem>>
      %dma_wait3A_60 = arith.constant 0 : i32
      %dma_wait3A_61 = arith.constant 0 : i32
      %dma_wait3A_62 = tpu.memref_slice %arg11[%dma_wait3A_60, %dma_wait3A_61] : memref<5888x128xf32, #tpu.memory_space<vmem_shared>> -> memref<5888x128xf32, #tpu.memory_space<vmem_shared>>
      tpu.wait_indirect_dma semaphore(%run_scoped3A_52 : memref<!tpu.dma_semaphore, #tpu.memory_space<semaphore_mem>>) src(%arg9 : memref<128x128xf32, #tpu.memory_space<vmem>>) dst(%dma_wait3A_62 : memref<5888x128xf32, #tpu.memory_space<vmem_shared>>)
      tpu.yield
    }) : () -> ()
    %run_scoped3A_17 = arith.constant 2 : i32
    "tpu.region"() ({
      %run_scoped3A_52 = tpu.sem_alloc : memref<!tpu.dma_semaphore, #tpu.memory_space<semaphore_mem>>
      %dma_start3A = arith.constant 0 : i32
      %dma_start3A_53 = tpu.memref_slice %arg8[%run_scoped3A_17, %dma_start3A] : memref<10x128xi32, #tpu.memory_space<vmem>> -> memref<1x128xi32, #tpu.memory_space<vmem>>
      %dma_start3A_54 = tpu.memref_squeeze %dma_start3A_53 : memref<1x128xi32, #tpu.memory_space<vmem>> -> memref<128xi32, #tpu.memory_space<vmem>>
      %dma_start3A_55 = arith.constant 0 : i32
      %dma_start3A_56 = arith.constant 0 : i32
      %dma_start3A_57 = tpu.memref_slice %arg12[%dma_start3A_55, %dma_start3A_56] : memref<5888x128xf32, #tpu.memory_space<vmem_shared>> -> memref<5888x128xf32, #tpu.memory_space<vmem_shared>>
      tpu.enqueue_indirect_dma source(%arg10 : memref<128x128xf32, #tpu.memory_space<vmem>>) target(%dma_start3A_57 : memref<5888x128xf32, #tpu.memory_space<vmem_shared>>) offsets(%dma_start3A_54 : memref<128xi32, #tpu.memory_space<vmem>>) semaphore(%run_scoped3A_52 : memref<!tpu.dma_semaphore, #tpu.memory_space<semaphore_mem>>) {add = true}
      %dma_wait3A = arith.constant 0 : i32
      %dma_wait3A_58 = tpu.memref_slice %arg8[%run_scoped3A_17, %dma_wait3A] : memref<10x128xi32, #tpu.memory_space<vmem>> -> memref<1x128xi32, #tpu.memory_space<vmem>>
      %dma_wait3A_59 = tpu.memref_squeeze %dma_wait3A_58 : memref<1x128xi32, #tpu.memory_space<vmem>> -> memref<128xi32, #tpu.memory_space<vmem>>
      %dma_wait3A_60 = arith.constant 0 : i32
      %dma_wait3A_61 = arith.constant 0 : i32
      %dma_wait3A_62 = tpu.memref_slice %arg12[%dma_wait3A_60, %dma_wait3A_61] : memref<5888x128xf32, #tpu.memory_space<vmem_shared>> -> memref<5888x128xf32, #tpu.memory_space<vmem_shared>>
      tpu.wait_indirect_dma semaphore(%run_scoped3A_52 : memref<!tpu.dma_semaphore, #tpu.memory_space<semaphore_mem>>) src(%arg10 : memref<128x128xf32, #tpu.memory_space<vmem>>) dst(%dma_wait3A_62 : memref<5888x128xf32, #tpu.memory_space<vmem_shared>>)
      tpu.yield
    }) : () -> ()
    %add3A_18 = arith.constant 384 : i32
    %add3A_19 = arith.addi %mul3A_6, %add3A_18 : i32
    "tpu.region"() ({
      %run_scoped3A_52 = tpu.sem_alloc : memref<!tpu.dma_semaphore, #tpu.memory_space<semaphore_mem>>
      %dma_start3A = arith.constant 0 : i32
      %dma_start3A_53 = tpu.memref_slice %arg2[%add3A_19, %dma_start3A] : memref<40960x128xf32, #tpu.memory_space<hbm>> -> memref<128x128xf32, #tpu.memory_space<hbm>>
      %dma_start3A_54 = arith.constant 0 : i32
      %dma_start3A_55 = tpu.memref_slice %arg2[%add3A_19, %dma_start3A_54] : memref<40960x128xf32, #tpu.memory_space<hbm>> -> memref<128x128xf32, #tpu.memory_space<hbm>>
      tpu.enqueue_dma source(%dma_start3A_55 : memref<128x128xf32, #tpu.memory_space<hbm>>) target(%arg9 : memref<128x128xf32, #tpu.memory_space<vmem>>) target_semaphore(%run_scoped3A_52 : memref<!tpu.dma_semaphore, #tpu.memory_space<semaphore_mem>>)
      %dma_wait3A = arith.constant 0 : i32
      %dma_wait3A_56 = tpu.memref_slice %arg2[%add3A_19, %dma_wait3A] : memref<40960x128xf32, #tpu.memory_space<hbm>> -> memref<128x128xf32, #tpu.memory_space<hbm>>
      %dma_wait3A_57 = arith.constant 0 : i32
      %dma_wait3A_58 = tpu.memref_slice %arg2[%add3A_19, %dma_wait3A_57] : memref<40960x128xf32, #tpu.memory_space<hbm>> -> memref<128x128xf32, #tpu.memory_space<hbm>>
      tpu.wait_dma2 semaphore(%run_scoped3A_52 : memref<!tpu.dma_semaphore, #tpu.memory_space<semaphore_mem>>) src(%dma_wait3A_58 : memref<128x128xf32, #tpu.memory_space<hbm>>) dst(%arg9 : memref<128x128xf32, #tpu.memory_space<vmem>>)
      tpu.yield
    }) : () -> ()
    "tpu.region"() ({
      %run_scoped3A_52 = tpu.sem_alloc : memref<!tpu.dma_semaphore, #tpu.memory_space<semaphore_mem>>
      %dma_start3A = arith.constant 0 : i32
      %dma_start3A_53 = tpu.memref_slice %arg3[%add3A_19, %dma_start3A] : memref<40960x128xf32, #tpu.memory_space<hbm>> -> memref<128x128xf32, #tpu.memory_space<hbm>>
      %dma_start3A_54 = arith.constant 0 : i32
      %dma_start3A_55 = tpu.memref_slice %arg3[%add3A_19, %dma_start3A_54] : memref<40960x128xf32, #tpu.memory_space<hbm>> -> memref<128x128xf32, #tpu.memory_space<hbm>>
      tpu.enqueue_dma source(%dma_start3A_55 : memref<128x128xf32, #tpu.memory_space<hbm>>) target(%arg10 : memref<128x128xf32, #tpu.memory_space<vmem>>) target_semaphore(%run_scoped3A_52 : memref<!tpu.dma_semaphore, #tpu.memory_space<semaphore_mem>>)
      %dma_wait3A = arith.constant 0 : i32
      %dma_wait3A_56 = tpu.memref_slice %arg3[%add3A_19, %dma_wait3A] : memref<40960x128xf32, #tpu.memory_space<hbm>> -> memref<128x128xf32, #tpu.memory_space<hbm>>
      %dma_wait3A_57 = arith.constant 0 : i32
      %dma_wait3A_58 = tpu.memref_slice %arg3[%add3A_19, %dma_wait3A_57] : memref<40960x128xf32, #tpu.memory_space<hbm>> -> memref<128x128xf32, #tpu.memory_space<hbm>>
      tpu.wait_dma2 semaphore(%run_scoped3A_52 : memref<!tpu.dma_semaphore, #tpu.memory_space<semaphore_mem>>) src(%dma_wait3A_58 : memref<128x128xf32, #tpu.memory_space<hbm>>) dst(%arg10 : memref<128x128xf32, #tpu.memory_space<vmem>>)
      tpu.yield
    }) : () -> ()
    %run_scoped3A_20 = arith.constant 3 : i32
    "tpu.region"() ({
      %run_scoped3A_52 = tpu.sem_alloc : memref<!tpu.dma_semaphore, #tpu.memory_space<semaphore_mem>>
      %dma_start3A = arith.constant 0 : i32
      %dma_start3A_53 = tpu.memref_slice %arg8[%run_scoped3A_20, %dma_start3A] : memref<10x128xi32, #tpu.memory_space<vmem>> -> memref<1x128xi32, #tpu.memory_space<vmem>>
      %dma_start3A_54 = tpu.memref_squeeze %dma_start3A_53 : memref<1x128xi32, #tpu.memory_space<vmem>> -> memref<128xi32, #tpu.memory_space<vmem>>
      %dma_start3A_55 = arith.constant 0 : i32
      %dma_start3A_56 = arith.constant 0 : i32
      %dma_start3A_57 = tpu.memref_slice %arg11[%dma_start3A_55, %dma_start3A_56] : memref<5888x128xf32, #tpu.memory_space<vmem_shared>> -> memref<5888x128xf32, #tpu.memory_space<vmem_shared>>
      tpu.enqueue_indirect_dma source(%arg9 : memref<128x128xf32, #tpu.memory_space<vmem>>) target(%dma_start3A_57 : memref<5888x128xf32, #tpu.memory_space<vmem_shared>>) offsets(%dma_start3A_54 : memref<128xi32, #tpu.memory_space<vmem>>) semaphore(%run_scoped3A_52 : memref<!tpu.dma_semaphore, #tpu.memory_space<semaphore_mem>>) {add = true}
      %dma_wait3A = arith.constant 0 : i32
      %dma_wait3A_58 = tpu.memref_slice %arg8[%run_scoped3A_20, %dma_wait3A] : memref<10x128xi32, #tpu.memory_space<vmem>> -> memref<1x128xi32, #tpu.memory_space<vmem>>
      %dma_wait3A_59 = tpu.memref_squeeze %dma_wait3A_58 : memref<1x128xi32, #tpu.memory_space<vmem>> -> memref<128xi32, #tpu.memory_space<vmem>>
      %dma_wait3A_60 = arith.constant 0 : i32
      %dma_wait3A_61 = arith.constant 0 : i32
      %dma_wait3A_62 = tpu.memref_slice %arg11[%dma_wait3A_60, %dma_wait3A_61] : memref<5888x128xf32, #tpu.memory_space<vmem_shared>> -> memref<5888x128xf32, #tpu.memory_space<vmem_shared>>
      tpu.wait_indirect_dma semaphore(%run_scoped3A_52 : memref<!tpu.dma_semaphore, #tpu.memory_space<semaphore_mem>>) src(%arg9 : memref<128x128xf32, #tpu.memory_space<vmem>>) dst(%dma_wait3A_62 : memref<5888x128xf32, #tpu.memory_space<vmem_shared>>)
      tpu.yield
    }) : () -> ()
    %run_scoped3A_21 = arith.constant 3 : i32
    "tpu.region"() ({
      %run_scoped3A_52 = tpu.sem_alloc : memref<!tpu.dma_semaphore, #tpu.memory_space<semaphore_mem>>
      %dma_start3A = arith.constant 0 : i32
      %dma_start3A_53 = tpu.memref_slice %arg8[%run_scoped3A_21, %dma_start3A] : memref<10x128xi32, #tpu.memory_space<vmem>> -> memref<1x128xi32, #tpu.memory_space<vmem>>
      %dma_start3A_54 = tpu.memref_squeeze %dma_start3A_53 : memref<1x128xi32, #tpu.memory_space<vmem>> -> memref<128xi32, #tpu.memory_space<vmem>>
      %dma_start3A_55 = arith.constant 0 : i32
      %dma_start3A_56 = arith.constant 0 : i32
      %dma_start3A_57 = tpu.memref_slice %arg12[%dma_start3A_55, %dma_start3A_56] : memref<5888x128xf32, #tpu.memory_space<vmem_shared>> -> memref<5888x128xf32, #tpu.memory_space<vmem_shared>>
      tpu.enqueue_indirect_dma source(%arg10 : memref<128x128xf32, #tpu.memory_space<vmem>>) target(%dma_start3A_57 : memref<5888x128xf32, #tpu.memory_space<vmem_shared>>) offsets(%dma_start3A_54 : memref<128xi32, #tpu.memory_space<vmem>>) semaphore(%run_scoped3A_52 : memref<!tpu.dma_semaphore, #tpu.memory_space<semaphore_mem>>) {add = true}
      %dma_wait3A = arith.constant 0 : i32
      %dma_wait3A_58 = tpu.memref_slice %arg8[%run_scoped3A_21, %dma_wait3A] : memref<10x128xi32, #tpu.memory_space<vmem>> -> memref<1x128xi32, #tpu.memory_space<vmem>>
      %dma_wait3A_59 = tpu.memref_squeeze %dma_wait3A_58 : memref<1x128xi32, #tpu.memory_space<vmem>> -> memref<128xi32, #tpu.memory_space<vmem>>
      %dma_wait3A_60 = arith.constant 0 : i32
      %dma_wait3A_61 = arith.constant 0 : i32
      %dma_wait3A_62 = tpu.memref_slice %arg12[%dma_wait3A_60, %dma_wait3A_61] : memref<5888x128xf32, #tpu.memory_space<vmem_shared>> -> memref<5888x128xf32, #tpu.memory_space<vmem_shared>>
      tpu.wait_indirect_dma semaphore(%run_scoped3A_52 : memref<!tpu.dma_semaphore, #tpu.memory_space<semaphore_mem>>) src(%arg10 : memref<128x128xf32, #tpu.memory_space<vmem>>) dst(%dma_wait3A_62 : memref<5888x128xf32, #tpu.memory_space<vmem_shared>>)
      tpu.yield
    }) : () -> ()
    %add3A_22 = arith.constant 512 : i32
    %add3A_23 = arith.addi %mul3A_6, %add3A_22 : i32
    "tpu.region"() ({
      %run_scoped3A_52 = tpu.sem_alloc : memref<!tpu.dma_semaphore, #tpu.memory_space<semaphore_mem>>
      %dma_start3A = arith.constant 0 : i32
      %dma_start3A_53 = tpu.memref_slice %arg2[%add3A_23, %dma_start3A] : memref<40960x128xf32, #tpu.memory_space<hbm>> -> memref<128x128xf32, #tpu.memory_space<hbm>>
      %dma_start3A_54 = arith.constant 0 : i32
      %dma_start3A_55 = tpu.memref_slice %arg2[%add3A_23, %dma_start3A_54] : memref<40960x128xf32, #tpu.memory_space<hbm>> -> memref<128x128xf32, #tpu.memory_space<hbm>>
      tpu.enqueue_dma source(%dma_start3A_55 : memref<128x128xf32, #tpu.memory_space<hbm>>) target(%arg9 : memref<128x128xf32, #tpu.memory_space<vmem>>) target_semaphore(%run_scoped3A_52 : memref<!tpu.dma_semaphore, #tpu.memory_space<semaphore_mem>>)
      %dma_wait3A = arith.constant 0 : i32
      %dma_wait3A_56 = tpu.memref_slice %arg2[%add3A_23, %dma_wait3A] : memref<40960x128xf32, #tpu.memory_space<hbm>> -> memref<128x128xf32, #tpu.memory_space<hbm>>
      %dma_wait3A_57 = arith.constant 0 : i32
      %dma_wait3A_58 = tpu.memref_slice %arg2[%add3A_23, %dma_wait3A_57] : memref<40960x128xf32, #tpu.memory_space<hbm>> -> memref<128x128xf32, #tpu.memory_space<hbm>>
      tpu.wait_dma2 semaphore(%run_scoped3A_52 : memref<!tpu.dma_semaphore, #tpu.memory_space<semaphore_mem>>) src(%dma_wait3A_58 : memref<128x128xf32, #tpu.memory_space<hbm>>) dst(%arg9 : memref<128x128xf32, #tpu.memory_space<vmem>>)
      tpu.yield
    }) : () -> ()
    "tpu.region"() ({
      %run_scoped3A_52 = tpu.sem_alloc : memref<!tpu.dma_semaphore, #tpu.memory_space<semaphore_mem>>
      %dma_start3A = arith.constant 0 : i32
      %dma_start3A_53 = tpu.memref_slice %arg3[%add3A_23, %dma_start3A] : memref<40960x128xf32, #tpu.memory_space<hbm>> -> memref<128x128xf32, #tpu.memory_space<hbm>>
      %dma_start3A_54 = arith.constant 0 : i32
      %dma_start3A_55 = tpu.memref_slice %arg3[%add3A_23, %dma_start3A_54] : memref<40960x128xf32, #tpu.memory_space<hbm>> -> memref<128x128xf32, #tpu.memory_space<hbm>>
      tpu.enqueue_dma source(%dma_start3A_55 : memref<128x128xf32, #tpu.memory_space<hbm>>) target(%arg10 : memref<128x128xf32, #tpu.memory_space<vmem>>) target_semaphore(%run_scoped3A_52 : memref<!tpu.dma_semaphore, #tpu.memory_space<semaphore_mem>>)
      %dma_wait3A = arith.constant 0 : i32
      %dma_wait3A_56 = tpu.memref_slice %arg3[%add3A_23, %dma_wait3A] : memref<40960x128xf32, #tpu.memory_space<hbm>> -> memref<128x128xf32, #tpu.memory_space<hbm>>
      %dma_wait3A_57 = arith.constant 0 : i32
      %dma_wait3A_58 = tpu.memref_slice %arg3[%add3A_23, %dma_wait3A_57] : memref<40960x128xf32, #tpu.memory_space<hbm>> -> memref<128x128xf32, #tpu.memory_space<hbm>>
      tpu.wait_dma2 semaphore(%run_scoped3A_52 : memref<!tpu.dma_semaphore, #tpu.memory_space<semaphore_mem>>) src(%dma_wait3A_58 : memref<128x128xf32, #tpu.memory_space<hbm>>) dst(%arg10 : memref<128x128xf32, #tpu.memory_space<vmem>>)
      tpu.yield
    }) : () -> ()
    %run_scoped3A_24 = arith.constant 4 : i32
    "tpu.region"() ({
      %run_scoped3A_52 = tpu.sem_alloc : memref<!tpu.dma_semaphore, #tpu.memory_space<semaphore_mem>>
      %dma_start3A = arith.constant 0 : i32
      %dma_start3A_53 = tpu.memref_slice %arg8[%run_scoped3A_24, %dma_start3A] : memref<10x128xi32, #tpu.memory_space<vmem>> -> memref<1x128xi32, #tpu.memory_space<vmem>>
      %dma_start3A_54 = tpu.memref_squeeze %dma_start3A_53 : memref<1x128xi32, #tpu.memory_space<vmem>> -> memref<128xi32, #tpu.memory_space<vmem>>
      %dma_start3A_55 = arith.constant 0 : i32
      %dma_start3A_56 = arith.constant 0 : i32
      %dma_start3A_57 = tpu.memref_slice %arg11[%dma_start3A_55, %dma_start3A_56] : memref<5888x128xf32, #tpu.memory_space<vmem_shared>> -> memref<5888x128xf32, #tpu.memory_space<vmem_shared>>
      tpu.enqueue_indirect_dma source(%arg9 : memref<128x128xf32, #tpu.memory_space<vmem>>) target(%dma_start3A_57 : memref<5888x128xf32, #tpu.memory_space<vmem_shared>>) offsets(%dma_start3A_54 : memref<128xi32, #tpu.memory_space<vmem>>) semaphore(%run_scoped3A_52 : memref<!tpu.dma_semaphore, #tpu.memory_space<semaphore_mem>>) {add = true}
      %dma_wait3A = arith.constant 0 : i32
      %dma_wait3A_58 = tpu.memref_slice %arg8[%run_scoped3A_24, %dma_wait3A] : memref<10x128xi32, #tpu.memory_space<vmem>> -> memref<1x128xi32, #tpu.memory_space<vmem>>
      %dma_wait3A_59 = tpu.memref_squeeze %dma_wait3A_58 : memref<1x128xi32, #tpu.memory_space<vmem>> -> memref<128xi32, #tpu.memory_space<vmem>>
      %dma_wait3A_60 = arith.constant 0 : i32
      %dma_wait3A_61 = arith.constant 0 : i32
      %dma_wait3A_62 = tpu.memref_slice %arg11[%dma_wait3A_60, %dma_wait3A_61] : memref<5888x128xf32, #tpu.memory_space<vmem_shared>> -> memref<5888x128xf32, #tpu.memory_space<vmem_shared>>
      tpu.wait_indirect_dma semaphore(%run_scoped3A_52 : memref<!tpu.dma_semaphore, #tpu.memory_space<semaphore_mem>>) src(%arg9 : memref<128x128xf32, #tpu.memory_space<vmem>>) dst(%dma_wait3A_62 : memref<5888x128xf32, #tpu.memory_space<vmem_shared>>)
      tpu.yield
    }) : () -> ()
    %run_scoped3A_25 = arith.constant 4 : i32
    "tpu.region"() ({
      %run_scoped3A_52 = tpu.sem_alloc : memref<!tpu.dma_semaphore, #tpu.memory_space<semaphore_mem>>
      %dma_start3A = arith.constant 0 : i32
      %dma_start3A_53 = tpu.memref_slice %arg8[%run_scoped3A_25, %dma_start3A] : memref<10x128xi32, #tpu.memory_space<vmem>> -> memref<1x128xi32, #tpu.memory_space<vmem>>
      %dma_start3A_54 = tpu.memref_squeeze %dma_start3A_53 : memref<1x128xi32, #tpu.memory_space<vmem>> -> memref<128xi32, #tpu.memory_space<vmem>>
      %dma_start3A_55 = arith.constant 0 : i32
      %dma_start3A_56 = arith.constant 0 : i32
      %dma_start3A_57 = tpu.memref_slice %arg12[%dma_start3A_55, %dma_start3A_56] : memref<5888x128xf32, #tpu.memory_space<vmem_shared>> -> memref<5888x128xf32, #tpu.memory_space<vmem_shared>>
      tpu.enqueue_indirect_dma source(%arg10 : memref<128x128xf32, #tpu.memory_space<vmem>>) target(%dma_start3A_57 : memref<5888x128xf32, #tpu.memory_space<vmem_shared>>) offsets(%dma_start3A_54 : memref<128xi32, #tpu.memory_space<vmem>>) semaphore(%run_scoped3A_52 : memref<!tpu.dma_semaphore, #tpu.memory_space<semaphore_mem>>) {add = true}
      %dma_wait3A = arith.constant 0 : i32
      %dma_wait3A_58 = tpu.memref_slice %arg8[%run_scoped3A_25, %dma_wait3A] : memref<10x128xi32, #tpu.memory_space<vmem>> -> memref<1x128xi32, #tpu.memory_space<vmem>>
      %dma_wait3A_59 = tpu.memref_squeeze %dma_wait3A_58 : memref<1x128xi32, #tpu.memory_space<vmem>> -> memref<128xi32, #tpu.memory_space<vmem>>
      %dma_wait3A_60 = arith.constant 0 : i32
      %dma_wait3A_61 = arith.constant 0 : i32
      %dma_wait3A_62 = tpu.memref_slice %arg12[%dma_wait3A_60, %dma_wait3A_61] : memref<5888x128xf32, #tpu.memory_space<vmem_shared>> -> memref<5888x128xf32, #tpu.memory_space<vmem_shared>>
      tpu.wait_indirect_dma semaphore(%run_scoped3A_52 : memref<!tpu.dma_semaphore, #tpu.memory_space<semaphore_mem>>) src(%arg10 : memref<128x128xf32, #tpu.memory_space<vmem>>) dst(%dma_wait3A_62 : memref<5888x128xf32, #tpu.memory_space<vmem_shared>>)
      tpu.yield
    }) : () -> ()
    %add3A_26 = arith.constant 640 : i32
    %add3A_27 = arith.addi %mul3A_6, %add3A_26 : i32
    "tpu.region"() ({
      %run_scoped3A_52 = tpu.sem_alloc : memref<!tpu.dma_semaphore, #tpu.memory_space<semaphore_mem>>
      %dma_start3A = arith.constant 0 : i32
      %dma_start3A_53 = tpu.memref_slice %arg2[%add3A_27, %dma_start3A] : memref<40960x128xf32, #tpu.memory_space<hbm>> -> memref<128x128xf32, #tpu.memory_space<hbm>>
      %dma_start3A_54 = arith.constant 0 : i32
      %dma_start3A_55 = tpu.memref_slice %arg2[%add3A_27, %dma_start3A_54] : memref<40960x128xf32, #tpu.memory_space<hbm>> -> memref<128x128xf32, #tpu.memory_space<hbm>>
      tpu.enqueue_dma source(%dma_start3A_55 : memref<128x128xf32, #tpu.memory_space<hbm>>) target(%arg9 : memref<128x128xf32, #tpu.memory_space<vmem>>) target_semaphore(%run_scoped3A_52 : memref<!tpu.dma_semaphore, #tpu.memory_space<semaphore_mem>>)
      %dma_wait3A = arith.constant 0 : i32
      %dma_wait3A_56 = tpu.memref_slice %arg2[%add3A_27, %dma_wait3A] : memref<40960x128xf32, #tpu.memory_space<hbm>> -> memref<128x128xf32, #tpu.memory_space<hbm>>
      %dma_wait3A_57 = arith.constant 0 : i32
      %dma_wait3A_58 = tpu.memref_slice %arg2[%add3A_27, %dma_wait3A_57] : memref<40960x128xf32, #tpu.memory_space<hbm>> -> memref<128x128xf32, #tpu.memory_space<hbm>>
      tpu.wait_dma2 semaphore(%run_scoped3A_52 : memref<!tpu.dma_semaphore, #tpu.memory_space<semaphore_mem>>) src(%dma_wait3A_58 : memref<128x128xf32, #tpu.memory_space<hbm>>) dst(%arg9 : memref<128x128xf32, #tpu.memory_space<vmem>>)
      tpu.yield
    }) : () -> ()
    "tpu.region"() ({
      %run_scoped3A_52 = tpu.sem_alloc : memref<!tpu.dma_semaphore, #tpu.memory_space<semaphore_mem>>
      %dma_start3A = arith.constant 0 : i32
      %dma_start3A_53 = tpu.memref_slice %arg3[%add3A_27, %dma_start3A] : memref<40960x128xf32, #tpu.memory_space<hbm>> -> memref<128x128xf32, #tpu.memory_space<hbm>>
      %dma_start3A_54 = arith.constant 0 : i32
      %dma_start3A_55 = tpu.memref_slice %arg3[%add3A_27, %dma_start3A_54] : memref<40960x128xf32, #tpu.memory_space<hbm>> -> memref<128x128xf32, #tpu.memory_space<hbm>>
      tpu.enqueue_dma source(%dma_start3A_55 : memref<128x128xf32, #tpu.memory_space<hbm>>) target(%arg10 : memref<128x128xf32, #tpu.memory_space<vmem>>) target_semaphore(%run_scoped3A_52 : memref<!tpu.dma_semaphore, #tpu.memory_space<semaphore_mem>>)
      %dma_wait3A = arith.constant 0 : i32
      %dma_wait3A_56 = tpu.memref_slice %arg3[%add3A_27, %dma_wait3A] : memref<40960x128xf32, #tpu.memory_space<hbm>> -> memref<128x128xf32, #tpu.memory_space<hbm>>
      %dma_wait3A_57 = arith.constant 0 : i32
      %dma_wait3A_58 = tpu.memref_slice %arg3[%add3A_27, %dma_wait3A_57] : memref<40960x128xf32, #tpu.memory_space<hbm>> -> memref<128x128xf32, #tpu.memory_space<hbm>>
      tpu.wait_dma2 semaphore(%run_scoped3A_52 : memref<!tpu.dma_semaphore, #tpu.memory_space<semaphore_mem>>) src(%dma_wait3A_58 : memref<128x128xf32, #tpu.memory_space<hbm>>) dst(%arg10 : memref<128x128xf32, #tpu.memory_space<vmem>>)
      tpu.yield
    }) : () -> ()
    %run_scoped3A_28 = arith.constant 5 : i32
    "tpu.region"() ({
      %run_scoped3A_52 = tpu.sem_alloc : memref<!tpu.dma_semaphore, #tpu.memory_space<semaphore_mem>>
      %dma_start3A = arith.constant 0 : i32
      %dma_start3A_53 = tpu.memref_slice %arg8[%run_scoped3A_28, %dma_start3A] : memref<10x128xi32, #tpu.memory_space<vmem>> -> memref<1x128xi32, #tpu.memory_space<vmem>>
      %dma_start3A_54 = tpu.memref_squeeze %dma_start3A_53 : memref<1x128xi32, #tpu.memory_space<vmem>> -> memref<128xi32, #tpu.memory_space<vmem>>
      %dma_start3A_55 = arith.constant 0 : i32
      %dma_start3A_56 = arith.constant 0 : i32
      %dma_start3A_57 = tpu.memref_slice %arg11[%dma_start3A_55, %dma_start3A_56] : memref<5888x128xf32, #tpu.memory_space<vmem_shared>> -> memref<5888x128xf32, #tpu.memory_space<vmem_shared>>
      tpu.enqueue_indirect_dma source(%arg9 : memref<128x128xf32, #tpu.memory_space<vmem>>) target(%dma_start3A_57 : memref<5888x128xf32, #tpu.memory_space<vmem_shared>>) offsets(%dma_start3A_54 : memref<128xi32, #tpu.memory_space<vmem>>) semaphore(%run_scoped3A_52 : memref<!tpu.dma_semaphore, #tpu.memory_space<semaphore_mem>>) {add = true}
      %dma_wait3A = arith.constant 0 : i32
      %dma_wait3A_58 = tpu.memref_slice %arg8[%run_scoped3A_28, %dma_wait3A] : memref<10x128xi32, #tpu.memory_space<vmem>> -> memref<1x128xi32, #tpu.memory_space<vmem>>
      %dma_wait3A_59 = tpu.memref_squeeze %dma_wait3A_58 : memref<1x128xi32, #tpu.memory_space<vmem>> -> memref<128xi32, #tpu.memory_space<vmem>>
      %dma_wait3A_60 = arith.constant 0 : i32
      %dma_wait3A_61 = arith.constant 0 : i32
      %dma_wait3A_62 = tpu.memref_slice %arg11[%dma_wait3A_60, %dma_wait3A_61] : memref<5888x128xf32, #tpu.memory_space<vmem_shared>> -> memref<5888x128xf32, #tpu.memory_space<vmem_shared>>
      tpu.wait_indirect_dma semaphore(%run_scoped3A_52 : memref<!tpu.dma_semaphore, #tpu.memory_space<semaphore_mem>>) src(%arg9 : memref<128x128xf32, #tpu.memory_space<vmem>>) dst(%dma_wait3A_62 : memref<5888x128xf32, #tpu.memory_space<vmem_shared>>)
      tpu.yield
    }) : () -> ()
    %run_scoped3A_29 = arith.constant 5 : i32
    "tpu.region"() ({
      %run_scoped3A_52 = tpu.sem_alloc : memref<!tpu.dma_semaphore, #tpu.memory_space<semaphore_mem>>
      %dma_start3A = arith.constant 0 : i32
      %dma_start3A_53 = tpu.memref_slice %arg8[%run_scoped3A_29, %dma_start3A] : memref<10x128xi32, #tpu.memory_space<vmem>> -> memref<1x128xi32, #tpu.memory_space<vmem>>
      %dma_start3A_54 = tpu.memref_squeeze %dma_start3A_53 : memref<1x128xi32, #tpu.memory_space<vmem>> -> memref<128xi32, #tpu.memory_space<vmem>>
      %dma_start3A_55 = arith.constant 0 : i32
      %dma_start3A_56 = arith.constant 0 : i32
      %dma_start3A_57 = tpu.memref_slice %arg12[%dma_start3A_55, %dma_start3A_56] : memref<5888x128xf32, #tpu.memory_space<vmem_shared>> -> memref<5888x128xf32, #tpu.memory_space<vmem_shared>>
      tpu.enqueue_indirect_dma source(%arg10 : memref<128x128xf32, #tpu.memory_space<vmem>>) target(%dma_start3A_57 : memref<5888x128xf32, #tpu.memory_space<vmem_shared>>) offsets(%dma_start3A_54 : memref<128xi32, #tpu.memory_space<vmem>>) semaphore(%run_scoped3A_52 : memref<!tpu.dma_semaphore, #tpu.memory_space<semaphore_mem>>) {add = true}
      %dma_wait3A = arith.constant 0 : i32
      %dma_wait3A_58 = tpu.memref_slice %arg8[%run_scoped3A_29, %dma_wait3A] : memref<10x128xi32, #tpu.memory_space<vmem>> -> memref<1x128xi32, #tpu.memory_space<vmem>>
      %dma_wait3A_59 = tpu.memref_squeeze %dma_wait3A_58 : memref<1x128xi32, #tpu.memory_space<vmem>> -> memref<128xi32, #tpu.memory_space<vmem>>
      %dma_wait3A_60 = arith.constant 0 : i32
      %dma_wait3A_61 = arith.constant 0 : i32
      %dma_wait3A_62 = tpu.memref_slice %arg12[%dma_wait3A_60, %dma_wait3A_61] : memref<5888x128xf32, #tpu.memory_space<vmem_shared>> -> memref<5888x128xf32, #tpu.memory_space<vmem_shared>>
      tpu.wait_indirect_dma semaphore(%run_scoped3A_52 : memref<!tpu.dma_semaphore, #tpu.memory_space<semaphore_mem>>) src(%arg10 : memref<128x128xf32, #tpu.memory_space<vmem>>) dst(%dma_wait3A_62 : memref<5888x128xf32, #tpu.memory_space<vmem_shared>>)
      tpu.yield
    }) : () -> ()
    %add3A_30 = arith.constant 768 : i32
    %add3A_31 = arith.addi %mul3A_6, %add3A_30 : i32
    "tpu.region"() ({
      %run_scoped3A_52 = tpu.sem_alloc : memref<!tpu.dma_semaphore, #tpu.memory_space<semaphore_mem>>
      %dma_start3A = arith.constant 0 : i32
      %dma_start3A_53 = tpu.memref_slice %arg2[%add3A_31, %dma_start3A] : memref<40960x128xf32, #tpu.memory_space<hbm>> -> memref<128x128xf32, #tpu.memory_space<hbm>>
      %dma_start3A_54 = arith.constant 0 : i32
      %dma_start3A_55 = tpu.memref_slice %arg2[%add3A_31, %dma_start3A_54] : memref<40960x128xf32, #tpu.memory_space<hbm>> -> memref<128x128xf32, #tpu.memory_space<hbm>>
      tpu.enqueue_dma source(%dma_start3A_55 : memref<128x128xf32, #tpu.memory_space<hbm>>) target(%arg9 : memref<128x128xf32, #tpu.memory_space<vmem>>) target_semaphore(%run_scoped3A_52 : memref<!tpu.dma_semaphore, #tpu.memory_space<semaphore_mem>>)
      %dma_wait3A = arith.constant 0 : i32
      %dma_wait3A_56 = tpu.memref_slice %arg2[%add3A_31, %dma_wait3A] : memref<40960x128xf32, #tpu.memory_space<hbm>> -> memref<128x128xf32, #tpu.memory_space<hbm>>
      %dma_wait3A_57 = arith.constant 0 : i32
      %dma_wait3A_58 = tpu.memref_slice %arg2[%add3A_31, %dma_wait3A_57] : memref<40960x128xf32, #tpu.memory_space<hbm>> -> memref<128x128xf32, #tpu.memory_space<hbm>>
      tpu.wait_dma2 semaphore(%run_scoped3A_52 : memref<!tpu.dma_semaphore, #tpu.memory_space<semaphore_mem>>) src(%dma_wait3A_58 : memref<128x128xf32, #tpu.memory_space<hbm>>) dst(%arg9 : memref<128x128xf32, #tpu.memory_space<vmem>>)
      tpu.yield
    }) : () -> ()
    "tpu.region"() ({
      %run_scoped3A_52 = tpu.sem_alloc : memref<!tpu.dma_semaphore, #tpu.memory_space<semaphore_mem>>
      %dma_start3A = arith.constant 0 : i32
      %dma_start3A_53 = tpu.memref_slice %arg3[%add3A_31, %dma_start3A] : memref<40960x128xf32, #tpu.memory_space<hbm>> -> memref<128x128xf32, #tpu.memory_space<hbm>>
      %dma_start3A_54 = arith.constant 0 : i32
      %dma_start3A_55 = tpu.memref_slice %arg3[%add3A_31, %dma_start3A_54] : memref<40960x128xf32, #tpu.memory_space<hbm>> -> memref<128x128xf32, #tpu.memory_space<hbm>>
      tpu.enqueue_dma source(%dma_start3A_55 : memref<128x128xf32, #tpu.memory_space<hbm>>) target(%arg10 : memref<128x128xf32, #tpu.memory_space<vmem>>) target_semaphore(%run_scoped3A_52 : memref<!tpu.dma_semaphore, #tpu.memory_space<semaphore_mem>>)
      %dma_wait3A = arith.constant 0 : i32
      %dma_wait3A_56 = tpu.memref_slice %arg3[%add3A_31, %dma_wait3A] : memref<40960x128xf32, #tpu.memory_space<hbm>> -> memref<128x128xf32, #tpu.memory_space<hbm>>
      %dma_wait3A_57 = arith.constant 0 : i32
      %dma_wait3A_58 = tpu.memref_slice %arg3[%add3A_31, %dma_wait3A_57] : memref<40960x128xf32, #tpu.memory_space<hbm>> -> memref<128x128xf32, #tpu.memory_space<hbm>>
      tpu.wait_dma2 semaphore(%run_scoped3A_52 : memref<!tpu.dma_semaphore, #tpu.memory_space<semaphore_mem>>) src(%dma_wait3A_58 : memref<128x128xf32, #tpu.memory_space<hbm>>) dst(%arg10 : memref<128x128xf32, #tpu.memory_space<vmem>>)
      tpu.yield
    }) : () -> ()
    %run_scoped3A_32 = arith.constant 6 : i32
    "tpu.region"() ({
      %run_scoped3A_52 = tpu.sem_alloc : memref<!tpu.dma_semaphore, #tpu.memory_space<semaphore_mem>>
      %dma_start3A = arith.constant 0 : i32
      %dma_start3A_53 = tpu.memref_slice %arg8[%run_scoped3A_32, %dma_start3A] : memref<10x128xi32, #tpu.memory_space<vmem>> -> memref<1x128xi32, #tpu.memory_space<vmem>>
      %dma_start3A_54 = tpu.memref_squeeze %dma_start3A_53 : memref<1x128xi32, #tpu.memory_space<vmem>> -> memref<128xi32, #tpu.memory_space<vmem>>
      %dma_start3A_55 = arith.constant 0 : i32
      %dma_start3A_56 = arith.constant 0 : i32
      %dma_start3A_57 = tpu.memref_slice %arg11[%dma_start3A_55, %dma_start3A_56] : memref<5888x128xf32, #tpu.memory_space<vmem_shared>> -> memref<5888x128xf32, #tpu.memory_space<vmem_shared>>
      tpu.enqueue_indirect_dma source(%arg9 : memref<128x128xf32, #tpu.memory_space<vmem>>) target(%dma_start3A_57 : memref<5888x128xf32, #tpu.memory_space<vmem_shared>>) offsets(%dma_start3A_54 : memref<128xi32, #tpu.memory_space<vmem>>) semaphore(%run_scoped3A_52 : memref<!tpu.dma_semaphore, #tpu.memory_space<semaphore_mem>>) {add = true}
      %dma_wait3A = arith.constant 0 : i32
      %dma_wait3A_58 = tpu.memref_slice %arg8[%run_scoped3A_32, %dma_wait3A] : memref<10x128xi32, #tpu.memory_space<vmem>> -> memref<1x128xi32, #tpu.memory_space<vmem>>
      %dma_wait3A_59 = tpu.memref_squeeze %dma_wait3A_58 : memref<1x128xi32, #tpu.memory_space<vmem>> -> memref<128xi32, #tpu.memory_space<vmem>>
      %dma_wait3A_60 = arith.constant 0 : i32
      %dma_wait3A_61 = arith.constant 0 : i32
      %dma_wait3A_62 = tpu.memref_slice %arg11[%dma_wait3A_60, %dma_wait3A_61] : memref<5888x128xf32, #tpu.memory_space<vmem_shared>> -> memref<5888x128xf32, #tpu.memory_space<vmem_shared>>
      tpu.wait_indirect_dma semaphore(%run_scoped3A_52 : memref<!tpu.dma_semaphore, #tpu.memory_space<semaphore_mem>>) src(%arg9 : memref<128x128xf32, #tpu.memory_space<vmem>>) dst(%dma_wait3A_62 : memref<5888x128xf32, #tpu.memory_space<vmem_shared>>)
      tpu.yield
    }) : () -> ()
    %run_scoped3A_33 = arith.constant 6 : i32
    "tpu.region"() ({
      %run_scoped3A_52 = tpu.sem_alloc : memref<!tpu.dma_semaphore, #tpu.memory_space<semaphore_mem>>
      %dma_start3A = arith.constant 0 : i32
      %dma_start3A_53 = tpu.memref_slice %arg8[%run_scoped3A_33, %dma_start3A] : memref<10x128xi32, #tpu.memory_space<vmem>> -> memref<1x128xi32, #tpu.memory_space<vmem>>
      %dma_start3A_54 = tpu.memref_squeeze %dma_start3A_53 : memref<1x128xi32, #tpu.memory_space<vmem>> -> memref<128xi32, #tpu.memory_space<vmem>>
      %dma_start3A_55 = arith.constant 0 : i32
      %dma_start3A_56 = arith.constant 0 : i32
      %dma_start3A_57 = tpu.memref_slice %arg12[%dma_start3A_55, %dma_start3A_56] : memref<5888x128xf32, #tpu.memory_space<vmem_shared>> -> memref<5888x128xf32, #tpu.memory_space<vmem_shared>>
      tpu.enqueue_indirect_dma source(%arg10 : memref<128x128xf32, #tpu.memory_space<vmem>>) target(%dma_start3A_57 : memref<5888x128xf32, #tpu.memory_space<vmem_shared>>) offsets(%dma_start3A_54 : memref<128xi32, #tpu.memory_space<vmem>>) semaphore(%run_scoped3A_52 : memref<!tpu.dma_semaphore, #tpu.memory_space<semaphore_mem>>) {add = true}
      %dma_wait3A = arith.constant 0 : i32
      %dma_wait3A_58 = tpu.memref_slice %arg8[%run_scoped3A_33, %dma_wait3A] : memref<10x128xi32, #tpu.memory_space<vmem>> -> memref<1x128xi32, #tpu.memory_space<vmem>>
      %dma_wait3A_59 = tpu.memref_squeeze %dma_wait3A_58 : memref<1x128xi32, #tpu.memory_space<vmem>> -> memref<128xi32, #tpu.memory_space<vmem>>
      %dma_wait3A_60 = arith.constant 0 : i32
      %dma_wait3A_61 = arith.constant 0 : i32
      %dma_wait3A_62 = tpu.memref_slice %arg12[%dma_wait3A_60, %dma_wait3A_61] : memref<5888x128xf32, #tpu.memory_space<vmem_shared>> -> memref<5888x128xf32, #tpu.memory_space<vmem_shared>>
      tpu.wait_indirect_dma semaphore(%run_scoped3A_52 : memref<!tpu.dma_semaphore, #tpu.memory_space<semaphore_mem>>) src(%arg10 : memref<128x128xf32, #tpu.memory_space<vmem>>) dst(%dma_wait3A_62 : memref<5888x128xf32, #tpu.memory_space<vmem_shared>>)
      tpu.yield
    }) : () -> ()
    %add3A_34 = arith.constant 896 : i32
    %add3A_35 = arith.addi %mul3A_6, %add3A_34 : i32
    "tpu.region"() ({
      %run_scoped3A_52 = tpu.sem_alloc : memref<!tpu.dma_semaphore, #tpu.memory_space<semaphore_mem>>
      %dma_start3A = arith.constant 0 : i32
      %dma_start3A_53 = tpu.memref_slice %arg2[%add3A_35, %dma_start3A] : memref<40960x128xf32, #tpu.memory_space<hbm>> -> memref<128x128xf32, #tpu.memory_space<hbm>>
      %dma_start3A_54 = arith.constant 0 : i32
      %dma_start3A_55 = tpu.memref_slice %arg2[%add3A_35, %dma_start3A_54] : memref<40960x128xf32, #tpu.memory_space<hbm>> -> memref<128x128xf32, #tpu.memory_space<hbm>>
      tpu.enqueue_dma source(%dma_start3A_55 : memref<128x128xf32, #tpu.memory_space<hbm>>) target(%arg9 : memref<128x128xf32, #tpu.memory_space<vmem>>) target_semaphore(%run_scoped3A_52 : memref<!tpu.dma_semaphore, #tpu.memory_space<semaphore_mem>>)
      %dma_wait3A = arith.constant 0 : i32
      %dma_wait3A_56 = tpu.memref_slice %arg2[%add3A_35, %dma_wait3A] : memref<40960x128xf32, #tpu.memory_space<hbm>> -> memref<128x128xf32, #tpu.memory_space<hbm>>
      %dma_wait3A_57 = arith.constant 0 : i32
      %dma_wait3A_58 = tpu.memref_slice %arg2[%add3A_35, %dma_wait3A_57] : memref<40960x128xf32, #tpu.memory_space<hbm>> -> memref<128x128xf32, #tpu.memory_space<hbm>>
      tpu.wait_dma2 semaphore(%run_scoped3A_52 : memref<!tpu.dma_semaphore, #tpu.memory_space<semaphore_mem>>) src(%dma_wait3A_58 : memref<128x128xf32, #tpu.memory_space<hbm>>) dst(%arg9 : memref<128x128xf32, #tpu.memory_space<vmem>>)
      tpu.yield
    }) : () -> ()
    "tpu.region"() ({
      %run_scoped3A_52 = tpu.sem_alloc : memref<!tpu.dma_semaphore, #tpu.memory_space<semaphore_mem>>
      %dma_start3A = arith.constant 0 : i32
      %dma_start3A_53 = tpu.memref_slice %arg3[%add3A_35, %dma_start3A] : memref<40960x128xf32, #tpu.memory_space<hbm>> -> memref<128x128xf32, #tpu.memory_space<hbm>>
      %dma_start3A_54 = arith.constant 0 : i32
      %dma_start3A_55 = tpu.memref_slice %arg3[%add3A_35, %dma_start3A_54] : memref<40960x128xf32, #tpu.memory_space<hbm>> -> memref<128x128xf32, #tpu.memory_space<hbm>>
      tpu.enqueue_dma source(%dma_start3A_55 : memref<128x128xf32, #tpu.memory_space<hbm>>) target(%arg10 : memref<128x128xf32, #tpu.memory_space<vmem>>) target_semaphore(%run_scoped3A_52 : memref<!tpu.dma_semaphore, #tpu.memory_space<semaphore_mem>>)
      %dma_wait3A = arith.constant 0 : i32
      %dma_wait3A_56 = tpu.memref_slice %arg3[%add3A_35, %dma_wait3A] : memref<40960x128xf32, #tpu.memory_space<hbm>> -> memref<128x128xf32, #tpu.memory_space<hbm>>
      %dma_wait3A_57 = arith.constant 0 : i32
      %dma_wait3A_58 = tpu.memref_slice %arg3[%add3A_35, %dma_wait3A_57] : memref<40960x128xf32, #tpu.memory_space<hbm>> -> memref<128x128xf32, #tpu.memory_space<hbm>>
      tpu.wait_dma2 semaphore(%run_scoped3A_52 : memref<!tpu.dma_semaphore, #tpu.memory_space<semaphore_mem>>) src(%dma_wait3A_58 : memref<128x128xf32, #tpu.memory_space<hbm>>) dst(%arg10 : memref<128x128xf32, #tpu.memory_space<vmem>>)
      tpu.yield
    }) : () -> ()
    %run_scoped3A_36 = arith.constant 7 : i32
    "tpu.region"() ({
      %run_scoped3A_52 = tpu.sem_alloc : memref<!tpu.dma_semaphore, #tpu.memory_space<semaphore_mem>>
      %dma_start3A = arith.constant 0 : i32
      %dma_start3A_53 = tpu.memref_slice %arg8[%run_scoped3A_36, %dma_start3A] : memref<10x128xi32, #tpu.memory_space<vmem>> -> memref<1x128xi32, #tpu.memory_space<vmem>>
      %dma_start3A_54 = tpu.memref_squeeze %dma_start3A_53 : memref<1x128xi32, #tpu.memory_space<vmem>> -> memref<128xi32, #tpu.memory_space<vmem>>
      %dma_start3A_55 = arith.constant 0 : i32
      %dma_start3A_56 = arith.constant 0 : i32
      %dma_start3A_57 = tpu.memref_slice %arg11[%dma_start3A_55, %dma_start3A_56] : memref<5888x128xf32, #tpu.memory_space<vmem_shared>> -> memref<5888x128xf32, #tpu.memory_space<vmem_shared>>
      tpu.enqueue_indirect_dma source(%arg9 : memref<128x128xf32, #tpu.memory_space<vmem>>) target(%dma_start3A_57 : memref<5888x128xf32, #tpu.memory_space<vmem_shared>>) offsets(%dma_start3A_54 : memref<128xi32, #tpu.memory_space<vmem>>) semaphore(%run_scoped3A_52 : memref<!tpu.dma_semaphore, #tpu.memory_space<semaphore_mem>>) {add = true}
      %dma_wait3A = arith.constant 0 : i32
      %dma_wait3A_58 = tpu.memref_slice %arg8[%run_scoped3A_36, %dma_wait3A] : memref<10x128xi32, #tpu.memory_space<vmem>> -> memref<1x128xi32, #tpu.memory_space<vmem>>
      %dma_wait3A_59 = tpu.memref_squeeze %dma_wait3A_58 : memref<1x128xi32, #tpu.memory_space<vmem>> -> memref<128xi32, #tpu.memory_space<vmem>>
      %dma_wait3A_60 = arith.constant 0 : i32
      %dma_wait3A_61 = arith.constant 0 : i32
      %dma_wait3A_62 = tpu.memref_slice %arg11[%dma_wait3A_60, %dma_wait3A_61] : memref<5888x128xf32, #tpu.memory_space<vmem_shared>> -> memref<5888x128xf32, #tpu.memory_space<vmem_shared>>
      tpu.wait_indirect_dma semaphore(%run_scoped3A_52 : memref<!tpu.dma_semaphore, #tpu.memory_space<semaphore_mem>>) src(%arg9 : memref<128x128xf32, #tpu.memory_space<vmem>>) dst(%dma_wait3A_62 : memref<5888x128xf32, #tpu.memory_space<vmem_shared>>)
      tpu.yield
    }) : () -> ()
    %run_scoped3A_37 = arith.constant 7 : i32
    "tpu.region"() ({
      %run_scoped3A_52 = tpu.sem_alloc : memref<!tpu.dma_semaphore, #tpu.memory_space<semaphore_mem>>
      %dma_start3A = arith.constant 0 : i32
      %dma_start3A_53 = tpu.memref_slice %arg8[%run_scoped3A_37, %dma_start3A] : memref<10x128xi32, #tpu.memory_space<vmem>> -> memref<1x128xi32, #tpu.memory_space<vmem>>
      %dma_start3A_54 = tpu.memref_squeeze %dma_start3A_53 : memref<1x128xi32, #tpu.memory_space<vmem>> -> memref<128xi32, #tpu.memory_space<vmem>>
      %dma_start3A_55 = arith.constant 0 : i32
      %dma_start3A_56 = arith.constant 0 : i32
      %dma_start3A_57 = tpu.memref_slice %arg12[%dma_start3A_55, %dma_start3A_56] : memref<5888x128xf32, #tpu.memory_space<vmem_shared>> -> memref<5888x128xf32, #tpu.memory_space<vmem_shared>>
      tpu.enqueue_indirect_dma source(%arg10 : memref<128x128xf32, #tpu.memory_space<vmem>>) target(%dma_start3A_57 : memref<5888x128xf32, #tpu.memory_space<vmem_shared>>) offsets(%dma_start3A_54 : memref<128xi32, #tpu.memory_space<vmem>>) semaphore(%run_scoped3A_52 : memref<!tpu.dma_semaphore, #tpu.memory_space<semaphore_mem>>) {add = true}
      %dma_wait3A = arith.constant 0 : i32
      %dma_wait3A_58 = tpu.memref_slice %arg8[%run_scoped3A_37, %dma_wait3A] : memref<10x128xi32, #tpu.memory_space<vmem>> -> memref<1x128xi32, #tpu.memory_space<vmem>>
      %dma_wait3A_59 = tpu.memref_squeeze %dma_wait3A_58 : memref<1x128xi32, #tpu.memory_space<vmem>> -> memref<128xi32, #tpu.memory_space<vmem>>
      %dma_wait3A_60 = arith.constant 0 : i32
      %dma_wait3A_61 = arith.constant 0 : i32
      %dma_wait3A_62 = tpu.memref_slice %arg12[%dma_wait3A_60, %dma_wait3A_61] : memref<5888x128xf32, #tpu.memory_space<vmem_shared>> -> memref<5888x128xf32, #tpu.memory_space<vmem_shared>>
      tpu.wait_indirect_dma semaphore(%run_scoped3A_52 : memref<!tpu.dma_semaphore, #tpu.memory_space<semaphore_mem>>) src(%arg10 : memref<128x128xf32, #tpu.memory_space<vmem>>) dst(%dma_wait3A_62 : memref<5888x128xf32, #tpu.memory_space<vmem_shared>>)
      tpu.yield
    }) : () -> ()
    %add3A_38 = arith.constant 1024 : i32
    %add3A_39 = arith.addi %mul3A_6, %add3A_38 : i32
    "tpu.region"() ({
      %run_scoped3A_52 = tpu.sem_alloc : memref<!tpu.dma_semaphore, #tpu.memory_space<semaphore_mem>>
      %dma_start3A = arith.constant 0 : i32
      %dma_start3A_53 = tpu.memref_slice %arg2[%add3A_39, %dma_start3A] : memref<40960x128xf32, #tpu.memory_space<hbm>> -> memref<128x128xf32, #tpu.memory_space<hbm>>
      %dma_start3A_54 = arith.constant 0 : i32
      %dma_start3A_55 = tpu.memref_slice %arg2[%add3A_39, %dma_start3A_54] : memref<40960x128xf32, #tpu.memory_space<hbm>> -> memref<128x128xf32, #tpu.memory_space<hbm>>
      tpu.enqueue_dma source(%dma_start3A_55 : memref<128x128xf32, #tpu.memory_space<hbm>>) target(%arg9 : memref<128x128xf32, #tpu.memory_space<vmem>>) target_semaphore(%run_scoped3A_52 : memref<!tpu.dma_semaphore, #tpu.memory_space<semaphore_mem>>)
      %dma_wait3A = arith.constant 0 : i32
      %dma_wait3A_56 = tpu.memref_slice %arg2[%add3A_39, %dma_wait3A] : memref<40960x128xf32, #tpu.memory_space<hbm>> -> memref<128x128xf32, #tpu.memory_space<hbm>>
      %dma_wait3A_57 = arith.constant 0 : i32
      %dma_wait3A_58 = tpu.memref_slice %arg2[%add3A_39, %dma_wait3A_57] : memref<40960x128xf32, #tpu.memory_space<hbm>> -> memref<128x128xf32, #tpu.memory_space<hbm>>
      tpu.wait_dma2 semaphore(%run_scoped3A_52 : memref<!tpu.dma_semaphore, #tpu.memory_space<semaphore_mem>>) src(%dma_wait3A_58 : memref<128x128xf32, #tpu.memory_space<hbm>>) dst(%arg9 : memref<128x128xf32, #tpu.memory_space<vmem>>)
      tpu.yield
    }) : () -> ()
    "tpu.region"() ({
      %run_scoped3A_52 = tpu.sem_alloc : memref<!tpu.dma_semaphore, #tpu.memory_space<semaphore_mem>>
      %dma_start3A = arith.constant 0 : i32
      %dma_start3A_53 = tpu.memref_slice %arg3[%add3A_39, %dma_start3A] : memref<40960x128xf32, #tpu.memory_space<hbm>> -> memref<128x128xf32, #tpu.memory_space<hbm>>
      %dma_start3A_54 = arith.constant 0 : i32
      %dma_start3A_55 = tpu.memref_slice %arg3[%add3A_39, %dma_start3A_54] : memref<40960x128xf32, #tpu.memory_space<hbm>> -> memref<128x128xf32, #tpu.memory_space<hbm>>
      tpu.enqueue_dma source(%dma_start3A_55 : memref<128x128xf32, #tpu.memory_space<hbm>>) target(%arg10 : memref<128x128xf32, #tpu.memory_space<vmem>>) target_semaphore(%run_scoped3A_52 : memref<!tpu.dma_semaphore, #tpu.memory_space<semaphore_mem>>)
      %dma_wait3A = arith.constant 0 : i32
      %dma_wait3A_56 = tpu.memref_slice %arg3[%add3A_39, %dma_wait3A] : memref<40960x128xf32, #tpu.memory_space<hbm>> -> memref<128x128xf32, #tpu.memory_space<hbm>>
      %dma_wait3A_57 = arith.constant 0 : i32
      %dma_wait3A_58 = tpu.memref_slice %arg3[%add3A_39, %dma_wait3A_57] : memref<40960x128xf32, #tpu.memory_space<hbm>> -> memref<128x128xf32, #tpu.memory_space<hbm>>
      tpu.wait_dma2 semaphore(%run_scoped3A_52 : memref<!tpu.dma_semaphore, #tpu.memory_space<semaphore_mem>>) src(%dma_wait3A_58 : memref<128x128xf32, #tpu.memory_space<hbm>>) dst(%arg10 : memref<128x128xf32, #tpu.memory_space<vmem>>)
      tpu.yield
    }) : () -> ()
    %run_scoped3A_40 = arith.constant 8 : i32
    "tpu.region"() ({
      %run_scoped3A_52 = tpu.sem_alloc : memref<!tpu.dma_semaphore, #tpu.memory_space<semaphore_mem>>
      %dma_start3A = arith.constant 0 : i32
      %dma_start3A_53 = tpu.memref_slice %arg8[%run_scoped3A_40, %dma_start3A] : memref<10x128xi32, #tpu.memory_space<vmem>> -> memref<1x128xi32, #tpu.memory_space<vmem>>
      %dma_start3A_54 = tpu.memref_squeeze %dma_start3A_53 : memref<1x128xi32, #tpu.memory_space<vmem>> -> memref<128xi32, #tpu.memory_space<vmem>>
      %dma_start3A_55 = arith.constant 0 : i32
      %dma_start3A_56 = arith.constant 0 : i32
      %dma_start3A_57 = tpu.memref_slice %arg11[%dma_start3A_55, %dma_start3A_56] : memref<5888x128xf32, #tpu.memory_space<vmem_shared>> -> memref<5888x128xf32, #tpu.memory_space<vmem_shared>>
      tpu.enqueue_indirect_dma source(%arg9 : memref<128x128xf32, #tpu.memory_space<vmem>>) target(%dma_start3A_57 : memref<5888x128xf32, #tpu.memory_space<vmem_shared>>) offsets(%dma_start3A_54 : memref<128xi32, #tpu.memory_space<vmem>>) semaphore(%run_scoped3A_52 : memref<!tpu.dma_semaphore, #tpu.memory_space<semaphore_mem>>) {add = true}
      %dma_wait3A = arith.constant 0 : i32
      %dma_wait3A_58 = tpu.memref_slice %arg8[%run_scoped3A_40, %dma_wait3A] : memref<10x128xi32, #tpu.memory_space<vmem>> -> memref<1x128xi32, #tpu.memory_space<vmem>>
      %dma_wait3A_59 = tpu.memref_squeeze %dma_wait3A_58 : memref<1x128xi32, #tpu.memory_space<vmem>> -> memref<128xi32, #tpu.memory_space<vmem>>
      %dma_wait3A_60 = arith.constant 0 : i32
      %dma_wait3A_61 = arith.constant 0 : i32
      %dma_wait3A_62 = tpu.memref_slice %arg11[%dma_wait3A_60, %dma_wait3A_61] : memref<5888x128xf32, #tpu.memory_space<vmem_shared>> -> memref<5888x128xf32, #tpu.memory_space<vmem_shared>>
      tpu.wait_indirect_dma semaphore(%run_scoped3A_52 : memref<!tpu.dma_semaphore, #tpu.memory_space<semaphore_mem>>) src(%arg9 : memref<128x128xf32, #tpu.memory_space<vmem>>) dst(%dma_wait3A_62 : memref<5888x128xf32, #tpu.memory_space<vmem_shared>>)
      tpu.yield
    }) : () -> ()
    %run_scoped3A_41 = arith.constant 8 : i32
    "tpu.region"() ({
      %run_scoped3A_52 = tpu.sem_alloc : memref<!tpu.dma_semaphore, #tpu.memory_space<semaphore_mem>>
      %dma_start3A = arith.constant 0 : i32
      %dma_start3A_53 = tpu.memref_slice %arg8[%run_scoped3A_41, %dma_start3A] : memref<10x128xi32, #tpu.memory_space<vmem>> -> memref<1x128xi32, #tpu.memory_space<vmem>>
      %dma_start3A_54 = tpu.memref_squeeze %dma_start3A_53 : memref<1x128xi32, #tpu.memory_space<vmem>> -> memref<128xi32, #tpu.memory_space<vmem>>
      %dma_start3A_55 = arith.constant 0 : i32
      %dma_start3A_56 = arith.constant 0 : i32
      %dma_start3A_57 = tpu.memref_slice %arg12[%dma_start3A_55, %dma_start3A_56] : memref<5888x128xf32, #tpu.memory_space<vmem_shared>> -> memref<5888x128xf32, #tpu.memory_space<vmem_shared>>
      tpu.enqueue_indirect_dma source(%arg10 : memref<128x128xf32, #tpu.memory_space<vmem>>) target(%dma_start3A_57 : memref<5888x128xf32, #tpu.memory_space<vmem_shared>>) offsets(%dma_start3A_54 : memref<128xi32, #tpu.memory_space<vmem>>) semaphore(%run_scoped3A_52 : memref<!tpu.dma_semaphore, #tpu.memory_space<semaphore_mem>>) {add = true}
      %dma_wait3A = arith.constant 0 : i32
      %dma_wait3A_58 = tpu.memref_slice %arg8[%run_scoped3A_41, %dma_wait3A] : memref<10x128xi32, #tpu.memory_space<vmem>> -> memref<1x128xi32, #tpu.memory_space<vmem>>
      %dma_wait3A_59 = tpu.memref_squeeze %dma_wait3A_58 : memref<1x128xi32, #tpu.memory_space<vmem>> -> memref<128xi32, #tpu.memory_space<vmem>>
      %dma_wait3A_60 = arith.constant 0 : i32
      %dma_wait3A_61 = arith.constant 0 : i32
      %dma_wait3A_62 = tpu.memref_slice %arg12[%dma_wait3A_60, %dma_wait3A_61] : memref<5888x128xf32, #tpu.memory_space<vmem_shared>> -> memref<5888x128xf32, #tpu.memory_space<vmem_shared>>
      tpu.wait_indirect_dma semaphore(%run_scoped3A_52 : memref<!tpu.dma_semaphore, #tpu.memory_space<semaphore_mem>>) src(%arg10 : memref<128x128xf32, #tpu.memory_space<vmem>>) dst(%dma_wait3A_62 : memref<5888x128xf32, #tpu.memory_space<vmem_shared>>)
      tpu.yield
    }) : () -> ()
    %add3A_42 = arith.constant 1152 : i32
    %add3A_43 = arith.addi %mul3A_6, %add3A_42 : i32
    "tpu.region"() ({
      %run_scoped3A_52 = tpu.sem_alloc : memref<!tpu.dma_semaphore, #tpu.memory_space<semaphore_mem>>
      %dma_start3A = arith.constant 0 : i32
      %dma_start3A_53 = tpu.memref_slice %arg2[%add3A_43, %dma_start3A] : memref<40960x128xf32, #tpu.memory_space<hbm>> -> memref<128x128xf32, #tpu.memory_space<hbm>>
      %dma_start3A_54 = arith.constant 0 : i32
      %dma_start3A_55 = tpu.memref_slice %arg2[%add3A_43, %dma_start3A_54] : memref<40960x128xf32, #tpu.memory_space<hbm>> -> memref<128x128xf32, #tpu.memory_space<hbm>>
      tpu.enqueue_dma source(%dma_start3A_55 : memref<128x128xf32, #tpu.memory_space<hbm>>) target(%arg9 : memref<128x128xf32, #tpu.memory_space<vmem>>) target_semaphore(%run_scoped3A_52 : memref<!tpu.dma_semaphore, #tpu.memory_space<semaphore_mem>>)
      %dma_wait3A = arith.constant 0 : i32
      %dma_wait3A_56 = tpu.memref_slice %arg2[%add3A_43, %dma_wait3A] : memref<40960x128xf32, #tpu.memory_space<hbm>> -> memref<128x128xf32, #tpu.memory_space<hbm>>
      %dma_wait3A_57 = arith.constant 0 : i32
      %dma_wait3A_58 = tpu.memref_slice %arg2[%add3A_43, %dma_wait3A_57] : memref<40960x128xf32, #tpu.memory_space<hbm>> -> memref<128x128xf32, #tpu.memory_space<hbm>>
      tpu.wait_dma2 semaphore(%run_scoped3A_52 : memref<!tpu.dma_semaphore, #tpu.memory_space<semaphore_mem>>) src(%dma_wait3A_58 : memref<128x128xf32, #tpu.memory_space<hbm>>) dst(%arg9 : memref<128x128xf32, #tpu.memory_space<vmem>>)
      tpu.yield
    }) : () -> ()
    "tpu.region"() ({
      %run_scoped3A_52 = tpu.sem_alloc : memref<!tpu.dma_semaphore, #tpu.memory_space<semaphore_mem>>
      %dma_start3A = arith.constant 0 : i32
      %dma_start3A_53 = tpu.memref_slice %arg3[%add3A_43, %dma_start3A] : memref<40960x128xf32, #tpu.memory_space<hbm>> -> memref<128x128xf32, #tpu.memory_space<hbm>>
      %dma_start3A_54 = arith.constant 0 : i32
      %dma_start3A_55 = tpu.memref_slice %arg3[%add3A_43, %dma_start3A_54] : memref<40960x128xf32, #tpu.memory_space<hbm>> -> memref<128x128xf32, #tpu.memory_space<hbm>>
      tpu.enqueue_dma source(%dma_start3A_55 : memref<128x128xf32, #tpu.memory_space<hbm>>) target(%arg10 : memref<128x128xf32, #tpu.memory_space<vmem>>) target_semaphore(%run_scoped3A_52 : memref<!tpu.dma_semaphore, #tpu.memory_space<semaphore_mem>>)
      %dma_wait3A = arith.constant 0 : i32
      %dma_wait3A_56 = tpu.memref_slice %arg3[%add3A_43, %dma_wait3A] : memref<40960x128xf32, #tpu.memory_space<hbm>> -> memref<128x128xf32, #tpu.memory_space<hbm>>
      %dma_wait3A_57 = arith.constant 0 : i32
      %dma_wait3A_58 = tpu.memref_slice %arg3[%add3A_43, %dma_wait3A_57] : memref<40960x128xf32, #tpu.memory_space<hbm>> -> memref<128x128xf32, #tpu.memory_space<hbm>>
      tpu.wait_dma2 semaphore(%run_scoped3A_52 : memref<!tpu.dma_semaphore, #tpu.memory_space<semaphore_mem>>) src(%dma_wait3A_58 : memref<128x128xf32, #tpu.memory_space<hbm>>) dst(%arg10 : memref<128x128xf32, #tpu.memory_space<vmem>>)
      tpu.yield
    }) : () -> ()
    %run_scoped3A_44 = arith.constant 9 : i32
    "tpu.region"() ({
      %run_scoped3A_52 = tpu.sem_alloc : memref<!tpu.dma_semaphore, #tpu.memory_space<semaphore_mem>>
      %dma_start3A = arith.constant 0 : i32
      %dma_start3A_53 = tpu.memref_slice %arg8[%run_scoped3A_44, %dma_start3A] : memref<10x128xi32, #tpu.memory_space<vmem>> -> memref<1x128xi32, #tpu.memory_space<vmem>>
      %dma_start3A_54 = tpu.memref_squeeze %dma_start3A_53 : memref<1x128xi32, #tpu.memory_space<vmem>> -> memref<128xi32, #tpu.memory_space<vmem>>
      %dma_start3A_55 = arith.constant 0 : i32
      %dma_start3A_56 = arith.constant 0 : i32
      %dma_start3A_57 = tpu.memref_slice %arg11[%dma_start3A_55, %dma_start3A_56] : memref<5888x128xf32, #tpu.memory_space<vmem_shared>> -> memref<5888x128xf32, #tpu.memory_space<vmem_shared>>
      tpu.enqueue_indirect_dma source(%arg9 : memref<128x128xf32, #tpu.memory_space<vmem>>) target(%dma_start3A_57 : memref<5888x128xf32, #tpu.memory_space<vmem_shared>>) offsets(%dma_start3A_54 : memref<128xi32, #tpu.memory_space<vmem>>) semaphore(%run_scoped3A_52 : memref<!tpu.dma_semaphore, #tpu.memory_space<semaphore_mem>>) {add = true}
      %dma_wait3A = arith.constant 0 : i32
      %dma_wait3A_58 = tpu.memref_slice %arg8[%run_scoped3A_44, %dma_wait3A] : memref<10x128xi32, #tpu.memory_space<vmem>> -> memref<1x128xi32, #tpu.memory_space<vmem>>
      %dma_wait3A_59 = tpu.memref_squeeze %dma_wait3A_58 : memref<1x128xi32, #tpu.memory_space<vmem>> -> memref<128xi32, #tpu.memory_space<vmem>>
      %dma_wait3A_60 = arith.constant 0 : i32
      %dma_wait3A_61 = arith.constant 0 : i32
      %dma_wait3A_62 = tpu.memref_slice %arg11[%dma_wait3A_60, %dma_wait3A_61] : memref<5888x128xf32, #tpu.memory_space<vmem_shared>> -> memref<5888x128xf32, #tpu.memory_space<vmem_shared>>
      tpu.wait_indirect_dma semaphore(%run_scoped3A_52 : memref<!tpu.dma_semaphore, #tpu.memory_space<semaphore_mem>>) src(%arg9 : memref<128x128xf32, #tpu.memory_space<vmem>>) dst(%dma_wait3A_62 : memref<5888x128xf32, #tpu.memory_space<vmem_shared>>)
      tpu.yield
    }) : () -> ()
    %run_scoped3A_45 = arith.constant 9 : i32
    "tpu.region"() ({
      %run_scoped3A_52 = tpu.sem_alloc : memref<!tpu.dma_semaphore, #tpu.memory_space<semaphore_mem>>
      %dma_start3A = arith.constant 0 : i32
      %dma_start3A_53 = tpu.memref_slice %arg8[%run_scoped3A_45, %dma_start3A] : memref<10x128xi32, #tpu.memory_space<vmem>> -> memref<1x128xi32, #tpu.memory_space<vmem>>
      %dma_start3A_54 = tpu.memref_squeeze %dma_start3A_53 : memref<1x128xi32, #tpu.memory_space<vmem>> -> memref<128xi32, #tpu.memory_space<vmem>>
      %dma_start3A_55 = arith.constant 0 : i32
      %dma_start3A_56 = arith.constant 0 : i32
      %dma_start3A_57 = tpu.memref_slice %arg12[%dma_start3A_55, %dma_start3A_56] : memref<5888x128xf32, #tpu.memory_space<vmem_shared>> -> memref<5888x128xf32, #tpu.memory_space<vmem_shared>>
      tpu.enqueue_indirect_dma source(%arg10 : memref<128x128xf32, #tpu.memory_space<vmem>>) target(%dma_start3A_57 : memref<5888x128xf32, #tpu.memory_space<vmem_shared>>) offsets(%dma_start3A_54 : memref<128xi32, #tpu.memory_space<vmem>>) semaphore(%run_scoped3A_52 : memref<!tpu.dma_semaphore, #tpu.memory_space<semaphore_mem>>) {add = true}
      %dma_wait3A = arith.constant 0 : i32
      %dma_wait3A_58 = tpu.memref_slice %arg8[%run_scoped3A_45, %dma_wait3A] : memref<10x128xi32, #tpu.memory_space<vmem>> -> memref<1x128xi32, #tpu.memory_space<vmem>>
      %dma_wait3A_59 = tpu.memref_squeeze %dma_wait3A_58 : memref<1x128xi32, #tpu.memory_space<vmem>> -> memref<128xi32, #tpu.memory_space<vmem>>
      %dma_wait3A_60 = arith.constant 0 : i32
      %dma_wait3A_61 = arith.constant 0 : i32
      %dma_wait3A_62 = tpu.memref_slice %arg12[%dma_wait3A_60, %dma_wait3A_61] : memref<5888x128xf32, #tpu.memory_space<vmem_shared>> -> memref<5888x128xf32, #tpu.memory_space<vmem_shared>>
      tpu.wait_indirect_dma semaphore(%run_scoped3A_52 : memref<!tpu.dma_semaphore, #tpu.memory_space<semaphore_mem>>) src(%arg10 : memref<128x128xf32, #tpu.memory_space<vmem>>) dst(%dma_wait3A_62 : memref<5888x128xf32, #tpu.memory_space<vmem_shared>>)
      tpu.yield
    }) : () -> ()
    %barrier3A_46 = arith.constant 0 : index
    tpu.barrier barrier_id(%barrier3A_46)
    %mul3A_47 = arith.constant 5888 : i32
    %mul3A_48 = arith.muli %arg0, %mul3A_47 : i32
    %mul3A_49 = arith.constant 368 : i32
    %mul3A_50 = arith.muli %arg1, %mul3A_49 : i32
    %add3A_51 = arith.addi %mul3A_48, %mul3A_50 : i32
    "tpu.region"() ({
      %run_scoped3A_52 = tpu.sem_alloc : memref<!tpu.dma_semaphore, #tpu.memory_space<semaphore_mem>>
      %dma_start3A = arith.constant 0 : i32
      %dma_start3A_53 = tpu.memref_slice %arg6[%add3A_51, %dma_start3A] : memref<11776x128xf32, #tpu.memory_space<hbm>> -> memref<368x128xf32, #tpu.memory_space<hbm>>
      %dma_start3A_54 = arith.constant 0 : i32
      %dma_start3A_55 = tpu.memref_slice %arg11[%mul3A_2, %dma_start3A_54] : memref<5888x128xf32, #tpu.memory_space<vmem_shared>> -> memref<368x128xf32, #tpu.memory_space<vmem_shared>>
      tpu.enqueue_dma source(%dma_start3A_55 : memref<368x128xf32, #tpu.memory_space<vmem_shared>>) target(%dma_start3A_53 : memref<368x128xf32, #tpu.memory_space<hbm>>) target_semaphore(%run_scoped3A_52 : memref<!tpu.dma_semaphore, #tpu.memory_space<semaphore_mem>>)
      %dma_wait3A = arith.constant 0 : i32
      %dma_wait3A_56 = tpu.memref_slice %arg6[%add3A_51, %dma_wait3A] : memref<11776x128xf32, #tpu.memory_space<hbm>> -> memref<368x128xf32, #tpu.memory_space<hbm>>
      %dma_wait3A_57 = arith.constant 0 : i32
      %dma_wait3A_58 = tpu.memref_slice %arg11[%mul3A_2, %dma_wait3A_57] : memref<5888x128xf32, #tpu.memory_space<vmem_shared>> -> memref<368x128xf32, #tpu.memory_space<vmem_shared>>
      tpu.wait_dma2 semaphore(%run_scoped3A_52 : memref<!tpu.dma_semaphore, #tpu.memory_space<semaphore_mem>>) src(%dma_wait3A_58 : memref<368x128xf32, #tpu.memory_space<vmem_shared>>) dst(%dma_wait3A_56 : memref<368x128xf32, #tpu.memory_space<hbm>>)
      tpu.yield
    }) : () -> ()
    "tpu.region"() ({
      %run_scoped3A_52 = tpu.sem_alloc : memref<!tpu.dma_semaphore, #tpu.memory_space<semaphore_mem>>
      %dma_start3A = arith.constant 0 : i32
      %dma_start3A_53 = tpu.memref_slice %arg7[%add3A_51, %dma_start3A] : memref<11776x128xf32, #tpu.memory_space<hbm>> -> memref<368x128xf32, #tpu.memory_space<hbm>>
      %dma_start3A_54 = arith.constant 0 : i32
      %dma_start3A_55 = tpu.memref_slice %arg12[%mul3A_2, %dma_start3A_54] : memref<5888x128xf32, #tpu.memory_space<vmem_shared>> -> memref<368x128xf32, #tpu.memory_space<vmem_shared>>
      tpu.enqueue_dma source(%dma_start3A_55 : memref<368x128xf32, #tpu.memory_space<vmem_shared>>) target(%dma_start3A_53 : memref<368x128xf32, #tpu.memory_space<hbm>>) target_semaphore(%run_scoped3A_52 : memref<!tpu.dma_semaphore, #tpu.memory_space<semaphore_mem>>)
      %dma_wait3A = arith.constant 0 : i32
      %dma_wait3A_56 = tpu.memref_slice %arg7[%add3A_51, %dma_wait3A] : memref<11776x128xf32, #tpu.memory_space<hbm>> -> memref<368x128xf32, #tpu.memory_space<hbm>>
      %dma_wait3A_57 = arith.constant 0 : i32
      %dma_wait3A_58 = tpu.memref_slice %arg12[%mul3A_2, %dma_wait3A_57] : memref<5888x128xf32, #tpu.memory_space<vmem_shared>> -> memref<368x128xf32, #tpu.memory_space<vmem_shared>>
      tpu.wait_dma2 semaphore(%run_scoped3A_52 : memref<!tpu.dma_semaphore, #tpu.memory_space<semaphore_mem>>) src(%dma_wait3A_58 : memref<368x128xf32, #tpu.memory_space<vmem_shared>>) dst(%dma_wait3A_56 : memref<368x128xf32, #tpu.memory_space<hbm>>)
      tpu.yield
    }) : () -> ()
    return
  }
}

module attributes {stable_mosaic.version = 14 : i64} {
  func.func @_stage_a_body(%arg0: i32, %arg1: memref<4096x128xf32, #tpu.memory_space<vmem>>, %arg2: memref<4096x2xf32, #tpu.memory_space<vmem>>, %arg3: memref<128x128xf32, #tpu.memory_space<vmem>>, %arg4: memref<1x128xf32, #tpu.memory_space<vmem>>, %arg5: memref<128x128xf32, #tpu.memory_space<vmem>>, %arg6: memref<1x128xf32, #tpu.memory_space<vmem>>, %arg7: memref<1x128xf32, #tpu.memory_space<vmem>>, %arg8: memref<1x128xf32, #tpu.memory_space<vmem>>, %arg9: memref<128x128xf32, #tpu.memory_space<vmem>>, %arg10: memref<2x128xf32, #tpu.memory_space<vmem>>, %arg11: memref<1x128xf32, #tpu.memory_space<vmem>>, %arg12: memref<128x1xf32, #tpu.memory_space<vmem>>, %arg13: memref<2x1xf32, #tpu.memory_space<vmem>>, %arg14: memref<128x1xf32, #tpu.memory_space<vmem>>, %arg15: memref<1x1xf32, #tpu.memory_space<vmem>>, %arg16: memref<1x2xf32, #tpu.memory_space<vmem>>, %arg17: memref<1x2xf32, #tpu.memory_space<vmem>>, %arg18: memref<128x128xf32, #tpu.memory_space<vmem>>, %arg19: memref<2x128xf32, #tpu.memory_space<vmem>>, %arg20: memref<1x128xf32, #tpu.memory_space<vmem>>, %arg21: memref<128x128xf32, #tpu.memory_space<vmem>>, %arg22: memref<128x2xf32, #tpu.memory_space<vmem>>, %arg23: memref<1x128xf32, #tpu.memory_space<vmem>>, %arg24: memref<1x2xf32, #tpu.memory_space<vmem>>, %arg25: memref<1x128xf32, #tpu.memory_space<vmem>>, %arg26: memref<1x2xf32, #tpu.memory_space<vmem>>, %arg27: memref<1x128xf32, #tpu.memory_space<vmem>>, %arg28: memref<1x2xf32, #tpu.memory_space<vmem>>, %arg29: memref<4096x128xf32, #tpu.memory_space<vmem>>, %arg30: memref<4096x128xf32, #tpu.memory_space<vmem>>) attributes {dimension_semantics = [#tpu.dimension_semantics<arbitrary>], iteration_bounds = array<i64: 6>, scalar_prefetch = 0 : i64, scratch_operands = 0 : i64, tpu.core_type = #tpu.core_type<tc>, window_params = [{transform_indices = @transform_0, window_bounds = array<i64: 4096, 128>}, {transform_indices = @transform_1, window_bounds = array<i64: 4096, 2>}, {pipeline_mode = #tpu.pipeline_mode<synchronous>, transform_indices = @transform_2, window_bounds = array<i64: 128, 128>}, {pipeline_mode = #tpu.pipeline_mode<synchronous>, transform_indices = @transform_3, window_bounds = array<i64: 1, 128>}, {pipeline_mode = #tpu.pipeline_mode<synchronous>, transform_indices = @transform_4, window_bounds = array<i64: 128, 128>}, {pipeline_mode = #tpu.pipeline_mode<synchronous>, transform_indices = @transform_5, window_bounds = array<i64: 1, 128>}, {pipeline_mode = #tpu.pipeline_mode<synchronous>, transform_indices = @transform_6, window_bounds = array<i64: 1, 128>}, {pipeline_mode = #tpu.pipeline_mode<synchronous>, transform_indices = @transform_7, window_bounds = array<i64: 1, 128>}, {pipeline_mode = #tpu.pipeline_mode<synchronous>, transform_indices = @transform_8, window_bounds = array<i64: 128, 128>}, {pipeline_mode = #tpu.pipeline_mode<synchronous>, transform_indices = @transform_9, window_bounds = array<i64: 2, 128>}, {pipeline_mode = #tpu.pipeline_mode<synchronous>, transform_indices = @transform_10, window_bounds = array<i64: 1, 128>}, {pipeline_mode = #tpu.pipeline_mode<synchronous>, transform_indices = @transform_11, window_bounds = array<i64: 128, 1>}, {pipeline_mode = #tpu.pipeline_mode<synchronous>, transform_indices = @transform_12, window_bounds = array<i64: 2, 1>}, {pipeline_mode = #tpu.pipeline_mode<synchronous>, transform_indices = @transform_13, window_bounds = array<i64: 128, 1>}, {pipeline_mode = #tpu.pipeline_mode<synchronous>, transform_indices = @transform_14, window_bounds = array<i64: 1, 1>}, {pipeline_mode = #tpu.pipeline_mode<synchronous>, transform_indices = @transform_15, window_bounds = array<i64: 1, 2>}, {pipeline_mode = #tpu.pipeline_mode<synchronous>, transform_indices = @transform_16, window_bounds = array<i64: 1, 2>}, {pipeline_mode = #tpu.pipeline_mode<synchronous>, transform_indices = @transform_17, window_bounds = array<i64: 128, 128>}, {pipeline_mode = #tpu.pipeline_mode<synchronous>, transform_indices = @transform_18, window_bounds = array<i64: 2, 128>}, {pipeline_mode = #tpu.pipeline_mode<synchronous>, transform_indices = @transform_19, window_bounds = array<i64: 1, 128>}, {pipeline_mode = #tpu.pipeline_mode<synchronous>, transform_indices = @transform_20, window_bounds = array<i64: 128, 128>}, {pipeline_mode = #tpu.pipeline_mode<synchronous>, transform_indices = @transform_21, window_bounds = array<i64: 128, 2>}, {pipeline_mode = #tpu.pipeline_mode<synchronous>, transform_indices = @transform_22, window_bounds = array<i64: 1, 128>}, {pipeline_mode = #tpu.pipeline_mode<synchronous>, transform_indices = @transform_23, window_bounds = array<i64: 1, 2>}, {pipeline_mode = #tpu.pipeline_mode<synchronous>, transform_indices = @transform_24, window_bounds = array<i64: 1, 128>}, {pipeline_mode = #tpu.pipeline_mode<synchronous>, transform_indices = @transform_25, window_bounds = array<i64: 1, 2>}, {pipeline_mode = #tpu.pipeline_mode<synchronous>, transform_indices = @transform_26, window_bounds = array<i64: 1, 128>}, {pipeline_mode = #tpu.pipeline_mode<synchronous>, transform_indices = @transform_27, window_bounds = array<i64: 1, 2>}, {transform_indices = @transform_28, window_bounds = array<i64: 4096, 128>}, {transform_indices = @transform_29, window_bounds = array<i64: 4096, 128>}]} {
    %get3A = arith.constant 0 : index
    %get3A_0 = arith.constant 0 : index
    %get3A_1 = vector.load %arg1[%get3A, %get3A_0] : memref<4096x128xf32, #tpu.memory_space<vmem>>, vector<4096x128xf32>
    %get3A_2 = arith.constant 0 : index
    %get3A_3 = arith.constant 0 : index
    %get3A_4 = vector.load %arg2[%get3A_2, %get3A_3] : memref<4096x2xf32, #tpu.memory_space<vmem>>, vector<4096x2xf32>
    %get3A_5 = arith.constant 0 : index
    %get3A_6 = arith.constant 0 : index
    %get3A_7 = vector.load %arg3[%get3A_5, %get3A_6] : memref<128x128xf32, #tpu.memory_space<vmem>>, vector<128x128xf32>
    %convert_element_type3A = arith.truncf %get3A_1 : vector<4096x128xf32> to vector<4096x128xbf16>
    %convert_element_type3A_8 = arith.truncf %get3A_7 : vector<128x128xf32> to vector<128x128xbf16>
    %dot_general3A = arith.constant dense<0.000000e+00> : vector<4096x128xf32>
    %dot_general3A_9 = tpu.matmul %convert_element_type3A, %convert_element_type3A_8, %dot_general3A {dimension_numbers = #tpu.dot_dimension_numbers<[1], [0], [0], [1], [0, 0, 1, 1], [], []>, transpose_lhs_hint = false} : vector<4096x128xbf16>, vector<128x128xbf16>, vector<4096x128xf32> -> vector<4096x128xf32>
    %get3A_10 = arith.constant 0 : index
    %get3A_11 = arith.constant 0 : index
    %get3A_12 = vector.load %arg4[%get3A_10, %get3A_11] : memref<1x128xf32, #tpu.memory_space<vmem>>, vector<1x128xf32>
    %add3A = vector.broadcast %get3A_12 : vector<1x128xf32> to vector<4096x128xf32>
    %add3A_13 = arith.addf %dot_general3A_9, %add3A : vector<4096x128xf32>
    %max3A = arith.constant 0.000000e+00 : f32
    %max3A_14 = vector.broadcast %max3A : f32 to vector<4096x128xf32>
    %max3A_15 = arith.maximumf %add3A_13, %max3A_14 : vector<4096x128xf32>
    %get3A_16 = arith.constant 0 : index
    %get3A_17 = arith.constant 0 : index
    %get3A_18 = vector.load %arg5[%get3A_16, %get3A_17] : memref<128x128xf32, #tpu.memory_space<vmem>>, vector<128x128xf32>
    %convert_element_type3A_19 = arith.truncf %max3A_15 : vector<4096x128xf32> to vector<4096x128xbf16>
    %convert_element_type3A_20 = arith.truncf %get3A_18 : vector<128x128xf32> to vector<128x128xbf16>
    %dot_general3A_21 = arith.constant dense<0.000000e+00> : vector<4096x128xf32>
    %dot_general3A_22 = tpu.matmul %convert_element_type3A_19, %convert_element_type3A_20, %dot_general3A_21 {dimension_numbers = #tpu.dot_dimension_numbers<[1], [0], [0], [1], [0, 0, 1, 1], [], []>, transpose_lhs_hint = false} : vector<4096x128xbf16>, vector<128x128xbf16>, vector<4096x128xf32> -> vector<4096x128xf32>
    %add3A_23 = arith.addf %get3A_1, %dot_general3A_22 : vector<4096x128xf32>
    %get3A_24 = arith.constant 0 : index
    %get3A_25 = arith.constant 0 : index
    %get3A_26 = vector.load %arg6[%get3A_24, %get3A_25] : memref<1x128xf32, #tpu.memory_space<vmem>>, vector<1x128xf32>
    %add3A_27 = vector.broadcast %get3A_26 : vector<1x128xf32> to vector<4096x128xf32>
    %add3A_28 = arith.addf %add3A_23, %add3A_27 : vector<4096x128xf32>
    %get3A_29 = arith.constant 0 : index
    %get3A_30 = arith.constant 0 : index
    %get3A_31 = vector.load %arg7[%get3A_29, %get3A_30] : memref<1x128xf32, #tpu.memory_space<vmem>>, vector<1x128xf32>
    %get3A_32 = arith.constant 0 : index
    %get3A_33 = arith.constant 0 : index
    %get3A_34 = vector.load %arg8[%get3A_32, %get3A_33] : memref<1x128xf32, #tpu.memory_space<vmem>>, vector<1x128xf32>
    %reduce_sum3A = arith.constant dense<0.000000e+00> : vector<4096xf32>
    %reduce_sum3A_35 = vector.multi_reduction <add>, %add3A_28, %reduce_sum3A [1] : vector<4096x128xf32> to vector<4096xf32>
    %broadcast_in_dim3A = vector.shape_cast %reduce_sum3A_35 : vector<4096xf32> to vector<4096x1xf32>
    %div3A = arith.constant 1.280000e+02 : f32
    %div3A_36 = vector.broadcast %div3A : f32 to vector<4096x1xf32>
    %div3A_37 = arith.divf %broadcast_in_dim3A, %div3A_36 : vector<4096x1xf32>
    %mul3A = arith.mulf %add3A_28, %add3A_28 : vector<4096x128xf32>
    %reduce_sum3A_38 = arith.constant dense<0.000000e+00> : vector<4096xf32>
    %reduce_sum3A_39 = vector.multi_reduction <add>, %mul3A, %reduce_sum3A_38 [1] : vector<4096x128xf32> to vector<4096xf32>
    %broadcast_in_dim3A_40 = vector.shape_cast %reduce_sum3A_39 : vector<4096xf32> to vector<4096x1xf32>
    %div3A_41 = arith.constant 1.280000e+02 : f32
    %div3A_42 = vector.broadcast %div3A_41 : f32 to vector<4096x1xf32>
    %div3A_43 = arith.divf %broadcast_in_dim3A_40, %div3A_42 : vector<4096x1xf32>
    %mul3A_44 = arith.mulf %div3A_37, %div3A_37 : vector<4096x1xf32>
    %sub3A = arith.subf %div3A_43, %mul3A_44 : vector<4096x1xf32>
    %sub3A_45 = vector.broadcast %div3A_37 : vector<4096x1xf32> to vector<4096x128xf32>
    %sub3A_46 = arith.subf %add3A_28, %sub3A_45 : vector<4096x128xf32>
    %add3A_47 = arith.constant 9.99999974E-6 : f32
    %add3A_48 = vector.broadcast %add3A_47 : f32 to vector<4096x1xf32>
    %add3A_49 = arith.addf %sub3A, %add3A_48 : vector<4096x1xf32>
    %rsqrt3A = math.rsqrt %add3A_49 : vector<4096x1xf32>
    %mul3A_50 = vector.broadcast %rsqrt3A : vector<4096x1xf32> to vector<4096x128xf32>
    %mul3A_51 = arith.mulf %sub3A_46, %mul3A_50 : vector<4096x128xf32>
    %mul3A_52 = vector.broadcast %get3A_31 : vector<1x128xf32> to vector<4096x128xf32>
    %mul3A_53 = arith.mulf %mul3A_51, %mul3A_52 : vector<4096x128xf32>
    %add3A_54 = vector.broadcast %get3A_34 : vector<1x128xf32> to vector<4096x128xf32>
    %add3A_55 = arith.addf %mul3A_53, %add3A_54 : vector<4096x128xf32>
    %get3A_56 = arith.constant 0 : index
    %get3A_57 = arith.constant 0 : index
    %get3A_58 = vector.load %arg9[%get3A_56, %get3A_57] : memref<128x128xf32, #tpu.memory_space<vmem>>, vector<128x128xf32>
    %convert_element_type3A_59 = arith.truncf %add3A_55 : vector<4096x128xf32> to vector<4096x128xbf16>
    %convert_element_type3A_60 = arith.truncf %get3A_58 : vector<128x128xf32> to vector<128x128xbf16>
    %dot_general3A_61 = arith.constant dense<0.000000e+00> : vector<4096x128xf32>
    %dot_general3A_62 = tpu.matmul %convert_element_type3A_59, %convert_element_type3A_60, %dot_general3A_61 {dimension_numbers = #tpu.dot_dimension_numbers<[1], [0], [0], [1], [0, 0, 1, 1], [], []>, transpose_lhs_hint = false} : vector<4096x128xbf16>, vector<128x128xbf16>, vector<4096x128xf32> -> vector<4096x128xf32>
    %get3A_63 = arith.constant 0 : index
    %get3A_64 = arith.constant 0 : index
    %get3A_65 = vector.load %arg10[%get3A_63, %get3A_64] : memref<2x128xf32, #tpu.memory_space<vmem>>, vector<2x128xf32>
    %convert_element_type3A_66 = arith.truncf %get3A_4 : vector<4096x2xf32> to vector<4096x2xbf16>
    %convert_element_type3A_67 = arith.truncf %get3A_65 : vector<2x128xf32> to vector<2x128xbf16>
    %dot_general3A_68 = arith.constant dense<0.000000e+00> : vector<4096x128xf32>
    %dot_general3A_69 = tpu.matmul %convert_element_type3A_66, %convert_element_type3A_67, %dot_general3A_68 {dimension_numbers = #tpu.dot_dimension_numbers<[1], [0], [0], [1], [0, 0, 1, 1], [], []>, transpose_lhs_hint = false} : vector<4096x2xbf16>, vector<2x128xbf16>, vector<4096x128xf32> -> vector<4096x128xf32>
    %add3A_70 = arith.addf %dot_general3A_62, %dot_general3A_69 : vector<4096x128xf32>
    %get3A_71 = arith.constant 0 : index
    %get3A_72 = arith.constant 0 : index
    %get3A_73 = vector.load %arg11[%get3A_71, %get3A_72] : memref<1x128xf32, #tpu.memory_space<vmem>>, vector<1x128xf32>
    %add3A_74 = vector.broadcast %get3A_73 : vector<1x128xf32> to vector<4096x128xf32>
    %add3A_75 = arith.addf %add3A_70, %add3A_74 : vector<4096x128xf32>
    %max3A_76 = arith.constant 0.000000e+00 : f32
    %max3A_77 = vector.broadcast %max3A_76 : f32 to vector<4096x128xf32>
    %max3A_78 = arith.maximumf %add3A_75, %max3A_77 : vector<4096x128xf32>
    %get3A_79 = arith.constant 0 : index
    %get3A_80 = arith.constant 0 : index
    %get3A_81 = vector.load %arg12[%get3A_79, %get3A_80] : memref<128x1xf32, #tpu.memory_space<vmem>>, vector<128x1xf32>
    %convert_element_type3A_82 = arith.truncf %add3A_55 : vector<4096x128xf32> to vector<4096x128xbf16>
    %convert_element_type3A_83 = arith.truncf %get3A_81 : vector<128x1xf32> to vector<128x1xbf16>
    %dot_general3A_84 = arith.constant dense<0.000000e+00> : vector<4096x1xf32>
    %dot_general3A_85 = tpu.matmul %convert_element_type3A_82, %convert_element_type3A_83, %dot_general3A_84 {dimension_numbers = #tpu.dot_dimension_numbers<[1], [0], [0], [1], [0, 0, 1, 1], [], []>, transpose_lhs_hint = false} : vector<4096x128xbf16>, vector<128x1xbf16>, vector<4096x1xf32> -> vector<4096x1xf32>
    %get3A_86 = arith.constant 0 : index
    %get3A_87 = arith.constant 0 : index
    %get3A_88 = vector.load %arg13[%get3A_86, %get3A_87] : memref<2x1xf32, #tpu.memory_space<vmem>>, vector<2x1xf32>
    %convert_element_type3A_89 = arith.truncf %get3A_4 : vector<4096x2xf32> to vector<4096x2xbf16>
    %convert_element_type3A_90 = arith.truncf %get3A_88 : vector<2x1xf32> to vector<2x1xbf16>
    %dot_general3A_91 = arith.constant dense<0.000000e+00> : vector<4096x1xf32>
    %dot_general3A_92 = tpu.matmul %convert_element_type3A_89, %convert_element_type3A_90, %dot_general3A_91 {dimension_numbers = #tpu.dot_dimension_numbers<[1], [0], [0], [1], [0, 0, 1, 1], [], []>, transpose_lhs_hint = false} : vector<4096x2xbf16>, vector<2x1xbf16>, vector<4096x1xf32> -> vector<4096x1xf32>
    %add3A_93 = arith.addf %dot_general3A_85, %dot_general3A_92 : vector<4096x1xf32>
    %get3A_94 = arith.constant 0 : index
    %get3A_95 = arith.constant 0 : index
    %get3A_96 = vector.load %arg14[%get3A_94, %get3A_95] : memref<128x1xf32, #tpu.memory_space<vmem>>, vector<128x1xf32>
    %convert_element_type3A_97 = arith.truncf %max3A_78 : vector<4096x128xf32> to vector<4096x128xbf16>
    %convert_element_type3A_98 = arith.truncf %get3A_96 : vector<128x1xf32> to vector<128x1xbf16>
    %dot_general3A_99 = arith.constant dense<0.000000e+00> : vector<4096x1xf32>
    %dot_general3A_100 = tpu.matmul %convert_element_type3A_97, %convert_element_type3A_98, %dot_general3A_99 {dimension_numbers = #tpu.dot_dimension_numbers<[1], [0], [0], [1], [0, 0, 1, 1], [], []>, transpose_lhs_hint = false} : vector<4096x128xbf16>, vector<128x1xbf16>, vector<4096x1xf32> -> vector<4096x1xf32>
    %add3A_101 = arith.addf %add3A_93, %dot_general3A_100 : vector<4096x1xf32>
    %get3A_102 = arith.constant 0 : index
    %get3A_103 = arith.constant 0 : index
    %get3A_104 = vector.load %arg15[%get3A_102, %get3A_103] : memref<1x1xf32, #tpu.memory_space<vmem>>, vector<1x1xf32>
    %add3A_105 = vector.broadcast %get3A_104 : vector<1x1xf32> to vector<4096x1xf32>
    %add3A_106 = arith.addf %add3A_101, %add3A_105 : vector<4096x1xf32>
    %mul3A_107 = arith.mulf %add3A_106, %add3A_106 : vector<4096x1xf32>
    %add3A_108 = arith.constant 9.99999974E-6 : f32
    %add3A_109 = vector.broadcast %add3A_108 : f32 to vector<4096x1xf32>
    %add3A_110 = arith.addf %mul3A_107, %add3A_109 : vector<4096x1xf32>
    %rsqrt3A_111 = math.rsqrt %add3A_110 : vector<4096x1xf32>
    %mul3A_112 = arith.mulf %add3A_106, %rsqrt3A_111 : vector<4096x1xf32>
    %get3A_113 = arith.constant 0 : index
    %get3A_114 = arith.constant 0 : index
    %get3A_115 = vector.load %arg16[%get3A_113, %get3A_114] : memref<1x2xf32, #tpu.memory_space<vmem>>, vector<1x2xf32>
    %mul3A_116 = vector.broadcast %mul3A_112 : vector<4096x1xf32> to vector<4096x2xf32>
    %mul3A_117 = vector.broadcast %get3A_115 : vector<1x2xf32> to vector<4096x2xf32>
    %mul3A_118 = arith.mulf %mul3A_116, %mul3A_117 : vector<4096x2xf32>
    %get3A_119 = arith.constant 0 : index
    %get3A_120 = arith.constant 0 : index
    %get3A_121 = vector.load %arg17[%get3A_119, %get3A_120] : memref<1x2xf32, #tpu.memory_space<vmem>>, vector<1x2xf32>
    %add3A_122 = vector.broadcast %get3A_121 : vector<1x2xf32> to vector<4096x2xf32>
    %add3A_123 = arith.addf %add3A_122, %get3A_4 : vector<4096x2xf32>
    %add3A_124 = arith.addf %mul3A_118, %add3A_123 : vector<4096x2xf32>
    %get3A_125 = arith.constant 0 : index
    %get3A_126 = arith.constant 0 : index
    %get3A_127 = vector.load %arg18[%get3A_125, %get3A_126] : memref<128x128xf32, #tpu.memory_space<vmem>>, vector<128x128xf32>
    %convert_element_type3A_128 = arith.truncf %add3A_55 : vector<4096x128xf32> to vector<4096x128xbf16>
    %convert_element_type3A_129 = arith.truncf %get3A_127 : vector<128x128xf32> to vector<128x128xbf16>
    %dot_general3A_130 = arith.constant dense<0.000000e+00> : vector<4096x128xf32>
    %dot_general3A_131 = tpu.matmul %convert_element_type3A_128, %convert_element_type3A_129, %dot_general3A_130 {dimension_numbers = #tpu.dot_dimension_numbers<[1], [0], [0], [1], [0, 0, 1, 1], [], []>, transpose_lhs_hint = false} : vector<4096x128xbf16>, vector<128x128xbf16>, vector<4096x128xf32> -> vector<4096x128xf32>
    %get3A_132 = arith.constant 0 : index
    %get3A_133 = arith.constant 0 : index
    %get3A_134 = vector.load %arg19[%get3A_132, %get3A_133] : memref<2x128xf32, #tpu.memory_space<vmem>>, vector<2x128xf32>
    %convert_element_type3A_135 = arith.truncf %add3A_124 : vector<4096x2xf32> to vector<4096x2xbf16>
    %convert_element_type3A_136 = arith.truncf %get3A_134 : vector<2x128xf32> to vector<2x128xbf16>
    %dot_general3A_137 = arith.constant dense<0.000000e+00> : vector<4096x128xf32>
    %dot_general3A_138 = tpu.matmul %convert_element_type3A_135, %convert_element_type3A_136, %dot_general3A_137 {dimension_numbers = #tpu.dot_dimension_numbers<[1], [0], [0], [1], [0, 0, 1, 1], [], []>, transpose_lhs_hint = false} : vector<4096x2xbf16>, vector<2x128xbf16>, vector<4096x128xf32> -> vector<4096x128xf32>
    %add3A_139 = arith.addf %dot_general3A_131, %dot_general3A_138 : vector<4096x128xf32>
    %get3A_140 = arith.constant 0 : index
    %get3A_141 = arith.constant 0 : index
    %get3A_142 = vector.load %arg20[%get3A_140, %get3A_141] : memref<1x128xf32, #tpu.memory_space<vmem>>, vector<1x128xf32>
    %add3A_143 = vector.broadcast %get3A_142 : vector<1x128xf32> to vector<4096x128xf32>
    %add3A_144 = arith.addf %add3A_139, %add3A_143 : vector<4096x128xf32>
    %max3A_145 = arith.constant 0.000000e+00 : f32
    %max3A_146 = vector.broadcast %max3A_145 : f32 to vector<4096x128xf32>
    %max3A_147 = arith.maximumf %add3A_144, %max3A_146 : vector<4096x128xf32>
    %get3A_148 = arith.constant 0 : index
    %get3A_149 = arith.constant 0 : index
    %get3A_150 = vector.load %arg21[%get3A_148, %get3A_149] : memref<128x128xf32, #tpu.memory_space<vmem>>, vector<128x128xf32>
    %convert_element_type3A_151 = arith.truncf %max3A_147 : vector<4096x128xf32> to vector<4096x128xbf16>
    %convert_element_type3A_152 = arith.truncf %get3A_150 : vector<128x128xf32> to vector<128x128xbf16>
    %dot_general3A_153 = arith.constant dense<0.000000e+00> : vector<4096x128xf32>
    %dot_general3A_154 = tpu.matmul %convert_element_type3A_151, %convert_element_type3A_152, %dot_general3A_153 {dimension_numbers = #tpu.dot_dimension_numbers<[1], [0], [0], [1], [0, 0, 1, 1], [], []>, transpose_lhs_hint = false} : vector<4096x128xbf16>, vector<128x128xbf16>, vector<4096x128xf32> -> vector<4096x128xf32>
    %add3A_155 = arith.addf %add3A_55, %dot_general3A_154 : vector<4096x128xf32>
    %get3A_156 = arith.constant 0 : index
    %get3A_157 = arith.constant 0 : index
    %get3A_158 = vector.load %arg23[%get3A_156, %get3A_157] : memref<1x128xf32, #tpu.memory_space<vmem>>, vector<1x128xf32>
    %add3A_159 = vector.broadcast %get3A_158 : vector<1x128xf32> to vector<4096x128xf32>
    %add3A_160 = arith.addf %add3A_155, %add3A_159 : vector<4096x128xf32>
    %get3A_161 = arith.constant 0 : index
    %get3A_162 = arith.constant 0 : index
    %get3A_163 = vector.load %arg22[%get3A_161, %get3A_162] : memref<128x2xf32, #tpu.memory_space<vmem>>, vector<128x2xf32>
    %convert_element_type3A_164 = arith.truncf %max3A_147 : vector<4096x128xf32> to vector<4096x128xbf16>
    %convert_element_type3A_165 = arith.truncf %get3A_163 : vector<128x2xf32> to vector<128x2xbf16>
    %dot_general3A_166 = arith.constant dense<0.000000e+00> : vector<4096x2xf32>
    %dot_general3A_167 = tpu.matmul %convert_element_type3A_164, %convert_element_type3A_165, %dot_general3A_166 {dimension_numbers = #tpu.dot_dimension_numbers<[1], [0], [0], [1], [0, 0, 1, 1], [], []>, transpose_lhs_hint = false} : vector<4096x128xbf16>, vector<128x2xbf16>, vector<4096x2xf32> -> vector<4096x2xf32>
    %add3A_168 = arith.addf %add3A_124, %dot_general3A_167 : vector<4096x2xf32>
    %get3A_169 = arith.constant 0 : index
    %get3A_170 = arith.constant 0 : index
    %get3A_171 = vector.load %arg24[%get3A_169, %get3A_170] : memref<1x2xf32, #tpu.memory_space<vmem>>, vector<1x2xf32>
    %add3A_172 = vector.broadcast %get3A_171 : vector<1x2xf32> to vector<4096x2xf32>
    %add3A_173 = arith.addf %add3A_168, %add3A_172 : vector<4096x2xf32>
    %reduce_sum3A_174 = arith.constant dense<0.000000e+00> : vector<4096xf32>
    %reduce_sum3A_175 = vector.multi_reduction <add>, %add3A_160, %reduce_sum3A_174 [1] : vector<4096x128xf32> to vector<4096xf32>
    %broadcast_in_dim3A_176 = vector.shape_cast %reduce_sum3A_175 : vector<4096xf32> to vector<4096x1xf32>
    %reduce_sum3A_177 = arith.constant dense<0.000000e+00> : vector<4096xf32>
    %reduce_sum3A_178 = vector.multi_reduction <add>, %add3A_173, %reduce_sum3A_177 [1] : vector<4096x2xf32> to vector<4096xf32>
    %broadcast_in_dim3A_179 = vector.shape_cast %reduce_sum3A_178 : vector<4096xf32> to vector<4096x1xf32>
    %add3A_180 = arith.addf %broadcast_in_dim3A_176, %broadcast_in_dim3A_179 : vector<4096x1xf32>
    %mul3A_181 = arith.constant 0.0076923077 : f32
    %mul3A_182 = vector.broadcast %mul3A_181 : f32 to vector<4096x1xf32>
    %mul3A_183 = arith.mulf %add3A_180, %mul3A_182 : vector<4096x1xf32>
    %mul3A_184 = arith.mulf %add3A_160, %add3A_160 : vector<4096x128xf32>
    %reduce_sum3A_185 = arith.constant dense<0.000000e+00> : vector<4096xf32>
    %reduce_sum3A_186 = vector.multi_reduction <add>, %mul3A_184, %reduce_sum3A_185 [1] : vector<4096x128xf32> to vector<4096xf32>
    %broadcast_in_dim3A_187 = vector.shape_cast %reduce_sum3A_186 : vector<4096xf32> to vector<4096x1xf32>
    %mul3A_188 = arith.mulf %add3A_173, %add3A_173 : vector<4096x2xf32>
    %reduce_sum3A_189 = arith.constant dense<0.000000e+00> : vector<4096xf32>
    %reduce_sum3A_190 = vector.multi_reduction <add>, %mul3A_188, %reduce_sum3A_189 [1] : vector<4096x2xf32> to vector<4096xf32>
    %broadcast_in_dim3A_191 = vector.shape_cast %reduce_sum3A_190 : vector<4096xf32> to vector<4096x1xf32>
    %add3A_192 = arith.addf %broadcast_in_dim3A_187, %broadcast_in_dim3A_191 : vector<4096x1xf32>
    %mul3A_193 = arith.constant 0.0076923077 : f32
    %mul3A_194 = vector.broadcast %mul3A_193 : f32 to vector<4096x1xf32>
    %mul3A_195 = arith.mulf %add3A_192, %mul3A_194 : vector<4096x1xf32>
    %mul3A_196 = arith.mulf %mul3A_183, %mul3A_183 : vector<4096x1xf32>
    %sub3A_197 = arith.subf %mul3A_195, %mul3A_196 : vector<4096x1xf32>
    %add3A_198 = arith.constant 9.99999974E-6 : f32
    %add3A_199 = vector.broadcast %add3A_198 : f32 to vector<4096x1xf32>
    %add3A_200 = arith.addf %sub3A_197, %add3A_199 : vector<4096x1xf32>
    %rsqrt3A_201 = math.rsqrt %add3A_200 : vector<4096x1xf32>
    %sub3A_202 = vector.broadcast %mul3A_183 : vector<4096x1xf32> to vector<4096x128xf32>
    %sub3A_203 = arith.subf %add3A_160, %sub3A_202 : vector<4096x128xf32>
    %mul3A_204 = vector.broadcast %rsqrt3A_201 : vector<4096x1xf32> to vector<4096x128xf32>
    %mul3A_205 = arith.mulf %sub3A_203, %mul3A_204 : vector<4096x128xf32>
    %get3A_206 = arith.constant 0 : index
    %get3A_207 = arith.constant 0 : index
    %get3A_208 = vector.load %arg25[%get3A_206, %get3A_207] : memref<1x128xf32, #tpu.memory_space<vmem>>, vector<1x128xf32>
    %mul3A_209 = vector.broadcast %get3A_208 : vector<1x128xf32> to vector<4096x128xf32>
    %mul3A_210 = arith.mulf %mul3A_205, %mul3A_209 : vector<4096x128xf32>
    %get3A_211 = arith.constant 0 : index
    %get3A_212 = arith.constant 0 : index
    %get3A_213 = vector.load %arg27[%get3A_211, %get3A_212] : memref<1x128xf32, #tpu.memory_space<vmem>>, vector<1x128xf32>
    %add3A_214 = vector.broadcast %get3A_213 : vector<1x128xf32> to vector<4096x128xf32>
    %add3A_215 = arith.addf %mul3A_210, %add3A_214 : vector<4096x128xf32>
    %swap3A = arith.constant 0 : index
    %swap3A_216 = arith.constant 0 : index
    %swap3A_217 = vector.load %arg29[%swap3A, %swap3A_216] : memref<4096x128xf32, #tpu.memory_space<vmem>>, vector<4096x128xf32>
    tpu.vector_store %arg29[%swap3A, %swap3A_216], %add3A_215 {strides = array<i32>} : memref<4096x128xf32, #tpu.memory_space<vmem>>, vector<4096x128xf32>,
    %sub3A_218 = vector.broadcast %mul3A_183 : vector<4096x1xf32> to vector<4096x2xf32>
    %sub3A_219 = arith.subf %add3A_173, %sub3A_218 : vector<4096x2xf32>
    %mul3A_220 = vector.broadcast %rsqrt3A_201 : vector<4096x1xf32> to vector<4096x2xf32>
    %mul3A_221 = arith.mulf %sub3A_219, %mul3A_220 : vector<4096x2xf32>
    %get3A_222 = arith.constant 0 : index
    %get3A_223 = arith.constant 0 : index
    %get3A_224 = vector.load %arg26[%get3A_222, %get3A_223] : memref<1x2xf32, #tpu.memory_space<vmem>>, vector<1x2xf32>
    %mul3A_225 = vector.broadcast %get3A_224 : vector<1x2xf32> to vector<4096x2xf32>
    %mul3A_226 = arith.mulf %mul3A_221, %mul3A_225 : vector<4096x2xf32>
    %get3A_227 = arith.constant 0 : index
    %get3A_228 = arith.constant 0 : index
    %get3A_229 = vector.load %arg28[%get3A_227, %get3A_228] : memref<1x2xf32, #tpu.memory_space<vmem>>, vector<1x2xf32>
    %add3A_230 = vector.broadcast %get3A_229 : vector<1x2xf32> to vector<4096x2xf32>
    %add3A_231 = arith.addf %mul3A_226, %add3A_230 : vector<4096x2xf32>
    %broadcast_in_dim3A_232 = arith.constant 1.000000e+00 : f32
    %broadcast_in_dim3A_233 = vector.broadcast %broadcast_in_dim3A_232 : f32 to vector<4096x1xf32>
    %broadcast_in_dim3A_234 = arith.constant 0.000000e+00 : f32
    %broadcast_in_dim3A_235 = vector.broadcast %broadcast_in_dim3A_234 : f32 to vector<4096x5xf32>
    %concatenate3A = tpu.concatenate %add3A_231, %broadcast_in_dim3A_233, %broadcast_in_dim3A_235 in 1 : vector<4096x2xf32>, vector<4096x1xf32>, vector<4096x5xf32> -> vector<4096x8xf32>
    %swap3A_236 = arith.constant 0 : index
    %swap3A_237 = arith.constant 0 : index
    %swap3A_238 = vector.load %arg30[%swap3A_236, %swap3A_237] : memref<4096x128xf32, #tpu.memory_space<vmem>>, vector<4096x8xf32>
    tpu.vector_store %arg30[%swap3A_236, %swap3A_237], %concatenate3A {strides = array<i32>} : memref<4096x128xf32, #tpu.memory_space<vmem>>, vector<4096x8xf32>,
    return
  }
  func.func @transform_0(%arg0: i32) -> (i32, i32) {
    %add3A = arith.constant 20 : i32
    %add3A_0 = arith.addi %add3A, %arg0 : i32
    %min3A = arith.constant 24 : i32
    %min3A_1 = arith.minsi %add3A_0, %min3A : i32
    %c0_i32 = arith.constant 0 : i32
    %c0_i32_2 = arith.constant 0 : i32
    return %min3A_1, %c0_i32 : i32, i32
  }
  func.func @transform_1(%arg0: i32) -> (i32, i32) {
    %add3A = arith.constant 20 : i32
    %add3A_0 = arith.addi %add3A, %arg0 : i32
    %min3A = arith.constant 24 : i32
    %min3A_1 = arith.minsi %add3A_0, %min3A : i32
    %c0_i32 = arith.constant 0 : i32
    %c0_i32_2 = arith.constant 0 : i32
    return %min3A_1, %c0_i32 : i32, i32
  }
  func.func @transform_2(%arg0: i32) -> (i32, i32) {
    %c0_i32 = arith.constant 0 : i32
    %c0_i32_0 = arith.constant 0 : i32
    %c0_i32_1 = arith.constant 0 : i32
    return %c0_i32, %c0_i32_0 : i32, i32
  }
  func.func @transform_3(%arg0: i32) -> (i32, i32) {
    %c0_i32 = arith.constant 0 : i32
    %c0_i32_0 = arith.constant 0 : i32
    %c0_i32_1 = arith.constant 0 : i32
    return %c0_i32, %c0_i32_0 : i32, i32
  }
  func.func @transform_4(%arg0: i32) -> (i32, i32) {
    %c0_i32 = arith.constant 0 : i32
    %c0_i32_0 = arith.constant 0 : i32
    %c0_i32_1 = arith.constant 0 : i32
    return %c0_i32, %c0_i32_0 : i32, i32
  }
  func.func @transform_5(%arg0: i32) -> (i32, i32) {
    %c0_i32 = arith.constant 0 : i32
    %c0_i32_0 = arith.constant 0 : i32
    %c0_i32_1 = arith.constant 0 : i32
    return %c0_i32, %c0_i32_0 : i32, i32
  }
  func.func @transform_6(%arg0: i32) -> (i32, i32) {
    %c0_i32 = arith.constant 0 : i32
    %c0_i32_0 = arith.constant 0 : i32
    %c0_i32_1 = arith.constant 0 : i32
    return %c0_i32, %c0_i32_0 : i32, i32
  }
  func.func @transform_7(%arg0: i32) -> (i32, i32) {
    %c0_i32 = arith.constant 0 : i32
    %c0_i32_0 = arith.constant 0 : i32
    %c0_i32_1 = arith.constant 0 : i32
    return %c0_i32, %c0_i32_0 : i32, i32
  }
  func.func @transform_8(%arg0: i32) -> (i32, i32) {
    %c0_i32 = arith.constant 0 : i32
    %c0_i32_0 = arith.constant 0 : i32
    %c0_i32_1 = arith.constant 0 : i32
    return %c0_i32, %c0_i32_0 : i32, i32
  }
  func.func @transform_9(%arg0: i32) -> (i32, i32) {
    %c0_i32 = arith.constant 0 : i32
    %c0_i32_0 = arith.constant 0 : i32
    %c0_i32_1 = arith.constant 0 : i32
    return %c0_i32, %c0_i32_0 : i32, i32
  }
  func.func @transform_10(%arg0: i32) -> (i32, i32) {
    %c0_i32 = arith.constant 0 : i32
    %c0_i32_0 = arith.constant 0 : i32
    %c0_i32_1 = arith.constant 0 : i32
    return %c0_i32, %c0_i32_0 : i32, i32
  }
  func.func @transform_11(%arg0: i32) -> (i32, i32) {
    %c0_i32 = arith.constant 0 : i32
    %c0_i32_0 = arith.constant 0 : i32
    %c0_i32_1 = arith.constant 0 : i32
    return %c0_i32, %c0_i32_0 : i32, i32
  }
  func.func @transform_12(%arg0: i32) -> (i32, i32) {
    %c0_i32 = arith.constant 0 : i32
    %c0_i32_0 = arith.constant 0 : i32
    %c0_i32_1 = arith.constant 0 : i32
    return %c0_i32, %c0_i32_0 : i32, i32
  }
  func.func @transform_13(%arg0: i32) -> (i32, i32) {
    %c0_i32 = arith.constant 0 : i32
    %c0_i32_0 = arith.constant 0 : i32
    %c0_i32_1 = arith.constant 0 : i32
    return %c0_i32, %c0_i32_0 : i32, i32
  }
  func.func @transform_14(%arg0: i32) -> (i32, i32) {
    %c0_i32 = arith.constant 0 : i32
    %c0_i32_0 = arith.constant 0 : i32
    %c0_i32_1 = arith.constant 0 : i32
    return %c0_i32, %c0_i32_0 : i32, i32
  }
  func.func @transform_15(%arg0: i32) -> (i32, i32) {
    %c0_i32 = arith.constant 0 : i32
    %c0_i32_0 = arith.constant 0 : i32
    %c0_i32_1 = arith.constant 0 : i32
    return %c0_i32, %c0_i32_0 : i32, i32
  }
  func.func @transform_16(%arg0: i32) -> (i32, i32) {
    %c0_i32 = arith.constant 0 : i32
    %c0_i32_0 = arith.constant 0 : i32
    %c0_i32_1 = arith.constant 0 : i32
    return %c0_i32, %c0_i32_0 : i32, i32
  }
  func.func @transform_17(%arg0: i32) -> (i32, i32) {
    %c0_i32 = arith.constant 0 : i32
    %c0_i32_0 = arith.constant 0 : i32
    %c0_i32_1 = arith.constant 0 : i32
    return %c0_i32, %c0_i32_0 : i32, i32
  }
  func.func @transform_18(%arg0: i32) -> (i32, i32) {
    %c0_i32 = arith.constant 0 : i32
    %c0_i32_0 = arith.constant 0 : i32
    %c0_i32_1 = arith.constant 0 : i32
    return %c0_i32, %c0_i32_0 : i32, i32
  }
  func.func @transform_19(%arg0: i32) -> (i32, i32) {
    %c0_i32 = arith.constant 0 : i32
    %c0_i32_0 = arith.constant 0 : i32
    %c0_i32_1 = arith.constant 0 : i32
    return %c0_i32, %c0_i32_0 : i32, i32
  }
  func.func @transform_20(%arg0: i32) -> (i32, i32) {
    %c0_i32 = arith.constant 0 : i32
    %c0_i32_0 = arith.constant 0 : i32
    %c0_i32_1 = arith.constant 0 : i32
    return %c0_i32, %c0_i32_0 : i32, i32
  }
  func.func @transform_21(%arg0: i32) -> (i32, i32) {
    %c0_i32 = arith.constant 0 : i32
    %c0_i32_0 = arith.constant 0 : i32
    %c0_i32_1 = arith.constant 0 : i32
    return %c0_i32, %c0_i32_0 : i32, i32
  }
  func.func @transform_22(%arg0: i32) -> (i32, i32) {
    %c0_i32 = arith.constant 0 : i32
    %c0_i32_0 = arith.constant 0 : i32
    %c0_i32_1 = arith.constant 0 : i32
    return %c0_i32, %c0_i32_0 : i32, i32
  }
  func.func @transform_23(%arg0: i32) -> (i32, i32) {
    %c0_i32 = arith.constant 0 : i32
    %c0_i32_0 = arith.constant 0 : i32
    %c0_i32_1 = arith.constant 0 : i32
    return %c0_i32, %c0_i32_0 : i32, i32
  }
  func.func @transform_24(%arg0: i32) -> (i32, i32) {
    %c0_i32 = arith.constant 0 : i32
    %c0_i32_0 = arith.constant 0 : i32
    %c0_i32_1 = arith.constant 0 : i32
    return %c0_i32, %c0_i32_0 : i32, i32
  }
  func.func @transform_25(%arg0: i32) -> (i32, i32) {
    %c0_i32 = arith.constant 0 : i32
    %c0_i32_0 = arith.constant 0 : i32
    %c0_i32_1 = arith.constant 0 : i32
    return %c0_i32, %c0_i32_0 : i32, i32
  }
  func.func @transform_26(%arg0: i32) -> (i32, i32) {
    %c0_i32 = arith.constant 0 : i32
    %c0_i32_0 = arith.constant 0 : i32
    %c0_i32_1 = arith.constant 0 : i32
    return %c0_i32, %c0_i32_0 : i32, i32
  }
  func.func @transform_27(%arg0: i32) -> (i32, i32) {
    %c0_i32 = arith.constant 0 : i32
    %c0_i32_0 = arith.constant 0 : i32
    %c0_i32_1 = arith.constant 0 : i32
    return %c0_i32, %c0_i32_0 : i32, i32
  }
  func.func @transform_28(%arg0: i32) -> (i32, i32) {
    %c0_i32 = arith.constant 0 : i32
    %c0_i32_0 = arith.constant 0 : i32
    return %arg0, %c0_i32 : i32, i32
  }
  func.func @transform_29(%arg0: i32) -> (i32, i32) {
    %c0_i32 = arith.constant 0 : i32
    %c0_i32_0 = arith.constant 0 : i32
    return %arg0, %c0_i32 : i32, i32
  }
}

module attributes {stable_mosaic.version = 14 : i64} {
  func.func @_stage_a_body(%arg0: i32, %arg1: memref<4096x128xf32, #tpu.memory_space<vmem>>, %arg2: memref<4096x2xf32, #tpu.memory_space<vmem>>, %arg3: memref<128x128xf32, #tpu.memory_space<vmem>>, %arg4: memref<1x128xf32, #tpu.memory_space<vmem>>, %arg5: memref<128x128xf32, #tpu.memory_space<vmem>>, %arg6: memref<1x128xf32, #tpu.memory_space<vmem>>, %arg7: memref<1x128xf32, #tpu.memory_space<vmem>>, %arg8: memref<1x128xf32, #tpu.memory_space<vmem>>, %arg9: memref<128x128xf32, #tpu.memory_space<vmem>>, %arg10: memref<2x128xf32, #tpu.memory_space<vmem>>, %arg11: memref<1x128xf32, #tpu.memory_space<vmem>>, %arg12: memref<128x1xf32, #tpu.memory_space<vmem>>, %arg13: memref<2x1xf32, #tpu.memory_space<vmem>>, %arg14: memref<128x1xf32, #tpu.memory_space<vmem>>, %arg15: memref<1x1xf32, #tpu.memory_space<vmem>>, %arg16: memref<1x2xf32, #tpu.memory_space<vmem>>, %arg17: memref<1x2xf32, #tpu.memory_space<vmem>>, %arg18: memref<128x128xf32, #tpu.memory_space<vmem>>, %arg19: memref<2x128xf32, #tpu.memory_space<vmem>>, %arg20: memref<1x128xf32, #tpu.memory_space<vmem>>, %arg21: memref<128x128xf32, #tpu.memory_space<vmem>>, %arg22: memref<128x2xf32, #tpu.memory_space<vmem>>, %arg23: memref<1x128xf32, #tpu.memory_space<vmem>>, %arg24: memref<1x2xf32, #tpu.memory_space<vmem>>, %arg25: memref<1x128xf32, #tpu.memory_space<vmem>>, %arg26: memref<1x2xf32, #tpu.memory_space<vmem>>, %arg27: memref<1x128xf32, #tpu.memory_space<vmem>>, %arg28: memref<1x2xf32, #tpu.memory_space<vmem>>, %arg29: memref<4096x128xf32, #tpu.memory_space<vmem>>, %arg30: memref<4096x128xf32, #tpu.memory_space<vmem>>) attributes {dimension_semantics = [#tpu.dimension_semantics<arbitrary>], iteration_bounds = array<i64: 10>, scalar_prefetch = 0 : i64, scratch_operands = 0 : i64, tpu.core_type = #tpu.core_type<tc>, window_params = [{transform_indices = @transform_0, window_bounds = array<i64: 4096, 128>}, {transform_indices = @transform_1, window_bounds = array<i64: 4096, 2>}, {pipeline_mode = #tpu.pipeline_mode<synchronous>, transform_indices = @transform_2, window_bounds = array<i64: 128, 128>}, {pipeline_mode = #tpu.pipeline_mode<synchronous>, transform_indices = @transform_3, window_bounds = array<i64: 1, 128>}, {pipeline_mode = #tpu.pipeline_mode<synchronous>, transform_indices = @transform_4, window_bounds = array<i64: 128, 128>}, {pipeline_mode = #tpu.pipeline_mode<synchronous>, transform_indices = @transform_5, window_bounds = array<i64: 1, 128>}, {pipeline_mode = #tpu.pipeline_mode<synchronous>, transform_indices = @transform_6, window_bounds = array<i64: 1, 128>}, {pipeline_mode = #tpu.pipeline_mode<synchronous>, transform_indices = @transform_7, window_bounds = array<i64: 1, 128>}, {pipeline_mode = #tpu.pipeline_mode<synchronous>, transform_indices = @transform_8, window_bounds = array<i64: 128, 128>}, {pipeline_mode = #tpu.pipeline_mode<synchronous>, transform_indices = @transform_9, window_bounds = array<i64: 2, 128>}, {pipeline_mode = #tpu.pipeline_mode<synchronous>, transform_indices = @transform_10, window_bounds = array<i64: 1, 128>}, {pipeline_mode = #tpu.pipeline_mode<synchronous>, transform_indices = @transform_11, window_bounds = array<i64: 128, 1>}, {pipeline_mode = #tpu.pipeline_mode<synchronous>, transform_indices = @transform_12, window_bounds = array<i64: 2, 1>}, {pipeline_mode = #tpu.pipeline_mode<synchronous>, transform_indices = @transform_13, window_bounds = array<i64: 128, 1>}, {pipeline_mode = #tpu.pipeline_mode<synchronous>, transform_indices = @transform_14, window_bounds = array<i64: 1, 1>}, {pipeline_mode = #tpu.pipeline_mode<synchronous>, transform_indices = @transform_15, window_bounds = array<i64: 1, 2>}, {pipeline_mode = #tpu.pipeline_mode<synchronous>, transform_indices = @transform_16, window_bounds = array<i64: 1, 2>}, {pipeline_mode = #tpu.pipeline_mode<synchronous>, transform_indices = @transform_17, window_bounds = array<i64: 128, 128>}, {pipeline_mode = #tpu.pipeline_mode<synchronous>, transform_indices = @transform_18, window_bounds = array<i64: 2, 128>}, {pipeline_mode = #tpu.pipeline_mode<synchronous>, transform_indices = @transform_19, window_bounds = array<i64: 1, 128>}, {pipeline_mode = #tpu.pipeline_mode<synchronous>, transform_indices = @transform_20, window_bounds = array<i64: 128, 128>}, {pipeline_mode = #tpu.pipeline_mode<synchronous>, transform_indices = @transform_21, window_bounds = array<i64: 128, 2>}, {pipeline_mode = #tpu.pipeline_mode<synchronous>, transform_indices = @transform_22, window_bounds = array<i64: 1, 128>}, {pipeline_mode = #tpu.pipeline_mode<synchronous>, transform_indices = @transform_23, window_bounds = array<i64: 1, 2>}, {pipeline_mode = #tpu.pipeline_mode<synchronous>, transform_indices = @transform_24, window_bounds = array<i64: 1, 128>}, {pipeline_mode = #tpu.pipeline_mode<synchronous>, transform_indices = @transform_25, window_bounds = array<i64: 1, 2>}, {pipeline_mode = #tpu.pipeline_mode<synchronous>, transform_indices = @transform_26, window_bounds = array<i64: 1, 128>}, {pipeline_mode = #tpu.pipeline_mode<synchronous>, transform_indices = @transform_27, window_bounds = array<i64: 1, 2>}, {transform_indices = @transform_28, window_bounds = array<i64: 4096, 128>}, {transform_indices = @transform_29, window_bounds = array<i64: 4096, 128>}]} {
    %get3A = arith.constant 0 : index
    %get3A_0 = arith.constant 0 : index
    %get3A_1 = vector.load %arg1[%get3A, %get3A_0] : memref<4096x128xf32, #tpu.memory_space<vmem>>, vector<4096x128xf32>
    %get3A_2 = arith.constant 0 : index
    %get3A_3 = arith.constant 0 : index
    %get3A_4 = vector.load %arg2[%get3A_2, %get3A_3] : memref<4096x2xf32, #tpu.memory_space<vmem>>, vector<4096x2xf32>
    %get3A_5 = arith.constant 0 : index
    %get3A_6 = arith.constant 0 : index
    %get3A_7 = vector.load %arg3[%get3A_5, %get3A_6] : memref<128x128xf32, #tpu.memory_space<vmem>>, vector<128x128xf32>
    %convert_element_type3A = arith.truncf %get3A_1 : vector<4096x128xf32> to vector<4096x128xbf16>
    %convert_element_type3A_8 = arith.truncf %get3A_7 : vector<128x128xf32> to vector<128x128xbf16>
    %dot_general3A = arith.constant dense<0.000000e+00> : vector<4096x128xf32>
    %dot_general3A_9 = tpu.matmul %convert_element_type3A, %convert_element_type3A_8, %dot_general3A {dimension_numbers = #tpu.dot_dimension_numbers<[1], [0], [0], [1], [0, 0, 1, 1], [], []>, transpose_lhs_hint = false} : vector<4096x128xbf16>, vector<128x128xbf16>, vector<4096x128xf32> -> vector<4096x128xf32>
    %get3A_10 = arith.constant 0 : index
    %get3A_11 = arith.constant 0 : index
    %get3A_12 = vector.load %arg4[%get3A_10, %get3A_11] : memref<1x128xf32, #tpu.memory_space<vmem>>, vector<1x128xf32>
    %add3A = vector.broadcast %get3A_12 : vector<1x128xf32> to vector<4096x128xf32>
    %add3A_13 = arith.addf %dot_general3A_9, %add3A : vector<4096x128xf32>
    %max3A = arith.constant 0.000000e+00 : f32
    %max3A_14 = vector.broadcast %max3A : f32 to vector<4096x128xf32>
    %max3A_15 = arith.maximumf %add3A_13, %max3A_14 : vector<4096x128xf32>
    %get3A_16 = arith.constant 0 : index
    %get3A_17 = arith.constant 0 : index
    %get3A_18 = vector.load %arg5[%get3A_16, %get3A_17] : memref<128x128xf32, #tpu.memory_space<vmem>>, vector<128x128xf32>
    %convert_element_type3A_19 = arith.truncf %max3A_15 : vector<4096x128xf32> to vector<4096x128xbf16>
    %convert_element_type3A_20 = arith.truncf %get3A_18 : vector<128x128xf32> to vector<128x128xbf16>
    %dot_general3A_21 = arith.constant dense<0.000000e+00> : vector<4096x128xf32>
    %dot_general3A_22 = tpu.matmul %convert_element_type3A_19, %convert_element_type3A_20, %dot_general3A_21 {dimension_numbers = #tpu.dot_dimension_numbers<[1], [0], [0], [1], [0, 0, 1, 1], [], []>, transpose_lhs_hint = false} : vector<4096x128xbf16>, vector<128x128xbf16>, vector<4096x128xf32> -> vector<4096x128xf32>
    %add3A_23 = arith.addf %get3A_1, %dot_general3A_22 : vector<4096x128xf32>
    %get3A_24 = arith.constant 0 : index
    %get3A_25 = arith.constant 0 : index
    %get3A_26 = vector.load %arg6[%get3A_24, %get3A_25] : memref<1x128xf32, #tpu.memory_space<vmem>>, vector<1x128xf32>
    %add3A_27 = vector.broadcast %get3A_26 : vector<1x128xf32> to vector<4096x128xf32>
    %add3A_28 = arith.addf %add3A_23, %add3A_27 : vector<4096x128xf32>
    %get3A_29 = arith.constant 0 : index
    %get3A_30 = arith.constant 0 : index
    %get3A_31 = vector.load %arg7[%get3A_29, %get3A_30] : memref<1x128xf32, #tpu.memory_space<vmem>>, vector<1x128xf32>
    %get3A_32 = arith.constant 0 : index
    %get3A_33 = arith.constant 0 : index
    %get3A_34 = vector.load %arg8[%get3A_32, %get3A_33] : memref<1x128xf32, #tpu.memory_space<vmem>>, vector<1x128xf32>
    %reduce_sum3A = arith.constant dense<0.000000e+00> : vector<4096xf32>
    %reduce_sum3A_35 = vector.multi_reduction <add>, %add3A_28, %reduce_sum3A [1] : vector<4096x128xf32> to vector<4096xf32>
    %broadcast_in_dim3A = vector.shape_cast %reduce_sum3A_35 : vector<4096xf32> to vector<4096x1xf32>
    %div3A = arith.constant 1.280000e+02 : f32
    %div3A_36 = vector.broadcast %div3A : f32 to vector<4096x1xf32>
    %div3A_37 = arith.divf %broadcast_in_dim3A, %div3A_36 : vector<4096x1xf32>
    %mul3A = arith.mulf %add3A_28, %add3A_28 : vector<4096x128xf32>
    %reduce_sum3A_38 = arith.constant dense<0.000000e+00> : vector<4096xf32>
    %reduce_sum3A_39 = vector.multi_reduction <add>, %mul3A, %reduce_sum3A_38 [1] : vector<4096x128xf32> to vector<4096xf32>
    %broadcast_in_dim3A_40 = vector.shape_cast %reduce_sum3A_39 : vector<4096xf32> to vector<4096x1xf32>
    %div3A_41 = arith.constant 1.280000e+02 : f32
    %div3A_42 = vector.broadcast %div3A_41 : f32 to vector<4096x1xf32>
    %div3A_43 = arith.divf %broadcast_in_dim3A_40, %div3A_42 : vector<4096x1xf32>
    %mul3A_44 = arith.mulf %div3A_37, %div3A_37 : vector<4096x1xf32>
    %sub3A = arith.subf %div3A_43, %mul3A_44 : vector<4096x1xf32>
    %sub3A_45 = vector.broadcast %div3A_37 : vector<4096x1xf32> to vector<4096x128xf32>
    %sub3A_46 = arith.subf %add3A_28, %sub3A_45 : vector<4096x128xf32>
    %add3A_47 = arith.constant 9.99999974E-6 : f32
    %add3A_48 = vector.broadcast %add3A_47 : f32 to vector<4096x1xf32>
    %add3A_49 = arith.addf %sub3A, %add3A_48 : vector<4096x1xf32>
    %rsqrt3A = math.rsqrt %add3A_49 : vector<4096x1xf32>
    %mul3A_50 = vector.broadcast %rsqrt3A : vector<4096x1xf32> to vector<4096x128xf32>
    %mul3A_51 = arith.mulf %sub3A_46, %mul3A_50 : vector<4096x128xf32>
    %mul3A_52 = vector.broadcast %get3A_31 : vector<1x128xf32> to vector<4096x128xf32>
    %mul3A_53 = arith.mulf %mul3A_51, %mul3A_52 : vector<4096x128xf32>
    %add3A_54 = vector.broadcast %get3A_34 : vector<1x128xf32> to vector<4096x128xf32>
    %add3A_55 = arith.addf %mul3A_53, %add3A_54 : vector<4096x128xf32>
    %get3A_56 = arith.constant 0 : index
    %get3A_57 = arith.constant 0 : index
    %get3A_58 = vector.load %arg9[%get3A_56, %get3A_57] : memref<128x128xf32, #tpu.memory_space<vmem>>, vector<128x128xf32>
    %convert_element_type3A_59 = arith.truncf %add3A_55 : vector<4096x128xf32> to vector<4096x128xbf16>
    %convert_element_type3A_60 = arith.truncf %get3A_58 : vector<128x128xf32> to vector<128x128xbf16>
    %dot_general3A_61 = arith.constant dense<0.000000e+00> : vector<4096x128xf32>
    %dot_general3A_62 = tpu.matmul %convert_element_type3A_59, %convert_element_type3A_60, %dot_general3A_61 {dimension_numbers = #tpu.dot_dimension_numbers<[1], [0], [0], [1], [0, 0, 1, 1], [], []>, transpose_lhs_hint = false} : vector<4096x128xbf16>, vector<128x128xbf16>, vector<4096x128xf32> -> vector<4096x128xf32>
    %get3A_63 = arith.constant 0 : index
    %get3A_64 = arith.constant 0 : index
    %get3A_65 = vector.load %arg10[%get3A_63, %get3A_64] : memref<2x128xf32, #tpu.memory_space<vmem>>, vector<2x128xf32>
    %convert_element_type3A_66 = arith.truncf %get3A_4 : vector<4096x2xf32> to vector<4096x2xbf16>
    %convert_element_type3A_67 = arith.truncf %get3A_65 : vector<2x128xf32> to vector<2x128xbf16>
    %dot_general3A_68 = arith.constant dense<0.000000e+00> : vector<4096x128xf32>
    %dot_general3A_69 = tpu.matmul %convert_element_type3A_66, %convert_element_type3A_67, %dot_general3A_68 {dimension_numbers = #tpu.dot_dimension_numbers<[1], [0], [0], [1], [0, 0, 1, 1], [], []>, transpose_lhs_hint = false} : vector<4096x2xbf16>, vector<2x128xbf16>, vector<4096x128xf32> -> vector<4096x128xf32>
    %add3A_70 = arith.addf %dot_general3A_62, %dot_general3A_69 : vector<4096x128xf32>
    %get3A_71 = arith.constant 0 : index
    %get3A_72 = arith.constant 0 : index
    %get3A_73 = vector.load %arg11[%get3A_71, %get3A_72] : memref<1x128xf32, #tpu.memory_space<vmem>>, vector<1x128xf32>
    %add3A_74 = vector.broadcast %get3A_73 : vector<1x128xf32> to vector<4096x128xf32>
    %add3A_75 = arith.addf %add3A_70, %add3A_74 : vector<4096x128xf32>
    %max3A_76 = arith.constant 0.000000e+00 : f32
    %max3A_77 = vector.broadcast %max3A_76 : f32 to vector<4096x128xf32>
    %max3A_78 = arith.maximumf %add3A_75, %max3A_77 : vector<4096x128xf32>
    %get3A_79 = arith.constant 0 : index
    %get3A_80 = arith.constant 0 : index
    %get3A_81 = vector.load %arg12[%get3A_79, %get3A_80] : memref<128x1xf32, #tpu.memory_space<vmem>>, vector<128x1xf32>
    %convert_element_type3A_82 = arith.truncf %add3A_55 : vector<4096x128xf32> to vector<4096x128xbf16>
    %convert_element_type3A_83 = arith.truncf %get3A_81 : vector<128x1xf32> to vector<128x1xbf16>
    %dot_general3A_84 = arith.constant dense<0.000000e+00> : vector<4096x1xf32>
    %dot_general3A_85 = tpu.matmul %convert_element_type3A_82, %convert_element_type3A_83, %dot_general3A_84 {dimension_numbers = #tpu.dot_dimension_numbers<[1], [0], [0], [1], [0, 0, 1, 1], [], []>, transpose_lhs_hint = false} : vector<4096x128xbf16>, vector<128x1xbf16>, vector<4096x1xf32> -> vector<4096x1xf32>
    %get3A_86 = arith.constant 0 : index
    %get3A_87 = arith.constant 0 : index
    %get3A_88 = vector.load %arg13[%get3A_86, %get3A_87] : memref<2x1xf32, #tpu.memory_space<vmem>>, vector<2x1xf32>
    %convert_element_type3A_89 = arith.truncf %get3A_4 : vector<4096x2xf32> to vector<4096x2xbf16>
    %convert_element_type3A_90 = arith.truncf %get3A_88 : vector<2x1xf32> to vector<2x1xbf16>
    %dot_general3A_91 = arith.constant dense<0.000000e+00> : vector<4096x1xf32>
    %dot_general3A_92 = tpu.matmul %convert_element_type3A_89, %convert_element_type3A_90, %dot_general3A_91 {dimension_numbers = #tpu.dot_dimension_numbers<[1], [0], [0], [1], [0, 0, 1, 1], [], []>, transpose_lhs_hint = false} : vector<4096x2xbf16>, vector<2x1xbf16>, vector<4096x1xf32> -> vector<4096x1xf32>
    %add3A_93 = arith.addf %dot_general3A_85, %dot_general3A_92 : vector<4096x1xf32>
    %get3A_94 = arith.constant 0 : index
    %get3A_95 = arith.constant 0 : index
    %get3A_96 = vector.load %arg14[%get3A_94, %get3A_95] : memref<128x1xf32, #tpu.memory_space<vmem>>, vector<128x1xf32>
    %convert_element_type3A_97 = arith.truncf %max3A_78 : vector<4096x128xf32> to vector<4096x128xbf16>
    %convert_element_type3A_98 = arith.truncf %get3A_96 : vector<128x1xf32> to vector<128x1xbf16>
    %dot_general3A_99 = arith.constant dense<0.000000e+00> : vector<4096x1xf32>
    %dot_general3A_100 = tpu.matmul %convert_element_type3A_97, %convert_element_type3A_98, %dot_general3A_99 {dimension_numbers = #tpu.dot_dimension_numbers<[1], [0], [0], [1], [0, 0, 1, 1], [], []>, transpose_lhs_hint = false} : vector<4096x128xbf16>, vector<128x1xbf16>, vector<4096x1xf32> -> vector<4096x1xf32>
    %add3A_101 = arith.addf %add3A_93, %dot_general3A_100 : vector<4096x1xf32>
    %get3A_102 = arith.constant 0 : index
    %get3A_103 = arith.constant 0 : index
    %get3A_104 = vector.load %arg15[%get3A_102, %get3A_103] : memref<1x1xf32, #tpu.memory_space<vmem>>, vector<1x1xf32>
    %add3A_105 = vector.broadcast %get3A_104 : vector<1x1xf32> to vector<4096x1xf32>
    %add3A_106 = arith.addf %add3A_101, %add3A_105 : vector<4096x1xf32>
    %mul3A_107 = arith.mulf %add3A_106, %add3A_106 : vector<4096x1xf32>
    %add3A_108 = arith.constant 9.99999974E-6 : f32
    %add3A_109 = vector.broadcast %add3A_108 : f32 to vector<4096x1xf32>
    %add3A_110 = arith.addf %mul3A_107, %add3A_109 : vector<4096x1xf32>
    %rsqrt3A_111 = math.rsqrt %add3A_110 : vector<4096x1xf32>
    %mul3A_112 = arith.mulf %add3A_106, %rsqrt3A_111 : vector<4096x1xf32>
    %get3A_113 = arith.constant 0 : index
    %get3A_114 = arith.constant 0 : index
    %get3A_115 = vector.load %arg16[%get3A_113, %get3A_114] : memref<1x2xf32, #tpu.memory_space<vmem>>, vector<1x2xf32>
    %mul3A_116 = vector.broadcast %mul3A_112 : vector<4096x1xf32> to vector<4096x2xf32>
    %mul3A_117 = vector.broadcast %get3A_115 : vector<1x2xf32> to vector<4096x2xf32>
    %mul3A_118 = arith.mulf %mul3A_116, %mul3A_117 : vector<4096x2xf32>
    %get3A_119 = arith.constant 0 : index
    %get3A_120 = arith.constant 0 : index
    %get3A_121 = vector.load %arg17[%get3A_119, %get3A_120] : memref<1x2xf32, #tpu.memory_space<vmem>>, vector<1x2xf32>
    %add3A_122 = vector.broadcast %get3A_121 : vector<1x2xf32> to vector<4096x2xf32>
    %add3A_123 = arith.addf %add3A_122, %get3A_4 : vector<4096x2xf32>
    %add3A_124 = arith.addf %mul3A_118, %add3A_123 : vector<4096x2xf32>
    %get3A_125 = arith.constant 0 : index
    %get3A_126 = arith.constant 0 : index
    %get3A_127 = vector.load %arg18[%get3A_125, %get3A_126] : memref<128x128xf32, #tpu.memory_space<vmem>>, vector<128x128xf32>
    %convert_element_type3A_128 = arith.truncf %add3A_55 : vector<4096x128xf32> to vector<4096x128xbf16>
    %convert_element_type3A_129 = arith.truncf %get3A_127 : vector<128x128xf32> to vector<128x128xbf16>
    %dot_general3A_130 = arith.constant dense<0.000000e+00> : vector<4096x128xf32>
    %dot_general3A_131 = tpu.matmul %convert_element_type3A_128, %convert_element_type3A_129, %dot_general3A_130 {dimension_numbers = #tpu.dot_dimension_numbers<[1], [0], [0], [1], [0, 0, 1, 1], [], []>, transpose_lhs_hint = false} : vector<4096x128xbf16>, vector<128x128xbf16>, vector<4096x128xf32> -> vector<4096x128xf32>
    %get3A_132 = arith.constant 0 : index
    %get3A_133 = arith.constant 0 : index
    %get3A_134 = vector.load %arg19[%get3A_132, %get3A_133] : memref<2x128xf32, #tpu.memory_space<vmem>>, vector<2x128xf32>
    %convert_element_type3A_135 = arith.truncf %add3A_124 : vector<4096x2xf32> to vector<4096x2xbf16>
    %convert_element_type3A_136 = arith.truncf %get3A_134 : vector<2x128xf32> to vector<2x128xbf16>
    %dot_general3A_137 = arith.constant dense<0.000000e+00> : vector<4096x128xf32>
    %dot_general3A_138 = tpu.matmul %convert_element_type3A_135, %convert_element_type3A_136, %dot_general3A_137 {dimension_numbers = #tpu.dot_dimension_numbers<[1], [0], [0], [1], [0, 0, 1, 1], [], []>, transpose_lhs_hint = false} : vector<4096x2xbf16>, vector<2x128xbf16>, vector<4096x128xf32> -> vector<4096x128xf32>
    %add3A_139 = arith.addf %dot_general3A_131, %dot_general3A_138 : vector<4096x128xf32>
    %get3A_140 = arith.constant 0 : index
    %get3A_141 = arith.constant 0 : index
    %get3A_142 = vector.load %arg20[%get3A_140, %get3A_141] : memref<1x128xf32, #tpu.memory_space<vmem>>, vector<1x128xf32>
    %add3A_143 = vector.broadcast %get3A_142 : vector<1x128xf32> to vector<4096x128xf32>
    %add3A_144 = arith.addf %add3A_139, %add3A_143 : vector<4096x128xf32>
    %max3A_145 = arith.constant 0.000000e+00 : f32
    %max3A_146 = vector.broadcast %max3A_145 : f32 to vector<4096x128xf32>
    %max3A_147 = arith.maximumf %add3A_144, %max3A_146 : vector<4096x128xf32>
    %get3A_148 = arith.constant 0 : index
    %get3A_149 = arith.constant 0 : index
    %get3A_150 = vector.load %arg21[%get3A_148, %get3A_149] : memref<128x128xf32, #tpu.memory_space<vmem>>, vector<128x128xf32>
    %convert_element_type3A_151 = arith.truncf %max3A_147 : vector<4096x128xf32> to vector<4096x128xbf16>
    %convert_element_type3A_152 = arith.truncf %get3A_150 : vector<128x128xf32> to vector<128x128xbf16>
    %dot_general3A_153 = arith.constant dense<0.000000e+00> : vector<4096x128xf32>
    %dot_general3A_154 = tpu.matmul %convert_element_type3A_151, %convert_element_type3A_152, %dot_general3A_153 {dimension_numbers = #tpu.dot_dimension_numbers<[1], [0], [0], [1], [0, 0, 1, 1], [], []>, transpose_lhs_hint = false} : vector<4096x128xbf16>, vector<128x128xbf16>, vector<4096x128xf32> -> vector<4096x128xf32>
    %add3A_155 = arith.addf %add3A_55, %dot_general3A_154 : vector<4096x128xf32>
    %get3A_156 = arith.constant 0 : index
    %get3A_157 = arith.constant 0 : index
    %get3A_158 = vector.load %arg23[%get3A_156, %get3A_157] : memref<1x128xf32, #tpu.memory_space<vmem>>, vector<1x128xf32>
    %add3A_159 = vector.broadcast %get3A_158 : vector<1x128xf32> to vector<4096x128xf32>
    %add3A_160 = arith.addf %add3A_155, %add3A_159 : vector<4096x128xf32>
    %get3A_161 = arith.constant 0 : index
    %get3A_162 = arith.constant 0 : index
    %get3A_163 = vector.load %arg22[%get3A_161, %get3A_162] : memref<128x2xf32, #tpu.memory_space<vmem>>, vector<128x2xf32>
    %convert_element_type3A_164 = arith.truncf %max3A_147 : vector<4096x128xf32> to vector<4096x128xbf16>
    %convert_element_type3A_165 = arith.truncf %get3A_163 : vector<128x2xf32> to vector<128x2xbf16>
    %dot_general3A_166 = arith.constant dense<0.000000e+00> : vector<4096x2xf32>
    %dot_general3A_167 = tpu.matmul %convert_element_type3A_164, %convert_element_type3A_165, %dot_general3A_166 {dimension_numbers = #tpu.dot_dimension_numbers<[1], [0], [0], [1], [0, 0, 1, 1], [], []>, transpose_lhs_hint = false} : vector<4096x128xbf16>, vector<128x2xbf16>, vector<4096x2xf32> -> vector<4096x2xf32>
    %add3A_168 = arith.addf %add3A_124, %dot_general3A_167 : vector<4096x2xf32>
    %get3A_169 = arith.constant 0 : index
    %get3A_170 = arith.constant 0 : index
    %get3A_171 = vector.load %arg24[%get3A_169, %get3A_170] : memref<1x2xf32, #tpu.memory_space<vmem>>, vector<1x2xf32>
    %add3A_172 = vector.broadcast %get3A_171 : vector<1x2xf32> to vector<4096x2xf32>
    %add3A_173 = arith.addf %add3A_168, %add3A_172 : vector<4096x2xf32>
    %reduce_sum3A_174 = arith.constant dense<0.000000e+00> : vector<4096xf32>
    %reduce_sum3A_175 = vector.multi_reduction <add>, %add3A_160, %reduce_sum3A_174 [1] : vector<4096x128xf32> to vector<4096xf32>
    %broadcast_in_dim3A_176 = vector.shape_cast %reduce_sum3A_175 : vector<4096xf32> to vector<4096x1xf32>
    %reduce_sum3A_177 = arith.constant dense<0.000000e+00> : vector<4096xf32>
    %reduce_sum3A_178 = vector.multi_reduction <add>, %add3A_173, %reduce_sum3A_177 [1] : vector<4096x2xf32> to vector<4096xf32>
    %broadcast_in_dim3A_179 = vector.shape_cast %reduce_sum3A_178 : vector<4096xf32> to vector<4096x1xf32>
    %add3A_180 = arith.addf %broadcast_in_dim3A_176, %broadcast_in_dim3A_179 : vector<4096x1xf32>
    %mul3A_181 = arith.constant 0.0076923077 : f32
    %mul3A_182 = vector.broadcast %mul3A_181 : f32 to vector<4096x1xf32>
    %mul3A_183 = arith.mulf %add3A_180, %mul3A_182 : vector<4096x1xf32>
    %mul3A_184 = arith.mulf %add3A_160, %add3A_160 : vector<4096x128xf32>
    %reduce_sum3A_185 = arith.constant dense<0.000000e+00> : vector<4096xf32>
    %reduce_sum3A_186 = vector.multi_reduction <add>, %mul3A_184, %reduce_sum3A_185 [1] : vector<4096x128xf32> to vector<4096xf32>
    %broadcast_in_dim3A_187 = vector.shape_cast %reduce_sum3A_186 : vector<4096xf32> to vector<4096x1xf32>
    %mul3A_188 = arith.mulf %add3A_173, %add3A_173 : vector<4096x2xf32>
    %reduce_sum3A_189 = arith.constant dense<0.000000e+00> : vector<4096xf32>
    %reduce_sum3A_190 = vector.multi_reduction <add>, %mul3A_188, %reduce_sum3A_189 [1] : vector<4096x2xf32> to vector<4096xf32>
    %broadcast_in_dim3A_191 = vector.shape_cast %reduce_sum3A_190 : vector<4096xf32> to vector<4096x1xf32>
    %add3A_192 = arith.addf %broadcast_in_dim3A_187, %broadcast_in_dim3A_191 : vector<4096x1xf32>
    %mul3A_193 = arith.constant 0.0076923077 : f32
    %mul3A_194 = vector.broadcast %mul3A_193 : f32 to vector<4096x1xf32>
    %mul3A_195 = arith.mulf %add3A_192, %mul3A_194 : vector<4096x1xf32>
    %mul3A_196 = arith.mulf %mul3A_183, %mul3A_183 : vector<4096x1xf32>
    %sub3A_197 = arith.subf %mul3A_195, %mul3A_196 : vector<4096x1xf32>
    %add3A_198 = arith.constant 9.99999974E-6 : f32
    %add3A_199 = vector.broadcast %add3A_198 : f32 to vector<4096x1xf32>
    %add3A_200 = arith.addf %sub3A_197, %add3A_199 : vector<4096x1xf32>
    %rsqrt3A_201 = math.rsqrt %add3A_200 : vector<4096x1xf32>
    %sub3A_202 = vector.broadcast %mul3A_183 : vector<4096x1xf32> to vector<4096x128xf32>
    %sub3A_203 = arith.subf %add3A_160, %sub3A_202 : vector<4096x128xf32>
    %mul3A_204 = vector.broadcast %rsqrt3A_201 : vector<4096x1xf32> to vector<4096x128xf32>
    %mul3A_205 = arith.mulf %sub3A_203, %mul3A_204 : vector<4096x128xf32>
    %get3A_206 = arith.constant 0 : index
    %get3A_207 = arith.constant 0 : index
    %get3A_208 = vector.load %arg25[%get3A_206, %get3A_207] : memref<1x128xf32, #tpu.memory_space<vmem>>, vector<1x128xf32>
    %mul3A_209 = vector.broadcast %get3A_208 : vector<1x128xf32> to vector<4096x128xf32>
    %mul3A_210 = arith.mulf %mul3A_205, %mul3A_209 : vector<4096x128xf32>
    %get3A_211 = arith.constant 0 : index
    %get3A_212 = arith.constant 0 : index
    %get3A_213 = vector.load %arg27[%get3A_211, %get3A_212] : memref<1x128xf32, #tpu.memory_space<vmem>>, vector<1x128xf32>
    %add3A_214 = vector.broadcast %get3A_213 : vector<1x128xf32> to vector<4096x128xf32>
    %add3A_215 = arith.addf %mul3A_210, %add3A_214 : vector<4096x128xf32>
    %swap3A = arith.constant 0 : index
    %swap3A_216 = arith.constant 0 : index
    %swap3A_217 = vector.load %arg29[%swap3A, %swap3A_216] : memref<4096x128xf32, #tpu.memory_space<vmem>>, vector<4096x128xf32>
    tpu.vector_store %arg29[%swap3A, %swap3A_216], %add3A_215 {strides = array<i32>} : memref<4096x128xf32, #tpu.memory_space<vmem>>, vector<4096x128xf32>,
    %sub3A_218 = vector.broadcast %mul3A_183 : vector<4096x1xf32> to vector<4096x2xf32>
    %sub3A_219 = arith.subf %add3A_173, %sub3A_218 : vector<4096x2xf32>
    %mul3A_220 = vector.broadcast %rsqrt3A_201 : vector<4096x1xf32> to vector<4096x2xf32>
    %mul3A_221 = arith.mulf %sub3A_219, %mul3A_220 : vector<4096x2xf32>
    %get3A_222 = arith.constant 0 : index
    %get3A_223 = arith.constant 0 : index
    %get3A_224 = vector.load %arg26[%get3A_222, %get3A_223] : memref<1x2xf32, #tpu.memory_space<vmem>>, vector<1x2xf32>
    %mul3A_225 = vector.broadcast %get3A_224 : vector<1x2xf32> to vector<4096x2xf32>
    %mul3A_226 = arith.mulf %mul3A_221, %mul3A_225 : vector<4096x2xf32>
    %get3A_227 = arith.constant 0 : index
    %get3A_228 = arith.constant 0 : index
    %get3A_229 = vector.load %arg28[%get3A_227, %get3A_228] : memref<1x2xf32, #tpu.memory_space<vmem>>, vector<1x2xf32>
    %add3A_230 = vector.broadcast %get3A_229 : vector<1x2xf32> to vector<4096x2xf32>
    %add3A_231 = arith.addf %mul3A_226, %add3A_230 : vector<4096x2xf32>
    %broadcast_in_dim3A_232 = arith.constant 1.000000e+00 : f32
    %broadcast_in_dim3A_233 = vector.broadcast %broadcast_in_dim3A_232 : f32 to vector<4096x1xf32>
    %broadcast_in_dim3A_234 = arith.constant 0.000000e+00 : f32
    %broadcast_in_dim3A_235 = vector.broadcast %broadcast_in_dim3A_234 : f32 to vector<4096x5xf32>
    %concatenate3A = tpu.concatenate %add3A_231, %broadcast_in_dim3A_233, %broadcast_in_dim3A_235 in 1 : vector<4096x2xf32>, vector<4096x1xf32>, vector<4096x5xf32> -> vector<4096x8xf32>
    %swap3A_236 = arith.constant 0 : index
    %swap3A_237 = arith.constant 0 : index
    %swap3A_238 = vector.load %arg30[%swap3A_236, %swap3A_237] : memref<4096x128xf32, #tpu.memory_space<vmem>>, vector<4096x8xf32>
    tpu.vector_store %arg30[%swap3A_236, %swap3A_237], %concatenate3A {strides = array<i32>} : memref<4096x128xf32, #tpu.memory_space<vmem>>, vector<4096x8xf32>,
    return
  }
  func.func @transform_0(%arg0: i32) -> (i32, i32) {
    %add3A = arith.constant 10 : i32
    %add3A_0 = arith.addi %add3A, %arg0 : i32
    %min3A = arith.constant 24 : i32
    %min3A_1 = arith.minsi %add3A_0, %min3A : i32
    %c0_i32 = arith.constant 0 : i32
    %c0_i32_2 = arith.constant 0 : i32
    return %min3A_1, %c0_i32 : i32, i32
  }
  func.func @transform_1(%arg0: i32) -> (i32, i32) {
    %add3A = arith.constant 10 : i32
    %add3A_0 = arith.addi %add3A, %arg0 : i32
    %min3A = arith.constant 24 : i32
    %min3A_1 = arith.minsi %add3A_0, %min3A : i32
    %c0_i32 = arith.constant 0 : i32
    %c0_i32_2 = arith.constant 0 : i32
    return %min3A_1, %c0_i32 : i32, i32
  }
  func.func @transform_2(%arg0: i32) -> (i32, i32) {
    %c0_i32 = arith.constant 0 : i32
    %c0_i32_0 = arith.constant 0 : i32
    %c0_i32_1 = arith.constant 0 : i32
    return %c0_i32, %c0_i32_0 : i32, i32
  }
  func.func @transform_3(%arg0: i32) -> (i32, i32) {
    %c0_i32 = arith.constant 0 : i32
    %c0_i32_0 = arith.constant 0 : i32
    %c0_i32_1 = arith.constant 0 : i32
    return %c0_i32, %c0_i32_0 : i32, i32
  }
  func.func @transform_4(%arg0: i32) -> (i32, i32) {
    %c0_i32 = arith.constant 0 : i32
    %c0_i32_0 = arith.constant 0 : i32
    %c0_i32_1 = arith.constant 0 : i32
    return %c0_i32, %c0_i32_0 : i32, i32
  }
  func.func @transform_5(%arg0: i32) -> (i32, i32) {
    %c0_i32 = arith.constant 0 : i32
    %c0_i32_0 = arith.constant 0 : i32
    %c0_i32_1 = arith.constant 0 : i32
    return %c0_i32, %c0_i32_0 : i32, i32
  }
  func.func @transform_6(%arg0: i32) -> (i32, i32) {
    %c0_i32 = arith.constant 0 : i32
    %c0_i32_0 = arith.constant 0 : i32
    %c0_i32_1 = arith.constant 0 : i32
    return %c0_i32, %c0_i32_0 : i32, i32
  }
  func.func @transform_7(%arg0: i32) -> (i32, i32) {
    %c0_i32 = arith.constant 0 : i32
    %c0_i32_0 = arith.constant 0 : i32
    %c0_i32_1 = arith.constant 0 : i32
    return %c0_i32, %c0_i32_0 : i32, i32
  }
  func.func @transform_8(%arg0: i32) -> (i32, i32) {
    %c0_i32 = arith.constant 0 : i32
    %c0_i32_0 = arith.constant 0 : i32
    %c0_i32_1 = arith.constant 0 : i32
    return %c0_i32, %c0_i32_0 : i32, i32
  }
  func.func @transform_9(%arg0: i32) -> (i32, i32) {
    %c0_i32 = arith.constant 0 : i32
    %c0_i32_0 = arith.constant 0 : i32
    %c0_i32_1 = arith.constant 0 : i32
    return %c0_i32, %c0_i32_0 : i32, i32
  }
  func.func @transform_10(%arg0: i32) -> (i32, i32) {
    %c0_i32 = arith.constant 0 : i32
    %c0_i32_0 = arith.constant 0 : i32
    %c0_i32_1 = arith.constant 0 : i32
    return %c0_i32, %c0_i32_0 : i32, i32
  }
  func.func @transform_11(%arg0: i32) -> (i32, i32) {
    %c0_i32 = arith.constant 0 : i32
    %c0_i32_0 = arith.constant 0 : i32
    %c0_i32_1 = arith.constant 0 : i32
    return %c0_i32, %c0_i32_0 : i32, i32
  }
  func.func @transform_12(%arg0: i32) -> (i32, i32) {
    %c0_i32 = arith.constant 0 : i32
    %c0_i32_0 = arith.constant 0 : i32
    %c0_i32_1 = arith.constant 0 : i32
    return %c0_i32, %c0_i32_0 : i32, i32
  }
  func.func @transform_13(%arg0: i32) -> (i32, i32) {
    %c0_i32 = arith.constant 0 : i32
    %c0_i32_0 = arith.constant 0 : i32
    %c0_i32_1 = arith.constant 0 : i32
    return %c0_i32, %c0_i32_0 : i32, i32
  }
  func.func @transform_14(%arg0: i32) -> (i32, i32) {
    %c0_i32 = arith.constant 0 : i32
    %c0_i32_0 = arith.constant 0 : i32
    %c0_i32_1 = arith.constant 0 : i32
    return %c0_i32, %c0_i32_0 : i32, i32
  }
  func.func @transform_15(%arg0: i32) -> (i32, i32) {
    %c0_i32 = arith.constant 0 : i32
    %c0_i32_0 = arith.constant 0 : i32
    %c0_i32_1 = arith.constant 0 : i32
    return %c0_i32, %c0_i32_0 : i32, i32
  }
  func.func @transform_16(%arg0: i32) -> (i32, i32) {
    %c0_i32 = arith.constant 0 : i32
    %c0_i32_0 = arith.constant 0 : i32
    %c0_i32_1 = arith.constant 0 : i32
    return %c0_i32, %c0_i32_0 : i32, i32
  }
  func.func @transform_17(%arg0: i32) -> (i32, i32) {
    %c0_i32 = arith.constant 0 : i32
    %c0_i32_0 = arith.constant 0 : i32
    %c0_i32_1 = arith.constant 0 : i32
    return %c0_i32, %c0_i32_0 : i32, i32
  }
  func.func @transform_18(%arg0: i32) -> (i32, i32) {
    %c0_i32 = arith.constant 0 : i32
    %c0_i32_0 = arith.constant 0 : i32
    %c0_i32_1 = arith.constant 0 : i32
    return %c0_i32, %c0_i32_0 : i32, i32
  }
  func.func @transform_19(%arg0: i32) -> (i32, i32) {
    %c0_i32 = arith.constant 0 : i32
    %c0_i32_0 = arith.constant 0 : i32
    %c0_i32_1 = arith.constant 0 : i32
    return %c0_i32, %c0_i32_0 : i32, i32
  }
  func.func @transform_20(%arg0: i32) -> (i32, i32) {
    %c0_i32 = arith.constant 0 : i32
    %c0_i32_0 = arith.constant 0 : i32
    %c0_i32_1 = arith.constant 0 : i32
    return %c0_i32, %c0_i32_0 : i32, i32
  }
  func.func @transform_21(%arg0: i32) -> (i32, i32) {
    %c0_i32 = arith.constant 0 : i32
    %c0_i32_0 = arith.constant 0 : i32
    %c0_i32_1 = arith.constant 0 : i32
    return %c0_i32, %c0_i32_0 : i32, i32
  }
  func.func @transform_22(%arg0: i32) -> (i32, i32) {
    %c0_i32 = arith.constant 0 : i32
    %c0_i32_0 = arith.constant 0 : i32
    %c0_i32_1 = arith.constant 0 : i32
    return %c0_i32, %c0_i32_0 : i32, i32
  }
  func.func @transform_23(%arg0: i32) -> (i32, i32) {
    %c0_i32 = arith.constant 0 : i32
    %c0_i32_0 = arith.constant 0 : i32
    %c0_i32_1 = arith.constant 0 : i32
    return %c0_i32, %c0_i32_0 : i32, i32
  }
  func.func @transform_24(%arg0: i32) -> (i32, i32) {
    %c0_i32 = arith.constant 0 : i32
    %c0_i32_0 = arith.constant 0 : i32
    %c0_i32_1 = arith.constant 0 : i32
    return %c0_i32, %c0_i32_0 : i32, i32
  }
  func.func @transform_25(%arg0: i32) -> (i32, i32) {
    %c0_i32 = arith.constant 0 : i32
    %c0_i32_0 = arith.constant 0 : i32
    %c0_i32_1 = arith.constant 0 : i32
    return %c0_i32, %c0_i32_0 : i32, i32
  }
  func.func @transform_26(%arg0: i32) -> (i32, i32) {
    %c0_i32 = arith.constant 0 : i32
    %c0_i32_0 = arith.constant 0 : i32
    %c0_i32_1 = arith.constant 0 : i32
    return %c0_i32, %c0_i32_0 : i32, i32
  }
  func.func @transform_27(%arg0: i32) -> (i32, i32) {
    %c0_i32 = arith.constant 0 : i32
    %c0_i32_0 = arith.constant 0 : i32
    %c0_i32_1 = arith.constant 0 : i32
    return %c0_i32, %c0_i32_0 : i32, i32
  }
  func.func @transform_28(%arg0: i32) -> (i32, i32) {
    %c0_i32 = arith.constant 0 : i32
    %c0_i32_0 = arith.constant 0 : i32
    return %arg0, %c0_i32 : i32, i32
  }
  func.func @transform_29(%arg0: i32) -> (i32, i32) {
    %c0_i32 = arith.constant 0 : i32
    %c0_i32_0 = arith.constant 0 : i32
    return %arg0, %c0_i32 : i32, i32
  }
}

module attributes {stable_mosaic.version = 14 : i64} {
  func.func @_stage_a_body(%arg0: i32, %arg1: memref<4096x128xf32, #tpu.memory_space<vmem>>, %arg2: memref<4096x2xf32, #tpu.memory_space<vmem>>, %arg3: memref<128x128xf32, #tpu.memory_space<vmem>>, %arg4: memref<1x128xf32, #tpu.memory_space<vmem>>, %arg5: memref<128x128xf32, #tpu.memory_space<vmem>>, %arg6: memref<1x128xf32, #tpu.memory_space<vmem>>, %arg7: memref<1x128xf32, #tpu.memory_space<vmem>>, %arg8: memref<1x128xf32, #tpu.memory_space<vmem>>, %arg9: memref<128x128xf32, #tpu.memory_space<vmem>>, %arg10: memref<2x128xf32, #tpu.memory_space<vmem>>, %arg11: memref<1x128xf32, #tpu.memory_space<vmem>>, %arg12: memref<128x1xf32, #tpu.memory_space<vmem>>, %arg13: memref<2x1xf32, #tpu.memory_space<vmem>>, %arg14: memref<128x1xf32, #tpu.memory_space<vmem>>, %arg15: memref<1x1xf32, #tpu.memory_space<vmem>>, %arg16: memref<1x2xf32, #tpu.memory_space<vmem>>, %arg17: memref<1x2xf32, #tpu.memory_space<vmem>>, %arg18: memref<128x128xf32, #tpu.memory_space<vmem>>, %arg19: memref<2x128xf32, #tpu.memory_space<vmem>>, %arg20: memref<1x128xf32, #tpu.memory_space<vmem>>, %arg21: memref<128x128xf32, #tpu.memory_space<vmem>>, %arg22: memref<128x2xf32, #tpu.memory_space<vmem>>, %arg23: memref<1x128xf32, #tpu.memory_space<vmem>>, %arg24: memref<1x2xf32, #tpu.memory_space<vmem>>, %arg25: memref<1x128xf32, #tpu.memory_space<vmem>>, %arg26: memref<1x2xf32, #tpu.memory_space<vmem>>, %arg27: memref<1x128xf32, #tpu.memory_space<vmem>>, %arg28: memref<1x2xf32, #tpu.memory_space<vmem>>, %arg29: memref<4096x128xf32, #tpu.memory_space<vmem>>, %arg30: memref<4096x128xf32, #tpu.memory_space<vmem>>) attributes {dimension_semantics = [#tpu.dimension_semantics<arbitrary>], iteration_bounds = array<i64: 10>, scalar_prefetch = 0 : i64, scratch_operands = 0 : i64, tpu.core_type = #tpu.core_type<tc>, window_params = [{transform_indices = @transform_0, window_bounds = array<i64: 4096, 128>}, {transform_indices = @transform_1, window_bounds = array<i64: 4096, 2>}, {pipeline_mode = #tpu.pipeline_mode<synchronous>, transform_indices = @transform_2, window_bounds = array<i64: 128, 128>}, {pipeline_mode = #tpu.pipeline_mode<synchronous>, transform_indices = @transform_3, window_bounds = array<i64: 1, 128>}, {pipeline_mode = #tpu.pipeline_mode<synchronous>, transform_indices = @transform_4, window_bounds = array<i64: 128, 128>}, {pipeline_mode = #tpu.pipeline_mode<synchronous>, transform_indices = @transform_5, window_bounds = array<i64: 1, 128>}, {pipeline_mode = #tpu.pipeline_mode<synchronous>, transform_indices = @transform_6, window_bounds = array<i64: 1, 128>}, {pipeline_mode = #tpu.pipeline_mode<synchronous>, transform_indices = @transform_7, window_bounds = array<i64: 1, 128>}, {pipeline_mode = #tpu.pipeline_mode<synchronous>, transform_indices = @transform_8, window_bounds = array<i64: 128, 128>}, {pipeline_mode = #tpu.pipeline_mode<synchronous>, transform_indices = @transform_9, window_bounds = array<i64: 2, 128>}, {pipeline_mode = #tpu.pipeline_mode<synchronous>, transform_indices = @transform_10, window_bounds = array<i64: 1, 128>}, {pipeline_mode = #tpu.pipeline_mode<synchronous>, transform_indices = @transform_11, window_bounds = array<i64: 128, 1>}, {pipeline_mode = #tpu.pipeline_mode<synchronous>, transform_indices = @transform_12, window_bounds = array<i64: 2, 1>}, {pipeline_mode = #tpu.pipeline_mode<synchronous>, transform_indices = @transform_13, window_bounds = array<i64: 128, 1>}, {pipeline_mode = #tpu.pipeline_mode<synchronous>, transform_indices = @transform_14, window_bounds = array<i64: 1, 1>}, {pipeline_mode = #tpu.pipeline_mode<synchronous>, transform_indices = @transform_15, window_bounds = array<i64: 1, 2>}, {pipeline_mode = #tpu.pipeline_mode<synchronous>, transform_indices = @transform_16, window_bounds = array<i64: 1, 2>}, {pipeline_mode = #tpu.pipeline_mode<synchronous>, transform_indices = @transform_17, window_bounds = array<i64: 128, 128>}, {pipeline_mode = #tpu.pipeline_mode<synchronous>, transform_indices = @transform_18, window_bounds = array<i64: 2, 128>}, {pipeline_mode = #tpu.pipeline_mode<synchronous>, transform_indices = @transform_19, window_bounds = array<i64: 1, 128>}, {pipeline_mode = #tpu.pipeline_mode<synchronous>, transform_indices = @transform_20, window_bounds = array<i64: 128, 128>}, {pipeline_mode = #tpu.pipeline_mode<synchronous>, transform_indices = @transform_21, window_bounds = array<i64: 128, 2>}, {pipeline_mode = #tpu.pipeline_mode<synchronous>, transform_indices = @transform_22, window_bounds = array<i64: 1, 128>}, {pipeline_mode = #tpu.pipeline_mode<synchronous>, transform_indices = @transform_23, window_bounds = array<i64: 1, 2>}, {pipeline_mode = #tpu.pipeline_mode<synchronous>, transform_indices = @transform_24, window_bounds = array<i64: 1, 128>}, {pipeline_mode = #tpu.pipeline_mode<synchronous>, transform_indices = @transform_25, window_bounds = array<i64: 1, 2>}, {pipeline_mode = #tpu.pipeline_mode<synchronous>, transform_indices = @transform_26, window_bounds = array<i64: 1, 128>}, {pipeline_mode = #tpu.pipeline_mode<synchronous>, transform_indices = @transform_27, window_bounds = array<i64: 1, 2>}, {transform_indices = @transform_28, window_bounds = array<i64: 4096, 128>}, {transform_indices = @transform_29, window_bounds = array<i64: 4096, 128>}]} {
    %get3A = arith.constant 0 : index
    %get3A_0 = arith.constant 0 : index
    %get3A_1 = vector.load %arg1[%get3A, %get3A_0] : memref<4096x128xf32, #tpu.memory_space<vmem>>, vector<4096x128xf32>
    %get3A_2 = arith.constant 0 : index
    %get3A_3 = arith.constant 0 : index
    %get3A_4 = vector.load %arg2[%get3A_2, %get3A_3] : memref<4096x2xf32, #tpu.memory_space<vmem>>, vector<4096x2xf32>
    %get3A_5 = arith.constant 0 : index
    %get3A_6 = arith.constant 0 : index
    %get3A_7 = vector.load %arg3[%get3A_5, %get3A_6] : memref<128x128xf32, #tpu.memory_space<vmem>>, vector<128x128xf32>
    %convert_element_type3A = arith.truncf %get3A_1 : vector<4096x128xf32> to vector<4096x128xbf16>
    %convert_element_type3A_8 = arith.truncf %get3A_7 : vector<128x128xf32> to vector<128x128xbf16>
    %dot_general3A = arith.constant dense<0.000000e+00> : vector<4096x128xf32>
    %dot_general3A_9 = tpu.matmul %convert_element_type3A, %convert_element_type3A_8, %dot_general3A {dimension_numbers = #tpu.dot_dimension_numbers<[1], [0], [0], [1], [0, 0, 1, 1], [], []>, transpose_lhs_hint = false} : vector<4096x128xbf16>, vector<128x128xbf16>, vector<4096x128xf32> -> vector<4096x128xf32>
    %get3A_10 = arith.constant 0 : index
    %get3A_11 = arith.constant 0 : index
    %get3A_12 = vector.load %arg4[%get3A_10, %get3A_11] : memref<1x128xf32, #tpu.memory_space<vmem>>, vector<1x128xf32>
    %add3A = vector.broadcast %get3A_12 : vector<1x128xf32> to vector<4096x128xf32>
    %add3A_13 = arith.addf %dot_general3A_9, %add3A : vector<4096x128xf32>
    %max3A = arith.constant 0.000000e+00 : f32
    %max3A_14 = vector.broadcast %max3A : f32 to vector<4096x128xf32>
    %max3A_15 = arith.maximumf %add3A_13, %max3A_14 : vector<4096x128xf32>
    %get3A_16 = arith.constant 0 : index
    %get3A_17 = arith.constant 0 : index
    %get3A_18 = vector.load %arg5[%get3A_16, %get3A_17] : memref<128x128xf32, #tpu.memory_space<vmem>>, vector<128x128xf32>
    %convert_element_type3A_19 = arith.truncf %max3A_15 : vector<4096x128xf32> to vector<4096x128xbf16>
    %convert_element_type3A_20 = arith.truncf %get3A_18 : vector<128x128xf32> to vector<128x128xbf16>
    %dot_general3A_21 = arith.constant dense<0.000000e+00> : vector<4096x128xf32>
    %dot_general3A_22 = tpu.matmul %convert_element_type3A_19, %convert_element_type3A_20, %dot_general3A_21 {dimension_numbers = #tpu.dot_dimension_numbers<[1], [0], [0], [1], [0, 0, 1, 1], [], []>, transpose_lhs_hint = false} : vector<4096x128xbf16>, vector<128x128xbf16>, vector<4096x128xf32> -> vector<4096x128xf32>
    %add3A_23 = arith.addf %get3A_1, %dot_general3A_22 : vector<4096x128xf32>
    %get3A_24 = arith.constant 0 : index
    %get3A_25 = arith.constant 0 : index
    %get3A_26 = vector.load %arg6[%get3A_24, %get3A_25] : memref<1x128xf32, #tpu.memory_space<vmem>>, vector<1x128xf32>
    %add3A_27 = vector.broadcast %get3A_26 : vector<1x128xf32> to vector<4096x128xf32>
    %add3A_28 = arith.addf %add3A_23, %add3A_27 : vector<4096x128xf32>
    %get3A_29 = arith.constant 0 : index
    %get3A_30 = arith.constant 0 : index
    %get3A_31 = vector.load %arg7[%get3A_29, %get3A_30] : memref<1x128xf32, #tpu.memory_space<vmem>>, vector<1x128xf32>
    %get3A_32 = arith.constant 0 : index
    %get3A_33 = arith.constant 0 : index
    %get3A_34 = vector.load %arg8[%get3A_32, %get3A_33] : memref<1x128xf32, #tpu.memory_space<vmem>>, vector<1x128xf32>
    %reduce_sum3A = arith.constant dense<0.000000e+00> : vector<4096xf32>
    %reduce_sum3A_35 = vector.multi_reduction <add>, %add3A_28, %reduce_sum3A [1] : vector<4096x128xf32> to vector<4096xf32>
    %broadcast_in_dim3A = vector.shape_cast %reduce_sum3A_35 : vector<4096xf32> to vector<4096x1xf32>
    %div3A = arith.constant 1.280000e+02 : f32
    %div3A_36 = vector.broadcast %div3A : f32 to vector<4096x1xf32>
    %div3A_37 = arith.divf %broadcast_in_dim3A, %div3A_36 : vector<4096x1xf32>
    %mul3A = arith.mulf %add3A_28, %add3A_28 : vector<4096x128xf32>
    %reduce_sum3A_38 = arith.constant dense<0.000000e+00> : vector<4096xf32>
    %reduce_sum3A_39 = vector.multi_reduction <add>, %mul3A, %reduce_sum3A_38 [1] : vector<4096x128xf32> to vector<4096xf32>
    %broadcast_in_dim3A_40 = vector.shape_cast %reduce_sum3A_39 : vector<4096xf32> to vector<4096x1xf32>
    %div3A_41 = arith.constant 1.280000e+02 : f32
    %div3A_42 = vector.broadcast %div3A_41 : f32 to vector<4096x1xf32>
    %div3A_43 = arith.divf %broadcast_in_dim3A_40, %div3A_42 : vector<4096x1xf32>
    %mul3A_44 = arith.mulf %div3A_37, %div3A_37 : vector<4096x1xf32>
    %sub3A = arith.subf %div3A_43, %mul3A_44 : vector<4096x1xf32>
    %sub3A_45 = vector.broadcast %div3A_37 : vector<4096x1xf32> to vector<4096x128xf32>
    %sub3A_46 = arith.subf %add3A_28, %sub3A_45 : vector<4096x128xf32>
    %add3A_47 = arith.constant 9.99999974E-6 : f32
    %add3A_48 = vector.broadcast %add3A_47 : f32 to vector<4096x1xf32>
    %add3A_49 = arith.addf %sub3A, %add3A_48 : vector<4096x1xf32>
    %rsqrt3A = math.rsqrt %add3A_49 : vector<4096x1xf32>
    %mul3A_50 = vector.broadcast %rsqrt3A : vector<4096x1xf32> to vector<4096x128xf32>
    %mul3A_51 = arith.mulf %sub3A_46, %mul3A_50 : vector<4096x128xf32>
    %mul3A_52 = vector.broadcast %get3A_31 : vector<1x128xf32> to vector<4096x128xf32>
    %mul3A_53 = arith.mulf %mul3A_51, %mul3A_52 : vector<4096x128xf32>
    %add3A_54 = vector.broadcast %get3A_34 : vector<1x128xf32> to vector<4096x128xf32>
    %add3A_55 = arith.addf %mul3A_53, %add3A_54 : vector<4096x128xf32>
    %get3A_56 = arith.constant 0 : index
    %get3A_57 = arith.constant 0 : index
    %get3A_58 = vector.load %arg9[%get3A_56, %get3A_57] : memref<128x128xf32, #tpu.memory_space<vmem>>, vector<128x128xf32>
    %convert_element_type3A_59 = arith.truncf %add3A_55 : vector<4096x128xf32> to vector<4096x128xbf16>
    %convert_element_type3A_60 = arith.truncf %get3A_58 : vector<128x128xf32> to vector<128x128xbf16>
    %dot_general3A_61 = arith.constant dense<0.000000e+00> : vector<4096x128xf32>
    %dot_general3A_62 = tpu.matmul %convert_element_type3A_59, %convert_element_type3A_60, %dot_general3A_61 {dimension_numbers = #tpu.dot_dimension_numbers<[1], [0], [0], [1], [0, 0, 1, 1], [], []>, transpose_lhs_hint = false} : vector<4096x128xbf16>, vector<128x128xbf16>, vector<4096x128xf32> -> vector<4096x128xf32>
    %get3A_63 = arith.constant 0 : index
    %get3A_64 = arith.constant 0 : index
    %get3A_65 = vector.load %arg10[%get3A_63, %get3A_64] : memref<2x128xf32, #tpu.memory_space<vmem>>, vector<2x128xf32>
    %convert_element_type3A_66 = arith.truncf %get3A_4 : vector<4096x2xf32> to vector<4096x2xbf16>
    %convert_element_type3A_67 = arith.truncf %get3A_65 : vector<2x128xf32> to vector<2x128xbf16>
    %dot_general3A_68 = arith.constant dense<0.000000e+00> : vector<4096x128xf32>
    %dot_general3A_69 = tpu.matmul %convert_element_type3A_66, %convert_element_type3A_67, %dot_general3A_68 {dimension_numbers = #tpu.dot_dimension_numbers<[1], [0], [0], [1], [0, 0, 1, 1], [], []>, transpose_lhs_hint = false} : vector<4096x2xbf16>, vector<2x128xbf16>, vector<4096x128xf32> -> vector<4096x128xf32>
    %add3A_70 = arith.addf %dot_general3A_62, %dot_general3A_69 : vector<4096x128xf32>
    %get3A_71 = arith.constant 0 : index
    %get3A_72 = arith.constant 0 : index
    %get3A_73 = vector.load %arg11[%get3A_71, %get3A_72] : memref<1x128xf32, #tpu.memory_space<vmem>>, vector<1x128xf32>
    %add3A_74 = vector.broadcast %get3A_73 : vector<1x128xf32> to vector<4096x128xf32>
    %add3A_75 = arith.addf %add3A_70, %add3A_74 : vector<4096x128xf32>
    %max3A_76 = arith.constant 0.000000e+00 : f32
    %max3A_77 = vector.broadcast %max3A_76 : f32 to vector<4096x128xf32>
    %max3A_78 = arith.maximumf %add3A_75, %max3A_77 : vector<4096x128xf32>
    %get3A_79 = arith.constant 0 : index
    %get3A_80 = arith.constant 0 : index
    %get3A_81 = vector.load %arg12[%get3A_79, %get3A_80] : memref<128x1xf32, #tpu.memory_space<vmem>>, vector<128x1xf32>
    %convert_element_type3A_82 = arith.truncf %add3A_55 : vector<4096x128xf32> to vector<4096x128xbf16>
    %convert_element_type3A_83 = arith.truncf %get3A_81 : vector<128x1xf32> to vector<128x1xbf16>
    %dot_general3A_84 = arith.constant dense<0.000000e+00> : vector<4096x1xf32>
    %dot_general3A_85 = tpu.matmul %convert_element_type3A_82, %convert_element_type3A_83, %dot_general3A_84 {dimension_numbers = #tpu.dot_dimension_numbers<[1], [0], [0], [1], [0, 0, 1, 1], [], []>, transpose_lhs_hint = false} : vector<4096x128xbf16>, vector<128x1xbf16>, vector<4096x1xf32> -> vector<4096x1xf32>
    %get3A_86 = arith.constant 0 : index
    %get3A_87 = arith.constant 0 : index
    %get3A_88 = vector.load %arg13[%get3A_86, %get3A_87] : memref<2x1xf32, #tpu.memory_space<vmem>>, vector<2x1xf32>
    %convert_element_type3A_89 = arith.truncf %get3A_4 : vector<4096x2xf32> to vector<4096x2xbf16>
    %convert_element_type3A_90 = arith.truncf %get3A_88 : vector<2x1xf32> to vector<2x1xbf16>
    %dot_general3A_91 = arith.constant dense<0.000000e+00> : vector<4096x1xf32>
    %dot_general3A_92 = tpu.matmul %convert_element_type3A_89, %convert_element_type3A_90, %dot_general3A_91 {dimension_numbers = #tpu.dot_dimension_numbers<[1], [0], [0], [1], [0, 0, 1, 1], [], []>, transpose_lhs_hint = false} : vector<4096x2xbf16>, vector<2x1xbf16>, vector<4096x1xf32> -> vector<4096x1xf32>
    %add3A_93 = arith.addf %dot_general3A_85, %dot_general3A_92 : vector<4096x1xf32>
    %get3A_94 = arith.constant 0 : index
    %get3A_95 = arith.constant 0 : index
    %get3A_96 = vector.load %arg14[%get3A_94, %get3A_95] : memref<128x1xf32, #tpu.memory_space<vmem>>, vector<128x1xf32>
    %convert_element_type3A_97 = arith.truncf %max3A_78 : vector<4096x128xf32> to vector<4096x128xbf16>
    %convert_element_type3A_98 = arith.truncf %get3A_96 : vector<128x1xf32> to vector<128x1xbf16>
    %dot_general3A_99 = arith.constant dense<0.000000e+00> : vector<4096x1xf32>
    %dot_general3A_100 = tpu.matmul %convert_element_type3A_97, %convert_element_type3A_98, %dot_general3A_99 {dimension_numbers = #tpu.dot_dimension_numbers<[1], [0], [0], [1], [0, 0, 1, 1], [], []>, transpose_lhs_hint = false} : vector<4096x128xbf16>, vector<128x1xbf16>, vector<4096x1xf32> -> vector<4096x1xf32>
    %add3A_101 = arith.addf %add3A_93, %dot_general3A_100 : vector<4096x1xf32>
    %get3A_102 = arith.constant 0 : index
    %get3A_103 = arith.constant 0 : index
    %get3A_104 = vector.load %arg15[%get3A_102, %get3A_103] : memref<1x1xf32, #tpu.memory_space<vmem>>, vector<1x1xf32>
    %add3A_105 = vector.broadcast %get3A_104 : vector<1x1xf32> to vector<4096x1xf32>
    %add3A_106 = arith.addf %add3A_101, %add3A_105 : vector<4096x1xf32>
    %mul3A_107 = arith.mulf %add3A_106, %add3A_106 : vector<4096x1xf32>
    %add3A_108 = arith.constant 9.99999974E-6 : f32
    %add3A_109 = vector.broadcast %add3A_108 : f32 to vector<4096x1xf32>
    %add3A_110 = arith.addf %mul3A_107, %add3A_109 : vector<4096x1xf32>
    %rsqrt3A_111 = math.rsqrt %add3A_110 : vector<4096x1xf32>
    %mul3A_112 = arith.mulf %add3A_106, %rsqrt3A_111 : vector<4096x1xf32>
    %get3A_113 = arith.constant 0 : index
    %get3A_114 = arith.constant 0 : index
    %get3A_115 = vector.load %arg16[%get3A_113, %get3A_114] : memref<1x2xf32, #tpu.memory_space<vmem>>, vector<1x2xf32>
    %mul3A_116 = vector.broadcast %mul3A_112 : vector<4096x1xf32> to vector<4096x2xf32>
    %mul3A_117 = vector.broadcast %get3A_115 : vector<1x2xf32> to vector<4096x2xf32>
    %mul3A_118 = arith.mulf %mul3A_116, %mul3A_117 : vector<4096x2xf32>
    %get3A_119 = arith.constant 0 : index
    %get3A_120 = arith.constant 0 : index
    %get3A_121 = vector.load %arg17[%get3A_119, %get3A_120] : memref<1x2xf32, #tpu.memory_space<vmem>>, vector<1x2xf32>
    %add3A_122 = vector.broadcast %get3A_121 : vector<1x2xf32> to vector<4096x2xf32>
    %add3A_123 = arith.addf %add3A_122, %get3A_4 : vector<4096x2xf32>
    %add3A_124 = arith.addf %mul3A_118, %add3A_123 : vector<4096x2xf32>
    %get3A_125 = arith.constant 0 : index
    %get3A_126 = arith.constant 0 : index
    %get3A_127 = vector.load %arg18[%get3A_125, %get3A_126] : memref<128x128xf32, #tpu.memory_space<vmem>>, vector<128x128xf32>
    %convert_element_type3A_128 = arith.truncf %add3A_55 : vector<4096x128xf32> to vector<4096x128xbf16>
    %convert_element_type3A_129 = arith.truncf %get3A_127 : vector<128x128xf32> to vector<128x128xbf16>
    %dot_general3A_130 = arith.constant dense<0.000000e+00> : vector<4096x128xf32>
    %dot_general3A_131 = tpu.matmul %convert_element_type3A_128, %convert_element_type3A_129, %dot_general3A_130 {dimension_numbers = #tpu.dot_dimension_numbers<[1], [0], [0], [1], [0, 0, 1, 1], [], []>, transpose_lhs_hint = false} : vector<4096x128xbf16>, vector<128x128xbf16>, vector<4096x128xf32> -> vector<4096x128xf32>
    %get3A_132 = arith.constant 0 : index
    %get3A_133 = arith.constant 0 : index
    %get3A_134 = vector.load %arg19[%get3A_132, %get3A_133] : memref<2x128xf32, #tpu.memory_space<vmem>>, vector<2x128xf32>
    %convert_element_type3A_135 = arith.truncf %add3A_124 : vector<4096x2xf32> to vector<4096x2xbf16>
    %convert_element_type3A_136 = arith.truncf %get3A_134 : vector<2x128xf32> to vector<2x128xbf16>
    %dot_general3A_137 = arith.constant dense<0.000000e+00> : vector<4096x128xf32>
    %dot_general3A_138 = tpu.matmul %convert_element_type3A_135, %convert_element_type3A_136, %dot_general3A_137 {dimension_numbers = #tpu.dot_dimension_numbers<[1], [0], [0], [1], [0, 0, 1, 1], [], []>, transpose_lhs_hint = false} : vector<4096x2xbf16>, vector<2x128xbf16>, vector<4096x128xf32> -> vector<4096x128xf32>
    %add3A_139 = arith.addf %dot_general3A_131, %dot_general3A_138 : vector<4096x128xf32>
    %get3A_140 = arith.constant 0 : index
    %get3A_141 = arith.constant 0 : index
    %get3A_142 = vector.load %arg20[%get3A_140, %get3A_141] : memref<1x128xf32, #tpu.memory_space<vmem>>, vector<1x128xf32>
    %add3A_143 = vector.broadcast %get3A_142 : vector<1x128xf32> to vector<4096x128xf32>
    %add3A_144 = arith.addf %add3A_139, %add3A_143 : vector<4096x128xf32>
    %max3A_145 = arith.constant 0.000000e+00 : f32
    %max3A_146 = vector.broadcast %max3A_145 : f32 to vector<4096x128xf32>
    %max3A_147 = arith.maximumf %add3A_144, %max3A_146 : vector<4096x128xf32>
    %get3A_148 = arith.constant 0 : index
    %get3A_149 = arith.constant 0 : index
    %get3A_150 = vector.load %arg21[%get3A_148, %get3A_149] : memref<128x128xf32, #tpu.memory_space<vmem>>, vector<128x128xf32>
    %convert_element_type3A_151 = arith.truncf %max3A_147 : vector<4096x128xf32> to vector<4096x128xbf16>
    %convert_element_type3A_152 = arith.truncf %get3A_150 : vector<128x128xf32> to vector<128x128xbf16>
    %dot_general3A_153 = arith.constant dense<0.000000e+00> : vector<4096x128xf32>
    %dot_general3A_154 = tpu.matmul %convert_element_type3A_151, %convert_element_type3A_152, %dot_general3A_153 {dimension_numbers = #tpu.dot_dimension_numbers<[1], [0], [0], [1], [0, 0, 1, 1], [], []>, transpose_lhs_hint = false} : vector<4096x128xbf16>, vector<128x128xbf16>, vector<4096x128xf32> -> vector<4096x128xf32>
    %add3A_155 = arith.addf %add3A_55, %dot_general3A_154 : vector<4096x128xf32>
    %get3A_156 = arith.constant 0 : index
    %get3A_157 = arith.constant 0 : index
    %get3A_158 = vector.load %arg23[%get3A_156, %get3A_157] : memref<1x128xf32, #tpu.memory_space<vmem>>, vector<1x128xf32>
    %add3A_159 = vector.broadcast %get3A_158 : vector<1x128xf32> to vector<4096x128xf32>
    %add3A_160 = arith.addf %add3A_155, %add3A_159 : vector<4096x128xf32>
    %get3A_161 = arith.constant 0 : index
    %get3A_162 = arith.constant 0 : index
    %get3A_163 = vector.load %arg22[%get3A_161, %get3A_162] : memref<128x2xf32, #tpu.memory_space<vmem>>, vector<128x2xf32>
    %convert_element_type3A_164 = arith.truncf %max3A_147 : vector<4096x128xf32> to vector<4096x128xbf16>
    %convert_element_type3A_165 = arith.truncf %get3A_163 : vector<128x2xf32> to vector<128x2xbf16>
    %dot_general3A_166 = arith.constant dense<0.000000e+00> : vector<4096x2xf32>
    %dot_general3A_167 = tpu.matmul %convert_element_type3A_164, %convert_element_type3A_165, %dot_general3A_166 {dimension_numbers = #tpu.dot_dimension_numbers<[1], [0], [0], [1], [0, 0, 1, 1], [], []>, transpose_lhs_hint = false} : vector<4096x128xbf16>, vector<128x2xbf16>, vector<4096x2xf32> -> vector<4096x2xf32>
    %add3A_168 = arith.addf %add3A_124, %dot_general3A_167 : vector<4096x2xf32>
    %get3A_169 = arith.constant 0 : index
    %get3A_170 = arith.constant 0 : index
    %get3A_171 = vector.load %arg24[%get3A_169, %get3A_170] : memref<1x2xf32, #tpu.memory_space<vmem>>, vector<1x2xf32>
    %add3A_172 = vector.broadcast %get3A_171 : vector<1x2xf32> to vector<4096x2xf32>
    %add3A_173 = arith.addf %add3A_168, %add3A_172 : vector<4096x2xf32>
    %reduce_sum3A_174 = arith.constant dense<0.000000e+00> : vector<4096xf32>
    %reduce_sum3A_175 = vector.multi_reduction <add>, %add3A_160, %reduce_sum3A_174 [1] : vector<4096x128xf32> to vector<4096xf32>
    %broadcast_in_dim3A_176 = vector.shape_cast %reduce_sum3A_175 : vector<4096xf32> to vector<4096x1xf32>
    %reduce_sum3A_177 = arith.constant dense<0.000000e+00> : vector<4096xf32>
    %reduce_sum3A_178 = vector.multi_reduction <add>, %add3A_173, %reduce_sum3A_177 [1] : vector<4096x2xf32> to vector<4096xf32>
    %broadcast_in_dim3A_179 = vector.shape_cast %reduce_sum3A_178 : vector<4096xf32> to vector<4096x1xf32>
    %add3A_180 = arith.addf %broadcast_in_dim3A_176, %broadcast_in_dim3A_179 : vector<4096x1xf32>
    %mul3A_181 = arith.constant 0.0076923077 : f32
    %mul3A_182 = vector.broadcast %mul3A_181 : f32 to vector<4096x1xf32>
    %mul3A_183 = arith.mulf %add3A_180, %mul3A_182 : vector<4096x1xf32>
    %mul3A_184 = arith.mulf %add3A_160, %add3A_160 : vector<4096x128xf32>
    %reduce_sum3A_185 = arith.constant dense<0.000000e+00> : vector<4096xf32>
    %reduce_sum3A_186 = vector.multi_reduction <add>, %mul3A_184, %reduce_sum3A_185 [1] : vector<4096x128xf32> to vector<4096xf32>
    %broadcast_in_dim3A_187 = vector.shape_cast %reduce_sum3A_186 : vector<4096xf32> to vector<4096x1xf32>
    %mul3A_188 = arith.mulf %add3A_173, %add3A_173 : vector<4096x2xf32>
    %reduce_sum3A_189 = arith.constant dense<0.000000e+00> : vector<4096xf32>
    %reduce_sum3A_190 = vector.multi_reduction <add>, %mul3A_188, %reduce_sum3A_189 [1] : vector<4096x2xf32> to vector<4096xf32>
    %broadcast_in_dim3A_191 = vector.shape_cast %reduce_sum3A_190 : vector<4096xf32> to vector<4096x1xf32>
    %add3A_192 = arith.addf %broadcast_in_dim3A_187, %broadcast_in_dim3A_191 : vector<4096x1xf32>
    %mul3A_193 = arith.constant 0.0076923077 : f32
    %mul3A_194 = vector.broadcast %mul3A_193 : f32 to vector<4096x1xf32>
    %mul3A_195 = arith.mulf %add3A_192, %mul3A_194 : vector<4096x1xf32>
    %mul3A_196 = arith.mulf %mul3A_183, %mul3A_183 : vector<4096x1xf32>
    %sub3A_197 = arith.subf %mul3A_195, %mul3A_196 : vector<4096x1xf32>
    %add3A_198 = arith.constant 9.99999974E-6 : f32
    %add3A_199 = vector.broadcast %add3A_198 : f32 to vector<4096x1xf32>
    %add3A_200 = arith.addf %sub3A_197, %add3A_199 : vector<4096x1xf32>
    %rsqrt3A_201 = math.rsqrt %add3A_200 : vector<4096x1xf32>
    %sub3A_202 = vector.broadcast %mul3A_183 : vector<4096x1xf32> to vector<4096x128xf32>
    %sub3A_203 = arith.subf %add3A_160, %sub3A_202 : vector<4096x128xf32>
    %mul3A_204 = vector.broadcast %rsqrt3A_201 : vector<4096x1xf32> to vector<4096x128xf32>
    %mul3A_205 = arith.mulf %sub3A_203, %mul3A_204 : vector<4096x128xf32>
    %get3A_206 = arith.constant 0 : index
    %get3A_207 = arith.constant 0 : index
    %get3A_208 = vector.load %arg25[%get3A_206, %get3A_207] : memref<1x128xf32, #tpu.memory_space<vmem>>, vector<1x128xf32>
    %mul3A_209 = vector.broadcast %get3A_208 : vector<1x128xf32> to vector<4096x128xf32>
    %mul3A_210 = arith.mulf %mul3A_205, %mul3A_209 : vector<4096x128xf32>
    %get3A_211 = arith.constant 0 : index
    %get3A_212 = arith.constant 0 : index
    %get3A_213 = vector.load %arg27[%get3A_211, %get3A_212] : memref<1x128xf32, #tpu.memory_space<vmem>>, vector<1x128xf32>
    %add3A_214 = vector.broadcast %get3A_213 : vector<1x128xf32> to vector<4096x128xf32>
    %add3A_215 = arith.addf %mul3A_210, %add3A_214 : vector<4096x128xf32>
    %swap3A = arith.constant 0 : index
    %swap3A_216 = arith.constant 0 : index
    %swap3A_217 = vector.load %arg29[%swap3A, %swap3A_216] : memref<4096x128xf32, #tpu.memory_space<vmem>>, vector<4096x128xf32>
    tpu.vector_store %arg29[%swap3A, %swap3A_216], %add3A_215 {strides = array<i32>} : memref<4096x128xf32, #tpu.memory_space<vmem>>, vector<4096x128xf32>,
    %sub3A_218 = vector.broadcast %mul3A_183 : vector<4096x1xf32> to vector<4096x2xf32>
    %sub3A_219 = arith.subf %add3A_173, %sub3A_218 : vector<4096x2xf32>
    %mul3A_220 = vector.broadcast %rsqrt3A_201 : vector<4096x1xf32> to vector<4096x2xf32>
    %mul3A_221 = arith.mulf %sub3A_219, %mul3A_220 : vector<4096x2xf32>
    %get3A_222 = arith.constant 0 : index
    %get3A_223 = arith.constant 0 : index
    %get3A_224 = vector.load %arg26[%get3A_222, %get3A_223] : memref<1x2xf32, #tpu.memory_space<vmem>>, vector<1x2xf32>
    %mul3A_225 = vector.broadcast %get3A_224 : vector<1x2xf32> to vector<4096x2xf32>
    %mul3A_226 = arith.mulf %mul3A_221, %mul3A_225 : vector<4096x2xf32>
    %get3A_227 = arith.constant 0 : index
    %get3A_228 = arith.constant 0 : index
    %get3A_229 = vector.load %arg28[%get3A_227, %get3A_228] : memref<1x2xf32, #tpu.memory_space<vmem>>, vector<1x2xf32>
    %add3A_230 = vector.broadcast %get3A_229 : vector<1x2xf32> to vector<4096x2xf32>
    %add3A_231 = arith.addf %mul3A_226, %add3A_230 : vector<4096x2xf32>
    %broadcast_in_dim3A_232 = arith.constant 1.000000e+00 : f32
    %broadcast_in_dim3A_233 = vector.broadcast %broadcast_in_dim3A_232 : f32 to vector<4096x1xf32>
    %broadcast_in_dim3A_234 = arith.constant 0.000000e+00 : f32
    %broadcast_in_dim3A_235 = vector.broadcast %broadcast_in_dim3A_234 : f32 to vector<4096x5xf32>
    %concatenate3A = tpu.concatenate %add3A_231, %broadcast_in_dim3A_233, %broadcast_in_dim3A_235 in 1 : vector<4096x2xf32>, vector<4096x1xf32>, vector<4096x5xf32> -> vector<4096x8xf32>
    %swap3A_236 = arith.constant 0 : index
    %swap3A_237 = arith.constant 0 : index
    %swap3A_238 = vector.load %arg30[%swap3A_236, %swap3A_237] : memref<4096x128xf32, #tpu.memory_space<vmem>>, vector<4096x8xf32>
    tpu.vector_store %arg30[%swap3A_236, %swap3A_237], %concatenate3A {strides = array<i32>} : memref<4096x128xf32, #tpu.memory_space<vmem>>, vector<4096x8xf32>,
    return
  }
  func.func @transform_0(%arg0: i32) -> (i32, i32) {
    %add3A = arith.constant 0 : i32
    %add3A_0 = arith.addi %add3A, %arg0 : i32
    %min3A = arith.constant 24 : i32
    %min3A_1 = arith.minsi %add3A_0, %min3A : i32
    %c0_i32 = arith.constant 0 : i32
    %c0_i32_2 = arith.constant 0 : i32
    return %min3A_1, %c0_i32 : i32, i32
  }
  func.func @transform_1(%arg0: i32) -> (i32, i32) {
    %add3A = arith.constant 0 : i32
    %add3A_0 = arith.addi %add3A, %arg0 : i32
    %min3A = arith.constant 24 : i32
    %min3A_1 = arith.minsi %add3A_0, %min3A : i32
    %c0_i32 = arith.constant 0 : i32
    %c0_i32_2 = arith.constant 0 : i32
    return %min3A_1, %c0_i32 : i32, i32
  }
  func.func @transform_2(%arg0: i32) -> (i32, i32) {
    %c0_i32 = arith.constant 0 : i32
    %c0_i32_0 = arith.constant 0 : i32
    %c0_i32_1 = arith.constant 0 : i32
    return %c0_i32, %c0_i32_0 : i32, i32
  }
  func.func @transform_3(%arg0: i32) -> (i32, i32) {
    %c0_i32 = arith.constant 0 : i32
    %c0_i32_0 = arith.constant 0 : i32
    %c0_i32_1 = arith.constant 0 : i32
    return %c0_i32, %c0_i32_0 : i32, i32
  }
  func.func @transform_4(%arg0: i32) -> (i32, i32) {
    %c0_i32 = arith.constant 0 : i32
    %c0_i32_0 = arith.constant 0 : i32
    %c0_i32_1 = arith.constant 0 : i32
    return %c0_i32, %c0_i32_0 : i32, i32
  }
  func.func @transform_5(%arg0: i32) -> (i32, i32) {
    %c0_i32 = arith.constant 0 : i32
    %c0_i32_0 = arith.constant 0 : i32
    %c0_i32_1 = arith.constant 0 : i32
    return %c0_i32, %c0_i32_0 : i32, i32
  }
  func.func @transform_6(%arg0: i32) -> (i32, i32) {
    %c0_i32 = arith.constant 0 : i32
    %c0_i32_0 = arith.constant 0 : i32
    %c0_i32_1 = arith.constant 0 : i32
    return %c0_i32, %c0_i32_0 : i32, i32
  }
  func.func @transform_7(%arg0: i32) -> (i32, i32) {
    %c0_i32 = arith.constant 0 : i32
    %c0_i32_0 = arith.constant 0 : i32
    %c0_i32_1 = arith.constant 0 : i32
    return %c0_i32, %c0_i32_0 : i32, i32
  }
  func.func @transform_8(%arg0: i32) -> (i32, i32) {
    %c0_i32 = arith.constant 0 : i32
    %c0_i32_0 = arith.constant 0 : i32
    %c0_i32_1 = arith.constant 0 : i32
    return %c0_i32, %c0_i32_0 : i32, i32
  }
  func.func @transform_9(%arg0: i32) -> (i32, i32) {
    %c0_i32 = arith.constant 0 : i32
    %c0_i32_0 = arith.constant 0 : i32
    %c0_i32_1 = arith.constant 0 : i32
    return %c0_i32, %c0_i32_0 : i32, i32
  }
  func.func @transform_10(%arg0: i32) -> (i32, i32) {
    %c0_i32 = arith.constant 0 : i32
    %c0_i32_0 = arith.constant 0 : i32
    %c0_i32_1 = arith.constant 0 : i32
    return %c0_i32, %c0_i32_0 : i32, i32
  }
  func.func @transform_11(%arg0: i32) -> (i32, i32) {
    %c0_i32 = arith.constant 0 : i32
    %c0_i32_0 = arith.constant 0 : i32
    %c0_i32_1 = arith.constant 0 : i32
    return %c0_i32, %c0_i32_0 : i32, i32
  }
  func.func @transform_12(%arg0: i32) -> (i32, i32) {
    %c0_i32 = arith.constant 0 : i32
    %c0_i32_0 = arith.constant 0 : i32
    %c0_i32_1 = arith.constant 0 : i32
    return %c0_i32, %c0_i32_0 : i32, i32
  }
  func.func @transform_13(%arg0: i32) -> (i32, i32) {
    %c0_i32 = arith.constant 0 : i32
    %c0_i32_0 = arith.constant 0 : i32
    %c0_i32_1 = arith.constant 0 : i32
    return %c0_i32, %c0_i32_0 : i32, i32
  }
  func.func @transform_14(%arg0: i32) -> (i32, i32) {
    %c0_i32 = arith.constant 0 : i32
    %c0_i32_0 = arith.constant 0 : i32
    %c0_i32_1 = arith.constant 0 : i32
    return %c0_i32, %c0_i32_0 : i32, i32
  }
  func.func @transform_15(%arg0: i32) -> (i32, i32) {
    %c0_i32 = arith.constant 0 : i32
    %c0_i32_0 = arith.constant 0 : i32
    %c0_i32_1 = arith.constant 0 : i32
    return %c0_i32, %c0_i32_0 : i32, i32
  }
  func.func @transform_16(%arg0: i32) -> (i32, i32) {
    %c0_i32 = arith.constant 0 : i32
    %c0_i32_0 = arith.constant 0 : i32
    %c0_i32_1 = arith.constant 0 : i32
    return %c0_i32, %c0_i32_0 : i32, i32
  }
  func.func @transform_17(%arg0: i32) -> (i32, i32) {
    %c0_i32 = arith.constant 0 : i32
    %c0_i32_0 = arith.constant 0 : i32
    %c0_i32_1 = arith.constant 0 : i32
    return %c0_i32, %c0_i32_0 : i32, i32
  }
  func.func @transform_18(%arg0: i32) -> (i32, i32) {
    %c0_i32 = arith.constant 0 : i32
    %c0_i32_0 = arith.constant 0 : i32
    %c0_i32_1 = arith.constant 0 : i32
    return %c0_i32, %c0_i32_0 : i32, i32
  }
  func.func @transform_19(%arg0: i32) -> (i32, i32) {
    %c0_i32 = arith.constant 0 : i32
    %c0_i32_0 = arith.constant 0 : i32
    %c0_i32_1 = arith.constant 0 : i32
    return %c0_i32, %c0_i32_0 : i32, i32
  }
  func.func @transform_20(%arg0: i32) -> (i32, i32) {
    %c0_i32 = arith.constant 0 : i32
    %c0_i32_0 = arith.constant 0 : i32
    %c0_i32_1 = arith.constant 0 : i32
    return %c0_i32, %c0_i32_0 : i32, i32
  }
  func.func @transform_21(%arg0: i32) -> (i32, i32) {
    %c0_i32 = arith.constant 0 : i32
    %c0_i32_0 = arith.constant 0 : i32
    %c0_i32_1 = arith.constant 0 : i32
    return %c0_i32, %c0_i32_0 : i32, i32
  }
  func.func @transform_22(%arg0: i32) -> (i32, i32) {
    %c0_i32 = arith.constant 0 : i32
    %c0_i32_0 = arith.constant 0 : i32
    %c0_i32_1 = arith.constant 0 : i32
    return %c0_i32, %c0_i32_0 : i32, i32
  }
  func.func @transform_23(%arg0: i32) -> (i32, i32) {
    %c0_i32 = arith.constant 0 : i32
    %c0_i32_0 = arith.constant 0 : i32
    %c0_i32_1 = arith.constant 0 : i32
    return %c0_i32, %c0_i32_0 : i32, i32
  }
  func.func @transform_24(%arg0: i32) -> (i32, i32) {
    %c0_i32 = arith.constant 0 : i32
    %c0_i32_0 = arith.constant 0 : i32
    %c0_i32_1 = arith.constant 0 : i32
    return %c0_i32, %c0_i32_0 : i32, i32
  }
  func.func @transform_25(%arg0: i32) -> (i32, i32) {
    %c0_i32 = arith.constant 0 : i32
    %c0_i32_0 = arith.constant 0 : i32
    %c0_i32_1 = arith.constant 0 : i32
    return %c0_i32, %c0_i32_0 : i32, i32
  }
  func.func @transform_26(%arg0: i32) -> (i32, i32) {
    %c0_i32 = arith.constant 0 : i32
    %c0_i32_0 = arith.constant 0 : i32
    %c0_i32_1 = arith.constant 0 : i32
    return %c0_i32, %c0_i32_0 : i32, i32
  }
  func.func @transform_27(%arg0: i32) -> (i32, i32) {
    %c0_i32 = arith.constant 0 : i32
    %c0_i32_0 = arith.constant 0 : i32
    %c0_i32_1 = arith.constant 0 : i32
    return %c0_i32, %c0_i32_0 : i32, i32
  }
  func.func @transform_28(%arg0: i32) -> (i32, i32) {
    %c0_i32 = arith.constant 0 : i32
    %c0_i32_0 = arith.constant 0 : i32
    return %arg0, %c0_i32 : i32, i32
  }
  func.func @transform_29(%arg0: i32) -> (i32, i32) {
    %c0_i32 = arith.constant 0 : i32
    %c0_i32_0 = arith.constant 0 : i32
    return %arg0, %c0_i32 : i32, i32
  }
}

module attributes {stable_mosaic.version = 14 : i64} {
  func.func @_stage_c_body(%arg0: memref<11776x128xf32, #tpu.memory_space<vmem>>, %arg1: memref<11776x128xf32, #tpu.memory_space<vmem>>, %arg2: memref<11776x128xf32, #tpu.memory_space<vmem>>, %arg3: memref<11776x128xf32, #tpu.memory_space<vmem>>, %arg4: memref<11776x128xf32, #tpu.memory_space<vmem>>, %arg5: memref<11776x128xf32, #tpu.memory_space<vmem>>, %arg6: memref<128x128xf32, #tpu.memory_space<vmem>>, %arg7: memref<2x128xf32, #tpu.memory_space<vmem>>, %arg8: memref<1x128xf32, #tpu.memory_space<vmem>>, %arg9: memref<128x128xf32, #tpu.memory_space<vmem>>, %arg10: memref<2x128xf32, #tpu.memory_space<vmem>>, %arg11: memref<1x128xf32, #tpu.memory_space<vmem>>, %arg12: memref<128x128xf32, #tpu.memory_space<vmem>>, %arg13: memref<1x128xf32, #tpu.memory_space<vmem>>, %arg14: memref<1x128xf32, #tpu.memory_space<vmem>>, %arg15: memref<1x128xf32, #tpu.memory_space<vmem>>, %arg16: memref<5882x128xf32, #tpu.memory_space<vmem>>) attributes {dimension_semantics = [], scalar_prefetch = 0 : i64, scratch_operands = 0 : i64, tpu.core_type = #tpu.core_type<tc>} {
    %get3A = arith.constant 0 : index
    %get3A_0 = arith.constant 0 : index
    %get3A_1 = vector.load %arg0[%get3A, %get3A_0] : memref<11776x128xf32, #tpu.memory_space<vmem>>, vector<5888x128xf32>
    %get3A_2 = arith.constant 5888 : index
    %get3A_3 = arith.constant 0 : index
    %get3A_4 = vector.load %arg0[%get3A_2, %get3A_3] : memref<11776x128xf32, #tpu.memory_space<vmem>>, vector<5888x128xf32>
    %add3A = arith.addf %get3A_1, %get3A_4 : vector<5888x128xf32>
    %get3A_5 = arith.constant 0 : index
    %get3A_6 = arith.constant 0 : index
    %get3A_7 = vector.load %arg2[%get3A_5, %get3A_6] : memref<11776x128xf32, #tpu.memory_space<vmem>>, vector<5888x128xf32>
    %add3A_8 = arith.addf %add3A, %get3A_7 : vector<5888x128xf32>
    %get3A_9 = arith.constant 5888 : index
    %get3A_10 = arith.constant 0 : index
    %get3A_11 = vector.load %arg2[%get3A_9, %get3A_10] : memref<11776x128xf32, #tpu.memory_space<vmem>>, vector<5888x128xf32>
    %add3A_12 = arith.addf %add3A_8, %get3A_11 : vector<5888x128xf32>
    %get3A_13 = arith.constant 0 : index
    %get3A_14 = arith.constant 0 : index
    %get3A_15 = vector.load %arg4[%get3A_13, %get3A_14] : memref<11776x128xf32, #tpu.memory_space<vmem>>, vector<5888x128xf32>
    %add3A_16 = arith.addf %add3A_12, %get3A_15 : vector<5888x128xf32>
    %get3A_17 = arith.constant 5888 : index
    %get3A_18 = arith.constant 0 : index
    %get3A_19 = vector.load %arg4[%get3A_17, %get3A_18] : memref<11776x128xf32, #tpu.memory_space<vmem>>, vector<5888x128xf32>
    %add3A_20 = arith.addf %add3A_16, %get3A_19 : vector<5888x128xf32>
    %get3A_21 = arith.constant 0 : index
    %get3A_22 = arith.constant 0 : index
    %get3A_23 = vector.load %arg1[%get3A_21, %get3A_22] : memref<11776x128xf32, #tpu.memory_space<vmem>>, vector<5888x128xf32>
    %get3A_24 = arith.constant 5888 : index
    %get3A_25 = arith.constant 0 : index
    %get3A_26 = vector.load %arg1[%get3A_24, %get3A_25] : memref<11776x128xf32, #tpu.memory_space<vmem>>, vector<5888x128xf32>
    %add3A_27 = arith.addf %get3A_23, %get3A_26 : vector<5888x128xf32>
    %get3A_28 = arith.constant 0 : index
    %get3A_29 = arith.constant 0 : index
    %get3A_30 = vector.load %arg3[%get3A_28, %get3A_29] : memref<11776x128xf32, #tpu.memory_space<vmem>>, vector<5888x128xf32>
    %add3A_31 = arith.addf %add3A_27, %get3A_30 : vector<5888x128xf32>
    %get3A_32 = arith.constant 5888 : index
    %get3A_33 = arith.constant 0 : index
    %get3A_34 = vector.load %arg3[%get3A_32, %get3A_33] : memref<11776x128xf32, #tpu.memory_space<vmem>>, vector<5888x128xf32>
    %add3A_35 = arith.addf %add3A_31, %get3A_34 : vector<5888x128xf32>
    %get3A_36 = arith.constant 0 : index
    %get3A_37 = arith.constant 0 : index
    %get3A_38 = vector.load %arg5[%get3A_36, %get3A_37] : memref<11776x128xf32, #tpu.memory_space<vmem>>, vector<5888x128xf32>
    %add3A_39 = arith.addf %add3A_35, %get3A_38 : vector<5888x128xf32>
    %get3A_40 = arith.constant 5888 : index
    %get3A_41 = arith.constant 0 : index
    %get3A_42 = vector.load %arg5[%get3A_40, %get3A_41] : memref<11776x128xf32, #tpu.memory_space<vmem>>, vector<5888x128xf32>
    %add3A_43 = arith.addf %add3A_39, %get3A_42 : vector<5888x128xf32>
    %slice3A = vector.extract_strided_slice %add3A_43 {offsets = [0, 2], sizes = [5888, 1], strides = [1, 1]} : vector<5888x128xf32> to vector<5888x1xf32>
    %max3A = arith.constant 1.000000e+00 : f32
    %max3A_44 = vector.broadcast %max3A : f32 to vector<5888x1xf32>
    %max3A_45 = arith.maximumf %slice3A, %max3A_44 : vector<5888x1xf32>
    %div3A = arith.constant 1.000000e+00 : f32
    %div3A_46 = vector.broadcast %div3A : f32 to vector<5888x1xf32>
    %div3A_47 = arith.divf %div3A_46, %max3A_45 : vector<5888x1xf32>
    %mul3A = vector.broadcast %div3A_47 : vector<5888x1xf32> to vector<5888x128xf32>
    %mul3A_48 = arith.mulf %add3A_20, %mul3A : vector<5888x128xf32>
    %slice3A_49 = vector.extract_strided_slice %add3A_43 {offsets = [0, 0], sizes = [5888, 2], strides = [1, 1]} : vector<5888x128xf32> to vector<5888x2xf32>
    %mul3A_50 = vector.broadcast %div3A_47 : vector<5888x1xf32> to vector<5888x2xf32>
    %mul3A_51 = arith.mulf %slice3A_49, %mul3A_50 : vector<5888x2xf32>
    %get3A_52 = arith.constant 0 : index
    %get3A_53 = arith.constant 0 : index
    %get3A_54 = vector.load %arg6[%get3A_52, %get3A_53] : memref<128x128xf32, #tpu.memory_space<vmem>>, vector<128x128xf32>
    %convert_element_type3A = arith.truncf %mul3A_48 : vector<5888x128xf32> to vector<5888x128xbf16>
    %convert_element_type3A_55 = arith.truncf %get3A_54 : vector<128x128xf32> to vector<128x128xbf16>
    %dot_general3A = arith.constant dense<0.000000e+00> : vector<5888x128xf32>
    %dot_general3A_56 = tpu.matmul %convert_element_type3A, %convert_element_type3A_55, %dot_general3A {dimension_numbers = #tpu.dot_dimension_numbers<[1], [0], [0], [1], [0, 0, 1, 1], [], []>, transpose_lhs_hint = false} : vector<5888x128xbf16>, vector<128x128xbf16>, vector<5888x128xf32> -> vector<5888x128xf32>
    %get3A_57 = arith.constant 0 : index
    %get3A_58 = arith.constant 0 : index
    %get3A_59 = vector.load %arg7[%get3A_57, %get3A_58] : memref<2x128xf32, #tpu.memory_space<vmem>>, vector<2x128xf32>
    %convert_element_type3A_60 = arith.truncf %mul3A_51 : vector<5888x2xf32> to vector<5888x2xbf16>
    %convert_element_type3A_61 = arith.truncf %get3A_59 : vector<2x128xf32> to vector<2x128xbf16>
    %dot_general3A_62 = arith.constant dense<0.000000e+00> : vector<5888x128xf32>
    %dot_general3A_63 = tpu.matmul %convert_element_type3A_60, %convert_element_type3A_61, %dot_general3A_62 {dimension_numbers = #tpu.dot_dimension_numbers<[1], [0], [0], [1], [0, 0, 1, 1], [], []>, transpose_lhs_hint = false} : vector<5888x2xbf16>, vector<2x128xbf16>, vector<5888x128xf32> -> vector<5888x128xf32>
    %add3A_64 = arith.addf %dot_general3A_56, %dot_general3A_63 : vector<5888x128xf32>
    %get3A_65 = arith.constant 0 : index
    %get3A_66 = arith.constant 0 : index
    %get3A_67 = vector.load %arg8[%get3A_65, %get3A_66] : memref<1x128xf32, #tpu.memory_space<vmem>>, vector<1x128xf32>
    %add3A_68 = vector.broadcast %get3A_67 : vector<1x128xf32> to vector<5888x128xf32>
    %add3A_69 = arith.addf %add3A_64, %add3A_68 : vector<5888x128xf32>
    %max3A_70 = arith.constant 0.000000e+00 : f32
    %max3A_71 = vector.broadcast %max3A_70 : f32 to vector<5888x128xf32>
    %max3A_72 = arith.maximumf %add3A_69, %max3A_71 : vector<5888x128xf32>
    %get3A_73 = arith.constant 0 : index
    %get3A_74 = arith.constant 0 : index
    %get3A_75 = vector.load %arg9[%get3A_73, %get3A_74] : memref<128x128xf32, #tpu.memory_space<vmem>>, vector<128x128xf32>
    %convert_element_type3A_76 = arith.truncf %mul3A_48 : vector<5888x128xf32> to vector<5888x128xbf16>
    %convert_element_type3A_77 = arith.truncf %get3A_75 : vector<128x128xf32> to vector<128x128xbf16>
    %dot_general3A_78 = arith.constant dense<0.000000e+00> : vector<5888x128xf32>
    %dot_general3A_79 = tpu.matmul %convert_element_type3A_76, %convert_element_type3A_77, %dot_general3A_78 {dimension_numbers = #tpu.dot_dimension_numbers<[1], [0], [0], [1], [0, 0, 1, 1], [], []>, transpose_lhs_hint = false} : vector<5888x128xbf16>, vector<128x128xbf16>, vector<5888x128xf32> -> vector<5888x128xf32>
    %get3A_80 = arith.constant 0 : index
    %get3A_81 = arith.constant 0 : index
    %get3A_82 = vector.load %arg10[%get3A_80, %get3A_81] : memref<2x128xf32, #tpu.memory_space<vmem>>, vector<2x128xf32>
    %convert_element_type3A_83 = arith.truncf %mul3A_51 : vector<5888x2xf32> to vector<5888x2xbf16>
    %convert_element_type3A_84 = arith.truncf %get3A_82 : vector<2x128xf32> to vector<2x128xbf16>
    %dot_general3A_85 = arith.constant dense<0.000000e+00> : vector<5888x128xf32>
    %dot_general3A_86 = tpu.matmul %convert_element_type3A_83, %convert_element_type3A_84, %dot_general3A_85 {dimension_numbers = #tpu.dot_dimension_numbers<[1], [0], [0], [1], [0, 0, 1, 1], [], []>, transpose_lhs_hint = false} : vector<5888x2xbf16>, vector<2x128xbf16>, vector<5888x128xf32> -> vector<5888x128xf32>
    %add3A_87 = arith.addf %dot_general3A_79, %dot_general3A_86 : vector<5888x128xf32>
    %get3A_88 = arith.constant 0 : index
    %get3A_89 = arith.constant 0 : index
    %get3A_90 = vector.load %arg11[%get3A_88, %get3A_89] : memref<1x128xf32, #tpu.memory_space<vmem>>, vector<1x128xf32>
    %add3A_91 = vector.broadcast %get3A_90 : vector<1x128xf32> to vector<5888x128xf32>
    %add3A_92 = arith.addf %add3A_87, %add3A_91 : vector<5888x128xf32>
    %get3A_93 = arith.constant 0 : index
    %get3A_94 = arith.constant 0 : index
    %get3A_95 = vector.load %arg12[%get3A_93, %get3A_94] : memref<128x128xf32, #tpu.memory_space<vmem>>, vector<128x128xf32>
    %convert_element_type3A_96 = arith.truncf %max3A_72 : vector<5888x128xf32> to vector<5888x128xbf16>
    %convert_element_type3A_97 = arith.truncf %get3A_95 : vector<128x128xf32> to vector<128x128xbf16>
    %dot_general3A_98 = arith.constant dense<0.000000e+00> : vector<5888x128xf32>
    %dot_general3A_99 = tpu.matmul %convert_element_type3A_96, %convert_element_type3A_97, %dot_general3A_98 {dimension_numbers = #tpu.dot_dimension_numbers<[1], [0], [0], [1], [0, 0, 1, 1], [], []>, transpose_lhs_hint = false} : vector<5888x128xbf16>, vector<128x128xbf16>, vector<5888x128xf32> -> vector<5888x128xf32>
    %add3A_100 = arith.addf %add3A_92, %dot_general3A_99 : vector<5888x128xf32>
    %get3A_101 = arith.constant 0 : index
    %get3A_102 = arith.constant 0 : index
    %get3A_103 = vector.load %arg13[%get3A_101, %get3A_102] : memref<1x128xf32, #tpu.memory_space<vmem>>, vector<1x128xf32>
    %add3A_104 = vector.broadcast %get3A_103 : vector<1x128xf32> to vector<5888x128xf32>
    %add3A_105 = arith.addf %add3A_100, %add3A_104 : vector<5888x128xf32>
    %get3A_106 = arith.constant 0 : index
    %get3A_107 = arith.constant 0 : index
    %get3A_108 = vector.load %arg14[%get3A_106, %get3A_107] : memref<1x128xf32, #tpu.memory_space<vmem>>, vector<1x128xf32>
    %get3A_109 = arith.constant 0 : index
    %get3A_110 = arith.constant 0 : index
    %get3A_111 = vector.load %arg15[%get3A_109, %get3A_110] : memref<1x128xf32, #tpu.memory_space<vmem>>, vector<1x128xf32>
    %reduce_sum3A = arith.constant dense<0.000000e+00> : vector<5888xf32>
    %reduce_sum3A_112 = vector.multi_reduction <add>, %add3A_105, %reduce_sum3A [1] : vector<5888x128xf32> to vector<5888xf32>
    %broadcast_in_dim3A = vector.shape_cast %reduce_sum3A_112 : vector<5888xf32> to vector<5888x1xf32>
    %div3A_113 = arith.constant 1.280000e+02 : f32
    %div3A_114 = vector.broadcast %div3A_113 : f32 to vector<5888x1xf32>
    %div3A_115 = arith.divf %broadcast_in_dim3A, %div3A_114 : vector<5888x1xf32>
    %mul3A_116 = arith.mulf %add3A_105, %add3A_105 : vector<5888x128xf32>
    %reduce_sum3A_117 = arith.constant dense<0.000000e+00> : vector<5888xf32>
    %reduce_sum3A_118 = vector.multi_reduction <add>, %mul3A_116, %reduce_sum3A_117 [1] : vector<5888x128xf32> to vector<5888xf32>
    %broadcast_in_dim3A_119 = vector.shape_cast %reduce_sum3A_118 : vector<5888xf32> to vector<5888x1xf32>
    %div3A_120 = arith.constant 1.280000e+02 : f32
    %div3A_121 = vector.broadcast %div3A_120 : f32 to vector<5888x1xf32>
    %div3A_122 = arith.divf %broadcast_in_dim3A_119, %div3A_121 : vector<5888x1xf32>
    %mul3A_123 = arith.mulf %div3A_115, %div3A_115 : vector<5888x1xf32>
    %sub3A = arith.subf %div3A_122, %mul3A_123 : vector<5888x1xf32>
    %sub3A_124 = vector.broadcast %div3A_115 : vector<5888x1xf32> to vector<5888x128xf32>
    %sub3A_125 = arith.subf %add3A_105, %sub3A_124 : vector<5888x128xf32>
    %add3A_126 = arith.constant 9.99999974E-6 : f32
    %add3A_127 = vector.broadcast %add3A_126 : f32 to vector<5888x1xf32>
    %add3A_128 = arith.addf %sub3A, %add3A_127 : vector<5888x1xf32>
    %rsqrt3A = math.rsqrt %add3A_128 : vector<5888x1xf32>
    %mul3A_129 = vector.broadcast %rsqrt3A : vector<5888x1xf32> to vector<5888x128xf32>
    %mul3A_130 = arith.mulf %sub3A_125, %mul3A_129 : vector<5888x128xf32>
    %mul3A_131 = vector.broadcast %get3A_108 : vector<1x128xf32> to vector<5888x128xf32>
    %mul3A_132 = arith.mulf %mul3A_130, %mul3A_131 : vector<5888x128xf32>
    %add3A_133 = vector.broadcast %get3A_111 : vector<1x128xf32> to vector<5888x128xf32>
    %add3A_134 = arith.addf %mul3A_132, %add3A_133 : vector<5888x128xf32>
    %slice3A_135 = vector.extract_strided_slice %add3A_134 {offsets = [0, 0], sizes = [5882, 128], strides = [1, 1]} : vector<5888x128xf32> to vector<5882x128xf32>
    %swap3A = arith.constant 0 : index
    %swap3A_136 = arith.constant 0 : index
    %swap3A_137 = vector.load %arg16[%swap3A, %swap3A_136] : memref<5882x128xf32, #tpu.memory_space<vmem>>, vector<5882x128xf32>
    tpu.vector_store %arg16[%swap3A, %swap3A_136], %slice3A_135 {strides = array<i32>} : memref<5882x128xf32, #tpu.memory_space<vmem>>, vector<5882x128xf32>,
    return
  }
}

</mosaic_0001>

<sc_bundles>
// kernel: kernel.12.cloned.1.call-start
scs
__scs_entry_jumppad:
0x0: {  	(pc) =	sbr.rel $0x88, $3  }
0x1: {  	(tag) =	ssettag $0x0;
	lr =	simm.s32 $0x1  }
0x2: {  	[smem:$0x3F82] =	sst lr;
	_ =	strace $0xD0000000  }
0x3: {  	_ = 	snop  }
0x4: {  	_ = 	snop  }
0x5: {  	_ = 	snop  }
0x6: {  	_ = 	snop  }
0x7: {  	_ = 	snop  }
__scs_overlays_trampoline_lowered:
0x8: {  	[smem:$0x3F91] =	sst s0  }
0x9: {  	[smem:$0x3F92] =	sst s1  }
0xa: {  	[smem:$0x3F93] =	sst s2  }
0xb: {  	[smem:$0x3F94] =	sst s3  }
0xc: {  	[smem:$0x3F95] =	sst s4  }
0xd: {  	[smem:$0x3F96] =	sst s5  }
0xe: {  	[smem:$0x3F97] =	sst s6  }
0xf: {  	[smem:$0x3F98] =	sst s7  }
0x10: {  	[smem:$0x3F99] =	sst s8  }
0x11: {  	[smem:$0x3F9A] =	sst s9;
	s0 =	simm.s32 @!p0 $0x0  }
0x12: {  	s1 =	sld [smem:$0x3F80];
	s0 =	simm.s32 @p0 $0x1  }
0x13: {  	[smem:$0x3F9B] =	sst s0;
	s0 =	simm.s32 @!p1 $0x0  }
0x14: {  	s2 =	sld [smem:$0x3F7F];
	s0 =	simm.s32 @p1 $0x1  }
0x15: {  	[smem:$0x3F9C] =	sst s0;
	s0 =	simm.s32 @!p2 $0x0  }
0x16: {  	s3 =	sld [smem:$0x3FDB];
	s0 =	simm.s32 @p2 $0x1  }
0x17: {  	s4 =	simm.s32 $0x1BF5;
	[smem:$0x3F9E] =	sst s0  }
0x18: {  	s0 =	sld [smem:$0x3F81];
	_ =	swait.ge [sflag:s4], $0x0  }
0x19: {  	s7 =	sld [smem:$0x3F82]  }
0x1a: {  	s8 =	sadd.s32 $0xFFFFE003, lr  }
0x1b: {  	s9 =	sadd.s32 $0xFFFFFEF7, lr;
	s5 =	simm.s32 $0xFFFFFFFF;
	p2 =	slt.u32 s8, $0xFFFFF086  }
0x1c: {  	p1 =	slt.u32 s9, $0xF7A;
	s5 =	simm.s32 @!p2 $0x0  }
0x1d: {  	s5 =	simm.s32 @p1 $0x1;
	p0 =	seq.s32 s7, s2  }
0x1e: {  	s7 =	smul.u32 @!p0 $0xF7A, s2;
	p2 =	seq.s32 @!p0 s5, $0x0  }
0x1f: {  	s9 =	smul.u32 $0xF7A, s1;
	s8 =	simm.s32 @!p0 $0x1BF5;
	p2 =	por !p2, p0  }
0x20: {  	[sflag:s8] =	ssyncset.s32 @!p0 $0xFFFFF086;
	s6 =	sadd.s32 @!p0 s3, s7;
	s7 =	simm.s32 @!p0 $0x108  }
0x21: {  	s3 =	sadd.s32 s3, s9;
	s6 =	sadd.s32 @!p0 $0x88, s6;
	s7 =	simm.s32 @p2 $0x1082  }
0x22: {  	[simem:s7], [sflag:s8] =	dma.local @!p0 [hbm:s6], $0xF7A  }
0x23: {  	s9 =	sor.u32 $0xD0000000, s2;
	s6 =	simm.s32 $0x108;
	_ =	swait.ge @!p0 [sflag:s8], $0x0  }
0x24: {  	s3 =	sadd.s32 $0x88, s3;
	s6 =	simm.s32 @!p1 $0x1082;
	[sflag:s4] =	ssyncset.s32 $0xFFFFF086  }
0x25: {  	[simem:s6], [sflag:s4] =	dma.local [hbm:s3], $0xF7A  }
0x26: {  	[smem:$0x3F82] =	sst s1;
	(tag) =	ssettag s2;
	_ =	strace s9  }
0x27: {  	s1 =	sld [smem:$0x3F92]  }
0x28: {  	s2 =	sld [smem:$0x3F93]  }
0x29: {  	s4 =	sld [smem:$0x3F95]  }
0x2a: {  	p0 =	seq.s32 s5, $0x0;
	s5 =	sld [smem:$0x3F96]  }
0x2b: {  	s6 =	sld [smem:$0x3F97]  }
0x2c: {  	s7 =	sld [smem:$0x3F98]  }
0x2d: {  	s3 =	simm.s32 $0x108;
	s8 =	sld [smem:$0x3F99]  }
0x2e: {  	s3 =	simm.s32 @!p0 $0x1082;
	s9 =	sld [smem:$0x3F9A]  }
0x2f: {  	lr =	sadd.s32 s0, s3;
	s0 =	sld [smem:$0x3F91]  }
0x30: {  	s3 =	sld [smem:$0x3F94]  }
0x31: {  	[smem:$0x3F9D] =	sst s10  }
0x32: {  	s10 =	sld [smem:$0x3F9B];
	_ =	sdelay $0x3  }
0x33: {  	p0 =	seq.s32 s10, $0x1;
	s10 =	sld [smem:$0x3F9D];
	_ =	sdelay $0x3  }
0x34: {  	[smem:$0x3F9D] =	sst s10  }
0x35: {  	s10 =	sld [smem:$0x3F9C];
	_ =	sdelay $0x3  }
0x36: {  	p1 =	seq.s32 s10, $0x1;
	s10 =	sld [smem:$0x3F9D];
	_ =	sdelay $0x3  }
0x37: {  	[smem:$0x3F9D] =	sst s10  }
0x38: {  	s10 =	sld [smem:$0x3F9E]  }
0x39: {  	_ = 	snop;
	(pc) =	sbr.ind lr, $3  }
0x3a: {  	_ = 	snop  }
0x3b: {  	_ = 	snop  }
0x3c: {  	p2 =	seq.s32 s10, $0x1;
	s10 =	sld [smem:$0x3F9D]  }
0x3d: {  	_ =	shalt  }
0x3e: {  	_ =	shalt  }
0x3f: {  	_ =	shalt  }
0x40: {  	_ =	shalt  }
0x41: {  	_ =	shalt  }
0x42: {  	_ =	shalt  }
0x43: {  	_ =	shalt  }
0x44: {  	_ =	shalt  }
0x45: {  	_ =	shalt  }
0x46: {  	_ =	shalt  }
0x47: {  	_ =	shalt  }
0x48: {  	_ =	shalt  }
0x49: {  	_ =	shalt  }
0x4a: {  	_ =	shalt  }
0x4b: {  	_ =	shalt  }
0x4c: {  	_ =	shalt  }
0x4d: {  	_ =	shalt  }
0x4e: {  	_ =	shalt  }
0x4f: {  	_ =	shalt  }
0x50: {  	_ =	shalt  }
0x51: {  	_ =	shalt  }
0x52: {  	_ =	shalt  }
0x53: {  	_ =	shalt  }
0x54: {  	_ =	shalt  }
0x55: {  	_ =	shalt  }
0x56: {  	_ =	shalt  }
0x57: {  	_ =	shalt  }
0x58: {  	_ =	shalt  }
0x59: {  	_ =	shalt  }
0x5a: {  	_ =	shalt  }
0x5b: {  	_ =	shalt  }
0x5c: {  	_ =	shalt  }
0x5d: {  	_ =	shalt  }
0x5e: {  	_ =	shalt  }
0x5f: {  	_ =	shalt  }
0x60: {  	_ =	shalt  }
0x61: {  	_ =	shalt  }
0x62: {  	_ =	shalt  }
0x63: {  	_ =	shalt  }
0x64: {  	_ =	shalt  }
0x65: {  	_ =	shalt  }
0x66: {  	_ =	shalt  }
0x67: {  	_ =	shalt  }
0x68: {  	_ =	shalt  }
0x69: {  	_ =	shalt  }
0x6a: {  	_ =	shalt  }
0x6b: {  	_ =	shalt  }
0x6c: {  	_ =	shalt  }
0x6d: {  	_ =	shalt  }
0x6e: {  	_ =	shalt  }
0x6f: {  	_ =	shalt  }
0x70: {  	_ =	shalt  }
0x71: {  	_ =	shalt  }
0x72: {  	_ =	shalt  }
0x73: {  	_ =	shalt  }
0x74: {  	_ =	shalt  }
0x75: {  	_ =	shalt  }
0x76: {  	_ =	shalt  }
0x77: {  	_ =	shalt  }
0x78: {  	_ =	shalt  }
0x79: {  	_ =	shalt  }
0x7a: {  	_ =	shalt  }
0x7b: {  	_ =	shalt  }
0x7c: {  	_ =	shalt  }
0x7d: {  	_ =	shalt  }
0x7e: {  	_ =	shalt  }
0x7f: {  	_ =	shalt  }
0x80: {  	_ =	shalt  }
0x81: {  	_ =	shalt  }
0x82: {  	_ =	shalt  }
0x83: {  	_ =	shalt  }
0x84: {  	_ =	shalt  }
0x85: {  	_ =	shalt  }
0x86: {  	_ =	shalt  }
0x87: {  	_ =	shalt  }
.Lfunc_end0:
.L_simem_size_0:
called_computation.1_lowered:
.L_overlay_start_0:
0x88: {  	s2 =	sld [smem:$0x3FD9]  }
0x89: {  	s3 =	sld [smem:$0x3FFE];
	_ =	sdelay $0x1  }
0x8a: {  	s1 =	srdreg.scid  }
0x8b: {  	s0 =	sand.u32 $0x1, s1  }
0x8c: {  	s17 =	sshll.u32 s0, $0xA;
	s2 =	sadd.s32 s3, s2  }
0x8d: {  	s2 =	sadd.s32 s2, s17  }
0x8e: {  	[smem:$0x3FA9] =	sst s2  }
0x8f: {  	_ = 	snop  }
0x90: {  	s18 =	sld [smem:$0x3FD0];
	(tm) =	ssettm $0x1  }
0x91: {  	s19 =	sld [smem:$0x3FFB];
	_ =	sdelay $0x3  }
0x92: {  	_ =	strace s19  }
0x93: {  	s2 =	sld [smem:$0x3FFC];
	_ =	sdelay $0x3  }
0x94: {  	_ =	strace s2  }
0x95: {  	s2 =	sld [smem:$0x3FFD];
	_ =	sdelay $0x3  }
0x96: {  	_ =	strace s2  }
0x97: {  	_ =	strace $0x8FFFFFFF  }
0x98: {  	s20 =	sld [smem:$0x3FDB];
	_ =	sdelay $0x1  }
0x99: {  	s4 =	simm.s32 $_scs_section_size  }
0x9a: {  	s5 =	simm.s32 $_size__tile_overlayer_lowered;
	s6 =	simm.s32 $_tile_overlayer_lowered  }
0x9b: {  	s7 =	simm.s32 $0x1BFF;
	s21 =	sshll.u32 s6, $0x1;
	s4 =	sadd.s32 s4, s20  }
0x9c: {  	s22 =	simm.s32 $0x0;
	s5 =	sshll.u32 s5, $0x1;
	s6 =	sadd.s32 s21, s4  }
0x9d: {  	[timem:s22], [sflag:s7] =	dma.local [hbm:s6], s5  }
0x9e: {  	_ =	swait.ge [sflag:s7], s5  }
0x9f: {  	s5 =	ssub.s32 $0x0, s5;
	[sflag:s7] =	ssyncset.done $0x0  }
0xa0: {  	[sflag:s7] =	ssyncadd.s32 s5;
	_ =	sdelay $0x1  }
0xa1: {  	s23 =	simm.s32 $0x1B8B  }
0xa2: {  	_ =	swait.ge [sflag:s23], $0x1  }
0xa3: {  	[sflag:s23] =	ssyncset.done $0x0  }
0xa4: {  	[sflag:s23] =	ssyncadd.s32 $0xFFFFFFFF  }
0xa5: {  	s5 =	sld [smem:$0x0]  }
0xa6: {  	s6 =	sand.u32 $0xFFFFFFFE, s1  }
0xa7: {  	p0 =	sne.s32 s1, s6  }
0xa8: {  	s6 =	sshll.u32 @p0 s6, $0xE  }
0xa9: {  	s6 =	sadd.s32 @p0 $0x11B8D, s6;
	s7 =	sshll.u32 @p0 s5, $0x11  }
0xaa: {  	s6 =	sor.u32 @p0 s7, s6  }
0xab: {  	[sflag:s6] =	ssyncadd.remote.s32 @p0 $0x1;
	_ =	sdelay $0x1  }
0xac: {  	s6 =	simm.s32 @p0 $0x1B8D  }
0xad: {  	_ =	swait.eq @p0 [sflag:s6], $0x1  }
0xae: {  	[sflag:s6] =	ssyncadd.s32 @p0 $0xFFFFFFFF  }
0xaf: {  	s7 =	sshll.u32 @!p0 s1, $0xE  }
0xb0: {  	s7 =	sor.u32 @!p0 $0x4000, s7;
	s6 =	simm.s32 @!p0 $0x1B8D  }
0xb1: {  	s5 =	sshll.u32 @!p0 s5, $0x11;
	s7 =	sadd.s32 @!p0 $0x11B8D, s7;
	_ =	swait.eq @!p0 [sflag:s6], $0x1  }
0xb2: {  	s5 =	sor.u32 @!p0 s5, s7;
	[sflag:s6] =	ssyncadd.s32 @!p0 $0xFFFFFFFF  }
0xb3: {  	s25 =	simm.s32 $0x1B8E;
	s24 =	sld [smem:$0x3FFE];
	[sflag:s5] =	ssyncadd.remote.s32 @!p0 $0x1  }
0xb4: {  	s26 =	simm.s32 $execute0_lowered;
	[smem:$0x3FD2] =	sst s25  }
0xb5: {  	s6 =	sshll.u32 s26, $0x1;
	_ =	strace $0x80000049;
	[dreg:$0x1] =	wrdreg $0xFFFFFFFF  }
0xb6: {  	s28 =	simm.s32 $_size_execute0_lowered;
	s4 =	sadd.s32 s4, s6;
	[dreg:$0x0] =	wrdreg $0x0  }
0xb7: {  	s6 =	sshll.u32 s28, $0x1;
	[dreg:$0x2] =	wrdreg s4  }
0xb8: {  	[dreg:$0x3] =	wrdreg s6  }
0xb9: {  	[dreg:$0x4] =	wrdreg $0xC0  }
0xba: {  	_ =	task [dreg:s22], $0x5FFFF  }
0xbb: {  	[dreg:$0x1] =	wrdreg $0xFFFFFFFF  }
0xbc: {  	[dreg:$0x0] =	wrdreg $0x60  }
0xbd: {  	[dreg:$0x2] =	wrdreg s24  }
0xbe: {  	[dreg:$0x3] =	wrdreg s18  }
0xbf: {  	[dreg:$0x4] =	wrdreg $0x88000  }
0xc0: {  	[dreg:$0x5] =	wrdreg $0x140000  }
0xc1: {  	[dreg:$0x6] =	wrdreg $0xA  }
0xc2: {  	_ =	task.clear_ibuf [dreg:s22], $0x7FFFF;
	_ =	strace $0x90000049  }
0xc3: {  	s29 =	simm.s32 $0xA;
	_ =	strace $0x8000004B  }
0xc4: {  	_ =	swait.ge [sflag:s29], $0x1  }
0xc5: {  	[sflag:s29] =	ssyncadd.s32 $0xFFFFFFFF  }
0xc6: {  	_ =	strace $0x9000004B  }
0xc7: {  	_ =	sfence  }
0xc8: {  	s30 =	sld [smem:$0x0];
	_ =	sdelay $0x2  }
0xc9: {  	s31 =	sshll.u32 s1, $0xD;
	s1 =	sshrl.u32 s1, $0x2  }
0xca: {  	s4 =	sand.u32 $0x4000, s31;
	s1 =	sadd.s32 s1, s30  }
0xcb: {  	s0 =	sor.u32 s4, s0;
	s1 =	sshll.u32 s1, $0x11  }
0xcc: {  	s0 =	sor.u32 s1, s0  }
0xcd: {  	s0 =	sadd.s32 $0x8F2B, s0  }
0xce: {  	[sflag:s0] =	ssyncadd.remote.s32 $0x1  }
0xcf: {  	_ =	sfence.sel $0xFFFF  }
0xd0: {  	[dreg:$0x0] =	wrdreg $0xFFFFFFFF;
	(pc) =	sbr.abs _section_cstart, $3  }
0xd1: {  	[dreg:$0x1] =	wrdreg $0xFFFFFFFF  }
0xd2: {  	_ =	task.clear_ibuf [dreg:s22], $0x2FFFF;
	_ =	strace $0x9FFFFFFF  }
0xd3: {  	(tm) =	ssettm $0x7FFFFFFF  }
tec
execute0_lowered:
.L_overlay_start_1:
0x0: {  	(tag) =	ssettag $0x1  }
0x1: {  	s0 =	rddreg [dreg:$0x0]  }
0x2: {  	s5 =	rddreg [dreg:$0x1]  }
0x3: {  	s1 =	rddreg [dreg:$0x2];
	s2 =	srdreg.scid  }
0x4: {  	s3 =	rddreg [dreg:$0x3];
	s30 =	sand.u32 $0x1, s2  }
0x5: {  	s4 =	simm.s32 $0x0;
	s2 =	stileid.u32;
	s6 =	sshll.u32 s30, $0x4  }
0x6: {  	[smem:$0x7FF] =	sst s4;
	s6 =	sor.u32 s2, s6  }
0x7: {  	s26 =	sadd.s32 $0x349800, s0;
	s28 =	sadd.s32 $0x2A9800, s0;
	s7 =	sshll.u32 s6, $0x8  }
0x8: {  	_ =	strace $0x8000004A;
	s8 =	smul.u32 $0x5000, s6;
	s7 =	sadd.s32 s7, s0  }
0x9: {  	s9 =	smul.u32 $0xB800, s2;
	s7 =	sadd.s32 $0x3E9800, s7  }
0xa: {  	s6 =	smul.u32 $0x28000, s6;
	s17 =	sadd.s32 s26, s8;
	[dreg:$0x5] =	wrdreg s7  }
0xb: {  	s18 =	sadd.s32 s28, s8;
	s8 =	sor.u32 $0x800, s8;
	[dreg:$0x6] =	wrdreg s17  }
0xc: {  	s29 =	sshrl.u32 s6, $0x3;
	[dreg:$0x7] =	wrdreg s18;
	s19 =	sadd.s32 s26, s8  }
0xd: {  	s20 =	sadd.s32 s28, s8;
	s21 =	sadd.s32 $0x1000, s29;
	[dreg:$0x8] =	wrdreg s19  }
0xe: {  	s10 =	smul.u32 $0x1700, s2;
	[dreg:$0x9] =	wrdreg s20;
	s23 =	sadd.s32 s26, s21  }
0xf: {  	s25 =	sadd.s32 $0x1800, s29;
	s24 =	sadd.s32 s28, s21;
	[dreg:$0xa] =	wrdreg s23  }
0x10: {  	s22 =	sadd.s32 s9, s1;
	s11 =	sadd.s32 s26, s25;
	[dreg:$0xb] =	wrdreg s24  }
0x11: {  	s13 =	sadd.s32 $0x2000, s29;
	s12 =	sadd.s32 s28, s25;
	[dreg:$0xc] =	wrdreg s11  }
0x12: {  	s5 =	sadd.s32 s5, s10;
	s14 =	sadd.s32 s26, s13;
	[dreg:$0xd] =	wrdreg s12  }
0x13: {  	s16 =	sadd.s32 $0x2800, s29;
	s15 =	sadd.s32 s28, s13;
	[dreg:$0xe] =	wrdreg s14  }
0x14: {  	s17 =	sshll.u32 s2, $0x6;
	s7 =	sadd.s32 s28, s16;
	[dreg:$0xf] =	wrdreg s15  }
0x15: {  	s8 =	sshrl.u32 s22, $0x3;
	s11 =	sadd.s32 s26, s16;
	[dreg:$0x11] =	wrdreg s7  }
0x16: {  	s6 =	sor.u32 $0x1C01, s17;
	s7 =	simm.s32 $0x1;
	[dreg:$0x10] =	wrdreg s11  }
0x17: {  	[spmem:s8], [sflag:s6] =	dma.local [hbm:s5], $0x1700  }
0x18: {  	_ =	swait.ge [sflag:s7], $0x1700  }
0x19: {  	s9 =	sadd.s32 s9, s3;
	[sflag:s7] =	ssyncset.done $0x0  }
0x1a: {  	s9 =	sshrl.u32 s9, $0x3;
	[sflag:s7] =	ssyncadd.s32 $0xFFFFE900  }
0x1b: {  	[spmem:s9], [sflag:s6] =	dma.local [hbm:s5], $0x1700  }
0x1c: {  	_ =	swait.ge [sflag:s7], $0x1700  }
0x1d: {  	[sflag:s7] =	ssyncset.done $0x0  }
0x1e: {  	[sflag:s7] =	ssyncadd.s32 $0xFFFFE900  }
0x1f: {  	[bflag:$0x0] =	sbarrier.arrive $0xFFFF  }
0x20: {  	s18 =	rddreg [dreg:$0x5]  }
0x21: {  	[tilespmem:s4], [sflag:$0x1] =	stream.linear.gather [hbm4b:s18+s4], $0x500, $0x38;
	[tilespmem:$0x1F800] =	vst v63  }
0x22: {  	_ =	swait.ge [sflag:s7], $0x500  }
0x23: {  	[sflag:s7] =	ssyncset.done $0x0  }
0x24: {  	s10 =	simm.s32 $0x800;
	s19 =	rddreg [dreg:$0x6];
	[sflag:s7] =	ssyncadd.s32 $0xFFFFFB00  }
0x25: {  	[tilespmem:s10], [sflag:$0x1] =	stream.linear.gather [hbm4b:s19+s4], $0x4000, $0x38;
	[tilespmem:$0x1F800] =	vst v63  }
0x26: {  	_ =	swait.ge [sflag:s7], $0x4000  }
0x27: {  	[sflag:s7] =	ssyncset.done $0x0  }
0x28: {  	s11 =	simm.s32 $0x4800;
	s12 =	rddreg [dreg:$0x7];
	[sflag:s7] =	ssyncadd.s32 $0xFFFFC000  }
0x29: {  	[tilespmem:s11], [sflag:$0x1] =	stream.linear.gather [hbm4b:s12+s4], $0x4000, $0x38;
	[tilespmem:$0x1F800] =	vst v63  }
0x2a: {  	_ =	swait.ge [sflag:s7], $0x4000  }
0x2b: {  	[sflag:s7] =	ssyncset.done $0x0  }
0x2c: {  	s12 =	simm.s32 $0x80;
	[sflag:s7] =	ssyncadd.s32 $0xFFFFC000  }
0x2d: {  	[spmem:s1] =	stream.indirect.scatter.add.f32 [tilespmem:s10], [sflag:$0x1], $0x80, s4, s12, $0xb8;
	[tilespmem:$0x1F800] =	vst v63  }
0x2e: {  	_ =	swait.ge [sflag:s7], $0x4000  }
0x2f: {  	[sflag:s7] =	ssyncset.done $0x0  }
0x30: {  	[sflag:s7] =	ssyncadd.s32 $0xFFFFC000  }
0x31: {  	[spmem:s3] =	stream.indirect.scatter.add.f32 [tilespmem:s11], [sflag:$0x1], $0x80, s4, s12, $0xb8;
	[tilespmem:$0x1F800] =	vst v63  }
0x32: {  	_ =	swait.ge [sflag:s7], $0x4000  }
0x33: {  	[sflag:s7] =	ssyncset.done $0x0  }
0x34: {  	s13 =	rddreg [dreg:$0x8];
	[sflag:s7] =	ssyncadd.s32 $0xFFFFC000  }
0x35: {  	[tilespmem:s10], [sflag:$0x1] =	stream.linear.gather [hbm4b:s13+s4], $0x4000, $0x38;
	[tilespmem:$0x1F800] =	vst v63  }
0x36: {  	_ =	swait.ge [sflag:s7], $0x4000  }
0x37: {  	[sflag:s7] =	ssyncset.done $0x0  }
0x38: {  	s20 =	rddreg [dreg:$0x9];
	[sflag:s7] =	ssyncadd.s32 $0xFFFFC000  }
0x39: {  	[tilespmem:s11], [sflag:$0x1] =	stream.linear.gather [hbm4b:s20+s4], $0x4000, $0x38;
	[tilespmem:$0x1F800] =	vst v63  }
0x3a: {  	_ =	swait.ge [sflag:s7], $0x4000  }
0x3b: {  	[sflag:s7] =	ssyncset.done $0x0  }
0x3c: {  	[sflag:s7] =	ssyncadd.s32 $0xFFFFC000  }
0x3d: {  	[spmem:s1] =	stream.indirect.scatter.add.f32 [tilespmem:s10], [sflag:$0x1], $0x80, s12, s12, $0xb8;
	[tilespmem:$0x1F800] =	vst v63  }
0x3e: {  	_ =	swait.ge [sflag:s7], $0x4000  }
0x3f: {  	[sflag:s7] =	ssyncset.done $0x0  }
0x40: {  	[sflag:s7] =	ssyncadd.s32 $0xFFFFC000  }
0x41: {  	[spmem:s3] =	stream.indirect.scatter.add.f32 [tilespmem:s11], [sflag:$0x1], $0x80, s12, s12, $0xb8;
	[tilespmem:$0x1F800] =	vst v63  }
0x42: {  	_ =	swait.ge [sflag:s7], $0x4000  }
0x43: {  	[sflag:s7] =	ssyncset.done $0x0  }
0x44: {  	s21 =	rddreg [dreg:$0xa];
	[sflag:s7] =	ssyncadd.s32 $0xFFFFC000  }
0x45: {  	[tilespmem:s10], [sflag:$0x1] =	stream.linear.gather [hbm4b:s21+s4], $0x4000, $0x38;
	[tilespmem:$0x1F800] =	vst v63  }
0x46: {  	_ =	swait.ge [sflag:s7], $0x4000  }
0x47: {  	[sflag:s7] =	ssyncset.done $0x0  }
0x48: {  	s22 =	rddreg [dreg:$0xb];
	[sflag:s7] =	ssyncadd.s32 $0xFFFFC000  }
0x49: {  	[tilespmem:s11], [sflag:$0x1] =	stream.linear.gather [hbm4b:s22+s4], $0x4000, $0x38;
	[tilespmem:$0x1F800] =	vst v63  }
0x4a: {  	_ =	swait.ge [sflag:s7], $0x4000  }
0x4b: {  	[sflag:s7] =	ssyncset.done $0x0  }
0x4c: {  	s13 =	simm.s32 $0x100;
	[sflag:s7] =	ssyncadd.s32 $0xFFFFC000  }
0x4d: {  	[spmem:s1] =	stream.indirect.scatter.add.f32 [tilespmem:s10], [sflag:$0x1], $0x80, s13, s12, $0xb8;
	[tilespmem:$0x1F800] =	vst v63  }
0x4e: {  	_ =	swait.ge [sflag:s7], $0x4000  }
0x4f: {  	[sflag:s7] =	ssyncset.done $0x0  }
0x50: {  	[sflag:s7] =	ssyncadd.s32 $0xFFFFC000  }
0x51: {  	[spmem:s3] =	stream.indirect.scatter.add.f32 [tilespmem:s11], [sflag:$0x1], $0x80, s13, s12, $0xb8;
	[tilespmem:$0x1F800] =	vst v63  }
0x52: {  	_ =	swait.ge [sflag:s7], $0x4000  }
0x53: {  	[sflag:s7] =	ssyncset.done $0x0  }
0x54: {  	s14 =	rddreg [dreg:$0xc];
	[sflag:s7] =	ssyncadd.s32 $0xFFFFC000  }
0x55: {  	[tilespmem:s10], [sflag:$0x1] =	stream.linear.gather [hbm4b:s14+s4], $0x4000, $0x38;
	[tilespmem:$0x1F800] =	vst v63  }
0x56: {  	_ =	swait.ge [sflag:s7], $0x4000  }
0x57: {  	[sflag:s7] =	ssyncset.done $0x0  }
0x58: {  	s23 =	rddreg [dreg:$0xd];
	[sflag:s7] =	ssyncadd.s32 $0xFFFFC000  }
0x59: {  	[tilespmem:s11], [sflag:$0x1] =	stream.linear.gather [hbm4b:s23+s4], $0x4000, $0x38;
	[tilespmem:$0x1F800] =	vst v63  }
0x5a: {  	_ =	swait.ge [sflag:s7], $0x4000  }
0x5b: {  	[sflag:s7] =	ssyncset.done $0x0  }
0x5c: {  	s14 =	simm.s32 $0x180;
	[sflag:s7] =	ssyncadd.s32 $0xFFFFC000  }
0x5d: {  	[spmem:s1] =	stream.indirect.scatter.add.f32 [tilespmem:s10], [sflag:$0x1], $0x80, s14, s12, $0xb8;
	[tilespmem:$0x1F800] =	vst v63  }
0x5e: {  	_ =	swait.ge [sflag:s7], $0x4000  }
0x5f: {  	[sflag:s7] =	ssyncset.done $0x0  }
0x60: {  	[sflag:s7] =	ssyncadd.s32 $0xFFFFC000  }
0x61: {  	[spmem:s3] =	stream.indirect.scatter.add.f32 [tilespmem:s11], [sflag:$0x1], $0x80, s14, s12, $0xb8;
	[tilespmem:$0x1F800] =	vst v63  }
0x62: {  	_ =	swait.ge [sflag:s7], $0x4000  }
0x63: {  	[sflag:s7] =	ssyncset.done $0x0  }
0x64: {  	s15 =	rddreg [dreg:$0xe];
	[sflag:s7] =	ssyncadd.s32 $0xFFFFC000  }
0x65: {  	[tilespmem:s10], [sflag:$0x1] =	stream.linear.gather [hbm4b:s15+s4], $0x4000, $0x38;
	[tilespmem:$0x1F800] =	vst v63  }
0x66: {  	_ =	swait.ge [sflag:s7], $0x4000  }
0x67: {  	[sflag:s7] =	ssyncset.done $0x0  }
0x68: {  	s24 =	rddreg [dreg:$0xf];
	[sflag:s7] =	ssyncadd.s32 $0xFFFFC000  }
0x69: {  	[tilespmem:s11], [sflag:$0x1] =	stream.linear.gather [hbm4b:s24+s4], $0x4000, $0x38;
	[tilespmem:$0x1F800] =	vst v63  }
0x6a: {  	_ =	swait.ge [sflag:s7], $0x4000  }
0x6b: {  	[sflag:s7] =	ssyncset.done $0x0  }
0x6c: {  	s15 =	simm.s32 $0x200;
	[sflag:s7] =	ssyncadd.s32 $0xFFFFC000  }
0x6d: {  	[spmem:s1] =	stream.indirect.scatter.add.f32 [tilespmem:s10], [sflag:$0x1], $0x80, s15, s12, $0xb8;
	[tilespmem:$0x1F800] =	vst v63  }
0x6e: {  	_ =	swait.ge [sflag:s7], $0x4000  }
0x6f: {  	[sflag:s7] =	ssyncset.done $0x0  }
0x70: {  	[sflag:s7] =	ssyncadd.s32 $0xFFFFC000  }
0x71: {  	[spmem:s3] =	stream.indirect.scatter.add.f32 [tilespmem:s11], [sflag:$0x1], $0x80, s15, s12, $0xb8;
	[tilespmem:$0x1F800] =	vst v63  }
0x72: {  	_ =	swait.ge [sflag:s7], $0x4000  }
0x73: {  	[sflag:s7] =	ssyncset.done $0x0  }
0x74: {  	s16 =	rddreg [dreg:$0x10];
	[sflag:s7] =	ssyncadd.s32 $0xFFFFC000  }
0x75: {  	[tilespmem:s10], [sflag:$0x1] =	stream.linear.gather [hbm4b:s16+s4], $0x4000, $0x38;
	[tilespmem:$0x1F800] =	vst v63  }
0x76: {  	_ =	swait.ge [sflag:s7], $0x4000  }
0x77: {  	[sflag:s7] =	ssyncset.done $0x0  }
0x78: {  	s25 =	rddreg [dreg:$0x11];
	[sflag:s7] =	ssyncadd.s32 $0xFFFFC000  }
0x79: {  	[tilespmem:s11], [sflag:$0x1] =	stream.linear.gather [hbm4b:s25+s4], $0x4000, $0x38;
	[tilespmem:$0x1F800] =	vst v63  }
0x7a: {  	_ =	swait.ge [sflag:s7], $0x4000  }
0x7b: {  	[sflag:s7] =	ssyncset.done $0x0  }
0x7c: {  	s16 =	simm.s32 $0x280;
	[sflag:s7] =	ssyncadd.s32 $0xFFFFC000  }
0x7d: {  	[spmem:s1] =	stream.indirect.scatter.add.f32 [tilespmem:s10], [sflag:$0x1], $0x80, s16, s12, $0xb8;
	[tilespmem:$0x1F800] =	vst v63  }
0x7e: {  	_ =	swait.ge [sflag:s7], $0x4000  }
0x7f: {  	[sflag:s7] =	ssyncset.done $0x0  }
0x80: {  	[sflag:s7] =	ssyncadd.s32 $0xFFFFC000  }
0x81: {  	[spmem:s3] =	stream.indirect.scatter.add.f32 [tilespmem:s11], [sflag:$0x1], $0x80, s16, s12, $0xb8;
	[tilespmem:$0x1F800] =	vst v63  }
0x82: {  	_ =	swait.ge [sflag:s7], $0x4000  }
0x83: {  	s18 =	sadd.s32 $0x3000, s29;
	[sflag:s7] =	ssyncset.done $0x0  }
0x84: {  	s17 =	sadd.s32 s26, s18;
	[sflag:s7] =	ssyncadd.s32 $0xFFFFC000  }
0x85: {  	[tilespmem:s10], [sflag:$0x1] =	stream.linear.gather [hbm4b:s17+s4], $0x4000, $0x38;
	[tilespmem:$0x1F800] =	vst v63  }
0x86: {  	_ =	swait.ge [sflag:s7], $0x4000  }
0x87: {  	[sflag:s7] =	ssyncset.done $0x0  }
0x88: {  	s18 =	sadd.s32 s28, s18;
	[sflag:s7] =	ssyncadd.s32 $0xFFFFC000  }
0x89: {  	[tilespmem:s11], [sflag:$0x1] =	stream.linear.gather [hbm4b:s18+s4], $0x4000, $0x38;
	[tilespmem:$0x1F800] =	vst v63  }
0x8a: {  	_ =	swait.ge [sflag:s7], $0x4000  }
0x8b: {  	[sflag:s7] =	ssyncset.done $0x0  }
0x8c: {  	s19 =	simm.s32 $0x300;
	[sflag:s7] =	ssyncadd.s32 $0xFFFFC000  }
0x8d: {  	[spmem:s1] =	stream.indirect.scatter.add.f32 [tilespmem:s10], [sflag:$0x1], $0x80, s19, s12, $0xb8;
	[tilespmem:$0x1F800] =	vst v63  }
0x8e: {  	_ =	swait.ge [sflag:s7], $0x4000  }
0x8f: {  	[sflag:s7] =	ssyncset.done $0x0  }
0x90: {  	[sflag:s7] =	ssyncadd.s32 $0xFFFFC000  }
0x91: {  	[spmem:s3] =	stream.indirect.scatter.add.f32 [tilespmem:s11], [sflag:$0x1], $0x80, s19, s12, $0xb8;
	[tilespmem:$0x1F800] =	vst v63  }
0x92: {  	_ =	swait.ge [sflag:s7], $0x4000  }
0x93: {  	s21 =	sadd.s32 $0x3800, s29;
	[sflag:s7] =	ssyncset.done $0x0  }
0x94: {  	s20 =	sadd.s32 s26, s21;
	[sflag:s7] =	ssyncadd.s32 $0xFFFFC000  }
0x95: {  	[tilespmem:s10], [sflag:$0x1] =	stream.linear.gather [hbm4b:s20+s4], $0x4000, $0x38;
	[tilespmem:$0x1F800] =	vst v63  }
0x96: {  	_ =	swait.ge [sflag:s7], $0x4000  }
0x97: {  	[sflag:s7] =	ssyncset.done $0x0  }
0x98: {  	s21 =	sadd.s32 s28, s21;
	[sflag:s7] =	ssyncadd.s32 $0xFFFFC000  }
0x99: {  	[tilespmem:s11], [sflag:$0x1] =	stream.linear.gather [hbm4b:s21+s4], $0x4000, $0x38;
	[tilespmem:$0x1F800] =	vst v63  }
0x9a: {  	_ =	swait.ge [sflag:s7], $0x4000  }
0x9b: {  	[sflag:s7] =	ssyncset.done $0x0  }
0x9c: {  	s22 =	simm.s32 $0x380;
	[sflag:s7] =	ssyncadd.s32 $0xFFFFC000  }
0x9d: {  	[spmem:s1] =	stream.indirect.scatter.add.f32 [tilespmem:s10], [sflag:$0x1], $0x80, s22, s12, $0xb8;
	[tilespmem:$0x1F800] =	vst v63  }
0x9e: {  	_ =	swait.ge [sflag:s7], $0x4000  }
0x9f: {  	[sflag:s7] =	ssyncset.done $0x0  }
0xa0: {  	[sflag:s7] =	ssyncadd.s32 $0xFFFFC000  }
0xa1: {  	[spmem:s3] =	stream.indirect.scatter.add.f32 [tilespmem:s11], [sflag:$0x1], $0x80, s22, s12, $0xb8;
	[tilespmem:$0x1F800] =	vst v63  }
0xa2: {  	_ =	swait.ge [sflag:s7], $0x4000  }
0xa3: {  	s24 =	sadd.s32 $0x4000, s29;
	[sflag:s7] =	ssyncset.done $0x0  }
0xa4: {  	s23 =	sadd.s32 s26, s24;
	[sflag:s7] =	ssyncadd.s32 $0xFFFFC000  }
0xa5: {  	[tilespmem:s10], [sflag:$0x1] =	stream.linear.gather [hbm4b:s23+s4], $0x4000, $0x38;
	[tilespmem:$0x1F800] =	vst v63  }
0xa6: {  	_ =	swait.ge [sflag:s7], $0x4000  }
0xa7: {  	[sflag:s7] =	ssyncset.done $0x0  }
0xa8: {  	s24 =	sadd.s32 s28, s24;
	[sflag:s7] =	ssyncadd.s32 $0xFFFFC000  }
0xa9: {  	[tilespmem:s11], [sflag:$0x1] =	stream.linear.gather [hbm4b:s24+s4], $0x4000, $0x38;
	[tilespmem:$0x1F800] =	vst v63  }
0xaa: {  	_ =	swait.ge [sflag:s7], $0x4000  }
0xab: {  	[sflag:s7] =	ssyncset.done $0x0  }
0xac: {  	s25 =	simm.s32 $0x400;
	[sflag:s7] =	ssyncadd.s32 $0xFFFFC000  }
0xad: {  	[spmem:s1] =	stream.indirect.scatter.add.f32 [tilespmem:s10], [sflag:$0x1], $0x80, s25, s12, $0xb8;
	[tilespmem:$0x1F800] =	vst v63  }
0xae: {  	_ =	swait.ge [sflag:s7], $0x4000  }
0xaf: {  	[sflag:s7] =	ssyncset.done $0x0  }
0xb0: {  	[sflag:s7] =	ssyncadd.s32 $0xFFFFC000  }
0xb1: {  	[spmem:s3] =	stream.indirect.scatter.add.f32 [tilespmem:s11], [sflag:$0x1], $0x80, s25, s12, $0xb8;
	[tilespmem:$0x1F800] =	vst v63  }
0xb2: {  	_ =	swait.ge [sflag:s7], $0x4000  }
0xb3: {  	s29 =	sadd.s32 $0x4800, s29;
	[sflag:s7] =	ssyncset.done $0x0  }
0xb4: {  	s26 =	sadd.s32 s26, s29;
	[sflag:s7] =	ssyncadd.s32 $0xFFFFC000  }
0xb5: {  	[tilespmem:s10], [sflag:$0x1] =	stream.linear.gather [hbm4b:s26+s4], $0x4000, $0x38;
	[tilespmem:$0x1F800] =	vst v63  }
0xb6: {  	_ =	swait.ge [sflag:s7], $0x4000  }
0xb7: {  	[sflag:s7] =	ssyncset.done $0x0  }
0xb8: {  	s28 =	sadd.s32 s28, s29;
	[sflag:s7] =	ssyncadd.s32 $0xFFFFC000  }
0xb9: {  	[tilespmem:s11], [sflag:$0x1] =	stream.linear.gather [hbm4b:s28+s4], $0x4000, $0x38;
	[tilespmem:$0x1F800] =	vst v63  }
0xba: {  	_ =	swait.ge [sflag:s7], $0x4000  }
0xbb: {  	s31 =	smul.u32 $0x170, s2;
	[sflag:s7] =	ssyncset.done $0x0  }
0xbc: {  	s2 =	smul.u32 $0x1700, s30;
	s29 =	simm.s32 $0x480;
	[sflag:s7] =	ssyncadd.s32 $0xFFFFC000  }
0xbd: {  	[spmem:s1] =	stream.indirect.scatter.add.f32 [tilespmem:s10], [sflag:$0x1], $0x80, s29, s12, $0xb8;
	[tilespmem:$0x1F800] =	vst v63  }
0xbe: {  	_ =	swait.ge [sflag:s7], $0x4000  }
0xbf: {  	s2 =	sadd.s32 s31, s2;
	[sflag:s7] =	ssyncset.done $0x0  }
0xc0: {  	s2 =	sshll.u32 s2, $0x4;
	[sflag:s7] =	ssyncadd.s32 $0xFFFFC000  }
0xc1: {  	[spmem:s3] =	stream.indirect.scatter.add.f32 [tilespmem:s11], [sflag:$0x1], $0x80, s29, s12, $0xb8;
	[tilespmem:$0x1F800] =	vst v63  }
0xc2: {  	s0 =	sadd.s32 s2, s0;
	s2 =	ssub.s32 $0x2, s30;
	_ =	swait.ge [sflag:s7], $0x4000  }
0xc3: {  	s31 =	sshrl.u32 s2, $0x1;
	[sflag:s7] =	ssyncset.done $0x0  }
0xc4: {  	s2 =	ssub.s32 s2, s31;
	[sflag:s7] =	ssyncadd.s32 $0xFFFFC000  }
0xc5: {  	s30 =	sadd.s32 $0x3EB800, s0;
	s2 =	smax.u32 s2, $0x1;
	[bflag:$0x0] =	sbarrier.arrive $0xFFFF  }
0xc6: {  	[hbm:s30], [sflag:s6] =	dma.local [spmem:s8], $0x1700  }
0xc7: {  	p0 =	sne.s32 s2, $0x1;
	_ =	swait.ge [sflag:s7], $0x1700  }
.Ltmp0:
0xc8: {  	[sflag:s7] =	ssyncset.done $0x0;
	(pc) =	sbr.rel @!p0 .LBB2_2-.Ltmp0, $4  }
0xc9: {  	s31 =	sadd.s32 $0x419800, s0;
	[sflag:s7] =	ssyncadd.s32 $0xFFFFE900  }
0xca: {  	[hbm:s31], [sflag:s6] =	dma.local [spmem:s9], $0x1700  }
0xcb: {  	_ =	swait.ge [sflag:s7], $0x1700  }
0xcc: {  	s0 =	sadd.s32 $0xFFFFFFFF, s2;
	[sflag:s7] =	ssyncset.done $0x0  }
.LBB2_1:
0xcd: {  	[sflag:s7] =	ssyncadd.s32 $0xFFFFE900  }
0xce: {  	[spmem:s8], [sflag:s6] =	dma.local [hbm:s5], $0x1700  }
0xcf: {  	_ =	swait.ge [sflag:s7], $0x1700  }
0xd0: {  	[sflag:s7] =	ssyncset.done $0x0  }
0xd1: {  	[sflag:s7] =	ssyncadd.s32 $0xFFFFE900  }
0xd2: {  	[spmem:s9], [sflag:s6] =	dma.local [hbm:s5], $0x1700  }
0xd3: {  	_ =	swait.ge [sflag:s7], $0x1700  }
0xd4: {  	[sflag:s7] =	ssyncset.done $0x0  }
0xd5: {  	[sflag:s7] =	ssyncadd.s32 $0xFFFFE900  }
0xd6: {  	[bflag:$0x0] =	sbarrier.arrive $0xFFFF  }
0xd7: {  	s2 =	rddreg [dreg:$0x5]  }
0xd8: {  	[tilespmem:s4], [sflag:$0x1] =	stream.linear.gather [hbm4b:s2+s4], $0x500, $0x38;
	[tilespmem:$0x1F800] =	vst v63  }
0xd9: {  	_ =	swait.ge [sflag:s7], $0x500  }
0xda: {  	[sflag:s7] =	ssyncset.done $0x0  }
0xdb: {  	s2 =	rddreg [dreg:$0x6];
	[sflag:s7] =	ssyncadd.s32 $0xFFFFFB00  }
0xdc: {  	[tilespmem:s10], [sflag:$0x1] =	stream.linear.gather [hbm4b:s2+s4], $0x4000, $0x38;
	[tilespmem:$0x1F800] =	vst v63  }
0xdd: {  	_ =	swait.ge [sflag:s7], $0x4000  }
0xde: {  	[sflag:s7] =	ssyncset.done $0x0  }
0xdf: {  	s2 =	rddreg [dreg:$0x7];
	[sflag:s7] =	ssyncadd.s32 $0xFFFFC000  }
0xe0: {  	[tilespmem:s11], [sflag:$0x1] =	stream.linear.gather [hbm4b:s2+s4], $0x4000, $0x38;
	[tilespmem:$0x1F800] =	vst v63  }
0xe1: {  	_ =	swait.ge [sflag:s7], $0x4000  }
0xe2: {  	[sflag:s7] =	ssyncset.done $0x0  }
0xe3: {  	[sflag:s7] =	ssyncadd.s32 $0xFFFFC000  }
0xe4: {  	[spmem:s1] =	stream.indirect.scatter.add.f32 [tilespmem:s10], [sflag:$0x1], $0x80, s4, s12, $0xb8;
	[tilespmem:$0x1F800] =	vst v63  }
0xe5: {  	_ =	swait.ge [sflag:s7], $0x4000  }
0xe6: {  	[sflag:s7] =	ssyncset.done $0x0  }
0xe7: {  	[sflag:s7] =	ssyncadd.s32 $0xFFFFC000  }
0xe8: {  	[spmem:s3] =	stream.indirect.scatter.add.f32 [tilespmem:s11], [sflag:$0x1], $0x80, s4, s12, $0xb8;
	[tilespmem:$0x1F800] =	vst v63  }
0xe9: {  	_ =	swait.ge [sflag:s7], $0x4000  }
0xea: {  	[sflag:s7] =	ssyncset.done $0x0  }
0xeb: {  	s2 =	rddreg [dreg:$0x8];
	[sflag:s7] =	ssyncadd.s32 $0xFFFFC000  }
0xec: {  	[tilespmem:s10], [sflag:$0x1] =	stream.linear.gather [hbm4b:s2+s4], $0x4000, $0x38;
	[tilespmem:$0x1F800] =	vst v63  }
0xed: {  	_ =	swait.ge [sflag:s7], $0x4000  }
0xee: {  	[sflag:s7] =	ssyncset.done $0x0  }
0xef: {  	s2 =	rddreg [dreg:$0x9];
	[sflag:s7] =	ssyncadd.s32 $0xFFFFC000  }
0xf0: {  	[tilespmem:s11], [sflag:$0x1] =	stream.linear.gather [hbm4b:s2+s4], $0x4000, $0x38;
	[tilespmem:$0x1F800] =	vst v63  }
0xf1: {  	_ =	swait.ge [sflag:s7], $0x4000  }
0xf2: {  	[sflag:s7] =	ssyncset.done $0x0  }
0xf3: {  	[sflag:s7] =	ssyncadd.s32 $0xFFFFC000  }
0xf4: {  	[spmem:s1] =	stream.indirect.scatter.add.f32 [tilespmem:s10], [sflag:$0x1], $0x80, s12, s12, $0xb8;
	[tilespmem:$0x1F800] =	vst v63  }
0xf5: {  	_ =	swait.ge [sflag:s7], $0x4000  }
0xf6: {  	[sflag:s7] =	ssyncset.done $0x0  }
0xf7: {  	[sflag:s7] =	ssyncadd.s32 $0xFFFFC000  }
0xf8: {  	[spmem:s3] =	stream.indirect.scatter.add.f32 [tilespmem:s11], [sflag:$0x1], $0x80, s12, s12, $0xb8;
	[tilespmem:$0x1F800] =	vst v63  }
0xf9: {  	_ =	swait.ge [sflag:s7], $0x4000  }
0xfa: {  	[sflag:s7] =	ssyncset.done $0x0  }
0xfb: {  	s2 =	rddreg [dreg:$0xa];
	[sflag:s7] =	ssyncadd.s32 $0xFFFFC000  }
0xfc: {  	[tilespmem:s10], [sflag:$0x1] =	stream.linear.gather [hbm4b:s2+s4], $0x4000, $0x38;
	[tilespmem:$0x1F800] =	vst v63  }
0xfd: {  	_ =	swait.ge [sflag:s7], $0x4000  }
0xfe: {  	[sflag:s7] =	ssyncset.done $0x0  }
0xff: {  	s2 =	rddreg [dreg:$0xb];
	[sflag:s7] =	ssyncadd.s32 $0xFFFFC000  }
0x100: {  	[tilespmem:s11], [sflag:$0x1] =	stream.linear.gather [hbm4b:s2+s4], $0x4000, $0x38;
	[tilespmem:$0x1F800] =	vst v63  }
0x101: {  	_ =	swait.ge [sflag:s7], $0x4000  }
0x102: {  	[sflag:s7] =	ssyncset.done $0x0  }
0x103: {  	[sflag:s7] =	ssyncadd.s32 $0xFFFFC000  }
0x104: {  	[spmem:s1] =	stream.indirect.scatter.add.f32 [tilespmem:s10], [sflag:$0x1], $0x80, s13, s12, $0xb8;
	[tilespmem:$0x1F800] =	vst v63  }
0x105: {  	_ =	swait.ge [sflag:s7], $0x4000  }
0x106: {  	[sflag:s7] =	ssyncset.done $0x0  }
0x107: {  	[sflag:s7] =	ssyncadd.s32 $0xFFFFC000  }
0x108: {  	[spmem:s3] =	stream.indirect.scatter.add.f32 [tilespmem:s11], [sflag:$0x1], $0x80, s13, s12, $0xb8;
	[tilespmem:$0x1F800] =	vst v63  }
0x109: {  	_ =	swait.ge [sflag:s7], $0x4000  }
0x10a: {  	[sflag:s7] =	ssyncset.done $0x0  }
0x10b: {  	s2 =	rddreg [dreg:$0xc];
	[sflag:s7] =	ssyncadd.s32 $0xFFFFC000  }
0x10c: {  	[tilespmem:s10], [sflag:$0x1] =	stream.linear.gather [hbm4b:s2+s4], $0x4000, $0x38;
	[tilespmem:$0x1F800] =	vst v63  }
0x10d: {  	_ =	swait.ge [sflag:s7], $0x4000  }
0x10e: {  	[sflag:s7] =	ssyncset.done $0x0  }
0x10f: {  	s2 =	rddreg [dreg:$0xd];
	[sflag:s7] =	ssyncadd.s32 $0xFFFFC000  }
0x110: {  	[tilespmem:s11], [sflag:$0x1] =	stream.linear.gather [hbm4b:s2+s4], $0x4000, $0x38;
	[tilespmem:$0x1F800] =	vst v63  }
0x111: {  	_ =	swait.ge [sflag:s7], $0x4000  }
0x112: {  	[sflag:s7] =	ssyncset.done $0x0  }
0x113: {  	[sflag:s7] =	ssyncadd.s32 $0xFFFFC000  }
0x114: {  	[spmem:s1] =	stream.indirect.scatter.add.f32 [tilespmem:s10], [sflag:$0x1], $0x80, s14, s12, $0xb8;
	[tilespmem:$0x1F800] =	vst v63  }
0x115: {  	_ =	swait.ge [sflag:s7], $0x4000  }
0x116: {  	[sflag:s7] =	ssyncset.done $0x0  }
0x117: {  	[sflag:s7] =	ssyncadd.s32 $0xFFFFC000  }
0x118: {  	[spmem:s3] =	stream.indirect.scatter.add.f32 [tilespmem:s11], [sflag:$0x1], $0x80, s14, s12, $0xb8;
	[tilespmem:$0x1F800] =	vst v63  }
0x119: {  	_ =	swait.ge [sflag:s7], $0x4000  }
0x11a: {  	[sflag:s7] =	ssyncset.done $0x0  }
0x11b: {  	s2 =	rddreg [dreg:$0xe];
	[sflag:s7] =	ssyncadd.s32 $0xFFFFC000  }
0x11c: {  	[tilespmem:s10], [sflag:$0x1] =	stream.linear.gather [hbm4b:s2+s4], $0x4000, $0x38;
	[tilespmem:$0x1F800] =	vst v63  }
0x11d: {  	_ =	swait.ge [sflag:s7], $0x4000  }
0x11e: {  	[sflag:s7] =	ssyncset.done $0x0  }
0x11f: {  	s2 =	rddreg [dreg:$0xf];
	[sflag:s7] =	ssyncadd.s32 $0xFFFFC000  }
0x120: {  	[tilespmem:s11], [sflag:$0x1] =	stream.linear.gather [hbm4b:s2+s4], $0x4000, $0x38;
	[tilespmem:$0x1F800] =	vst v63  }
0x121: {  	_ =	swait.ge [sflag:s7], $0x4000  }
0x122: {  	[sflag:s7] =	ssyncset.done $0x0  }
0x123: {  	[sflag:s7] =	ssyncadd.s32 $0xFFFFC000  }
0x124: {  	[spmem:s1] =	stream.indirect.scatter.add.f32 [tilespmem:s10], [sflag:$0x1], $0x80, s15, s12, $0xb8;
	[tilespmem:$0x1F800] =	vst v63  }
0x125: {  	_ =	swait.ge [sflag:s7], $0x4000  }
0x126: {  	[sflag:s7] =	ssyncset.done $0x0  }
0x127: {  	[sflag:s7] =	ssyncadd.s32 $0xFFFFC000  }
0x128: {  	[spmem:s3] =	stream.indirect.scatter.add.f32 [tilespmem:s11], [sflag:$0x1], $0x80, s15, s12, $0xb8;
	[tilespmem:$0x1F800] =	vst v63  }
0x129: {  	_ =	swait.ge [sflag:s7], $0x4000  }
0x12a: {  	[sflag:s7] =	ssyncset.done $0x0  }
0x12b: {  	s2 =	rddreg [dreg:$0x10];
	[sflag:s7] =	ssyncadd.s32 $0xFFFFC000  }
0x12c: {  	[tilespmem:s10], [sflag:$0x1] =	stream.linear.gather [hbm4b:s2+s4], $0x4000, $0x38;
	[tilespmem:$0x1F800] =	vst v63  }
0x12d: {  	_ =	swait.ge [sflag:s7], $0x4000  }
0x12e: {  	[sflag:s7] =	ssyncset.done $0x0  }
0x12f: {  	s2 =	rddreg [dreg:$0x11];
	[sflag:s7] =	ssyncadd.s32 $0xFFFFC000  }
0x130: {  	[tilespmem:s11], [sflag:$0x1] =	stream.linear.gather [hbm4b:s2+s4], $0x4000, $0x38;
	[tilespmem:$0x1F800] =	vst v63  }
0x131: {  	_ =	swait.ge [sflag:s7], $0x4000  }
0x132: {  	[sflag:s7] =	ssyncset.done $0x0  }
0x133: {  	[sflag:s7] =	ssyncadd.s32 $0xFFFFC000  }
0x134: {  	[spmem:s1] =	stream.indirect.scatter.add.f32 [tilespmem:s10], [sflag:$0x1], $0x80, s16, s12, $0xb8;
	[tilespmem:$0x1F800] =	vst v63  }
0x135: {  	_ =	swait.ge [sflag:s7], $0x4000  }
0x136: {  	[sflag:s7] =	ssyncset.done $0x0  }
0x137: {  	[sflag:s7] =	ssyncadd.s32 $0xFFFFC000  }
0x138: {  	[spmem:s3] =	stream.indirect.scatter.add.f32 [tilespmem:s11], [sflag:$0x1], $0x80, s16, s12, $0xb8;
	[tilespmem:$0x1F800] =	vst v63  }
0x139: {  	_ =	swait.ge [sflag:s7], $0x4000  }
0x13a: {  	[sflag:s7] =	ssyncset.done $0x0  }
0x13b: {  	[sflag:s7] =	ssyncadd.s32 $0xFFFFC000  }
0x13c: {  	[tilespmem:s10], [sflag:$0x1] =	stream.linear.gather [hbm4b:s17+s4], $0x4000, $0x38;
	[tilespmem:$0x1F800] =	vst v63  }
0x13d: {  	_ =	swait.ge [sflag:s7], $0x4000  }
0x13e: {  	[sflag:s7] =	ssyncset.done $0x0  }
0x13f: {  	[sflag:s7] =	ssyncadd.s32 $0xFFFFC000  }
0x140: {  	[tilespmem:s11], [sflag:$0x1] =	stream.linear.gather [hbm4b:s18+s4], $0x4000, $0x38;
	[tilespmem:$0x1F800] =	vst v63  }
0x141: {  	_ =	swait.ge [sflag:s7], $0x4000  }
0x142: {  	[sflag:s7] =	ssyncset.done $0x0  }
0x143: {  	[sflag:s7] =	ssyncadd.s32 $0xFFFFC000  }
0x144: {  	[spmem:s1] =	stream.indirect.scatter.add.f32 [tilespmem:s10], [sflag:$0x1], $0x80, s19, s12, $0xb8;
	[tilespmem:$0x1F800] =	vst v63  }
0x145: {  	_ =	swait.ge [sflag:s7], $0x4000  }
0x146: {  	[sflag:s7] =	ssyncset.done $0x0  }
0x147: {  	[sflag:s7] =	ssyncadd.s32 $0xFFFFC000  }
0x148: {  	[spmem:s3] =	stream.indirect.scatter.add.f32 [tilespmem:s11], [sflag:$0x1], $0x80, s19, s12, $0xb8;
	[tilespmem:$0x1F800] =	vst v63  }
0x149: {  	_ =	swait.ge [sflag:s7], $0x4000  }
0x14a: {  	[sflag:s7] =	ssyncset.done $0x0  }
0x14b: {  	[sflag:s7] =	ssyncadd.s32 $0xFFFFC000  }
0x14c: {  	[tilespmem:s10], [sflag:$0x1] =	stream.linear.gather [hbm4b:s20+s4], $0x4000, $0x38;
	[tilespmem:$0x1F800] =	vst v63  }
0x14d: {  	_ =	swait.ge [sflag:s7], $0x4000  }
0x14e: {  	[sflag:s7] =	ssyncset.done $0x0  }
0x14f: {  	[sflag:s7] =	ssyncadd.s32 $0xFFFFC000  }
0x150: {  	[tilespmem:s11], [sflag:$0x1] =	stream.linear.gather [hbm4b:s21+s4], $0x4000, $0x38;
	[tilespmem:$0x1F800] =	vst v63  }
0x151: {  	_ =	swait.ge [sflag:s7], $0x4000  }
0x152: {  	[sflag:s7] =	ssyncset.done $0x0  }
0x153: {  	[sflag:s7] =	ssyncadd.s32 $0xFFFFC000  }
0x154: {  	[spmem:s1] =	stream.indirect.scatter.add.f32 [tilespmem:s10], [sflag:$0x1], $0x80, s22, s12, $0xb8;
	[tilespmem:$0x1F800] =	vst v63  }
0x155: {  	_ =	swait.ge [sflag:s7], $0x4000  }
0x156: {  	[sflag:s7] =	ssyncset.done $0x0  }
0x157: {  	[sflag:s7] =	ssyncadd.s32 $0xFFFFC000  }
0x158: {  	[spmem:s3] =	stream.indirect.scatter.add.f32 [tilespmem:s11], [sflag:$0x1], $0x80, s22, s12, $0xb8;
	[tilespmem:$0x1F800] =	vst v63  }
0x159: {  	_ =	swait.ge [sflag:s7], $0x4000  }
0x15a: {  	[sflag:s7] =	ssyncset.done $0x0  }
0x15b: {  	[sflag:s7] =	ssyncadd.s32 $0xFFFFC000  }
0x15c: {  	[tilespmem:s10], [sflag:$0x1] =	stream.linear.gather [hbm4b:s23+s4], $0x4000, $0x38;
	[tilespmem:$0x1F800] =	vst v63  }
0x15d: {  	_ =	swait.ge [sflag:s7], $0x4000  }
0x15e: {  	[sflag:s7] =	ssyncset.done $0x0  }
0x15f: {  	[sflag:s7] =	ssyncadd.s32 $0xFFFFC000  }
0x160: {  	[tilespmem:s11], [sflag:$0x1] =	stream.linear.gather [hbm4b:s24+s4], $0x4000, $0x38;
	[tilespmem:$0x1F800] =	vst v63  }
0x161: {  	_ =	swait.ge [sflag:s7], $0x4000  }
0x162: {  	[sflag:s7] =	ssyncset.done $0x0  }
0x163: {  	[sflag:s7] =	ssyncadd.s32 $0xFFFFC000  }
0x164: {  	[spmem:s1] =	stream.indirect.scatter.add.f32 [tilespmem:s10], [sflag:$0x1], $0x80, s25, s12, $0xb8;
	[tilespmem:$0x1F800] =	vst v63  }
0x165: {  	_ =	swait.ge [sflag:s7], $0x4000  }
0x166: {  	[sflag:s7] =	ssyncset.done $0x0  }
0x167: {  	[sflag:s7] =	ssyncadd.s32 $0xFFFFC000  }
0x168: {  	[spmem:s3] =	stream.indirect.scatter.add.f32 [tilespmem:s11], [sflag:$0x1], $0x80, s25, s12, $0xb8;
	[tilespmem:$0x1F800] =	vst v63  }
0x169: {  	_ =	swait.ge [sflag:s7], $0x4000  }
0x16a: {  	[sflag:s7] =	ssyncset.done $0x0  }
0x16b: {  	[sflag:s7] =	ssyncadd.s32 $0xFFFFC000  }
0x16c: {  	[tilespmem:s10], [sflag:$0x1] =	stream.linear.gather [hbm4b:s26+s4], $0x4000, $0x38;
	[tilespmem:$0x1F800] =	vst v63  }
0x16d: {  	_ =	swait.ge [sflag:s7], $0x4000  }
0x16e: {  	[sflag:s7] =	ssyncset.done $0x0  }
0x16f: {  	[sflag:s7] =	ssyncadd.s32 $0xFFFFC000  }
0x170: {  	[tilespmem:s11], [sflag:$0x1] =	stream.linear.gather [hbm4b:s28+s4], $0x4000, $0x38;
	[tilespmem:$0x1F800] =	vst v63  }
0x171: {  	_ =	swait.ge [sflag:s7], $0x4000  }
0x172: {  	[sflag:s7] =	ssyncset.done $0x0  }
0x173: {  	[sflag:s7] =	ssyncadd.s32 $0xFFFFC000  }
0x174: {  	[spmem:s1] =	stream.indirect.scatter.add.f32 [tilespmem:s10], [sflag:$0x1], $0x80, s29, s12, $0xb8;
	[tilespmem:$0x1F800] =	vst v63  }
0x175: {  	_ =	swait.ge [sflag:s7], $0x4000  }
0x176: {  	[sflag:s7] =	ssyncset.done $0x0  }
0x177: {  	[sflag:s7] =	ssyncadd.s32 $0xFFFFC000  }
0x178: {  	[spmem:s3] =	stream.indirect.scatter.add.f32 [tilespmem:s11], [sflag:$0x1], $0x80, s29, s12, $0xb8;
	[tilespmem:$0x1F800] =	vst v63  }
0x179: {  	_ =	swait.ge [sflag:s7], $0x4000  }
0x17a: {  	[sflag:s7] =	ssyncset.done $0x0  }
0x17b: {  	[sflag:s7] =	ssyncadd.s32 $0xFFFFC000  }
0x17c: {  	[bflag:$0x0] =	sbarrier.arrive $0xFFFF  }
0x17d: {  	[hbm:s30], [sflag:s6] =	dma.local [spmem:s8], $0x1700  }
0x17e: {  	p0 =	sne.s32 s0, $0x1;
	_ =	swait.ge [sflag:s7], $0x1700  }
.Ltmp1:
0x17f: {  	[sflag:s7] =	ssyncset.done $0x0;
	(pc) =	sbr.rel @p0 .LBB2_1-.Ltmp1, $4  }
0x180: {  	[sflag:s7] =	ssyncadd.s32 $0xFFFFE900  }
0x181: {  	[hbm:s31], [sflag:s6] =	dma.local [spmem:s9], $0x1700  }
0x182: {  	_ =	swait.ge [sflag:s7], $0x1700  }
0x183: {  	s0 =	sadd.s32 $0xFFFFFFFF, s0;
	[sflag:s7] =	ssyncset.done $0x0  }
.LBB2_2:
0x184: {  	[sflag:s7] =	ssyncadd.s32 $0xFFFFE900  }
0x185: {  	_ =	sfence.sel $0x180000  }
0x186: {  	[bflag:$0x0] =	sbarrier.arrive $0xFFFF  }
0x187: {  	_ =	strace $0x9000004A  }
0x188: {  	s0 =	stileid.u32;
	[bflag:$0x2] =	sbarrier.arrive $0xFFFF  }
0x189: {  	p0 =	sne.s32 s0, $0x0;
	s0 =	rddreg [dreg:$0x4]  }
0x18a: {  	s0 =	sadd.s32 @!p0 $0x100000, s0  }
0x18b: {  	[sflag:s0] =	ssyncadd.tile.s32 @!p0 $0x1;
	_ =	shalt  }
.Lfunc_end2:
_tile_overlayer_lowered:
.L_overlay_start_2:
0x18c: {  	(tag) =	ssettag $0x2  }
0x18d: {  	s0 =	rddreg [dreg:$0x0];
	s2 =	stileid.u32  }
0x18e: {  	s1 =	rddreg [dreg:$0x1];
	p0 =	sne.s32 s2, $0x0  }
0x18f: {  	s3 =	rddreg [dreg:$0x2];
	[bflag:$0x3] =	sbarrier.arrive $0xFFFF;
	s2 =	simm.s32 @!p0 $0x1C01  }
0x190: {  	[timem:s3], [sflag:s2] =	dma.local @!p0 [hbm:s0], s1  }
0x191: {  	s0 =	simm.s32 @!p0 $0x1  }
0x192: {  	_ =	swait.ge @!p0 [sflag:s0], s1  }
0x193: {  	s1 =	ssub.s32 @!p0 $0x0, s1;
	[sflag:s0] =	ssyncset.done @!p0 $0x0  }
0x194: {  	[sflag:s0] =	ssyncadd.s32 @!p0 s1  }
0x195: {  	[bflag:$0x3] =	sbarrier.arrive $0xFFFF  }
0x196: {  	_ =	shalt  }

// kernel: kernel.15.cloned.1.call-start
scs
__scs_entry_jumppad:
0x0: {  	(pc) =	sbr.rel $0x88, $3  }
0x1: {  	(tag) =	ssettag $0x0;
	lr =	simm.s32 $0x1  }
0x2: {  	[smem:$0x3F82] =	sst lr;
	_ =	strace $0xD0000000  }
0x3: {  	_ = 	snop  }
0x4: {  	_ = 	snop  }
0x5: {  	_ = 	snop  }
0x6: {  	_ = 	snop  }
0x7: {  	_ = 	snop  }
__scs_overlays_trampoline_lowered:
0x8: {  	[smem:$0x3F91] =	sst s0  }
0x9: {  	[smem:$0x3F92] =	sst s1  }
0xa: {  	[smem:$0x3F93] =	sst s2  }
0xb: {  	[smem:$0x3F94] =	sst s3  }
0xc: {  	[smem:$0x3F95] =	sst s4  }
0xd: {  	[smem:$0x3F96] =	sst s5  }
0xe: {  	[smem:$0x3F97] =	sst s6  }
0xf: {  	[smem:$0x3F98] =	sst s7  }
0x10: {  	[smem:$0x3F99] =	sst s8  }
0x11: {  	[smem:$0x3F9A] =	sst s9;
	s0 =	simm.s32 @!p0 $0x0  }
0x12: {  	s1 =	sld [smem:$0x3F80];
	s0 =	simm.s32 @p0 $0x1  }
0x13: {  	[smem:$0x3F9B] =	sst s0;
	s0 =	simm.s32 @!p1 $0x0  }
0x14: {  	s2 =	sld [smem:$0x3F7F];
	s0 =	simm.s32 @p1 $0x1  }
0x15: {  	[smem:$0x3F9C] =	sst s0;
	s0 =	simm.s32 @!p2 $0x0  }
0x16: {  	s3 =	sld [smem:$0x3FDB];
	s0 =	simm.s32 @p2 $0x1  }
0x17: {  	s4 =	simm.s32 $0x1BF5;
	[smem:$0x3F9E] =	sst s0  }
0x18: {  	s0 =	sld [smem:$0x3F81];
	_ =	swait.ge [sflag:s4], $0x0  }
0x19: {  	s7 =	sld [smem:$0x3F82]  }
0x1a: {  	s8 =	sadd.s32 $0xFFFFE003, lr  }
0x1b: {  	s9 =	sadd.s32 $0xFFFFFEF7, lr;
	s5 =	simm.s32 $0xFFFFFFFF;
	p2 =	slt.u32 s8, $0xFFFFF086  }
0x1c: {  	p1 =	slt.u32 s9, $0xF7A;
	s5 =	simm.s32 @!p2 $0x0  }
0x1d: {  	s5 =	simm.s32 @p1 $0x1;
	p0 =	seq.s32 s7, s2  }
0x1e: {  	s7 =	smul.u32 @!p0 $0xF7A, s2;
	p2 =	seq.s32 @!p0 s5, $0x0  }
0x1f: {  	s9 =	smul.u32 $0xF7A, s1;
	s8 =	simm.s32 @!p0 $0x1BF5;
	p2 =	por !p2, p0  }
0x20: {  	[sflag:s8] =	ssyncset.s32 @!p0 $0xFFFFF086;
	s6 =	sadd.s32 @!p0 s3, s7;
	s7 =	simm.s32 @!p0 $0x108  }
0x21: {  	s3 =	sadd.s32 s3, s9;
	s6 =	sadd.s32 @!p0 $0x88, s6;
	s7 =	simm.s32 @p2 $0x1082  }
0x22: {  	[simem:s7], [sflag:s8] =	dma.local @!p0 [hbm:s6], $0xF7A  }
0x23: {  	s9 =	sor.u32 $0xD0000000, s2;
	s6 =	simm.s32 $0x108;
	_ =	swait.ge @!p0 [sflag:s8], $0x0  }
0x24: {  	s3 =	sadd.s32 $0x88, s3;
	s6 =	simm.s32 @!p1 $0x1082;
	[sflag:s4] =	ssyncset.s32 $0xFFFFF086  }
0x25: {  	[simem:s6], [sflag:s4] =	dma.local [hbm:s3], $0xF7A  }
0x26: {  	[smem:$0x3F82] =	sst s1;
	(tag) =	ssettag s2;
	_ =	strace s9  }
0x27: {  	s1 =	sld [smem:$0x3F92]  }
0x28: {  	s2 =	sld [smem:$0x3F93]  }
0x29: {  	s4 =	sld [smem:$0x3F95]  }
0x2a: {  	p0 =	seq.s32 s5, $0x0;
	s5 =	sld [smem:$0x3F96]  }
0x2b: {  	s6 =	sld [smem:$0x3F97]  }
0x2c: {  	s7 =	sld [smem:$0x3F98]  }
0x2d: {  	s3 =	simm.s32 $0x108;
	s8 =	sld [smem:$0x3F99]  }
0x2e: {  	s3 =	simm.s32 @!p0 $0x1082;
	s9 =	sld [smem:$0x3F9A]  }
0x2f: {  	lr =	sadd.s32 s0, s3;
	s0 =	sld [smem:$0x3F91]  }
0x30: {  	s3 =	sld [smem:$0x3F94]  }
0x31: {  	[smem:$0x3F9D] =	sst s10  }
0x32: {  	s10 =	sld [smem:$0x3F9B];
	_ =	sdelay $0x3  }
0x33: {  	p0 =	seq.s32 s10, $0x1;
	s10 =	sld [smem:$0x3F9D];
	_ =	sdelay $0x3  }
0x34: {  	[smem:$0x3F9D] =	sst s10  }
0x35: {  	s10 =	sld [smem:$0x3F9C];
	_ =	sdelay $0x3  }
0x36: {  	p1 =	seq.s32 s10, $0x1;
	s10 =	sld [smem:$0x3F9D];
	_ =	sdelay $0x3  }
0x37: {  	[smem:$0x3F9D] =	sst s10  }
0x38: {  	s10 =	sld [smem:$0x3F9E]  }
0x39: {  	_ = 	snop;
	(pc) =	sbr.ind lr, $3  }
0x3a: {  	_ = 	snop  }
0x3b: {  	_ = 	snop  }
0x3c: {  	p2 =	seq.s32 s10, $0x1;
	s10 =	sld [smem:$0x3F9D]  }
0x3d: {  	_ =	shalt  }
0x3e: {  	_ =	shalt  }
0x3f: {  	_ =	shalt  }
0x40: {  	_ =	shalt  }
0x41: {  	_ =	shalt  }
0x42: {  	_ =	shalt  }
0x43: {  	_ =	shalt  }
0x44: {  	_ =	shalt  }
0x45: {  	_ =	shalt  }
0x46: {  	_ =	shalt  }
0x47: {  	_ =	shalt  }
0x48: {  	_ =	shalt  }
0x49: {  	_ =	shalt  }
0x4a: {  	_ =	shalt  }
0x4b: {  	_ =	shalt  }
0x4c: {  	_ =	shalt  }
0x4d: {  	_ =	shalt  }
0x4e: {  	_ =	shalt  }
0x4f: {  	_ =	shalt  }
0x50: {  	_ =	shalt  }
0x51: {  	_ =	shalt  }
0x52: {  	_ =	shalt  }
0x53: {  	_ =	shalt  }
0x54: {  	_ =	shalt  }
0x55: {  	_ =	shalt  }
0x56: {  	_ =	shalt  }
0x57: {  	_ =	shalt  }
0x58: {  	_ =	shalt  }
0x59: {  	_ =	shalt  }
0x5a: {  	_ =	shalt  }
0x5b: {  	_ =	shalt  }
0x5c: {  	_ =	shalt  }
0x5d: {  	_ =	shalt  }
0x5e: {  	_ =	shalt  }
0x5f: {  	_ =	shalt  }
0x60: {  	_ =	shalt  }
0x61: {  	_ =	shalt  }
0x62: {  	_ =	shalt  }
0x63: {  	_ =	shalt  }
0x64: {  	_ =	shalt  }
0x65: {  	_ =	shalt  }
0x66: {  	_ =	shalt  }
0x67: {  	_ =	shalt  }
0x68: {  	_ =	shalt  }
0x69: {  	_ =	shalt  }
0x6a: {  	_ =	shalt  }
0x6b: {  	_ =	shalt  }
0x6c: {  	_ =	shalt  }
0x6d: {  	_ =	shalt  }
0x6e: {  	_ =	shalt  }
0x6f: {  	_ =	shalt  }
0x70: {  	_ =	shalt  }
0x71: {  	_ =	shalt  }
0x72: {  	_ =	shalt  }
0x73: {  	_ =	shalt  }
0x74: {  	_ =	shalt  }
0x75: {  	_ =	shalt  }
0x76: {  	_ =	shalt  }
0x77: {  	_ =	shalt  }
0x78: {  	_ =	shalt  }
0x79: {  	_ =	shalt  }
0x7a: {  	_ =	shalt  }
0x7b: {  	_ =	shalt  }
0x7c: {  	_ =	shalt  }
0x7d: {  	_ =	shalt  }
0x7e: {  	_ =	shalt  }
0x7f: {  	_ =	shalt  }
0x80: {  	_ =	shalt  }
0x81: {  	_ =	shalt  }
0x82: {  	_ =	shalt  }
0x83: {  	_ =	shalt  }
0x84: {  	_ =	shalt  }
0x85: {  	_ =	shalt  }
0x86: {  	_ =	shalt  }
0x87: {  	_ =	shalt  }
.Lfunc_end0:
.L_simem_size_0:
called_computation.2_lowered:
.L_overlay_start_0:
0x88: {  	s2 =	sld [smem:$0x3FD9]  }
0x89: {  	s3 =	sld [smem:$0x3FFE];
	_ =	sdelay $0x1  }
0x8a: {  	s1 =	srdreg.scid  }
0x8b: {  	s0 =	sand.u32 $0x1, s1  }
0x8c: {  	s17 =	sshll.u32 s0, $0xA;
	s2 =	sadd.s32 s3, s2  }
0x8d: {  	s2 =	sadd.s32 s2, s17  }
0x8e: {  	[smem:$0x3FA9] =	sst s2  }
0x8f: {  	_ = 	snop  }
0x90: {  	s2 =	sld [smem:$0x3FD0];
	(tm) =	ssettm $0x1  }
0x91: {  	s18 =	sld [smem:$0x3FFB];
	_ =	sdelay $0x3  }
0x92: {  	_ =	strace s18  }
0x93: {  	s3 =	sld [smem:$0x3FFC];
	_ =	sdelay $0x3  }
0x94: {  	_ =	strace s3  }
0x95: {  	s3 =	sld [smem:$0x3FFD];
	_ =	sdelay $0x3  }
0x96: {  	_ =	strace s3  }
0x97: {  	_ =	strace $0x8FFFFFFF  }
0x98: {  	s19 =	sld [smem:$0x3FDB];
	_ =	sdelay $0x1  }
0x99: {  	s4 =	simm.s32 $_scs_section_size  }
0x9a: {  	s5 =	simm.s32 $_size__tile_overlayer_lowered;
	s6 =	simm.s32 $_tile_overlayer_lowered  }
0x9b: {  	s22 =	simm.s32 $0x1BFF;
	s21 =	sshll.u32 s6, $0x1;
	s3 =	sadd.s32 s4, s19  }
0x9c: {  	s7 =	simm.s32 $0x0;
	s20 =	sshll.u32 s5, $0x1;
	s5 =	sadd.s32 s21, s3  }
0x9d: {  	[timem:s7], [sflag:s22] =	dma.local [hbm:s5], s20  }
0x9e: {  	_ =	swait.ge [sflag:s22], s20  }
0x9f: {  	s4 =	ssub.s32 $0x0, s20;
	[sflag:s22] =	ssyncset.done $0x0  }
0xa0: {  	[sflag:s22] =	ssyncadd.s32 s4;
	_ =	sdelay $0x1  }
0xa1: {  	s23 =	simm.s32 $0x1B8B  }
0xa2: {  	_ =	swait.ge [sflag:s23], $0x1  }
0xa3: {  	[sflag:s23] =	ssyncset.done $0x0  }
0xa4: {  	s25 =	simm.s32 $0x1B8E;
	s24 =	sld [smem:$0x3FFE];
	[sflag:s23] =	ssyncadd.s32 $0xFFFFFFFF  }
0xa5: {  	s26 =	simm.s32 $execute0_lowered;
	[smem:$0x3FD2] =	sst s25  }
0xa6: {  	s5 =	sshll.u32 s26, $0x1;
	_ =	strace $0x80000046;
	[dreg:$0x1] =	wrdreg $0xFFFFFFFF  }
0xa7: {  	s28 =	simm.s32 $_size_execute0_lowered;
	s3 =	sadd.s32 s3, s5;
	[dreg:$0x0] =	wrdreg $0x0  }
0xa8: {  	s5 =	sshll.u32 s28, $0x1;
	[dreg:$0x2] =	wrdreg s3  }
0xa9: {  	[dreg:$0x3] =	wrdreg s5  }
0xaa: {  	[dreg:$0x4] =	wrdreg $0xC0  }
0xab: {  	_ =	task [dreg:s7], $0x5FFFF  }
0xac: {  	[dreg:$0x1] =	wrdreg $0xFFFFFFFF  }
0xad: {  	[dreg:$0x0] =	wrdreg $0x60  }
0xae: {  	[dreg:$0x2] =	wrdreg s24  }
0xaf: {  	[dreg:$0x3] =	wrdreg s2  }
0xb0: {  	[dreg:$0x4] =	wrdreg $0x84000  }
0xb1: {  	[dreg:$0x5] =	wrdreg $0x13C000  }
0xb2: {  	[dreg:$0x6] =	wrdreg $0xB  }
0xb3: {  	_ =	task.clear_ibuf [dreg:s7], $0x7FFFF;
	_ =	strace $0x90000046  }
0xb4: {  	s29 =	simm.s32 $0xB;
	_ =	strace $0x80000048  }
0xb5: {  	_ =	swait.ge [sflag:s29], $0x1  }
0xb6: {  	[sflag:s29] =	ssyncadd.s32 $0xFFFFFFFF  }
0xb7: {  	_ =	strace $0x90000048  }
0xb8: {  	_ =	sfence  }
0xb9: {  	s30 =	sld [smem:$0x0];
	_ =	sdelay $0x2  }
0xba: {  	s31 =	sshll.u32 s1, $0xD;
	s1 =	sshrl.u32 s1, $0x2  }
0xbb: {  	s3 =	sand.u32 $0x4000, s31;
	s1 =	sadd.s32 s1, s30  }
0xbc: {  	s0 =	sor.u32 s3, s0;
	s1 =	sshll.u32 s1, $0x11  }
0xbd: {  	s0 =	sor.u32 s1, s0  }
0xbe: {  	s0 =	sadd.s32 $0x8F2B, s0  }
0xbf: {  	[sflag:s0] =	ssyncadd.remote.s32 $0x1  }
0xc0: {  	_ =	sfence.sel $0xFFFF  }
0xc1: {  	[dreg:$0x0] =	wrdreg $0xFFFFFFFF;
	(pc) =	sbr.abs _section_cstart, $3  }
0xc2: {  	[dreg:$0x1] =	wrdreg $0xFFFFFFFF  }
0xc3: {  	_ =	task.clear_ibuf [dreg:s7], $0x2FFFF;
	_ =	strace $0x9FFFFFFF  }
0xc4: {  	(tm) =	ssettm $0x7FFFFFFF  }
0xc5: {  	_ =	shalt  }
tec
execute0_lowered:
.L_overlay_start_1:
0x0: {  	(tag) =	ssettag $0x1  }
0x1: {  	s0 =	rddreg [dreg:$0x0]  }
0x2: {  	s5 =	rddreg [dreg:$0x1]  }
0x3: {  	s1 =	rddreg [dreg:$0x2];
	s2 =	srdreg.scid  }
0x4: {  	s3 =	rddreg [dreg:$0x3];
	s30 =	sand.u32 $0x1, s2  }
0x5: {  	s4 =	simm.s32 $0x0;
	s2 =	stileid.u32;
	s6 =	sshll.u32 s30, $0x4  }
0x6: {  	[smem:$0x7FF] =	sst s4;
	s9 =	smul.u32 $0xB800, s2;
	s17 =	sor.u32 s2, s6  }
0x7: {  	_ =	strace $0x80000047;
	s7 =	smul.u32 $0x1700, s2;
	s6 =	sshll.u32 s17, $0x7  }
0x8: {  	s24 =	sshll.u32 s2, $0x6;
	s10 =	sadd.s32 s9, s1;
	s8 =	sadd.s32 s6, s0  }
0x9: {  	s5 =	sadd.s32 s5, s7;
	s7 =	simm.s32 $0x1;
	s25 =	sadd.s32 $0x18C800, s8  }
0xa: {  	s6 =	sor.u32 $0x1C01, s24;
	s8 =	sshrl.u32 s10, $0x3;
	[dreg:$0x5] =	wrdreg s25  }
0xb: {  	[spmem:s8], [sflag:s6] =	dma.local [hbm:s5], $0x1700  }
0xc: {  	_ =	swait.ge [sflag:s7], $0x1700  }
0xd: {  	s9 =	sadd.s32 s9, s3;
	[sflag:s7] =	ssyncset.done $0x0  }
0xe: {  	s9 =	sshrl.u32 s9, $0x3;
	[sflag:s7] =	ssyncadd.s32 $0xFFFFE900  }
0xf: {  	[spmem:s9], [sflag:s6] =	dma.local [hbm:s5], $0x1700  }
0x10: {  	_ =	swait.ge [sflag:s7], $0x1700  }
0x11: {  	[sflag:s7] =	ssyncset.done $0x0  }
0x12: {  	[sflag:s7] =	ssyncadd.s32 $0xFFFFE900  }
0x13: {  	[bflag:$0x0] =	sbarrier.arrive $0xFFFF  }
0x14: {  	s26 =	rddreg [dreg:$0x5]  }
0x15: {  	[tilespmem:s4], [sflag:$0x1] =	stream.linear.gather [hbm4b:s26+s4], $0x300, $0x38;
	[tilespmem:$0x1F400] =	vst v63  }
0x16: {  	s15 =	smul.u32 $0x3000, s17;
	_ =	swait.ge [sflag:s7], $0x300  }
0x17: {  	s26 =	sadd.s32 $0x1ED800, s0;
	[sflag:s7] =	ssyncset.done $0x0  }
0x18: {  	s11 =	simm.s32 $0x400;
	s10 =	sadd.s32 s26, s15;
	[sflag:s7] =	ssyncadd.s32 $0xFFFFFD00  }
0x19: {  	[tilespmem:s11], [sflag:$0x1] =	stream.linear.gather [hbm4b:s10+s4], $0x4000, $0x38;
	[tilespmem:$0x1F400] =	vst v63  }
0x1a: {  	_ =	swait.ge [sflag:s7], $0x4000  }
0x1b: {  	s28 =	sadd.s32 $0x18D800, s0;
	[sflag:s7] =	ssyncset.done $0x0  }
0x1c: {  	s13 =	simm.s32 $0x4400;
	s12 =	sadd.s32 s28, s15;
	[sflag:s7] =	ssyncadd.s32 $0xFFFFC000  }
0x1d: {  	[tilespmem:s13], [sflag:$0x1] =	stream.linear.gather [hbm4b:s12+s4], $0x4000, $0x38;
	[tilespmem:$0x1F400] =	vst v63  }
0x1e: {  	_ =	swait.ge [sflag:s7], $0x4000  }
0x1f: {  	[sflag:s7] =	ssyncset.done $0x0  }
0x20: {  	s14 =	simm.s32 $0x80;
	[sflag:s7] =	ssyncadd.s32 $0xFFFFC000  }
0x21: {  	[spmem:s1] =	stream.indirect.scatter.add.f32 [tilespmem:s11], [sflag:$0x1], $0x80, s4, s14, $0xb8;
	[tilespmem:$0x1F400] =	vst v63  }
0x22: {  	_ =	swait.ge [sflag:s7], $0x4000  }
0x23: {  	[sflag:s7] =	ssyncset.done $0x0  }
0x24: {  	[sflag:s7] =	ssyncadd.s32 $0xFFFFC000  }
0x25: {  	[spmem:s3] =	stream.indirect.scatter.add.f32 [tilespmem:s13], [sflag:$0x1], $0x80, s4, s14, $0xb8;
	[tilespmem:$0x1F400] =	vst v63  }
0x26: {  	_ =	swait.ge [sflag:s7], $0x4000  }
0x27: {  	s16 =	sor.u32 $0x800, s15;
	[sflag:s7] =	ssyncset.done $0x0  }
0x28: {  	s15 =	sadd.s32 s26, s16;
	[sflag:s7] =	ssyncadd.s32 $0xFFFFC000  }
0x29: {  	[tilespmem:s11], [sflag:$0x1] =	stream.linear.gather [hbm4b:s15+s4], $0x4000, $0x38;
	[tilespmem:$0x1F400] =	vst v63  }
0x2a: {  	_ =	swait.ge [sflag:s7], $0x4000  }
0x2b: {  	[sflag:s7] =	ssyncset.done $0x0  }
0x2c: {  	s16 =	sadd.s32 s28, s16;
	[sflag:s7] =	ssyncadd.s32 $0xFFFFC000  }
0x2d: {  	[tilespmem:s13], [sflag:$0x1] =	stream.linear.gather [hbm4b:s16+s4], $0x4000, $0x38;
	[tilespmem:$0x1F400] =	vst v63  }
0x2e: {  	_ =	swait.ge [sflag:s7], $0x4000  }
0x2f: {  	[sflag:s7] =	ssyncset.done $0x0  }
0x30: {  	[sflag:s7] =	ssyncadd.s32 $0xFFFFC000  }
0x31: {  	[spmem:s1] =	stream.indirect.scatter.add.f32 [tilespmem:s11], [sflag:$0x1], $0x80, s14, s14, $0xb8;
	[tilespmem:$0x1F400] =	vst v63  }
0x32: {  	_ =	swait.ge [sflag:s7], $0x4000  }
0x33: {  	[sflag:s7] =	ssyncset.done $0x0  }
0x34: {  	s17 =	smul.u32 $0x18000, s17;
	[sflag:s7] =	ssyncadd.s32 $0xFFFFC000  }
0x35: {  	[spmem:s3] =	stream.indirect.scatter.add.f32 [tilespmem:s13], [sflag:$0x1], $0x80, s14, s14, $0xb8;
	[tilespmem:$0x1F400] =	vst v63  }
0x36: {  	s29 =	sshrl.u32 s17, $0x3;
	_ =	swait.ge [sflag:s7], $0x4000  }
0x37: {  	s18 =	sadd.s32 $0x1000, s29;
	[sflag:s7] =	ssyncset.done $0x0  }
0x38: {  	s17 =	sadd.s32 s26, s18;
	[sflag:s7] =	ssyncadd.s32 $0xFFFFC000  }
0x39: {  	[tilespmem:s11], [sflag:$0x1] =	stream.linear.gather [hbm4b:s17+s4], $0x4000, $0x38;
	[tilespmem:$0x1F400] =	vst v63  }
0x3a: {  	_ =	swait.ge [sflag:s7], $0x4000  }
0x3b: {  	[sflag:s7] =	ssyncset.done $0x0  }
0x3c: {  	s18 =	sadd.s32 s28, s18;
	[sflag:s7] =	ssyncadd.s32 $0xFFFFC000  }
0x3d: {  	[tilespmem:s13], [sflag:$0x1] =	stream.linear.gather [hbm4b:s18+s4], $0x4000, $0x38;
	[tilespmem:$0x1F400] =	vst v63  }
0x3e: {  	_ =	swait.ge [sflag:s7], $0x4000  }
0x3f: {  	[sflag:s7] =	ssyncset.done $0x0  }
0x40: {  	s19 =	simm.s32 $0x100;
	[sflag:s7] =	ssyncadd.s32 $0xFFFFC000  }
0x41: {  	[spmem:s1] =	stream.indirect.scatter.add.f32 [tilespmem:s11], [sflag:$0x1], $0x80, s19, s14, $0xb8;
	[tilespmem:$0x1F400] =	vst v63  }
0x42: {  	_ =	swait.ge [sflag:s7], $0x4000  }
0x43: {  	[sflag:s7] =	ssyncset.done $0x0  }
0x44: {  	[sflag:s7] =	ssyncadd.s32 $0xFFFFC000  }
0x45: {  	[spmem:s3] =	stream.indirect.scatter.add.f32 [tilespmem:s13], [sflag:$0x1], $0x80, s19, s14, $0xb8;
	[tilespmem:$0x1F400] =	vst v63  }
0x46: {  	_ =	swait.ge [sflag:s7], $0x4000  }
0x47: {  	s21 =	sadd.s32 $0x1800, s29;
	[sflag:s7] =	ssyncset.done $0x0  }
0x48: {  	s20 =	sadd.s32 s26, s21;
	[sflag:s7] =	ssyncadd.s32 $0xFFFFC000  }
0x49: {  	[tilespmem:s11], [sflag:$0x1] =	stream.linear.gather [hbm4b:s20+s4], $0x4000, $0x38;
	[tilespmem:$0x1F400] =	vst v63  }
0x4a: {  	_ =	swait.ge [sflag:s7], $0x4000  }
0x4b: {  	[sflag:s7] =	ssyncset.done $0x0  }
0x4c: {  	s21 =	sadd.s32 s28, s21;
	[sflag:s7] =	ssyncadd.s32 $0xFFFFC000  }
0x4d: {  	[tilespmem:s13], [sflag:$0x1] =	stream.linear.gather [hbm4b:s21+s4], $0x4000, $0x38;
	[tilespmem:$0x1F400] =	vst v63  }
0x4e: {  	_ =	swait.ge [sflag:s7], $0x4000  }
0x4f: {  	[sflag:s7] =	ssyncset.done $0x0  }
0x50: {  	s22 =	simm.s32 $0x180;
	[sflag:s7] =	ssyncadd.s32 $0xFFFFC000  }
0x51: {  	[spmem:s1] =	stream.indirect.scatter.add.f32 [tilespmem:s11], [sflag:$0x1], $0x80, s22, s14, $0xb8;
	[tilespmem:$0x1F400] =	vst v63  }
0x52: {  	_ =	swait.ge [sflag:s7], $0x4000  }
0x53: {  	[sflag:s7] =	ssyncset.done $0x0  }
0x54: {  	[sflag:s7] =	ssyncadd.s32 $0xFFFFC000  }
0x55: {  	[spmem:s3] =	stream.indirect.scatter.add.f32 [tilespmem:s13], [sflag:$0x1], $0x80, s22, s14, $0xb8;
	[tilespmem:$0x1F400] =	vst v63  }
0x56: {  	_ =	swait.ge [sflag:s7], $0x4000  }
0x57: {  	s24 =	sadd.s32 $0x2000, s29;
	[sflag:s7] =	ssyncset.done $0x0  }
0x58: {  	s23 =	sadd.s32 s26, s24;
	[sflag:s7] =	ssyncadd.s32 $0xFFFFC000  }
0x59: {  	[tilespmem:s11], [sflag:$0x1] =	stream.linear.gather [hbm4b:s23+s4], $0x4000, $0x38;
	[tilespmem:$0x1F400] =	vst v63  }
0x5a: {  	_ =	swait.ge [sflag:s7], $0x4000  }
0x5b: {  	[sflag:s7] =	ssyncset.done $0x0  }
0x5c: {  	s24 =	sadd.s32 s28, s24;
	[sflag:s7] =	ssyncadd.s32 $0xFFFFC000  }
0x5d: {  	[tilespmem:s13], [sflag:$0x1] =	stream.linear.gather [hbm4b:s24+s4], $0x4000, $0x38;
	[tilespmem:$0x1F400] =	vst v63  }
0x5e: {  	_ =	swait.ge [sflag:s7], $0x4000  }
0x5f: {  	[sflag:s7] =	ssyncset.done $0x0  }
0x60: {  	s25 =	simm.s32 $0x200;
	[sflag:s7] =	ssyncadd.s32 $0xFFFFC000  }
0x61: {  	[spmem:s1] =	stream.indirect.scatter.add.f32 [tilespmem:s11], [sflag:$0x1], $0x80, s25, s14, $0xb8;
	[tilespmem:$0x1F400] =	vst v63  }
0x62: {  	_ =	swait.ge [sflag:s7], $0x4000  }
0x63: {  	[sflag:s7] =	ssyncset.done $0x0  }
0x64: {  	[sflag:s7] =	ssyncadd.s32 $0xFFFFC000  }
0x65: {  	[spmem:s3] =	stream.indirect.scatter.add.f32 [tilespmem:s13], [sflag:$0x1], $0x80, s25, s14, $0xb8;
	[tilespmem:$0x1F400] =	vst v63  }
0x66: {  	_ =	swait.ge [sflag:s7], $0x4000  }
0x67: {  	s29 =	sadd.s32 $0x2800, s29;
	[sflag:s7] =	ssyncset.done $0x0  }
0x68: {  	s26 =	sadd.s32 s26, s29;
	[sflag:s7] =	ssyncadd.s32 $0xFFFFC000  }
0x69: {  	[tilespmem:s11], [sflag:$0x1] =	stream.linear.gather [hbm4b:s26+s4], $0x4000, $0x38;
	[tilespmem:$0x1F400] =	vst v63  }
0x6a: {  	_ =	swait.ge [sflag:s7], $0x4000  }
0x6b: {  	[sflag:s7] =	ssyncset.done $0x0  }
0x6c: {  	s28 =	sadd.s32 s28, s29;
	[sflag:s7] =	ssyncadd.s32 $0xFFFFC000  }
0x6d: {  	[tilespmem:s13], [sflag:$0x1] =	stream.linear.gather [hbm4b:s28+s4], $0x4000, $0x38;
	[tilespmem:$0x1F400] =	vst v63  }
0x6e: {  	_ =	swait.ge [sflag:s7], $0x4000  }
0x6f: {  	s31 =	smul.u32 $0x170, s2;
	[sflag:s7] =	ssyncset.done $0x0  }
0x70: {  	s2 =	smul.u32 $0x1700, s30;
	s29 =	simm.s32 $0x280;
	[sflag:s7] =	ssyncadd.s32 $0xFFFFC000  }
0x71: {  	[spmem:s1] =	stream.indirect.scatter.add.f32 [tilespmem:s11], [sflag:$0x1], $0x80, s29, s14, $0xb8;
	[tilespmem:$0x1F400] =	vst v63  }
0x72: {  	_ =	swait.ge [sflag:s7], $0x4000  }
0x73: {  	s2 =	sadd.s32 s31, s2;
	[sflag:s7] =	ssyncset.done $0x0  }
0x74: {  	s2 =	sshll.u32 s2, $0x4;
	[sflag:s7] =	ssyncadd.s32 $0xFFFFC000  }
0x75: {  	[spmem:s3] =	stream.indirect.scatter.add.f32 [tilespmem:s13], [sflag:$0x1], $0x80, s29, s14, $0xb8;
	[tilespmem:$0x1F400] =	vst v63  }
0x76: {  	s0 =	sadd.s32 s2, s0;
	s2 =	ssub.s32 $0x2, s30;
	_ =	swait.ge [sflag:s7], $0x4000  }
0x77: {  	s31 =	sshrl.u32 s2, $0x1;
	[sflag:s7] =	ssyncset.done $0x0  }
0x78: {  	s2 =	ssub.s32 s2, s31;
	[sflag:s7] =	ssyncadd.s32 $0xFFFFC000  }
0x79: {  	s30 =	sadd.s32 $0x24D800, s0;
	s2 =	smax.u32 s2, $0x1;
	[bflag:$0x0] =	sbarrier.arrive $0xFFFF  }
0x7a: {  	[hbm:s30], [sflag:s6] =	dma.local [spmem:s8], $0x1700  }
0x7b: {  	p0 =	sne.s32 s2, $0x1;
	_ =	swait.ge [sflag:s7], $0x1700  }
.Ltmp0:
0x7c: {  	[sflag:s7] =	ssyncset.done $0x0;
	(pc) =	sbr.rel @!p0 .LBB2_2-.Ltmp0, $4  }
0x7d: {  	s31 =	sadd.s32 $0x27B800, s0;
	[sflag:s7] =	ssyncadd.s32 $0xFFFFE900  }
0x7e: {  	[hbm:s31], [sflag:s6] =	dma.local [spmem:s9], $0x1700  }
0x7f: {  	_ =	swait.ge [sflag:s7], $0x1700  }
0x80: {  	s0 =	sadd.s32 $0xFFFFFFFF, s2;
	[sflag:s7] =	ssyncset.done $0x0  }
.LBB2_1:
0x81: {  	[sflag:s7] =	ssyncadd.s32 $0xFFFFE900  }
0x82: {  	[spmem:s8], [sflag:s6] =	dma.local [hbm:s5], $0x1700  }
0x83: {  	_ =	swait.ge [sflag:s7], $0x1700  }
0x84: {  	[sflag:s7] =	ssyncset.done $0x0  }
0x85: {  	[sflag:s7] =	ssyncadd.s32 $0xFFFFE900  }
0x86: {  	[spmem:s9], [sflag:s6] =	dma.local [hbm:s5], $0x1700  }
0x87: {  	_ =	swait.ge [sflag:s7], $0x1700  }
0x88: {  	[sflag:s7] =	ssyncset.done $0x0  }
0x89: {  	[sflag:s7] =	ssyncadd.s32 $0xFFFFE900  }
0x8a: {  	[bflag:$0x0] =	sbarrier.arrive $0xFFFF  }
0x8b: {  	s2 =	rddreg [dreg:$0x5]  }
0x8c: {  	[tilespmem:s4], [sflag:$0x1] =	stream.linear.gather [hbm4b:s2+s4], $0x300, $0x38;
	[tilespmem:$0x1F400] =	vst v63  }
0x8d: {  	_ =	swait.ge [sflag:s7], $0x300  }
0x8e: {  	[sflag:s7] =	ssyncset.done $0x0  }
0x8f: {  	[sflag:s7] =	ssyncadd.s32 $0xFFFFFD00  }
0x90: {  	[tilespmem:s11], [sflag:$0x1] =	stream.linear.gather [hbm4b:s10+s4], $0x4000, $0x38;
	[tilespmem:$0x1F400] =	vst v63  }
0x91: {  	_ =	swait.ge [sflag:s7], $0x4000  }
0x92: {  	[sflag:s7] =	ssyncset.done $0x0  }
0x93: {  	[sflag:s7] =	ssyncadd.s32 $0xFFFFC000  }
0x94: {  	[tilespmem:s13], [sflag:$0x1] =	stream.linear.gather [hbm4b:s12+s4], $0x4000, $0x38;
	[tilespmem:$0x1F400] =	vst v63  }
0x95: {  	_ =	swait.ge [sflag:s7], $0x4000  }
0x96: {  	[sflag:s7] =	ssyncset.done $0x0  }
0x97: {  	[sflag:s7] =	ssyncadd.s32 $0xFFFFC000  }
0x98: {  	[spmem:s1] =	stream.indirect.scatter.add.f32 [tilespmem:s11], [sflag:$0x1], $0x80, s4, s14, $0xb8;
	[tilespmem:$0x1F400] =	vst v63  }
0x99: {  	_ =	swait.ge [sflag:s7], $0x4000  }
0x9a: {  	[sflag:s7] =	ssyncset.done $0x0  }
0x9b: {  	[sflag:s7] =	ssyncadd.s32 $0xFFFFC000  }
0x9c: {  	[spmem:s3] =	stream.indirect.scatter.add.f32 [tilespmem:s13], [sflag:$0x1], $0x80, s4, s14, $0xb8;
	[tilespmem:$0x1F400] =	vst v63  }
0x9d: {  	_ =	swait.ge [sflag:s7], $0x4000  }
0x9e: {  	[sflag:s7] =	ssyncset.done $0x0  }
0x9f: {  	[sflag:s7] =	ssyncadd.s32 $0xFFFFC000  }
0xa0: {  	[tilespmem:s11], [sflag:$0x1] =	stream.linear.gather [hbm4b:s15+s4], $0x4000, $0x38;
	[tilespmem:$0x1F400] =	vst v63  }
0xa1: {  	_ =	swait.ge [sflag:s7], $0x4000  }
0xa2: {  	[sflag:s7] =	ssyncset.done $0x0  }
0xa3: {  	[sflag:s7] =	ssyncadd.s32 $0xFFFFC000  }
0xa4: {  	[tilespmem:s13], [sflag:$0x1] =	stream.linear.gather [hbm4b:s16+s4], $0x4000, $0x38;
	[tilespmem:$0x1F400] =	vst v63  }
0xa5: {  	_ =	swait.ge [sflag:s7], $0x4000  }
0xa6: {  	[sflag:s7] =	ssyncset.done $0x0  }
0xa7: {  	[sflag:s7] =	ssyncadd.s32 $0xFFFFC000  }
0xa8: {  	[spmem:s1] =	stream.indirect.scatter.add.f32 [tilespmem:s11], [sflag:$0x1], $0x80, s14, s14, $0xb8;
	[tilespmem:$0x1F400] =	vst v63  }
0xa9: {  	_ =	swait.ge [sflag:s7], $0x4000  }
0xaa: {  	[sflag:s7] =	ssyncset.done $0x0  }
0xab: {  	[sflag:s7] =	ssyncadd.s32 $0xFFFFC000  }
0xac: {  	[spmem:s3] =	stream.indirect.scatter.add.f32 [tilespmem:s13], [sflag:$0x1], $0x80, s14, s14, $0xb8;
	[tilespmem:$0x1F400] =	vst v63  }
0xad: {  	_ =	swait.ge [sflag:s7], $0x4000  }
0xae: {  	[sflag:s7] =	ssyncset.done $0x0  }
0xaf: {  	[sflag:s7] =	ssyncadd.s32 $0xFFFFC000  }
0xb0: {  	[tilespmem:s11], [sflag:$0x1] =	stream.linear.gather [hbm4b:s17+s4], $0x4000, $0x38;
	[tilespmem:$0x1F400] =	vst v63  }
0xb1: {  	_ =	swait.ge [sflag:s7], $0x4000  }
0xb2: {  	[sflag:s7] =	ssyncset.done $0x0  }
0xb3: {  	[sflag:s7] =	ssyncadd.s32 $0xFFFFC000  }
0xb4: {  	[tilespmem:s13], [sflag:$0x1] =	stream.linear.gather [hbm4b:s18+s4], $0x4000, $0x38;
	[tilespmem:$0x1F400] =	vst v63  }
0xb5: {  	_ =	swait.ge [sflag:s7], $0x4000  }
0xb6: {  	[sflag:s7] =	ssyncset.done $0x0  }
0xb7: {  	[sflag:s7] =	ssyncadd.s32 $0xFFFFC000  }
0xb8: {  	[spmem:s1] =	stream.indirect.scatter.add.f32 [tilespmem:s11], [sflag:$0x1], $0x80, s19, s14, $0xb8;
	[tilespmem:$0x1F400] =	vst v63  }
0xb9: {  	_ =	swait.ge [sflag:s7], $0x4000  }
0xba: {  	[sflag:s7] =	ssyncset.done $0x0  }
0xbb: {  	[sflag:s7] =	ssyncadd.s32 $0xFFFFC000  }
0xbc: {  	[spmem:s3] =	stream.indirect.scatter.add.f32 [tilespmem:s13], [sflag:$0x1], $0x80, s19, s14, $0xb8;
	[tilespmem:$0x1F400] =	vst v63  }
0xbd: {  	_ =	swait.ge [sflag:s7], $0x4000  }
0xbe: {  	[sflag:s7] =	ssyncset.done $0x0  }
0xbf: {  	[sflag:s7] =	ssyncadd.s32 $0xFFFFC000  }
0xc0: {  	[tilespmem:s11], [sflag:$0x1] =	stream.linear.gather [hbm4b:s20+s4], $0x4000, $0x38;
	[tilespmem:$0x1F400] =	vst v63  }
0xc1: {  	_ =	swait.ge [sflag:s7], $0x4000  }
0xc2: {  	[sflag:s7] =	ssyncset.done $0x0  }
0xc3: {  	[sflag:s7] =	ssyncadd.s32 $0xFFFFC000  }
0xc4: {  	[tilespmem:s13], [sflag:$0x1] =	stream.linear.gather [hbm4b:s21+s4], $0x4000, $0x38;
	[tilespmem:$0x1F400] =	vst v63  }
0xc5: {  	_ =	swait.ge [sflag:s7], $0x4000  }
0xc6: {  	[sflag:s7] =	ssyncset.done $0x0  }
0xc7: {  	[sflag:s7] =	ssyncadd.s32 $0xFFFFC000  }
0xc8: {  	[spmem:s1] =	stream.indirect.scatter.add.f32 [tilespmem:s11], [sflag:$0x1], $0x80, s22, s14, $0xb8;
	[tilespmem:$0x1F400] =	vst v63  }
0xc9: {  	_ =	swait.ge [sflag:s7], $0x4000  }
0xca: {  	[sflag:s7] =	ssyncset.done $0x0  }
0xcb: {  	[sflag:s7] =	ssyncadd.s32 $0xFFFFC000  }
0xcc: {  	[spmem:s3] =	stream.indirect.scatter.add.f32 [tilespmem:s13], [sflag:$0x1], $0x80, s22, s14, $0xb8;
	[tilespmem:$0x1F400] =	vst v63  }
0xcd: {  	_ =	swait.ge [sflag:s7], $0x4000  }
0xce: {  	[sflag:s7] =	ssyncset.done $0x0  }
0xcf: {  	[sflag:s7] =	ssyncadd.s32 $0xFFFFC000  }
0xd0: {  	[tilespmem:s11], [sflag:$0x1] =	stream.linear.gather [hbm4b:s23+s4], $0x4000, $0x38;
	[tilespmem:$0x1F400] =	vst v63  }
0xd1: {  	_ =	swait.ge [sflag:s7], $0x4000  }
0xd2: {  	[sflag:s7] =	ssyncset.done $0x0  }
0xd3: {  	[sflag:s7] =	ssyncadd.s32 $0xFFFFC000  }
0xd4: {  	[tilespmem:s13], [sflag:$0x1] =	stream.linear.gather [hbm4b:s24+s4], $0x4000, $0x38;
	[tilespmem:$0x1F400] =	vst v63  }
0xd5: {  	_ =	swait.ge [sflag:s7], $0x4000  }
0xd6: {  	[sflag:s7] =	ssyncset.done $0x0  }
0xd7: {  	[sflag:s7] =	ssyncadd.s32 $0xFFFFC000  }
0xd8: {  	[spmem:s1] =	stream.indirect.scatter.add.f32 [tilespmem:s11], [sflag:$0x1], $0x80, s25, s14, $0xb8;
	[tilespmem:$0x1F400] =	vst v63  }
0xd9: {  	_ =	swait.ge [sflag:s7], $0x4000  }
0xda: {  	[sflag:s7] =	ssyncset.done $0x0  }
0xdb: {  	[sflag:s7] =	ssyncadd.s32 $0xFFFFC000  }
0xdc: {  	[spmem:s3] =	stream.indirect.scatter.add.f32 [tilespmem:s13], [sflag:$0x1], $0x80, s25, s14, $0xb8;
	[tilespmem:$0x1F400] =	vst v63  }
0xdd: {  	_ =	swait.ge [sflag:s7], $0x4000  }
0xde: {  	[sflag:s7] =	ssyncset.done $0x0  }
0xdf: {  	[sflag:s7] =	ssyncadd.s32 $0xFFFFC000  }
0xe0: {  	[tilespmem:s11], [sflag:$0x1] =	stream.linear.gather [hbm4b:s26+s4], $0x4000, $0x38;
	[tilespmem:$0x1F400] =	vst v63  }
0xe1: {  	_ =	swait.ge [sflag:s7], $0x4000  }
0xe2: {  	[sflag:s7] =	ssyncset.done $0x0  }
0xe3: {  	[sflag:s7] =	ssyncadd.s32 $0xFFFFC000  }
0xe4: {  	[tilespmem:s13], [sflag:$0x1] =	stream.linear.gather [hbm4b:s28+s4], $0x4000, $0x38;
	[tilespmem:$0x1F400] =	vst v63  }
0xe5: {  	_ =	swait.ge [sflag:s7], $0x4000  }
0xe6: {  	[sflag:s7] =	ssyncset.done $0x0  }
0xe7: {  	[sflag:s7] =	ssyncadd.s32 $0xFFFFC000  }
0xe8: {  	[spmem:s1] =	stream.indirect.scatter.add.f32 [tilespmem:s11], [sflag:$0x1], $0x80, s29, s14, $0xb8;
	[tilespmem:$0x1F400] =	vst v63  }
0xe9: {  	_ =	swait.ge [sflag:s7], $0x4000  }
0xea: {  	[sflag:s7] =	ssyncset.done $0x0  }
0xeb: {  	[sflag:s7] =	ssyncadd.s32 $0xFFFFC000  }
0xec: {  	[spmem:s3] =	stream.indirect.scatter.add.f32 [tilespmem:s13], [sflag:$0x1], $0x80, s29, s14, $0xb8;
	[tilespmem:$0x1F400] =	vst v63  }
0xed: {  	_ =	swait.ge [sflag:s7], $0x4000  }
0xee: {  	[sflag:s7] =	ssyncset.done $0x0  }
0xef: {  	[sflag:s7] =	ssyncadd.s32 $0xFFFFC000  }
0xf0: {  	[bflag:$0x0] =	sbarrier.arrive $0xFFFF  }
0xf1: {  	[hbm:s30], [sflag:s6] =	dma.local [spmem:s8], $0x1700  }
0xf2: {  	p0 =	sne.s32 s0, $0x1;
	_ =	swait.ge [sflag:s7], $0x1700  }
.Ltmp1:
0xf3: {  	[sflag:s7] =	ssyncset.done $0x0;
	(pc) =	sbr.rel @p0 .LBB2_1-.Ltmp1, $4  }
0xf4: {  	[sflag:s7] =	ssyncadd.s32 $0xFFFFE900  }
0xf5: {  	[hbm:s31], [sflag:s6] =	dma.local [spmem:s9], $0x1700  }
0xf6: {  	_ =	swait.ge [sflag:s7], $0x1700  }
0xf7: {  	s0 =	sadd.s32 $0xFFFFFFFF, s0;
	[sflag:s7] =	ssyncset.done $0x0  }
.LBB2_2:
0xf8: {  	[sflag:s7] =	ssyncadd.s32 $0xFFFFE900  }
0xf9: {  	_ =	sfence.sel $0x180000  }
0xfa: {  	[bflag:$0x0] =	sbarrier.arrive $0xFFFF  }
0xfb: {  	_ =	strace $0x90000047  }
0xfc: {  	s0 =	stileid.u32;
	[bflag:$0x2] =	sbarrier.arrive $0xFFFF  }
0xfd: {  	p0 =	sne.s32 s0, $0x0;
	s0 =	rddreg [dreg:$0x4]  }
0xfe: {  	s0 =	sadd.s32 @!p0 $0x100000, s0  }
0xff: {  	[sflag:s0] =	ssyncadd.tile.s32 @!p0 $0x1;
	_ =	shalt  }
.Lfunc_end2:
_tile_overlayer_lowered:
.L_overlay_start_2:
0x100: {  	(tag) =	ssettag $0x2  }
0x101: {  	s0 =	rddreg [dreg:$0x0];
	s2 =	stileid.u32  }
0x102: {  	s1 =	rddreg [dreg:$0x1];
	p0 =	sne.s32 s2, $0x0  }
0x103: {  	s3 =	rddreg [dreg:$0x2];
	[bflag:$0x3] =	sbarrier.arrive $0xFFFF;
	s2 =	simm.s32 @!p0 $0x1C01  }
0x104: {  	[timem:s3], [sflag:s2] =	dma.local @!p0 [hbm:s0], s1  }
0x105: {  	s0 =	simm.s32 @!p0 $0x1  }
0x106: {  	_ =	swait.ge @!p0 [sflag:s0], s1  }
0x107: {  	s1 =	ssub.s32 @!p0 $0x0, s1;
	[sflag:s0] =	ssyncset.done @!p0 $0x0  }
0x108: {  	[sflag:s0] =	ssyncadd.s32 @!p0 s1  }
0x109: {  	[bflag:$0x3] =	sbarrier.arrive $0xFFFF  }
0x10a: {  	_ =	shalt  }

// kernel: kernel.9.cloned.1.call-start
scs
__scs_entry_jumppad:
0x0: {  	(pc) =	sbr.rel $0x88, $3  }
0x1: {  	(tag) =	ssettag $0x0;
	lr =	simm.s32 $0x1  }
0x2: {  	[smem:$0x3F82] =	sst lr;
	_ =	strace $0xD0000000  }
0x3: {  	_ = 	snop  }
0x4: {  	_ = 	snop  }
0x5: {  	_ = 	snop  }
0x6: {  	_ = 	snop  }
0x7: {  	_ = 	snop  }
__scs_overlays_trampoline_lowered:
0x8: {  	[smem:$0x3F91] =	sst s0  }
0x9: {  	[smem:$0x3F92] =	sst s1  }
0xa: {  	[smem:$0x3F93] =	sst s2  }
0xb: {  	[smem:$0x3F94] =	sst s3  }
0xc: {  	[smem:$0x3F95] =	sst s4  }
0xd: {  	[smem:$0x3F96] =	sst s5  }
0xe: {  	[smem:$0x3F97] =	sst s6  }
0xf: {  	[smem:$0x3F98] =	sst s7  }
0x10: {  	[smem:$0x3F99] =	sst s8  }
0x11: {  	[smem:$0x3F9A] =	sst s9;
	s0 =	simm.s32 @!p0 $0x0  }
0x12: {  	s1 =	sld [smem:$0x3F80];
	s0 =	simm.s32 @p0 $0x1  }
0x13: {  	[smem:$0x3F9B] =	sst s0;
	s0 =	simm.s32 @!p1 $0x0  }
0x14: {  	s2 =	sld [smem:$0x3F7F];
	s0 =	simm.s32 @p1 $0x1  }
0x15: {  	[smem:$0x3F9C] =	sst s0;
	s0 =	simm.s32 @!p2 $0x0  }
0x16: {  	s3 =	sld [smem:$0x3FDB];
	s0 =	simm.s32 @p2 $0x1  }
0x17: {  	s4 =	simm.s32 $0x1BF5;
	[smem:$0x3F9E] =	sst s0  }
0x18: {  	s0 =	sld [smem:$0x3F81];
	_ =	swait.ge [sflag:s4], $0x0  }
0x19: {  	s7 =	sld [smem:$0x3F82]  }
0x1a: {  	s8 =	sadd.s32 $0xFFFFE003, lr  }
0x1b: {  	s9 =	sadd.s32 $0xFFFFFEF7, lr;
	s5 =	simm.s32 $0xFFFFFFFF;
	p2 =	slt.u32 s8, $0xFFFFF086  }
0x1c: {  	p1 =	slt.u32 s9, $0xF7A;
	s5 =	simm.s32 @!p2 $0x0  }
0x1d: {  	s5 =	simm.s32 @p1 $0x1;
	p0 =	seq.s32 s7, s2  }
0x1e: {  	s7 =	smul.u32 @!p0 $0xF7A, s2;
	p2 =	seq.s32 @!p0 s5, $0x0  }
0x1f: {  	s9 =	smul.u32 $0xF7A, s1;
	s8 =	simm.s32 @!p0 $0x1BF5;
	p2 =	por !p2, p0  }
0x20: {  	[sflag:s8] =	ssyncset.s32 @!p0 $0xFFFFF086;
	s6 =	sadd.s32 @!p0 s3, s7;
	s7 =	simm.s32 @!p0 $0x108  }
0x21: {  	s3 =	sadd.s32 s3, s9;
	s6 =	sadd.s32 @!p0 $0x88, s6;
	s7 =	simm.s32 @p2 $0x1082  }
0x22: {  	[simem:s7], [sflag:s8] =	dma.local @!p0 [hbm:s6], $0xF7A  }
0x23: {  	s9 =	sor.u32 $0xD0000000, s2;
	s6 =	simm.s32 $0x108;
	_ =	swait.ge @!p0 [sflag:s8], $0x0  }
0x24: {  	s3 =	sadd.s32 $0x88, s3;
	s6 =	simm.s32 @!p1 $0x1082;
	[sflag:s4] =	ssyncset.s32 $0xFFFFF086  }
0x25: {  	[simem:s6], [sflag:s4] =	dma.local [hbm:s3], $0xF7A  }
0x26: {  	[smem:$0x3F82] =	sst s1;
	(tag) =	ssettag s2;
	_ =	strace s9  }
0x27: {  	s1 =	sld [smem:$0x3F92]  }
0x28: {  	s2 =	sld [smem:$0x3F93]  }
0x29: {  	s4 =	sld [smem:$0x3F95]  }
0x2a: {  	p0 =	seq.s32 s5, $0x0;
	s5 =	sld [smem:$0x3F96]  }
0x2b: {  	s6 =	sld [smem:$0x3F97]  }
0x2c: {  	s7 =	sld [smem:$0x3F98]  }
0x2d: {  	s3 =	simm.s32 $0x108;
	s8 =	sld [smem:$0x3F99]  }
0x2e: {  	s3 =	simm.s32 @!p0 $0x1082;
	s9 =	sld [smem:$0x3F9A]  }
0x2f: {  	lr =	sadd.s32 s0, s3;
	s0 =	sld [smem:$0x3F91]  }
0x30: {  	s3 =	sld [smem:$0x3F94]  }
0x31: {  	[smem:$0x3F9D] =	sst s10  }
0x32: {  	s10 =	sld [smem:$0x3F9B];
	_ =	sdelay $0x3  }
0x33: {  	p0 =	seq.s32 s10, $0x1;
	s10 =	sld [smem:$0x3F9D];
	_ =	sdelay $0x3  }
0x34: {  	[smem:$0x3F9D] =	sst s10  }
0x35: {  	s10 =	sld [smem:$0x3F9C];
	_ =	sdelay $0x3  }
0x36: {  	p1 =	seq.s32 s10, $0x1;
	s10 =	sld [smem:$0x3F9D];
	_ =	sdelay $0x3  }
0x37: {  	[smem:$0x3F9D] =	sst s10  }
0x38: {  	s10 =	sld [smem:$0x3F9E]  }
0x39: {  	_ = 	snop;
	(pc) =	sbr.ind lr, $3  }
0x3a: {  	_ = 	snop  }
0x3b: {  	_ = 	snop  }
0x3c: {  	p2 =	seq.s32 s10, $0x1;
	s10 =	sld [smem:$0x3F9D]  }
0x3d: {  	_ =	shalt  }
0x3e: {  	_ =	shalt  }
0x3f: {  	_ =	shalt  }
0x40: {  	_ =	shalt  }
0x41: {  	_ =	shalt  }
0x42: {  	_ =	shalt  }
0x43: {  	_ =	shalt  }
0x44: {  	_ =	shalt  }
0x45: {  	_ =	shalt  }
0x46: {  	_ =	shalt  }
0x47: {  	_ =	shalt  }
0x48: {  	_ =	shalt  }
0x49: {  	_ =	shalt  }
0x4a: {  	_ =	shalt  }
0x4b: {  	_ =	shalt  }
0x4c: {  	_ =	shalt  }
0x4d: {  	_ =	shalt  }
0x4e: {  	_ =	shalt  }
0x4f: {  	_ =	shalt  }
0x50: {  	_ =	shalt  }
0x51: {  	_ =	shalt  }
0x52: {  	_ =	shalt  }
0x53: {  	_ =	shalt  }
0x54: {  	_ =	shalt  }
0x55: {  	_ =	shalt  }
0x56: {  	_ =	shalt  }
0x57: {  	_ =	shalt  }
0x58: {  	_ =	shalt  }
0x59: {  	_ =	shalt  }
0x5a: {  	_ =	shalt  }
0x5b: {  	_ =	shalt  }
0x5c: {  	_ =	shalt  }
0x5d: {  	_ =	shalt  }
0x5e: {  	_ =	shalt  }
0x5f: {  	_ =	shalt  }
0x60: {  	_ =	shalt  }
0x61: {  	_ =	shalt  }
0x62: {  	_ =	shalt  }
0x63: {  	_ =	shalt  }
0x64: {  	_ =	shalt  }
0x65: {  	_ =	shalt  }
0x66: {  	_ =	shalt  }
0x67: {  	_ =	shalt  }
0x68: {  	_ =	shalt  }
0x69: {  	_ =	shalt  }
0x6a: {  	_ =	shalt  }
0x6b: {  	_ =	shalt  }
0x6c: {  	_ =	shalt  }
0x6d: {  	_ =	shalt  }
0x6e: {  	_ =	shalt  }
0x6f: {  	_ =	shalt  }
0x70: {  	_ =	shalt  }
0x71: {  	_ =	shalt  }
0x72: {  	_ =	shalt  }
0x73: {  	_ =	shalt  }
0x74: {  	_ =	shalt  }
0x75: {  	_ =	shalt  }
0x76: {  	_ =	shalt  }
0x77: {  	_ =	shalt  }
0x78: {  	_ =	shalt  }
0x79: {  	_ =	shalt  }
0x7a: {  	_ =	shalt  }
0x7b: {  	_ =	shalt  }
0x7c: {  	_ =	shalt  }
0x7d: {  	_ =	shalt  }
0x7e: {  	_ =	shalt  }
0x7f: {  	_ =	shalt  }
0x80: {  	_ =	shalt  }
0x81: {  	_ =	shalt  }
0x82: {  	_ =	shalt  }
0x83: {  	_ =	shalt  }
0x84: {  	_ =	shalt  }
0x85: {  	_ =	shalt  }
0x86: {  	_ =	shalt  }
0x87: {  	_ =	shalt  }
.Lfunc_end0:
.L_simem_size_0:
called_computation_lowered:
.L_overlay_start_0:
0x88: {  	s2 =	sld [smem:$0x3FD9]  }
0x89: {  	s3 =	sld [smem:$0x3FFE];
	_ =	sdelay $0x1  }
0x8a: {  	s1 =	srdreg.scid  }
0x8b: {  	s0 =	sand.u32 $0x1, s1  }
0x8c: {  	s17 =	sshll.u32 s0, $0xA;
	s2 =	sadd.s32 s3, s2  }
0x8d: {  	s2 =	sadd.s32 s2, s17  }
0x8e: {  	[smem:$0x3FA9] =	sst s2  }
0x8f: {  	_ = 	snop  }
0x90: {  	s18 =	sld [smem:$0x3FD0];
	(tm) =	ssettm $0x1  }
0x91: {  	s19 =	sld [smem:$0x3FFB];
	_ =	sdelay $0x3  }
0x92: {  	_ =	strace s19  }
0x93: {  	s2 =	sld [smem:$0x3FFC];
	_ =	sdelay $0x3  }
0x94: {  	_ =	strace s2  }
0x95: {  	s2 =	sld [smem:$0x3FFD];
	_ =	sdelay $0x3  }
0x96: {  	_ =	strace s2  }
0x97: {  	_ =	strace $0x8FFFFFFF  }
0x98: {  	s20 =	sld [smem:$0x3FDB];
	_ =	sdelay $0x1  }
0x99: {  	s4 =	simm.s32 $_scs_section_size  }
0x9a: {  	s5 =	simm.s32 $_size__tile_overlayer_lowered;
	s6 =	simm.s32 $_tile_overlayer_lowered  }
0x9b: {  	s7 =	simm.s32 $0x1BFF;
	s21 =	sshll.u32 s6, $0x1;
	s4 =	sadd.s32 s4, s20  }
0x9c: {  	s22 =	simm.s32 $0x0;
	s5 =	sshll.u32 s5, $0x1;
	s6 =	sadd.s32 s21, s4  }
0x9d: {  	[timem:s22], [sflag:s7] =	dma.local [hbm:s6], s5  }
0x9e: {  	_ =	swait.ge [sflag:s7], s5  }
0x9f: {  	s5 =	ssub.s32 $0x0, s5;
	[sflag:s7] =	ssyncset.done $0x0  }
0xa0: {  	[sflag:s7] =	ssyncadd.s32 s5;
	_ =	sdelay $0x1  }
0xa1: {  	s23 =	simm.s32 $0x1B8B  }
0xa2: {  	_ =	swait.ge [sflag:s23], $0x1  }
0xa3: {  	[sflag:s23] =	ssyncset.done $0x0  }
0xa4: {  	[sflag:s23] =	ssyncadd.s32 $0xFFFFFFFF  }
0xa5: {  	s5 =	sld [smem:$0x0]  }
0xa6: {  	s6 =	sand.u32 $0xFFFFFFFE, s1  }
0xa7: {  	p0 =	sne.s32 s1, s6  }
0xa8: {  	s6 =	sshll.u32 @p0 s6, $0xE  }
0xa9: {  	s6 =	sadd.s32 @p0 $0x11B8D, s6;
	s7 =	sshll.u32 @p0 s5, $0x11  }
0xaa: {  	s6 =	sor.u32 @p0 s7, s6  }
0xab: {  	[sflag:s6] =	ssyncadd.remote.s32 @p0 $0x1;
	_ =	sdelay $0x1  }
0xac: {  	s6 =	simm.s32 @p0 $0x1B8D  }
0xad: {  	_ =	swait.eq @p0 [sflag:s6], $0x1  }
0xae: {  	[sflag:s6] =	ssyncadd.s32 @p0 $0xFFFFFFFF  }
0xaf: {  	s7 =	sshll.u32 @!p0 s1, $0xE  }
0xb0: {  	s7 =	sor.u32 @!p0 $0x4000, s7;
	s6 =	simm.s32 @!p0 $0x1B8D  }
0xb1: {  	s5 =	sshll.u32 @!p0 s5, $0x11;
	s7 =	sadd.s32 @!p0 $0x11B8D, s7;
	_ =	swait.eq @!p0 [sflag:s6], $0x1  }
0xb2: {  	s5 =	sor.u32 @!p0 s5, s7;
	[sflag:s6] =	ssyncadd.s32 @!p0 $0xFFFFFFFF  }
0xb3: {  	s25 =	simm.s32 $0x1B8E;
	s24 =	sld [smem:$0x3FFE];
	[sflag:s5] =	ssyncadd.remote.s32 @!p0 $0x1  }
0xb4: {  	s26 =	simm.s32 $execute0_lowered;
	[smem:$0x3FD2] =	sst s25  }
0xb5: {  	s6 =	sshll.u32 s26, $0x1;
	_ =	strace $0x8000004C;
	[dreg:$0x1] =	wrdreg $0xFFFFFFFF  }
0xb6: {  	s28 =	simm.s32 $_size_execute0_lowered;
	s4 =	sadd.s32 s4, s6;
	[dreg:$0x0] =	wrdreg $0x0  }
0xb7: {  	s6 =	sshll.u32 s28, $0x1;
	[dreg:$0x2] =	wrdreg s4  }
0xb8: {  	[dreg:$0x3] =	wrdreg s6  }
0xb9: {  	[dreg:$0x4] =	wrdreg $0xC0  }
0xba: {  	_ =	task [dreg:s22], $0x5FFFF  }
0xbb: {  	[dreg:$0x1] =	wrdreg $0xFFFFFFFF  }
0xbc: {  	[dreg:$0x0] =	wrdreg $0x60  }
0xbd: {  	[dreg:$0x2] =	wrdreg s24  }
0xbe: {  	[dreg:$0x3] =	wrdreg s18  }
0xbf: {  	[dreg:$0x4] =	wrdreg $0x88000  }
0xc0: {  	[dreg:$0x5] =	wrdreg $0x140000  }
0xc1: {  	[dreg:$0x6] =	wrdreg $0x9  }
0xc2: {  	_ =	task.clear_ibuf [dreg:s22], $0x7FFFF;
	_ =	strace $0x9000004C  }
0xc3: {  	s29 =	simm.s32 $0x9;
	_ =	strace $0x8000004E  }
0xc4: {  	_ =	swait.ge [sflag:s29], $0x1  }
0xc5: {  	[sflag:s29] =	ssyncadd.s32 $0xFFFFFFFF  }
0xc6: {  	_ =	strace $0x9000004E  }
0xc7: {  	_ =	sfence  }
0xc8: {  	s30 =	sld [smem:$0x0];
	_ =	sdelay $0x2  }
0xc9: {  	s31 =	sshll.u32 s1, $0xD;
	s1 =	sshrl.u32 s1, $0x2  }
0xca: {  	s4 =	sand.u32 $0x4000, s31;
	s1 =	sadd.s32 s1, s30  }
0xcb: {  	s0 =	sor.u32 s4, s0;
	s1 =	sshll.u32 s1, $0x11  }
0xcc: {  	s0 =	sor.u32 s1, s0  }
0xcd: {  	s0 =	sadd.s32 $0x8F2B, s0  }
0xce: {  	[sflag:s0] =	ssyncadd.remote.s32 $0x1  }
0xcf: {  	_ =	sfence.sel $0xFFFF  }
0xd0: {  	[dreg:$0x0] =	wrdreg $0xFFFFFFFF;
	(pc) =	sbr.abs _section_cstart, $3  }
0xd1: {  	[dreg:$0x1] =	wrdreg $0xFFFFFFFF  }
0xd2: {  	_ =	task.clear_ibuf [dreg:s22], $0x2FFFF;
	_ =	strace $0x9FFFFFFF  }
0xd3: {  	(tm) =	ssettm $0x7FFFFFFF  }
tec
execute0_lowered:
.L_overlay_start_1:
0x0: {  	(tag) =	ssettag $0x1  }
0x1: {  	s0 =	rddreg [dreg:$0x0];
	s2 =	srdreg.scid  }
0x2: {  	s5 =	rddreg [dreg:$0x1];
	s30 =	sand.u32 $0x1, s2  }
0x3: {  	s1 =	rddreg [dreg:$0x2];
	s2 =	stileid.u32;
	s6 =	sshll.u32 s30, $0x4  }
0x4: {  	s3 =	rddreg [dreg:$0x3];
	s4 =	simm.s32 $0x0;
	s6 =	sor.u32 s2, s6  }
0x5: {  	[smem:$0x7FF] =	sst s4;
	s26 =	sadd.s32 $0x5C00, s0;
	s7 =	sshll.u32 s6, $0x8  }
0x6: {  	s28 =	sadd.s32 $0x447800, s0;
	s8 =	smul.u32 $0x5000, s6;
	s7 =	sadd.s32 s7, s0  }
0x7: {  	_ =	strace $0x8000004D;
	s9 =	smul.u32 $0xB800, s2;
	s7 =	sadd.s32 $0xA5C00, s7  }
0x8: {  	s6 =	smul.u32 $0x28000, s6;
	s17 =	sadd.s32 s26, s8;
	[dreg:$0x5] =	wrdreg s7  }
0x9: {  	s18 =	sadd.s32 s28, s8;
	s8 =	sor.u32 $0x800, s8;
	[dreg:$0x6] =	wrdreg s17  }
0xa: {  	s29 =	sshrl.u32 s6, $0x3;
	[dreg:$0x7] =	wrdreg s18;
	s19 =	sadd.s32 s26, s8  }
0xb: {  	s20 =	sadd.s32 s28, s8;
	s21 =	sadd.s32 $0x1000, s29;
	[dreg:$0x8] =	wrdreg s19  }
0xc: {  	s10 =	smul.u32 $0x1700, s2;
	[dreg:$0x9] =	wrdreg s20;
	s23 =	sadd.s32 s26, s21  }
0xd: {  	s25 =	sadd.s32 $0x1800, s29;
	s24 =	sadd.s32 s28, s21;
	[dreg:$0xa] =	wrdreg s23  }
0xe: {  	s22 =	sadd.s32 s9, s1;
	s11 =	sadd.s32 s26, s25;
	[dreg:$0xb] =	wrdreg s24  }
0xf: {  	s13 =	sadd.s32 $0x2000, s29;
	s12 =	sadd.s32 s28, s25;
	[dreg:$0xc] =	wrdreg s11  }
0x10: {  	s5 =	sadd.s32 s5, s10;
	s14 =	sadd.s32 s26, s13;
	[dreg:$0xd] =	wrdreg s12  }
0x11: {  	s16 =	sadd.s32 $0x2800, s29;
	s15 =	sadd.s32 s28, s13;
	[dreg:$0xe] =	wrdreg s14  }
0x12: {  	s17 =	sshll.u32 s2, $0x6;
	s7 =	sadd.s32 s28, s16;
	[dreg:$0xf] =	wrdreg s15  }
0x13: {  	s8 =	sshrl.u32 s22, $0x3;
	s11 =	sadd.s32 s26, s16;
	[dreg:$0x11] =	wrdreg s7  }
0x14: {  	s6 =	sor.u32 $0x1C01, s17;
	s7 =	simm.s32 $0x1;
	[dreg:$0x10] =	wrdreg s11  }
0x15: {  	[spmem:s8], [sflag:s6] =	dma.local [hbm:s5], $0x1700  }
0x16: {  	_ =	swait.ge [sflag:s7], $0x1700  }
0x17: {  	s9 =	sadd.s32 s9, s3;
	[sflag:s7] =	ssyncset.done $0x0  }
0x18: {  	s9 =	sshrl.u32 s9, $0x3;
	[sflag:s7] =	ssyncadd.s32 $0xFFFFE900  }
0x19: {  	[spmem:s9], [sflag:s6] =	dma.local [hbm:s5], $0x1700  }
0x1a: {  	_ =	swait.ge [sflag:s7], $0x1700  }
0x1b: {  	[sflag:s7] =	ssyncset.done $0x0  }
0x1c: {  	[sflag:s7] =	ssyncadd.s32 $0xFFFFE900  }
0x1d: {  	[bflag:$0x0] =	sbarrier.arrive $0xFFFF  }
0x1e: {  	s18 =	rddreg [dreg:$0x5]  }
0x1f: {  	[tilespmem:s4], [sflag:$0x1] =	stream.linear.gather [hbm4b:s18+s4], $0x500, $0x38;
	[tilespmem:$0x1F800] =	vst v63  }
0x20: {  	_ =	swait.ge [sflag:s7], $0x500  }
0x21: {  	[sflag:s7] =	ssyncset.done $0x0  }
0x22: {  	s10 =	simm.s32 $0x800;
	s19 =	rddreg [dreg:$0x6];
	[sflag:s7] =	ssyncadd.s32 $0xFFFFFB00  }
0x23: {  	[tilespmem:s10], [sflag:$0x1] =	stream.linear.gather [hbm4b:s19+s4], $0x4000, $0x38;
	[tilespmem:$0x1F800] =	vst v63  }
0x24: {  	_ =	swait.ge [sflag:s7], $0x4000  }
0x25: {  	[sflag:s7] =	ssyncset.done $0x0  }
0x26: {  	s11 =	simm.s32 $0x4800;
	s12 =	rddreg [dreg:$0x7];
	[sflag:s7] =	ssyncadd.s32 $0xFFFFC000  }
0x27: {  	[tilespmem:s11], [sflag:$0x1] =	stream.linear.gather [hbm4b:s12+s4], $0x4000, $0x38;
	[tilespmem:$0x1F800] =	vst v63  }
0x28: {  	_ =	swait.ge [sflag:s7], $0x4000  }
0x29: {  	[sflag:s7] =	ssyncset.done $0x0  }
0x2a: {  	s12 =	simm.s32 $0x80;
	[sflag:s7] =	ssyncadd.s32 $0xFFFFC000  }
0x2b: {  	[spmem:s1] =	stream.indirect.scatter.add.f32 [tilespmem:s10], [sflag:$0x1], $0x80, s4, s12, $0xb8;
	[tilespmem:$0x1F800] =	vst v63  }
0x2c: {  	_ =	swait.ge [sflag:s7], $0x4000  }
0x2d: {  	[sflag:s7] =	ssyncset.done $0x0  }
0x2e: {  	[sflag:s7] =	ssyncadd.s32 $0xFFFFC000  }
0x2f: {  	[spmem:s3] =	stream.indirect.scatter.add.f32 [tilespmem:s11], [sflag:$0x1], $0x80, s4, s12, $0xb8;
	[tilespmem:$0x1F800] =	vst v63  }
0x30: {  	_ =	swait.ge [sflag:s7], $0x4000  }
0x31: {  	[sflag:s7] =	ssyncset.done $0x0  }
0x32: {  	s13 =	rddreg [dreg:$0x8];
	[sflag:s7] =	ssyncadd.s32 $0xFFFFC000  }
0x33: {  	[tilespmem:s10], [sflag:$0x1] =	stream.linear.gather [hbm4b:s13+s4], $0x4000, $0x38;
	[tilespmem:$0x1F800] =	vst v63  }
0x34: {  	_ =	swait.ge [sflag:s7], $0x4000  }
0x35: {  	[sflag:s7] =	ssyncset.done $0x0  }
0x36: {  	s20 =	rddreg [dreg:$0x9];
	[sflag:s7] =	ssyncadd.s32 $0xFFFFC000  }
0x37: {  	[tilespmem:s11], [sflag:$0x1] =	stream.linear.gather [hbm4b:s20+s4], $0x4000, $0x38;
	[tilespmem:$0x1F800] =	vst v63  }
0x38: {  	_ =	swait.ge [sflag:s7], $0x4000  }
0x39: {  	[sflag:s7] =	ssyncset.done $0x0  }
0x3a: {  	[sflag:s7] =	ssyncadd.s32 $0xFFFFC000  }
0x3b: {  	[spmem:s1] =	stream.indirect.scatter.add.f32 [tilespmem:s10], [sflag:$0x1], $0x80, s12, s12, $0xb8;
	[tilespmem:$0x1F800] =	vst v63  }
0x3c: {  	_ =	swait.ge [sflag:s7], $0x4000  }
0x3d: {  	[sflag:s7] =	ssyncset.done $0x0  }
0x3e: {  	[sflag:s7] =	ssyncadd.s32 $0xFFFFC000  }
0x3f: {  	[spmem:s3] =	stream.indirect.scatter.add.f32 [tilespmem:s11], [sflag:$0x1], $0x80, s12, s12, $0xb8;
	[tilespmem:$0x1F800] =	vst v63  }
0x40: {  	_ =	swait.ge [sflag:s7], $0x4000  }
0x41: {  	[sflag:s7] =	ssyncset.done $0x0  }
0x42: {  	s21 =	rddreg [dreg:$0xa];
	[sflag:s7] =	ssyncadd.s32 $0xFFFFC000  }
0x43: {  	[tilespmem:s10], [sflag:$0x1] =	stream.linear.gather [hbm4b:s21+s4], $0x4000, $0x38;
	[tilespmem:$0x1F800] =	vst v63  }
0x44: {  	_ =	swait.ge [sflag:s7], $0x4000  }
0x45: {  	[sflag:s7] =	ssyncset.done $0x0  }
0x46: {  	s22 =	rddreg [dreg:$0xb];
	[sflag:s7] =	ssyncadd.s32 $0xFFFFC000  }
0x47: {  	[tilespmem:s11], [sflag:$0x1] =	stream.linear.gather [hbm4b:s22+s4], $0x4000, $0x38;
	[tilespmem:$0x1F800] =	vst v63  }
0x48: {  	_ =	swait.ge [sflag:s7], $0x4000  }
0x49: {  	[sflag:s7] =	ssyncset.done $0x0  }
0x4a: {  	s13 =	simm.s32 $0x100;
	[sflag:s7] =	ssyncadd.s32 $0xFFFFC000  }
0x4b: {  	[spmem:s1] =	stream.indirect.scatter.add.f32 [tilespmem:s10], [sflag:$0x1], $0x80, s13, s12, $0xb8;
	[tilespmem:$0x1F800] =	vst v63  }
0x4c: {  	_ =	swait.ge [sflag:s7], $0x4000  }
0x4d: {  	[sflag:s7] =	ssyncset.done $0x0  }
0x4e: {  	[sflag:s7] =	ssyncadd.s32 $0xFFFFC000  }
0x4f: {  	[spmem:s3] =	stream.indirect.scatter.add.f32 [tilespmem:s11], [sflag:$0x1], $0x80, s13, s12, $0xb8;
	[tilespmem:$0x1F800] =	vst v63  }
0x50: {  	_ =	swait.ge [sflag:s7], $0x4000  }
0x51: {  	[sflag:s7] =	ssyncset.done $0x0  }
0x52: {  	s14 =	rddreg [dreg:$0xc];
	[sflag:s7] =	ssyncadd.s32 $0xFFFFC000  }
0x53: {  	[tilespmem:s10], [sflag:$0x1] =	stream.linear.gather [hbm4b:s14+s4], $0x4000, $0x38;
	[tilespmem:$0x1F800] =	vst v63  }
0x54: {  	_ =	swait.ge [sflag:s7], $0x4000  }
0x55: {  	[sflag:s7] =	ssyncset.done $0x0  }
0x56: {  	s23 =	rddreg [dreg:$0xd];
	[sflag:s7] =	ssyncadd.s32 $0xFFFFC000  }
0x57: {  	[tilespmem:s11], [sflag:$0x1] =	stream.linear.gather [hbm4b:s23+s4], $0x4000, $0x38;
	[tilespmem:$0x1F800] =	vst v63  }
0x58: {  	_ =	swait.ge [sflag:s7], $0x4000  }
0x59: {  	[sflag:s7] =	ssyncset.done $0x0  }
0x5a: {  	s14 =	simm.s32 $0x180;
	[sflag:s7] =	ssyncadd.s32 $0xFFFFC000  }
0x5b: {  	[spmem:s1] =	stream.indirect.scatter.add.f32 [tilespmem:s10], [sflag:$0x1], $0x80, s14, s12, $0xb8;
	[tilespmem:$0x1F800] =	vst v63  }
0x5c: {  	_ =	swait.ge [sflag:s7], $0x4000  }
0x5d: {  	[sflag:s7] =	ssyncset.done $0x0  }
0x5e: {  	[sflag:s7] =	ssyncadd.s32 $0xFFFFC000  }
0x5f: {  	[spmem:s3] =	stream.indirect.scatter.add.f32 [tilespmem:s11], [sflag:$0x1], $0x80, s14, s12, $0xb8;
	[tilespmem:$0x1F800] =	vst v63  }
0x60: {  	_ =	swait.ge [sflag:s7], $0x4000  }
0x61: {  	[sflag:s7] =	ssyncset.done $0x0  }
0x62: {  	s15 =	rddreg [dreg:$0xe];
	[sflag:s7] =	ssyncadd.s32 $0xFFFFC000  }
0x63: {  	[tilespmem:s10], [sflag:$0x1] =	stream.linear.gather [hbm4b:s15+s4], $0x4000, $0x38;
	[tilespmem:$0x1F800] =	vst v63  }
0x64: {  	_ =	swait.ge [sflag:s7], $0x4000  }
0x65: {  	[sflag:s7] =	ssyncset.done $0x0  }
0x66: {  	s24 =	rddreg [dreg:$0xf];
	[sflag:s7] =	ssyncadd.s32 $0xFFFFC000  }
0x67: {  	[tilespmem:s11], [sflag:$0x1] =	stream.linear.gather [hbm4b:s24+s4], $0x4000, $0x38;
	[tilespmem:$0x1F800] =	vst v63  }
0x68: {  	_ =	swait.ge [sflag:s7], $0x4000  }
0x69: {  	[sflag:s7] =	ssyncset.done $0x0  }
0x6a: {  	s15 =	simm.s32 $0x200;
	[sflag:s7] =	ssyncadd.s32 $0xFFFFC000  }
0x6b: {  	[spmem:s1] =	stream.indirect.scatter.add.f32 [tilespmem:s10], [sflag:$0x1], $0x80, s15, s12, $0xb8;
	[tilespmem:$0x1F800] =	vst v63  }
0x6c: {  	_ =	swait.ge [sflag:s7], $0x4000  }
0x6d: {  	[sflag:s7] =	ssyncset.done $0x0  }
0x6e: {  	[sflag:s7] =	ssyncadd.s32 $0xFFFFC000  }
0x6f: {  	[spmem:s3] =	stream.indirect.scatter.add.f32 [tilespmem:s11], [sflag:$0x1], $0x80, s15, s12, $0xb8;
	[tilespmem:$0x1F800] =	vst v63  }
0x70: {  	_ =	swait.ge [sflag:s7], $0x4000  }
0x71: {  	[sflag:s7] =	ssyncset.done $0x0  }
0x72: {  	s16 =	rddreg [dreg:$0x10];
	[sflag:s7] =	ssyncadd.s32 $0xFFFFC000  }
0x73: {  	[tilespmem:s10], [sflag:$0x1] =	stream.linear.gather [hbm4b:s16+s4], $0x4000, $0x38;
	[tilespmem:$0x1F800] =	vst v63  }
0x74: {  	_ =	swait.ge [sflag:s7], $0x4000  }
0x75: {  	[sflag:s7] =	ssyncset.done $0x0  }
0x76: {  	s25 =	rddreg [dreg:$0x11];
	[sflag:s7] =	ssyncadd.s32 $0xFFFFC000  }
0x77: {  	[tilespmem:s11], [sflag:$0x1] =	stream.linear.gather [hbm4b:s25+s4], $0x4000, $0x38;
	[tilespmem:$0x1F800] =	vst v63  }
0x78: {  	_ =	swait.ge [sflag:s7], $0x4000  }
0x79: {  	[sflag:s7] =	ssyncset.done $0x0  }
0x7a: {  	s16 =	simm.s32 $0x280;
	[sflag:s7] =	ssyncadd.s32 $0xFFFFC000  }
0x7b: {  	[spmem:s1] =	stream.indirect.scatter.add.f32 [tilespmem:s10], [sflag:$0x1], $0x80, s16, s12, $0xb8;
	[tilespmem:$0x1F800] =	vst v63  }
0x7c: {  	_ =	swait.ge [sflag:s7], $0x4000  }
0x7d: {  	[sflag:s7] =	ssyncset.done $0x0  }
0x7e: {  	[sflag:s7] =	ssyncadd.s32 $0xFFFFC000  }
0x7f: {  	[spmem:s3] =	stream.indirect.scatter.add.f32 [tilespmem:s11], [sflag:$0x1], $0x80, s16, s12, $0xb8;
	[tilespmem:$0x1F800] =	vst v63  }
0x80: {  	_ =	swait.ge [sflag:s7], $0x4000  }
0x81: {  	s18 =	sadd.s32 $0x3000, s29;
	[sflag:s7] =	ssyncset.done $0x0  }
0x82: {  	s17 =	sadd.s32 s26, s18;
	[sflag:s7] =	ssyncadd.s32 $0xFFFFC000  }
0x83: {  	[tilespmem:s10], [sflag:$0x1] =	stream.linear.gather [hbm4b:s17+s4], $0x4000, $0x38;
	[tilespmem:$0x1F800] =	vst v63  }
0x84: {  	_ =	swait.ge [sflag:s7], $0x4000  }
0x85: {  	[sflag:s7] =	ssyncset.done $0x0  }
0x86: {  	s18 =	sadd.s32 s28, s18;
	[sflag:s7] =	ssyncadd.s32 $0xFFFFC000  }
0x87: {  	[tilespmem:s11], [sflag:$0x1] =	stream.linear.gather [hbm4b:s18+s4], $0x4000, $0x38;
	[tilespmem:$0x1F800] =	vst v63  }
0x88: {  	_ =	swait.ge [sflag:s7], $0x4000  }
0x89: {  	[sflag:s7] =	ssyncset.done $0x0  }
0x8a: {  	s19 =	simm.s32 $0x300;
	[sflag:s7] =	ssyncadd.s32 $0xFFFFC000  }
0x8b: {  	[spmem:s1] =	stream.indirect.scatter.add.f32 [tilespmem:s10], [sflag:$0x1], $0x80, s19, s12, $0xb8;
	[tilespmem:$0x1F800] =	vst v63  }
0x8c: {  	_ =	swait.ge [sflag:s7], $0x4000  }
0x8d: {  	[sflag:s7] =	ssyncset.done $0x0  }
0x8e: {  	[sflag:s7] =	ssyncadd.s32 $0xFFFFC000  }
0x8f: {  	[spmem:s3] =	stream.indirect.scatter.add.f32 [tilespmem:s11], [sflag:$0x1], $0x80, s19, s12, $0xb8;
	[tilespmem:$0x1F800] =	vst v63  }
0x90: {  	_ =	swait.ge [sflag:s7], $0x4000  }
0x91: {  	s21 =	sadd.s32 $0x3800, s29;
	[sflag:s7] =	ssyncset.done $0x0  }
0x92: {  	s20 =	sadd.s32 s26, s21;
	[sflag:s7] =	ssyncadd.s32 $0xFFFFC000  }
0x93: {  	[tilespmem:s10], [sflag:$0x1] =	stream.linear.gather [hbm4b:s20+s4], $0x4000, $0x38;
	[tilespmem:$0x1F800] =	vst v63  }
0x94: {  	_ =	swait.ge [sflag:s7], $0x4000  }
0x95: {  	[sflag:s7] =	ssyncset.done $0x0  }
0x96: {  	s21 =	sadd.s32 s28, s21;
	[sflag:s7] =	ssyncadd.s32 $0xFFFFC000  }
0x97: {  	[tilespmem:s11], [sflag:$0x1] =	stream.linear.gather [hbm4b:s21+s4], $0x4000, $0x38;
	[tilespmem:$0x1F800] =	vst v63  }
0x98: {  	_ =	swait.ge [sflag:s7], $0x4000  }
0x99: {  	[sflag:s7] =	ssyncset.done $0x0  }
0x9a: {  	s22 =	simm.s32 $0x380;
	[sflag:s7] =	ssyncadd.s32 $0xFFFFC000  }
0x9b: {  	[spmem:s1] =	stream.indirect.scatter.add.f32 [tilespmem:s10], [sflag:$0x1], $0x80, s22, s12, $0xb8;
	[tilespmem:$0x1F800] =	vst v63  }
0x9c: {  	_ =	swait.ge [sflag:s7], $0x4000  }
0x9d: {  	[sflag:s7] =	ssyncset.done $0x0  }
0x9e: {  	[sflag:s7] =	ssyncadd.s32 $0xFFFFC000  }
0x9f: {  	[spmem:s3] =	stream.indirect.scatter.add.f32 [tilespmem:s11], [sflag:$0x1], $0x80, s22, s12, $0xb8;
	[tilespmem:$0x1F800] =	vst v63  }
0xa0: {  	_ =	swait.ge [sflag:s7], $0x4000  }
0xa1: {  	s24 =	sadd.s32 $0x4000, s29;
	[sflag:s7] =	ssyncset.done $0x0  }
0xa2: {  	s23 =	sadd.s32 s26, s24;
	[sflag:s7] =	ssyncadd.s32 $0xFFFFC000  }
0xa3: {  	[tilespmem:s10], [sflag:$0x1] =	stream.linear.gather [hbm4b:s23+s4], $0x4000, $0x38;
	[tilespmem:$0x1F800] =	vst v63  }
0xa4: {  	_ =	swait.ge [sflag:s7], $0x4000  }
0xa5: {  	[sflag:s7] =	ssyncset.done $0x0  }
0xa6: {  	s24 =	sadd.s32 s28, s24;
	[sflag:s7] =	ssyncadd.s32 $0xFFFFC000  }
0xa7: {  	[tilespmem:s11], [sflag:$0x1] =	stream.linear.gather [hbm4b:s24+s4], $0x4000, $0x38;
	[tilespmem:$0x1F800] =	vst v63  }
0xa8: {  	_ =	swait.ge [sflag:s7], $0x4000  }
0xa9: {  	[sflag:s7] =	ssyncset.done $0x0  }
0xaa: {  	s25 =	simm.s32 $0x400;
	[sflag:s7] =	ssyncadd.s32 $0xFFFFC000  }
0xab: {  	[spmem:s1] =	stream.indirect.scatter.add.f32 [tilespmem:s10], [sflag:$0x1], $0x80, s25, s12, $0xb8;
	[tilespmem:$0x1F800] =	vst v63  }
0xac: {  	_ =	swait.ge [sflag:s7], $0x4000  }
0xad: {  	[sflag:s7] =	ssyncset.done $0x0  }
0xae: {  	[sflag:s7] =	ssyncadd.s32 $0xFFFFC000  }
0xaf: {  	[spmem:s3] =	stream.indirect.scatter.add.f32 [tilespmem:s11], [sflag:$0x1], $0x80, s25, s12, $0xb8;
	[tilespmem:$0x1F800] =	vst v63  }
0xb0: {  	_ =	swait.ge [sflag:s7], $0x4000  }
0xb1: {  	s29 =	sadd.s32 $0x4800, s29;
	[sflag:s7] =	ssyncset.done $0x0  }
0xb2: {  	s26 =	sadd.s32 s26, s29;
	[sflag:s7] =	ssyncadd.s32 $0xFFFFC000  }
0xb3: {  	[tilespmem:s10], [sflag:$0x1] =	stream.linear.gather [hbm4b:s26+s4], $0x4000, $0x38;
	[tilespmem:$0x1F800] =	vst v63  }
0xb4: {  	_ =	swait.ge [sflag:s7], $0x4000  }
0xb5: {  	[sflag:s7] =	ssyncset.done $0x0  }
0xb6: {  	s28 =	sadd.s32 s28, s29;
	[sflag:s7] =	ssyncadd.s32 $0xFFFFC000  }
0xb7: {  	[tilespmem:s11], [sflag:$0x1] =	stream.linear.gather [hbm4b:s28+s4], $0x4000, $0x38;
	[tilespmem:$0x1F800] =	vst v63  }
0xb8: {  	_ =	swait.ge [sflag:s7], $0x4000  }
0xb9: {  	s31 =	smul.u32 $0x170, s2;
	[sflag:s7] =	ssyncset.done $0x0  }
0xba: {  	s2 =	smul.u32 $0x1700, s30;
	s29 =	simm.s32 $0x480;
	[sflag:s7] =	ssyncadd.s32 $0xFFFFC000  }
0xbb: {  	[spmem:s1] =	stream.indirect.scatter.add.f32 [tilespmem:s10], [sflag:$0x1], $0x80, s29, s12, $0xb8;
	[tilespmem:$0x1F800] =	vst v63  }
0xbc: {  	_ =	swait.ge [sflag:s7], $0x4000  }
0xbd: {  	s2 =	sadd.s32 s31, s2;
	[sflag:s7] =	ssyncset.done $0x0  }
0xbe: {  	s2 =	sshll.u32 s2, $0x4;
	[sflag:s7] =	ssyncadd.s32 $0xFFFFC000  }
0xbf: {  	[spmem:s3] =	stream.indirect.scatter.add.f32 [tilespmem:s11], [sflag:$0x1], $0x80, s29, s12, $0xb8;
	[tilespmem:$0x1F800] =	vst v63  }
0xc0: {  	s0 =	sadd.s32 s2, s0;
	s2 =	ssub.s32 $0x2, s30;
	_ =	swait.ge [sflag:s7], $0x4000  }
0xc1: {  	s31 =	sshrl.u32 s2, $0x1;
	[sflag:s7] =	ssyncset.done $0x0  }
0xc2: {  	s2 =	ssub.s32 s2, s31;
	[sflag:s7] =	ssyncadd.s32 $0xFFFFC000  }
0xc3: {  	s30 =	sadd.s32 $0xA7C00, s0;
	s2 =	smax.u32 s2, $0x1;
	[bflag:$0x0] =	sbarrier.arrive $0xFFFF  }
0xc4: {  	[hbm:s30], [sflag:s6] =	dma.local [spmem:s8], $0x1700  }
0xc5: {  	p0 =	sne.s32 s2, $0x1;
	_ =	swait.ge [sflag:s7], $0x1700  }
.Ltmp0:
0xc6: {  	[sflag:s7] =	ssyncset.done $0x0;
	(pc) =	sbr.rel @!p0 .LBB2_2-.Ltmp0, $4  }
0xc7: {  	s31 =	sadd.s32 $0xD5C00, s0;
	[sflag:s7] =	ssyncadd.s32 $0xFFFFE900  }
0xc8: {  	[hbm:s31], [sflag:s6] =	dma.local [spmem:s9], $0x1700  }
0xc9: {  	_ =	swait.ge [sflag:s7], $0x1700  }
0xca: {  	s0 =	sadd.s32 $0xFFFFFFFF, s2;
	[sflag:s7] =	ssyncset.done $0x0  }
.LBB2_1:
0xcb: {  	[sflag:s7] =	ssyncadd.s32 $0xFFFFE900  }
0xcc: {  	[spmem:s8], [sflag:s6] =	dma.local [hbm:s5], $0x1700  }
0xcd: {  	_ =	swait.ge [sflag:s7], $0x1700  }
0xce: {  	[sflag:s7] =	ssyncset.done $0x0  }
0xcf: {  	[sflag:s7] =	ssyncadd.s32 $0xFFFFE900  }
0xd0: {  	[spmem:s9], [sflag:s6] =	dma.local [hbm:s5], $0x1700  }
0xd1: {  	_ =	swait.ge [sflag:s7], $0x1700  }
0xd2: {  	[sflag:s7] =	ssyncset.done $0x0  }
0xd3: {  	[sflag:s7] =	ssyncadd.s32 $0xFFFFE900  }
0xd4: {  	[bflag:$0x0] =	sbarrier.arrive $0xFFFF  }
0xd5: {  	s2 =	rddreg [dreg:$0x5]  }
0xd6: {  	[tilespmem:s4], [sflag:$0x1] =	stream.linear.gather [hbm4b:s2+s4], $0x500, $0x38;
	[tilespmem:$0x1F800] =	vst v63  }
0xd7: {  	_ =	swait.ge [sflag:s7], $0x500  }
0xd8: {  	[sflag:s7] =	ssyncset.done $0x0  }
0xd9: {  	s2 =	rddreg [dreg:$0x6];
	[sflag:s7] =	ssyncadd.s32 $0xFFFFFB00  }
0xda: {  	[tilespmem:s10], [sflag:$0x1] =	stream.linear.gather [hbm4b:s2+s4], $0x4000, $0x38;
	[tilespmem:$0x1F800] =	vst v63  }
0xdb: {  	_ =	swait.ge [sflag:s7], $0x4000  }
0xdc: {  	[sflag:s7] =	ssyncset.done $0x0  }
0xdd: {  	s2 =	rddreg [dreg:$0x7];
	[sflag:s7] =	ssyncadd.s32 $0xFFFFC000  }
0xde: {  	[tilespmem:s11], [sflag:$0x1] =	stream.linear.gather [hbm4b:s2+s4], $0x4000, $0x38;
	[tilespmem:$0x1F800] =	vst v63  }
0xdf: {  	_ =	swait.ge [sflag:s7], $0x4000  }
0xe0: {  	[sflag:s7] =	ssyncset.done $0x0  }
0xe1: {  	[sflag:s7] =	ssyncadd.s32 $0xFFFFC000  }
0xe2: {  	[spmem:s1] =	stream.indirect.scatter.add.f32 [tilespmem:s10], [sflag:$0x1], $0x80, s4, s12, $0xb8;
	[tilespmem:$0x1F800] =	vst v63  }
0xe3: {  	_ =	swait.ge [sflag:s7], $0x4000  }
0xe4: {  	[sflag:s7] =	ssyncset.done $0x0  }
0xe5: {  	[sflag:s7] =	ssyncadd.s32 $0xFFFFC000  }
0xe6: {  	[spmem:s3] =	stream.indirect.scatter.add.f32 [tilespmem:s11], [sflag:$0x1], $0x80, s4, s12, $0xb8;
	[tilespmem:$0x1F800] =	vst v63  }
0xe7: {  	_ =	swait.ge [sflag:s7], $0x4000  }
0xe8: {  	[sflag:s7] =	ssyncset.done $0x0  }
0xe9: {  	s2 =	rddreg [dreg:$0x8];
	[sflag:s7] =	ssyncadd.s32 $0xFFFFC000  }
0xea: {  	[tilespmem:s10], [sflag:$0x1] =	stream.linear.gather [hbm4b:s2+s4], $0x4000, $0x38;
	[tilespmem:$0x1F800] =	vst v63  }
0xeb: {  	_ =	swait.ge [sflag:s7], $0x4000  }
0xec: {  	[sflag:s7] =	ssyncset.done $0x0  }
0xed: {  	s2 =	rddreg [dreg:$0x9];
	[sflag:s7] =	ssyncadd.s32 $0xFFFFC000  }
0xee: {  	[tilespmem:s11], [sflag:$0x1] =	stream.linear.gather [hbm4b:s2+s4], $0x4000, $0x38;
	[tilespmem:$0x1F800] =	vst v63  }
0xef: {  	_ =	swait.ge [sflag:s7], $0x4000  }
0xf0: {  	[sflag:s7] =	ssyncset.done $0x0  }
0xf1: {  	[sflag:s7] =	ssyncadd.s32 $0xFFFFC000  }
0xf2: {  	[spmem:s1] =	stream.indirect.scatter.add.f32 [tilespmem:s10], [sflag:$0x1], $0x80, s12, s12, $0xb8;
	[tilespmem:$0x1F800] =	vst v63  }
0xf3: {  	_ =	swait.ge [sflag:s7], $0x4000  }
0xf4: {  	[sflag:s7] =	ssyncset.done $0x0  }
0xf5: {  	[sflag:s7] =	ssyncadd.s32 $0xFFFFC000  }
0xf6: {  	[spmem:s3] =	stream.indirect.scatter.add.f32 [tilespmem:s11], [sflag:$0x1], $0x80, s12, s12, $0xb8;
	[tilespmem:$0x1F800] =	vst v63  }
0xf7: {  	_ =	swait.ge [sflag:s7], $0x4000  }
0xf8: {  	[sflag:s7] =	ssyncset.done $0x0  }
0xf9: {  	s2 =	rddreg [dreg:$0xa];
	[sflag:s7] =	ssyncadd.s32 $0xFFFFC000  }
0xfa: {  	[tilespmem:s10], [sflag:$0x1] =	stream.linear.gather [hbm4b:s2+s4], $0x4000, $0x38;
	[tilespmem:$0x1F800] =	vst v63  }
0xfb: {  	_ =	swait.ge [sflag:s7], $0x4000  }
0xfc: {  	[sflag:s7] =	ssyncset.done $0x0  }
0xfd: {  	s2 =	rddreg [dreg:$0xb];
	[sflag:s7] =	ssyncadd.s32 $0xFFFFC000  }
0xfe: {  	[tilespmem:s11], [sflag:$0x1] =	stream.linear.gather [hbm4b:s2+s4], $0x4000, $0x38;
	[tilespmem:$0x1F800] =	vst v63  }
0xff: {  	_ =	swait.ge [sflag:s7], $0x4000  }
0x100: {  	[sflag:s7] =	ssyncset.done $0x0  }
0x101: {  	[sflag:s7] =	ssyncadd.s32 $0xFFFFC000  }
0x102: {  	[spmem:s1] =	stream.indirect.scatter.add.f32 [tilespmem:s10], [sflag:$0x1], $0x80, s13, s12, $0xb8;
	[tilespmem:$0x1F800] =	vst v63  }
0x103: {  	_ =	swait.ge [sflag:s7], $0x4000  }
0x104: {  	[sflag:s7] =	ssyncset.done $0x0  }
0x105: {  	[sflag:s7] =	ssyncadd.s32 $0xFFFFC000  }
0x106: {  	[spmem:s3] =	stream.indirect.scatter.add.f32 [tilespmem:s11], [sflag:$0x1], $0x80, s13, s12, $0xb8;
	[tilespmem:$0x1F800] =	vst v63  }
0x107: {  	_ =	swait.ge [sflag:s7], $0x4000  }
0x108: {  	[sflag:s7] =	ssyncset.done $0x0  }
0x109: {  	s2 =	rddreg [dreg:$0xc];
	[sflag:s7] =	ssyncadd.s32 $0xFFFFC000  }
0x10a: {  	[tilespmem:s10], [sflag:$0x1] =	stream.linear.gather [hbm4b:s2+s4], $0x4000, $0x38;
	[tilespmem:$0x1F800] =	vst v63  }
0x10b: {  	_ =	swait.ge [sflag:s7], $0x4000  }
0x10c: {  	[sflag:s7] =	ssyncset.done $0x0  }
0x10d: {  	s2 =	rddreg [dreg:$0xd];
	[sflag:s7] =	ssyncadd.s32 $0xFFFFC000  }
0x10e: {  	[tilespmem:s11], [sflag:$0x1] =	stream.linear.gather [hbm4b:s2+s4], $0x4000, $0x38;
	[tilespmem:$0x1F800] =	vst v63  }
0x10f: {  	_ =	swait.ge [sflag:s7], $0x4000  }
0x110: {  	[sflag:s7] =	ssyncset.done $0x0  }
0x111: {  	[sflag:s7] =	ssyncadd.s32 $0xFFFFC000  }
0x112: {  	[spmem:s1] =	stream.indirect.scatter.add.f32 [tilespmem:s10], [sflag:$0x1], $0x80, s14, s12, $0xb8;
	[tilespmem:$0x1F800] =	vst v63  }
0x113: {  	_ =	swait.ge [sflag:s7], $0x4000  }
0x114: {  	[sflag:s7] =	ssyncset.done $0x0  }
0x115: {  	[sflag:s7] =	ssyncadd.s32 $0xFFFFC000  }
0x116: {  	[spmem:s3] =	stream.indirect.scatter.add.f32 [tilespmem:s11], [sflag:$0x1], $0x80, s14, s12, $0xb8;
	[tilespmem:$0x1F800] =	vst v63  }
0x117: {  	_ =	swait.ge [sflag:s7], $0x4000  }
0x118: {  	[sflag:s7] =	ssyncset.done $0x0  }
0x119: {  	s2 =	rddreg [dreg:$0xe];
	[sflag:s7] =	ssyncadd.s32 $0xFFFFC000  }
0x11a: {  	[tilespmem:s10], [sflag:$0x1] =	stream.linear.gather [hbm4b:s2+s4], $0x4000, $0x38;
	[tilespmem:$0x1F800] =	vst v63  }
0x11b: {  	_ =	swait.ge [sflag:s7], $0x4000  }
0x11c: {  	[sflag:s7] =	ssyncset.done $0x0  }
0x11d: {  	s2 =	rddreg [dreg:$0xf];
	[sflag:s7] =	ssyncadd.s32 $0xFFFFC000  }
0x11e: {  	[tilespmem:s11], [sflag:$0x1] =	stream.linear.gather [hbm4b:s2+s4], $0x4000, $0x38;
	[tilespmem:$0x1F800] =	vst v63  }
0x11f: {  	_ =	swait.ge [sflag:s7], $0x4000  }
0x120: {  	[sflag:s7] =	ssyncset.done $0x0  }
0x121: {  	[sflag:s7] =	ssyncadd.s32 $0xFFFFC000  }
0x122: {  	[spmem:s1] =	stream.indirect.scatter.add.f32 [tilespmem:s10], [sflag:$0x1], $0x80, s15, s12, $0xb8;
	[tilespmem:$0x1F800] =	vst v63  }
0x123: {  	_ =	swait.ge [sflag:s7], $0x4000  }
0x124: {  	[sflag:s7] =	ssyncset.done $0x0  }
0x125: {  	[sflag:s7] =	ssyncadd.s32 $0xFFFFC000  }
0x126: {  	[spmem:s3] =	stream.indirect.scatter.add.f32 [tilespmem:s11], [sflag:$0x1], $0x80, s15, s12, $0xb8;
	[tilespmem:$0x1F800] =	vst v63  }
0x127: {  	_ =	swait.ge [sflag:s7], $0x4000  }
0x128: {  	[sflag:s7] =	ssyncset.done $0x0  }
0x129: {  	s2 =	rddreg [dreg:$0x10];
	[sflag:s7] =	ssyncadd.s32 $0xFFFFC000  }
0x12a: {  	[tilespmem:s10], [sflag:$0x1] =	stream.linear.gather [hbm4b:s2+s4], $0x4000, $0x38;
	[tilespmem:$0x1F800] =	vst v63  }
0x12b: {  	_ =	swait.ge [sflag:s7], $0x4000  }
0x12c: {  	[sflag:s7] =	ssyncset.done $0x0  }
0x12d: {  	s2 =	rddreg [dreg:$0x11];
	[sflag:s7] =	ssyncadd.s32 $0xFFFFC000  }
0x12e: {  	[tilespmem:s11], [sflag:$0x1] =	stream.linear.gather [hbm4b:s2+s4], $0x4000, $0x38;
	[tilespmem:$0x1F800] =	vst v63  }
0x12f: {  	_ =	swait.ge [sflag:s7], $0x4000  }
0x130: {  	[sflag:s7] =	ssyncset.done $0x0  }
0x131: {  	[sflag:s7] =	ssyncadd.s32 $0xFFFFC000  }
0x132: {  	[spmem:s1] =	stream.indirect.scatter.add.f32 [tilespmem:s10], [sflag:$0x1], $0x80, s16, s12, $0xb8;
	[tilespmem:$0x1F800] =	vst v63  }
0x133: {  	_ =	swait.ge [sflag:s7], $0x4000  }
0x134: {  	[sflag:s7] =	ssyncset.done $0x0  }
0x135: {  	[sflag:s7] =	ssyncadd.s32 $0xFFFFC000  }
0x136: {  	[spmem:s3] =	stream.indirect.scatter.add.f32 [tilespmem:s11], [sflag:$0x1], $0x80, s16, s12, $0xb8;
	[tilespmem:$0x1F800] =	vst v63  }
0x137: {  	_ =	swait.ge [sflag:s7], $0x4000  }
0x138: {  	[sflag:s7] =	ssyncset.done $0x0  }
0x139: {  	[sflag:s7] =	ssyncadd.s32 $0xFFFFC000  }
0x13a: {  	[tilespmem:s10], [sflag:$0x1] =	stream.linear.gather [hbm4b:s17+s4], $0x4000, $0x38;
	[tilespmem:$0x1F800] =	vst v63  }
0x13b: {  	_ =	swait.ge [sflag:s7], $0x4000  }
0x13c: {  	[sflag:s7] =	ssyncset.done $0x0  }
0x13d: {  	[sflag:s7] =	ssyncadd.s32 $0xFFFFC000  }
0x13e: {  	[tilespmem:s11], [sflag:$0x1] =	stream.linear.gather [hbm4b:s18+s4], $0x4000, $0x38;
	[tilespmem:$0x1F800] =	vst v63  }
0x13f: {  	_ =	swait.ge [sflag:s7], $0x4000  }
0x140: {  	[sflag:s7] =	ssyncset.done $0x0  }
0x141: {  	[sflag:s7] =	ssyncadd.s32 $0xFFFFC000  }
0x142: {  	[spmem:s1] =	stream.indirect.scatter.add.f32 [tilespmem:s10], [sflag:$0x1], $0x80, s19, s12, $0xb8;
	[tilespmem:$0x1F800] =	vst v63  }
0x143: {  	_ =	swait.ge [sflag:s7], $0x4000  }
0x144: {  	[sflag:s7] =	ssyncset.done $0x0  }
0x145: {  	[sflag:s7] =	ssyncadd.s32 $0xFFFFC000  }
0x146: {  	[spmem:s3] =	stream.indirect.scatter.add.f32 [tilespmem:s11], [sflag:$0x1], $0x80, s19, s12, $0xb8;
	[tilespmem:$0x1F800] =	vst v63  }
0x147: {  	_ =	swait.ge [sflag:s7], $0x4000  }
0x148: {  	[sflag:s7] =	ssyncset.done $0x0  }
0x149: {  	[sflag:s7] =	ssyncadd.s32 $0xFFFFC000  }
0x14a: {  	[tilespmem:s10], [sflag:$0x1] =	stream.linear.gather [hbm4b:s20+s4], $0x4000, $0x38;
	[tilespmem:$0x1F800] =	vst v63  }
0x14b: {  	_ =	swait.ge [sflag:s7], $0x4000  }
0x14c: {  	[sflag:s7] =	ssyncset.done $0x0  }
0x14d: {  	[sflag:s7] =	ssyncadd.s32 $0xFFFFC000  }
0x14e: {  	[tilespmem:s11], [sflag:$0x1] =	stream.linear.gather [hbm4b:s21+s4], $0x4000, $0x38;
	[tilespmem:$0x1F800] =	vst v63  }
0x14f: {  	_ =	swait.ge [sflag:s7], $0x4000  }
0x150: {  	[sflag:s7] =	ssyncset.done $0x0  }
0x151: {  	[sflag:s7] =	ssyncadd.s32 $0xFFFFC000  }
0x152: {  	[spmem:s1] =	stream.indirect.scatter.add.f32 [tilespmem:s10], [sflag:$0x1], $0x80, s22, s12, $0xb8;
	[tilespmem:$0x1F800] =	vst v63  }
0x153: {  	_ =	swait.ge [sflag:s7], $0x4000  }
0x154: {  	[sflag:s7] =	ssyncset.done $0x0  }
0x155: {  	[sflag:s7] =	ssyncadd.s32 $0xFFFFC000  }
0x156: {  	[spmem:s3] =	stream.indirect.scatter.add.f32 [tilespmem:s11], [sflag:$0x1], $0x80, s22, s12, $0xb8;
	[tilespmem:$0x1F800] =	vst v63  }
0x157: {  	_ =	swait.ge [sflag:s7], $0x4000  }
0x158: {  	[sflag:s7] =	ssyncset.done $0x0  }
0x159: {  	[sflag:s7] =	ssyncadd.s32 $0xFFFFC000  }
0x15a: {  	[tilespmem:s10], [sflag:$0x1] =	stream.linear.gather [hbm4b:s23+s4], $0x4000, $0x38;
	[tilespmem:$0x1F800] =	vst v63  }
0x15b: {  	_ =	swait.ge [sflag:s7], $0x4000  }
0x15c: {  	[sflag:s7] =	ssyncset.done $0x0  }
0x15d: {  	[sflag:s7] =	ssyncadd.s32 $0xFFFFC000  }
0x15e: {  	[tilespmem:s11], [sflag:$0x1] =	stream.linear.gather [hbm4b:s24+s4], $0x4000, $0x38;
	[tilespmem:$0x1F800] =	vst v63  }
0x15f: {  	_ =	swait.ge [sflag:s7], $0x4000  }
0x160: {  	[sflag:s7] =	ssyncset.done $0x0  }
0x161: {  	[sflag:s7] =	ssyncadd.s32 $0xFFFFC000  }
0x162: {  	[spmem:s1] =	stream.indirect.scatter.add.f32 [tilespmem:s10], [sflag:$0x1], $0x80, s25, s12, $0xb8;
	[tilespmem:$0x1F800] =	vst v63  }
0x163: {  	_ =	swait.ge [sflag:s7], $0x4000  }
0x164: {  	[sflag:s7] =	ssyncset.done $0x0  }
0x165: {  	[sflag:s7] =	ssyncadd.s32 $0xFFFFC000  }
0x166: {  	[spmem:s3] =	stream.indirect.scatter.add.f32 [tilespmem:s11], [sflag:$0x1], $0x80, s25, s12, $0xb8;
	[tilespmem:$0x1F800] =	vst v63  }
0x167: {  	_ =	swait.ge [sflag:s7], $0x4000  }
0x168: {  	[sflag:s7] =	ssyncset.done $0x0  }
0x169: {  	[sflag:s7] =	ssyncadd.s32 $0xFFFFC000  }
0x16a: {  	[tilespmem:s10], [sflag:$0x1] =	stream.linear.gather [hbm4b:s26+s4], $0x4000, $0x38;
	[tilespmem:$0x1F800] =	vst v63  }
0x16b: {  	_ =	swait.ge [sflag:s7], $0x4000  }
0x16c: {  	[sflag:s7] =	ssyncset.done $0x0  }
0x16d: {  	[sflag:s7] =	ssyncadd.s32 $0xFFFFC000  }
0x16e: {  	[tilespmem:s11], [sflag:$0x1] =	stream.linear.gather [hbm4b:s28+s4], $0x4000, $0x38;
	[tilespmem:$0x1F800] =	vst v63  }
0x16f: {  	_ =	swait.ge [sflag:s7], $0x4000  }
0x170: {  	[sflag:s7] =	ssyncset.done $0x0  }
0x171: {  	[sflag:s7] =	ssyncadd.s32 $0xFFFFC000  }
0x172: {  	[spmem:s1] =	stream.indirect.scatter.add.f32 [tilespmem:s10], [sflag:$0x1], $0x80, s29, s12, $0xb8;
	[tilespmem:$0x1F800] =	vst v63  }
0x173: {  	_ =	swait.ge [sflag:s7], $0x4000  }
0x174: {  	[sflag:s7] =	ssyncset.done $0x0  }
0x175: {  	[sflag:s7] =	ssyncadd.s32 $0xFFFFC000  }
0x176: {  	[spmem:s3] =	stream.indirect.scatter.add.f32 [tilespmem:s11], [sflag:$0x1], $0x80, s29, s12, $0xb8;
	[tilespmem:$0x1F800] =	vst v63  }
0x177: {  	_ =	swait.ge [sflag:s7], $0x4000  }
0x178: {  	[sflag:s7] =	ssyncset.done $0x0  }
0x179: {  	[sflag:s7] =	ssyncadd.s32 $0xFFFFC000  }
0x17a: {  	[bflag:$0x0] =	sbarrier.arrive $0xFFFF  }
0x17b: {  	[hbm:s30], [sflag:s6] =	dma.local [spmem:s8], $0x1700  }
0x17c: {  	p0 =	sne.s32 s0, $0x1;
	_ =	swait.ge [sflag:s7], $0x1700  }
.Ltmp1:
0x17d: {  	[sflag:s7] =	ssyncset.done $0x0;
	(pc) =	sbr.rel @p0 .LBB2_1-.Ltmp1, $4  }
0x17e: {  	[sflag:s7] =	ssyncadd.s32 $0xFFFFE900  }
0x17f: {  	[hbm:s31], [sflag:s6] =	dma.local [spmem:s9], $0x1700  }
0x180: {  	_ =	swait.ge [sflag:s7], $0x1700  }
0x181: {  	s0 =	sadd.s32 $0xFFFFFFFF, s0;
	[sflag:s7] =	ssyncset.done $0x0  }
.LBB2_2:
0x182: {  	[sflag:s7] =	ssyncadd.s32 $0xFFFFE900  }
0x183: {  	_ =	sfence.sel $0x180000  }
0x184: {  	[bflag:$0x0] =	sbarrier.arrive $0xFFFF  }
0x185: {  	_ =	strace $0x9000004D  }
0x186: {  	s0 =	stileid.u32;
	[bflag:$0x2] =	sbarrier.arrive $0xFFFF  }
0x187: {  	p0 =	sne.s32 s0, $0x0;
	s0 =	rddreg [dreg:$0x4]  }
0x188: {  	s0 =	sadd.s32 @!p0 $0x100000, s0  }
0x189: {  	[sflag:s0] =	ssyncadd.tile.s32 @!p0 $0x1;
	_ =	shalt  }
.Lfunc_end2:
_tile_overlayer_lowered:
.L_overlay_start_2:
0x18a: {  	(tag) =	ssettag $0x2  }
0x18b: {  	s0 =	rddreg [dreg:$0x0];
	s2 =	stileid.u32  }
0x18c: {  	s1 =	rddreg [dreg:$0x1];
	p0 =	sne.s32 s2, $0x0  }
0x18d: {  	s3 =	rddreg [dreg:$0x2];
	[bflag:$0x3] =	sbarrier.arrive $0xFFFF;
	s2 =	simm.s32 @!p0 $0x1C01  }
0x18e: {  	[timem:s3], [sflag:s2] =	dma.local @!p0 [hbm:s0], s1  }
0x18f: {  	s0 =	simm.s32 @!p0 $0x1  }
0x190: {  	_ =	swait.ge @!p0 [sflag:s0], s1  }
0x191: {  	s1 =	ssub.s32 @!p0 $0x0, s1;
	[sflag:s0] =	ssyncset.done @!p0 $0x0  }
0x192: {  	[sflag:s0] =	ssyncadd.s32 @!p0 s1  }
0x193: {  	[bflag:$0x3] =	sbarrier.arrive $0xFFFF  }
0x194: {  	_ =	shalt  }

</sc_bundles>
